<compile_context>
chip_gen: v7x
topology: tpu7x:2x2x1
jax: 0.10.2.dev20260603
libtpu: 0.0.44.dev20260713+nightly
codegen_flags: <defaults>
</compile_context>

<pallas_src>
import functools

import jax
import jax.numpy as jnp
from jax import lax
from jax.experimental import pallas as pl
from jax.experimental.pallas import tpu as pltpu
from jax.experimental.pallas import tpu_sc as plsc

_NC = 2
_NS = 16
_L = 16
_NBUF = 4
_IB = 128
_SUB = 3
_CHUNK = _IB * _SUB


def _sc_spmm(xtr, vals_p, rows_p, cols_p, *, n_dst, n_src, hb, n_chunks):
    blocks_per_tile = n_chunks * _SUB
    rows_per_tile = n_dst // _NS
    xrows_per_tile = n_src // _NS
    zrows = 128
    nz_dma = rows_per_tile // zrows
    hq = hb // _L

    mesh = plsc.VectorSubcoreMesh(core_axis_name="c", subcore_axis_name="s")

    @functools.partial(
        pl.kernel,
        out_type=jax.ShapeDtypeStruct((_NC, n_dst, hb), jnp.float32),
        mesh=mesh,
        compiler_params=pltpu.CompilerParams(
            needs_layout_passes=False, use_tc_tiling_on_sc=False),
        scratch_types=[
            pltpu.VMEM_SHARED((n_src, hb), jnp.float32),
            pltpu.VMEM_SHARED((n_dst, hb), jnp.float32),
            pltpu.VMEM((_NBUF, _SUB, _IB), jnp.int32),
            pltpu.VMEM((_NBUF, _SUB, _IB), jnp.int32),
            pltpu.VMEM((_NBUF, _CHUNK), jnp.float32),
            pltpu.VMEM((_NBUF, _CHUNK, hb), jnp.float32),
            pltpu.VMEM((zrows, hb), jnp.float32),
            pltpu.SemaphoreType.DMA((_NBUF,)),
            pltpu.SemaphoreType.DMA((_NBUF,)),
            pltpu.SemaphoreType.DMA((_NBUF,)),
            pltpu.SemaphoreType.DMA,
        ],
    )
    def k(xtr_hbm, vals_hbm, rows_hbm, cols_hbm, out_hbm,
          xspm, acc, cols_v, rows_v, vals_v, gath_v, zbuf,
          sem_i, sem_g, sem_s, sem_1):
        c = lax.axis_index("c")
        s = lax.axis_index("s")

        xoff = s * xrows_per_tile
        stg = pltpu.make_async_copy(xtr_hbm.at[c, pl.ds(xoff, xrows_per_tile)],
                                    xspm.at[pl.ds(xoff, xrows_per_tile)], sem_1)
        stg.start()

        def zb(i, _):
            for q in range(hq):
                zbuf[i, pl.ds(q * _L, _L)] = jnp.zeros((_L,), jnp.float32)
            return 0
        lax.fori_loop(0, zrows, zb, 0)

        for r in range(nz_dma):
            pltpu.async_copy(zbuf, acc.at[pl.ds(s * rows_per_tile + r * zrows, zrows)],
                             sem_1)
        stg.wait()
        for r in range(nz_dma):
            pltpu.make_async_copy(zbuf, acc.at[pl.ds(s * rows_per_tile + r * zrows, zrows)],
                                  sem_1).wait()
        plsc.subcore_barrier()

        block_tile = s * blocks_per_tile

        def issue_idx(g, b):
            blk = block_tile + (g % n_chunks) * _SUB
            pltpu.async_copy(cols_hbm.at[pl.ds(blk, _SUB)], cols_v.at[b], sem_i.at[b])
            pltpu.async_copy(rows_hbm.at[pl.ds(blk, _SUB)], rows_v.at[b], sem_i.at[b])
            pltpu.async_copy(vals_hbm.at[pl.ds(blk * _IB, _CHUNK)], vals_v.at[b], sem_i.at[b])

        def wait_idx(b):
            pltpu.make_async_copy(cols_hbm.at[pl.ds(0, _SUB)], cols_v.at[b], sem_i.at[b]).wait()
            pltpu.make_async_copy(rows_hbm.at[pl.ds(0, _SUB)], rows_v.at[b], sem_i.at[b]).wait()
            pltpu.make_async_copy(vals_hbm.at[pl.ds(0, _CHUNK)], vals_v.at[b], sem_i.at[b]).wait()

        def issue_gather(b):
            for j in range(_SUB):
                pltpu.async_copy(xspm.at[cols_v.at[b, j]],
                                 gath_v.at[b, pl.ds(j * _IB, _IB)], sem_g.at[b])

        def wait_gather(b):
            for j in range(_SUB):
                pltpu.make_async_copy(xspm.at[cols_v.at[b, j]],
                                      gath_v.at[b, pl.ds(j * _IB, _IB)],
                                      sem_g.at[b]).wait()

        def issue_scatter(b):
            for j in range(_SUB):
                pltpu.async_copy(gath_v.at[b, pl.ds(j * _IB, _IB)],
                                 acc.at[rows_v.at[b, j]], sem_s.at[b], add=True)

        def wait_scatter(b):
            for j in range(_SUB):
                pltpu.make_async_copy(gath_v.at[b, pl.ds(j * _IB, _IB)],
                                      acc.at[rows_v.at[b, j]], sem_s.at[b]).wait()

        def scale(b):
            @plsc.parallel_loop(0, _CHUNK, unroll=4)
            def _(i):
                vsp = plsc.load_gather(vals_v.at[b], [jnp.full((_L,), i, jnp.int32)])
                for q in range(hq):
                    gath_v[b, i, pl.ds(q * _L, _L)] = (
                        gath_v[b, i, pl.ds(q * _L, _L)] * vsp)

        def step(g, b, *, warm):
            bn = (b + 1) % _NBUF
            bp = (b + 2) % _NBUF
            wait_idx(bn)
            issue_gather(bn)
            wait_gather(b)
            scale(b)
            issue_scatter(b)
            if warm:
                wait_scatter(bp)
            issue_idx(g + 2, bp)

        issue_idx(0, 0)
        issue_idx(1, 1)
        wait_idx(0)
        issue_gather(0)
        for g in range(4):
            step(g, g, warm=(g >= 2))

        def quad(p, _):
            g0 = p * 4
            for b in range(4):
                step(g0 + b, b, warm=True)
            return 0
        lax.fori_loop(1, n_chunks // 4, quad, 0)

        n = n_chunks
        wait_scatter((n - 2) % _NBUF)
        wait_scatter((n - 1) % _NBUF)
        wait_gather(n % _NBUF)
        wait_idx((n + 1) % _NBUF)

        plsc.subcore_barrier()

        base = s * rows_per_tile
        pltpu.sync_copy(acc.at[pl.ds(base, rows_per_tile)],
                        out_hbm.at[c, pl.ds(base, rows_per_tile)])

    return k(xtr, vals_p, rows_p, cols_p)


def kernel(x, values, bias, rows, cols):
    batch, n_src = x.shape
    n_dst = bias.shape[0]
    nnz = values.shape[0]
    hb = batch // _NC

    xtr = x.reshape(_NC, hb, n_src).transpose(0, 2, 1)

    e = nnz
    ep_tile = -(-e // _NS)
    n_chunks = 4 * (-(-ep_tile // (4 * _CHUNK)))
    e_pad = _NS * n_chunks * _CHUNK
    pad = e_pad - e
    rows_p = jnp.pad(rows, (0, pad)).reshape(e_pad // _IB, _IB)
    cols_p = jnp.pad(cols, (0, pad)).reshape(e_pad // _IB, _IB)
    vals_p = jnp.pad(values, (0, pad))

    partial = _sc_spmm(xtr, vals_p, rows_p, cols_p, n_dst=n_dst, n_src=n_src,
                       hb=hb, n_chunks=n_chunks)
    return partial.transpose(0, 2, 1).reshape(batch, n_dst) + bias[None, :]

# --- scband reference (transcript-rebuilt; emitter-appended) ---
"""Pipeline reference for scband-base-sparse-conn-47571057770801 (READ-ONLY COPY).

The authoritative reference and input builder live on the scoring server;
editing this copy changes nothing except your own understanding.
"""

import jax, jax.numpy as jnp
import numpy as np

N_SRC = 16384
N_DST = 16384
NNZ = 268435
BATCH = 64


def setup_inputs(seed=0) -> dict:
    key = jax.random.key(seed)
    k1, k2, k3, k4, k5 = jax.random.split(key, 5)
    # forward input
    x = jax.random.normal(k1, (BATCH, N_SRC), dtype=jnp.float32)
    # fixed sparse connection matrix A of shape (N_DST, N_SRC) in COO form
    # (this is conn.T after the transpose done in __init__)
    rows = jax.random.randint(k2, (NNZ,), 0, N_DST, dtype=jnp.int32)
    cols = jax.random.randint(k3, (NNZ,), 0, N_SRC, dtype=jnp.int32)
    # learned per-edge weights (effective values returned by _get_effective_weight)
    values = jax.random.normal(k4, (NNZ,), dtype=jnp.float32) * 0.05
    # optional bias of shape (out_features,)
    bias = jax.random.normal(k5, (N_DST,), dtype=jnp.float32) * 0.01
    return {"x": x, "values": values, "bias": bias, "rows": rows, "cols": cols}


def reference(x, values, bias, rows, cols):
    # torch does: out = torch.sparse.mm(A, x_2d.T).T + bias,
    # with A = coo(rows, cols, values), shape (N_DST, N_SRC).
    # Equivalent gather/scatter form:
    #   out[b, rows[e]] += values[e] * x[b, cols[e]]
    gathered = x[:, cols] * values[None, :]                     # [B, nnz] gather on src neurons
    out = jax.ops.segment_sum(gathered.T, rows, num_segments=N_DST).T  # scatter-add to dst neurons -> [B, N_DST]
    out = out + bias[None, :]
    return out

if __name__ == "__main__":
    import jax
    _d = setup_inputs()
    print(jax.jit(kernel)(*tuple(_d.values())))

</pallas_src>

<mosaic_0001>
#map = affine_map<(d0, d1) -> (0, 0, 0)>
#map1 = affine_map<(d0, d1) -> (0)>
#map2 = affine_map<(d0, d1) -> (0, 0)>
module attributes {stable_mosaic.version = 14 : i64} {
  func.func @k(%arg0: i32, %arg1: i32, %arg2: memref<2x16384x32xf32, #tpu.memory_space<hbm>>, %arg3: memref<270336xf32, #tpu.memory_space<hbm>>, %arg4: memref<2112x128xi32, #tpu.memory_space<hbm>>, %arg5: memref<2112x128xi32, #tpu.memory_space<hbm>>, %arg6: memref<2x16384x32xf32, #tpu.memory_space<hbm>>, %arg7: memref<16384x32xf32, #tpu.memory_space<vmem_shared>>, %arg8: memref<16384x32xf32, #tpu.memory_space<vmem_shared>>, %arg9: memref<4x3x128xi32, #tpu.memory_space<vmem>>, %arg10: memref<4x3x128xi32, #tpu.memory_space<vmem>>, %arg11: memref<4x384xf32, #tpu.memory_space<vmem>>, %arg12: memref<4x384x32xf32, #tpu.memory_space<vmem>>, %arg13: memref<128x32xf32, #tpu.memory_space<vmem>>, %arg14: memref<4x!tpu.dma_semaphore, #tpu.memory_space<semaphore_mem>>, %arg15: memref<4x!tpu.dma_semaphore, #tpu.memory_space<semaphore_mem>>, %arg16: memref<4x!tpu.dma_semaphore, #tpu.memory_space<semaphore_mem>>, %arg17: memref<!tpu.dma_semaphore, #tpu.memory_space<semaphore_mem>>) attributes {dimension_semantics = [#tpu.dimension_semantics<core_parallel>, #tpu.dimension_semantics<subcore_parallel>], iteration_bounds = array<i64: 2, 16>, scalar_prefetch = 0 : i64, scratch_operands = 11 : i64, tpu.core_type = #tpu.core_type<sc_vector_subcore>, window_params = [{transform_indices = #map}, {transform_indices = #map1}, {transform_indices = #map2}, {transform_indices = #map2}, {transform_indices = #map}]} {
    %mul3A = arith.constant 1024 : i32
    %mul3A_0 = arith.muli %arg1, %mul3A : i32
    %dma_start3A = arith.constant 0 : i32
    %dma_start3A_1 = tpu.memref_slice %arg7[%mul3A_0, %dma_start3A] : memref<16384x32xf32, #tpu.memory_space<vmem_shared>> -> memref<1024x32xf32, #tpu.memory_space<vmem_shared>>
    %dma_start3A_2 = arith.constant 0 : i32
    %dma_start3A_3 = tpu.memref_slice %arg2[%arg0, %mul3A_0, %dma_start3A_2] : memref<2x16384x32xf32, #tpu.memory_space<hbm>> -> memref<1x1024x32xf32, #tpu.memory_space<hbm>>
    %dma_start3A_4 = tpu.memref_squeeze %dma_start3A_3 : memref<1x1024x32xf32, #tpu.memory_space<hbm>> -> memref<1024x32xf32, #tpu.memory_space<hbm>>
    tpu.enqueue_dma source(%dma_start3A_4 : memref<1024x32xf32, #tpu.memory_space<hbm>>) target(%dma_start3A_1 : memref<1024x32xf32, #tpu.memory_space<vmem_shared>>) target_semaphore(%arg17 : memref<!tpu.dma_semaphore, #tpu.memory_space<semaphore_mem>>)
    %scan3A = arith.constant 0 : i32
    %scan3A_5 = arith.constant 0 : i32
    %scan3A_6 = arith.constant 128 : i32
    %scan3A_7 = arith.addi %scan3A_5, %scan3A_6 : i32
    %scan3A_8 = arith.constant 1 : i32
    %scan3A_9 = scf.for %scan3A_1617 = %scan3A_5 to %scan3A_7 step %scan3A_8 iter_args(%scan3A_1618 = %scan3A) -> (i32)  : i32 {
      %broadcast_in_dim3A = arith.constant 0.000000e+00 : f32
      %broadcast_in_dim3A_1619 = vector.broadcast %broadcast_in_dim3A : f32 to vector<16xf32>
      %swap3A = arith.index_cast %scan3A_1617 : i32 to index
      %swap3A_1620 = arith.constant 0 : index
      %swap3A_1621 = tpu.vector_load %arg13[%swap3A, %swap3A_1620] {strides = array<i32>} : memref<128x32xf32, #tpu.memory_space<vmem>>, vector<16xf32>,
      tpu.vector_store %arg13[%swap3A, %swap3A_1620], %broadcast_in_dim3A_1619 {strides = array<i32>} : memref<128x32xf32, #tpu.memory_space<vmem>>, vector<16xf32>,
      %broadcast_in_dim3A_1622 = arith.constant 0.000000e+00 : f32
      %broadcast_in_dim3A_1623 = vector.broadcast %broadcast_in_dim3A_1622 : f32 to vector<16xf32>
      %swap3A_1624 = arith.index_cast %scan3A_1617 : i32 to index
      %swap3A_1625 = arith.constant 16 : index
      %swap3A_1626 = tpu.vector_load %arg13[%swap3A_1624, %swap3A_1625] {strides = array<i32>} : memref<128x32xf32, #tpu.memory_space<vmem>>, vector<16xf32>,
      tpu.vector_store %arg13[%swap3A_1624, %swap3A_1625], %broadcast_in_dim3A_1623 {strides = array<i32>} : memref<128x32xf32, #tpu.memory_space<vmem>>, vector<16xf32>,
      %scan3A_1627 = arith.constant 0 : i32
      scf.yield %scan3A_1627 : i32
    }
    %scan3A_10 = arith.constant 128 : i32
    %mul3A_11 = arith.constant 1024 : i32
    %mul3A_12 = arith.muli %arg1, %mul3A_11 : i32
    %add3A = arith.constant 0 : i32
    %add3A_13 = arith.addi %mul3A_12, %add3A : i32
    %dma_start3A_14 = arith.constant 0 : i32
    %dma_start3A_15 = tpu.memref_slice %arg8[%add3A_13, %dma_start3A_14] : memref<16384x32xf32, #tpu.memory_space<vmem_shared>> -> memref<128x32xf32, #tpu.memory_space<vmem_shared>>
    %dma_start3A_16 = arith.constant 0 : i32
    %dma_start3A_17 = tpu.memref_slice %arg8[%add3A_13, %dma_start3A_16] : memref<16384x32xf32, #tpu.memory_space<vmem_shared>> -> memref<128x32xf32, #tpu.memory_space<vmem_shared>>
    tpu.enqueue_dma source(%arg13 : memref<128x32xf32, #tpu.memory_space<vmem>>) target(%dma_start3A_17 : memref<128x32xf32, #tpu.memory_space<vmem_shared>>) target_semaphore(%arg17 : memref<!tpu.dma_semaphore, #tpu.memory_space<semaphore_mem>>)
    %mul3A_18 = arith.constant 1024 : i32
    %mul3A_19 = arith.muli %arg1, %mul3A_18 : i32
    %add3A_20 = arith.constant 128 : i32
    %add3A_21 = arith.addi %mul3A_19, %add3A_20 : i32
    %dma_start3A_22 = arith.constant 0 : i32
    %dma_start3A_23 = tpu.memref_slice %arg8[%add3A_21, %dma_start3A_22] : memref<16384x32xf32, #tpu.memory_space<vmem_shared>> -> memref<128x32xf32, #tpu.memory_space<vmem_shared>>
    %dma_start3A_24 = arith.constant 0 : i32
    %dma_start3A_25 = tpu.memref_slice %arg8[%add3A_21, %dma_start3A_24] : memref<16384x32xf32, #tpu.memory_space<vmem_shared>> -> memref<128x32xf32, #tpu.memory_space<vmem_shared>>
    tpu.enqueue_dma source(%arg13 : memref<128x32xf32, #tpu.memory_space<vmem>>) target(%dma_start3A_25 : memref<128x32xf32, #tpu.memory_space<vmem_shared>>) target_semaphore(%arg17 : memref<!tpu.dma_semaphore, #tpu.memory_space<semaphore_mem>>)
    %mul3A_26 = arith.constant 1024 : i32
    %mul3A_27 = arith.muli %arg1, %mul3A_26 : i32
    %add3A_28 = arith.constant 256 : i32
    %add3A_29 = arith.addi %mul3A_27, %add3A_28 : i32
    %dma_start3A_30 = arith.constant 0 : i32
    %dma_start3A_31 = tpu.memref_slice %arg8[%add3A_29, %dma_start3A_30] : memref<16384x32xf32, #tpu.memory_space<vmem_shared>> -> memref<128x32xf32, #tpu.memory_space<vmem_shared>>
    %dma_start3A_32 = arith.constant 0 : i32
    %dma_start3A_33 = tpu.memref_slice %arg8[%add3A_29, %dma_start3A_32] : memref<16384x32xf32, #tpu.memory_space<vmem_shared>> -> memref<128x32xf32, #tpu.memory_space<vmem_shared>>
    tpu.enqueue_dma source(%arg13 : memref<128x32xf32, #tpu.memory_space<vmem>>) target(%dma_start3A_33 : memref<128x32xf32, #tpu.memory_space<vmem_shared>>) target_semaphore(%arg17 : memref<!tpu.dma_semaphore, #tpu.memory_space<semaphore_mem>>)
    %mul3A_34 = arith.constant 1024 : i32
    %mul3A_35 = arith.muli %arg1, %mul3A_34 : i32
    %add3A_36 = arith.constant 384 : i32
    %add3A_37 = arith.addi %mul3A_35, %add3A_36 : i32
    %dma_start3A_38 = arith.constant 0 : i32
    %dma_start3A_39 = tpu.memref_slice %arg8[%add3A_37, %dma_start3A_38] : memref<16384x32xf32, #tpu.memory_space<vmem_shared>> -> memref<128x32xf32, #tpu.memory_space<vmem_shared>>
    %dma_start3A_40 = arith.constant 0 : i32
    %dma_start3A_41 = tpu.memref_slice %arg8[%add3A_37, %dma_start3A_40] : memref<16384x32xf32, #tpu.memory_space<vmem_shared>> -> memref<128x32xf32, #tpu.memory_space<vmem_shared>>
    tpu.enqueue_dma source(%arg13 : memref<128x32xf32, #tpu.memory_space<vmem>>) target(%dma_start3A_41 : memref<128x32xf32, #tpu.memory_space<vmem_shared>>) target_semaphore(%arg17 : memref<!tpu.dma_semaphore, #tpu.memory_space<semaphore_mem>>)
    %mul3A_42 = arith.constant 1024 : i32
    %mul3A_43 = arith.muli %arg1, %mul3A_42 : i32
    %add3A_44 = arith.constant 512 : i32
    %add3A_45 = arith.addi %mul3A_43, %add3A_44 : i32
    %dma_start3A_46 = arith.constant 0 : i32
    %dma_start3A_47 = tpu.memref_slice %arg8[%add3A_45, %dma_start3A_46] : memref<16384x32xf32, #tpu.memory_space<vmem_shared>> -> memref<128x32xf32, #tpu.memory_space<vmem_shared>>
    %dma_start3A_48 = arith.constant 0 : i32
    %dma_start3A_49 = tpu.memref_slice %arg8[%add3A_45, %dma_start3A_48] : memref<16384x32xf32, #tpu.memory_space<vmem_shared>> -> memref<128x32xf32, #tpu.memory_space<vmem_shared>>
    tpu.enqueue_dma source(%arg13 : memref<128x32xf32, #tpu.memory_space<vmem>>) target(%dma_start3A_49 : memref<128x32xf32, #tpu.memory_space<vmem_shared>>) target_semaphore(%arg17 : memref<!tpu.dma_semaphore, #tpu.memory_space<semaphore_mem>>)
    %mul3A_50 = arith.constant 1024 : i32
    %mul3A_51 = arith.muli %arg1, %mul3A_50 : i32
    %add3A_52 = arith.constant 640 : i32
    %add3A_53 = arith.addi %mul3A_51, %add3A_52 : i32
    %dma_start3A_54 = arith.constant 0 : i32
    %dma_start3A_55 = tpu.memref_slice %arg8[%add3A_53, %dma_start3A_54] : memref<16384x32xf32, #tpu.memory_space<vmem_shared>> -> memref<128x32xf32, #tpu.memory_space<vmem_shared>>
    %dma_start3A_56 = arith.constant 0 : i32
    %dma_start3A_57 = tpu.memref_slice %arg8[%add3A_53, %dma_start3A_56] : memref<16384x32xf32, #tpu.memory_space<vmem_shared>> -> memref<128x32xf32, #tpu.memory_space<vmem_shared>>
    tpu.enqueue_dma source(%arg13 : memref<128x32xf32, #tpu.memory_space<vmem>>) target(%dma_start3A_57 : memref<128x32xf32, #tpu.memory_space<vmem_shared>>) target_semaphore(%arg17 : memref<!tpu.dma_semaphore, #tpu.memory_space<semaphore_mem>>)
    %mul3A_58 = arith.constant 1024 : i32
    %mul3A_59 = arith.muli %arg1, %mul3A_58 : i32
    %add3A_60 = arith.constant 768 : i32
    %add3A_61 = arith.addi %mul3A_59, %add3A_60 : i32
    %dma_start3A_62 = arith.constant 0 : i32
    %dma_start3A_63 = tpu.memref_slice %arg8[%add3A_61, %dma_start3A_62] : memref<16384x32xf32, #tpu.memory_space<vmem_shared>> -> memref<128x32xf32, #tpu.memory_space<vmem_shared>>
    %dma_start3A_64 = arith.constant 0 : i32
    %dma_start3A_65 = tpu.memref_slice %arg8[%add3A_61, %dma_start3A_64] : memref<16384x32xf32, #tpu.memory_space<vmem_shared>> -> memref<128x32xf32, #tpu.memory_space<vmem_shared>>
    tpu.enqueue_dma source(%arg13 : memref<128x32xf32, #tpu.memory_space<vmem>>) target(%dma_start3A_65 : memref<128x32xf32, #tpu.memory_space<vmem_shared>>) target_semaphore(%arg17 : memref<!tpu.dma_semaphore, #tpu.memory_space<semaphore_mem>>)
    %mul3A_66 = arith.constant 1024 : i32
    %mul3A_67 = arith.muli %arg1, %mul3A_66 : i32
    %add3A_68 = arith.constant 896 : i32
    %add3A_69 = arith.addi %mul3A_67, %add3A_68 : i32
    %dma_start3A_70 = arith.constant 0 : i32
    %dma_start3A_71 = tpu.memref_slice %arg8[%add3A_69, %dma_start3A_70] : memref<16384x32xf32, #tpu.memory_space<vmem_shared>> -> memref<128x32xf32, #tpu.memory_space<vmem_shared>>
    %dma_start3A_72 = arith.constant 0 : i32
    %dma_start3A_73 = tpu.memref_slice %arg8[%add3A_69, %dma_start3A_72] : memref<16384x32xf32, #tpu.memory_space<vmem_shared>> -> memref<128x32xf32, #tpu.memory_space<vmem_shared>>
    tpu.enqueue_dma source(%arg13 : memref<128x32xf32, #tpu.memory_space<vmem>>) target(%dma_start3A_73 : memref<128x32xf32, #tpu.memory_space<vmem_shared>>) target_semaphore(%arg17 : memref<!tpu.dma_semaphore, #tpu.memory_space<semaphore_mem>>)
    %dma_wait3A = arith.constant 0 : i32
    %dma_wait3A_74 = tpu.memref_slice %arg7[%mul3A_0, %dma_wait3A] : memref<16384x32xf32, #tpu.memory_space<vmem_shared>> -> memref<1024x32xf32, #tpu.memory_space<vmem_shared>>
    %dma_wait3A_75 = arith.constant 0 : i32
    %dma_wait3A_76 = tpu.memref_slice %arg2[%arg0, %mul3A_0, %dma_wait3A_75] : memref<2x16384x32xf32, #tpu.memory_space<hbm>> -> memref<1x1024x32xf32, #tpu.memory_space<hbm>>
    %dma_wait3A_77 = tpu.memref_squeeze %dma_wait3A_76 : memref<1x1024x32xf32, #tpu.memory_space<hbm>> -> memref<1024x32xf32, #tpu.memory_space<hbm>>
    tpu.wait_dma2 semaphore(%arg17 : memref<!tpu.dma_semaphore, #tpu.memory_space<semaphore_mem>>) src(%dma_wait3A_77 : memref<1024x32xf32, #tpu.memory_space<hbm>>) dst(%dma_wait3A_74 : memref<1024x32xf32, #tpu.memory_space<vmem_shared>>)
    %mul3A_78 = arith.constant 1024 : i32
    %mul3A_79 = arith.muli %arg1, %mul3A_78 : i32
    %add3A_80 = arith.constant 0 : i32
    %add3A_81 = arith.addi %mul3A_79, %add3A_80 : i32
    %dma_wait3A_82 = arith.constant 0 : i32
    %dma_wait3A_83 = tpu.memref_slice %arg8[%add3A_81, %dma_wait3A_82] : memref<16384x32xf32, #tpu.memory_space<vmem_shared>> -> memref<128x32xf32, #tpu.memory_space<vmem_shared>>
    %dma_wait3A_84 = arith.constant 0 : i32
    %dma_wait3A_85 = tpu.memref_slice %arg8[%add3A_81, %dma_wait3A_84] : memref<16384x32xf32, #tpu.memory_space<vmem_shared>> -> memref<128x32xf32, #tpu.memory_space<vmem_shared>>
    tpu.wait_dma2 semaphore(%arg17 : memref<!tpu.dma_semaphore, #tpu.memory_space<semaphore_mem>>) src(%arg13 : memref<128x32xf32, #tpu.memory_space<vmem>>) dst(%dma_wait3A_85 : memref<128x32xf32, #tpu.memory_space<vmem_shared>>)
    %mul3A_86 = arith.constant 1024 : i32
    %mul3A_87 = arith.muli %arg1, %mul3A_86 : i32
    %add3A_88 = arith.constant 128 : i32
    %add3A_89 = arith.addi %mul3A_87, %add3A_88 : i32
    %dma_wait3A_90 = arith.constant 0 : i32
    %dma_wait3A_91 = tpu.memref_slice %arg8[%add3A_89, %dma_wait3A_90] : memref<16384x32xf32, #tpu.memory_space<vmem_shared>> -> memref<128x32xf32, #tpu.memory_space<vmem_shared>>
    %dma_wait3A_92 = arith.constant 0 : i32
    %dma_wait3A_93 = tpu.memref_slice %arg8[%add3A_89, %dma_wait3A_92] : memref<16384x32xf32, #tpu.memory_space<vmem_shared>> -> memref<128x32xf32, #tpu.memory_space<vmem_shared>>
    tpu.wait_dma2 semaphore(%arg17 : memref<!tpu.dma_semaphore, #tpu.memory_space<semaphore_mem>>) src(%arg13 : memref<128x32xf32, #tpu.memory_space<vmem>>) dst(%dma_wait3A_93 : memref<128x32xf32, #tpu.memory_space<vmem_shared>>)
    %mul3A_94 = arith.constant 1024 : i32
    %mul3A_95 = arith.muli %arg1, %mul3A_94 : i32
    %add3A_96 = arith.constant 256 : i32
    %add3A_97 = arith.addi %mul3A_95, %add3A_96 : i32
    %dma_wait3A_98 = arith.constant 0 : i32
    %dma_wait3A_99 = tpu.memref_slice %arg8[%add3A_97, %dma_wait3A_98] : memref<16384x32xf32, #tpu.memory_space<vmem_shared>> -> memref<128x32xf32, #tpu.memory_space<vmem_shared>>
    %dma_wait3A_100 = arith.constant 0 : i32
    %dma_wait3A_101 = tpu.memref_slice %arg8[%add3A_97, %dma_wait3A_100] : memref<16384x32xf32, #tpu.memory_space<vmem_shared>> -> memref<128x32xf32, #tpu.memory_space<vmem_shared>>
    tpu.wait_dma2 semaphore(%arg17 : memref<!tpu.dma_semaphore, #tpu.memory_space<semaphore_mem>>) src(%arg13 : memref<128x32xf32, #tpu.memory_space<vmem>>) dst(%dma_wait3A_101 : memref<128x32xf32, #tpu.memory_space<vmem_shared>>)
    %mul3A_102 = arith.constant 1024 : i32
    %mul3A_103 = arith.muli %arg1, %mul3A_102 : i32
    %add3A_104 = arith.constant 384 : i32
    %add3A_105 = arith.addi %mul3A_103, %add3A_104 : i32
    %dma_wait3A_106 = arith.constant 0 : i32
    %dma_wait3A_107 = tpu.memref_slice %arg8[%add3A_105, %dma_wait3A_106] : memref<16384x32xf32, #tpu.memory_space<vmem_shared>> -> memref<128x32xf32, #tpu.memory_space<vmem_shared>>
    %dma_wait3A_108 = arith.constant 0 : i32
    %dma_wait3A_109 = tpu.memref_slice %arg8[%add3A_105, %dma_wait3A_108] : memref<16384x32xf32, #tpu.memory_space<vmem_shared>> -> memref<128x32xf32, #tpu.memory_space<vmem_shared>>
    tpu.wait_dma2 semaphore(%arg17 : memref<!tpu.dma_semaphore, #tpu.memory_space<semaphore_mem>>) src(%arg13 : memref<128x32xf32, #tpu.memory_space<vmem>>) dst(%dma_wait3A_109 : memref<128x32xf32, #tpu.memory_space<vmem_shared>>)
    %mul3A_110 = arith.constant 1024 : i32
    %mul3A_111 = arith.muli %arg1, %mul3A_110 : i32
    %add3A_112 = arith.constant 512 : i32
    %add3A_113 = arith.addi %mul3A_111, %add3A_112 : i32
    %dma_wait3A_114 = arith.constant 0 : i32
    %dma_wait3A_115 = tpu.memref_slice %arg8[%add3A_113, %dma_wait3A_114] : memref<16384x32xf32, #tpu.memory_space<vmem_shared>> -> memref<128x32xf32, #tpu.memory_space<vmem_shared>>
    %dma_wait3A_116 = arith.constant 0 : i32
    %dma_wait3A_117 = tpu.memref_slice %arg8[%add3A_113, %dma_wait3A_116] : memref<16384x32xf32, #tpu.memory_space<vmem_shared>> -> memref<128x32xf32, #tpu.memory_space<vmem_shared>>
    tpu.wait_dma2 semaphore(%arg17 : memref<!tpu.dma_semaphore, #tpu.memory_space<semaphore_mem>>) src(%arg13 : memref<128x32xf32, #tpu.memory_space<vmem>>) dst(%dma_wait3A_117 : memref<128x32xf32, #tpu.memory_space<vmem_shared>>)
    %mul3A_118 = arith.constant 1024 : i32
    %mul3A_119 = arith.muli %arg1, %mul3A_118 : i32
    %add3A_120 = arith.constant 640 : i32
    %add3A_121 = arith.addi %mul3A_119, %add3A_120 : i32
    %dma_wait3A_122 = arith.constant 0 : i32
    %dma_wait3A_123 = tpu.memref_slice %arg8[%add3A_121, %dma_wait3A_122] : memref<16384x32xf32, #tpu.memory_space<vmem_shared>> -> memref<128x32xf32, #tpu.memory_space<vmem_shared>>
    %dma_wait3A_124 = arith.constant 0 : i32
    %dma_wait3A_125 = tpu.memref_slice %arg8[%add3A_121, %dma_wait3A_124] : memref<16384x32xf32, #tpu.memory_space<vmem_shared>> -> memref<128x32xf32, #tpu.memory_space<vmem_shared>>
    tpu.wait_dma2 semaphore(%arg17 : memref<!tpu.dma_semaphore, #tpu.memory_space<semaphore_mem>>) src(%arg13 : memref<128x32xf32, #tpu.memory_space<vmem>>) dst(%dma_wait3A_125 : memref<128x32xf32, #tpu.memory_space<vmem_shared>>)
    %mul3A_126 = arith.constant 1024 : i32
    %mul3A_127 = arith.muli %arg1, %mul3A_126 : i32
    %add3A_128 = arith.constant 768 : i32
    %add3A_129 = arith.addi %mul3A_127, %add3A_128 : i32
    %dma_wait3A_130 = arith.constant 0 : i32
    %dma_wait3A_131 = tpu.memref_slice %arg8[%add3A_129, %dma_wait3A_130] : memref<16384x32xf32, #tpu.memory_space<vmem_shared>> -> memref<128x32xf32, #tpu.memory_space<vmem_shared>>
    %dma_wait3A_132 = arith.constant 0 : i32
    %dma_wait3A_133 = tpu.memref_slice %arg8[%add3A_129, %dma_wait3A_132] : memref<16384x32xf32, #tpu.memory_space<vmem_shared>> -> memref<128x32xf32, #tpu.memory_space<vmem_shared>>
    tpu.wait_dma2 semaphore(%arg17 : memref<!tpu.dma_semaphore, #tpu.memory_space<semaphore_mem>>) src(%arg13 : memref<128x32xf32, #tpu.memory_space<vmem>>) dst(%dma_wait3A_133 : memref<128x32xf32, #tpu.memory_space<vmem_shared>>)
    %mul3A_134 = arith.constant 1024 : i32
    %mul3A_135 = arith.muli %arg1, %mul3A_134 : i32
    %add3A_136 = arith.constant 896 : i32
    %add3A_137 = arith.addi %mul3A_135, %add3A_136 : i32
    %dma_wait3A_138 = arith.constant 0 : i32
    %dma_wait3A_139 = tpu.memref_slice %arg8[%add3A_137, %dma_wait3A_138] : memref<16384x32xf32, #tpu.memory_space<vmem_shared>> -> memref<128x32xf32, #tpu.memory_space<vmem_shared>>
    %dma_wait3A_140 = arith.constant 0 : i32
    %dma_wait3A_141 = tpu.memref_slice %arg8[%add3A_137, %dma_wait3A_140] : memref<16384x32xf32, #tpu.memory_space<vmem_shared>> -> memref<128x32xf32, #tpu.memory_space<vmem_shared>>
    tpu.wait_dma2 semaphore(%arg17 : memref<!tpu.dma_semaphore, #tpu.memory_space<semaphore_mem>>) src(%arg13 : memref<128x32xf32, #tpu.memory_space<vmem>>) dst(%dma_wait3A_141 : memref<128x32xf32, #tpu.memory_space<vmem_shared>>)
    %barrier3A = arith.constant 0 : index
    tpu.barrier barrier_id(%barrier3A)
    %mul3A_142 = arith.constant 132 : i32
    %mul3A_143 = arith.muli %arg1, %mul3A_142 : i32
    %add3A_144 = arith.constant 0 : i32
    %add3A_145 = arith.addi %mul3A_143, %add3A_144 : i32
    %dma_start3A_146 = arith.constant 0 : i32
    %dma_start3A_147 = arith.constant 0 : i32
    %dma_start3A_148 = arith.constant 0 : i32
    %dma_start3A_149 = arith.constant 0 : i32
    %dma_start3A_150 = tpu.memref_slice %arg9[%dma_start3A_146, %dma_start3A_148, %dma_start3A_149] : memref<4x3x128xi32, #tpu.memory_space<vmem>> -> memref<1x3x128xi32, #tpu.memory_space<vmem>>
    %dma_start3A_151 = tpu.memref_squeeze %dma_start3A_150 : memref<1x3x128xi32, #tpu.memory_space<vmem>> -> memref<3x128xi32, #tpu.memory_space<vmem>>
    %dma_start3A_152 = arith.constant 0 : i32
    %dma_start3A_153 = tpu.memref_slice %arg5[%add3A_145, %dma_start3A_152] : memref<2112x128xi32, #tpu.memory_space<hbm>> -> memref<3x128xi32, #tpu.memory_space<hbm>>
    %dma_start3A_154 = tpu.memref_slice %arg14[%dma_start3A_147] : memref<4x!tpu.dma_semaphore, #tpu.memory_space<semaphore_mem>> -> memref<1x!tpu.dma_semaphore, #tpu.memory_space<semaphore_mem>>
    %dma_start3A_155 = tpu.memref_squeeze %dma_start3A_154 : memref<1x!tpu.dma_semaphore, #tpu.memory_space<semaphore_mem>> -> memref<!tpu.dma_semaphore, #tpu.memory_space<semaphore_mem>>
    %dma_start3A_156 = arith.constant 0 : i32
    %dma_start3A_157 = arith.constant 0 : i32
    %dma_start3A_158 = tpu.memref_slice %arg9[%dma_start3A_146, %dma_start3A_156, %dma_start3A_157] : memref<4x3x128xi32, #tpu.memory_space<vmem>> -> memref<1x3x128xi32, #tpu.memory_space<vmem>>
    %dma_start3A_159 = tpu.memref_squeeze %dma_start3A_158 : memref<1x3x128xi32, #tpu.memory_space<vmem>> -> memref<3x128xi32, #tpu.memory_space<vmem>>
    %dma_start3A_160 = arith.constant 0 : i32
    %dma_start3A_161 = tpu.memref_slice %arg5[%add3A_145, %dma_start3A_160] : memref<2112x128xi32, #tpu.memory_space<hbm>> -> memref<3x128xi32, #tpu.memory_space<hbm>>
    tpu.enqueue_dma source(%dma_start3A_161 : memref<3x128xi32, #tpu.memory_space<hbm>>) target(%dma_start3A_159 : memref<3x128xi32, #tpu.memory_space<vmem>>) target_semaphore(%dma_start3A_155 : memref<!tpu.dma_semaphore, #tpu.memory_space<semaphore_mem>>)
    %dma_start3A_162 = arith.constant 0 : i32
    %dma_start3A_163 = arith.constant 0 : i32
    %dma_start3A_164 = arith.constant 0 : i32
    %dma_start3A_165 = arith.constant 0 : i32
    %dma_start3A_166 = tpu.memref_slice %arg10[%dma_start3A_162, %dma_start3A_164, %dma_start3A_165] : memref<4x3x128xi32, #tpu.memory_space<vmem>> -> memref<1x3x128xi32, #tpu.memory_space<vmem>>
    %dma_start3A_167 = tpu.memref_squeeze %dma_start3A_166 : memref<1x3x128xi32, #tpu.memory_space<vmem>> -> memref<3x128xi32, #tpu.memory_space<vmem>>
    %dma_start3A_168 = arith.constant 0 : i32
    %dma_start3A_169 = tpu.memref_slice %arg4[%add3A_145, %dma_start3A_168] : memref<2112x128xi32, #tpu.memory_space<hbm>> -> memref<3x128xi32, #tpu.memory_space<hbm>>
    %dma_start3A_170 = tpu.memref_slice %arg14[%dma_start3A_163] : memref<4x!tpu.dma_semaphore, #tpu.memory_space<semaphore_mem>> -> memref<1x!tpu.dma_semaphore, #tpu.memory_space<semaphore_mem>>
    %dma_start3A_171 = tpu.memref_squeeze %dma_start3A_170 : memref<1x!tpu.dma_semaphore, #tpu.memory_space<semaphore_mem>> -> memref<!tpu.dma_semaphore, #tpu.memory_space<semaphore_mem>>
    %dma_start3A_172 = arith.constant 0 : i32
    %dma_start3A_173 = arith.constant 0 : i32
    %dma_start3A_174 = tpu.memref_slice %arg10[%dma_start3A_162, %dma_start3A_172, %dma_start3A_173] : memref<4x3x128xi32, #tpu.memory_space<vmem>> -> memref<1x3x128xi32, #tpu.memory_space<vmem>>
    %dma_start3A_175 = tpu.memref_squeeze %dma_start3A_174 : memref<1x3x128xi32, #tpu.memory_space<vmem>> -> memref<3x128xi32, #tpu.memory_space<vmem>>
    %dma_start3A_176 = arith.constant 0 : i32
    %dma_start3A_177 = tpu.memref_slice %arg4[%add3A_145, %dma_start3A_176] : memref<2112x128xi32, #tpu.memory_space<hbm>> -> memref<3x128xi32, #tpu.memory_space<hbm>>
    tpu.enqueue_dma source(%dma_start3A_177 : memref<3x128xi32, #tpu.memory_space<hbm>>) target(%dma_start3A_175 : memref<3x128xi32, #tpu.memory_space<vmem>>) target_semaphore(%dma_start3A_171 : memref<!tpu.dma_semaphore, #tpu.memory_space<semaphore_mem>>)
    %mul3A_178 = arith.constant 128 : i32
    %mul3A_179 = arith.muli %add3A_145, %mul3A_178 : i32
    %dma_start3A_180 = arith.constant 0 : i32
    %dma_start3A_181 = arith.constant 0 : i32
    %dma_start3A_182 = arith.constant 0 : i32
    %dma_start3A_183 = tpu.memref_slice %arg11[%dma_start3A_180, %dma_start3A_182] : memref<4x384xf32, #tpu.memory_space<vmem>> -> memref<1x384xf32, #tpu.memory_space<vmem>>
    %dma_start3A_184 = tpu.memref_squeeze %dma_start3A_183 : memref<1x384xf32, #tpu.memory_space<vmem>> -> memref<384xf32, #tpu.memory_space<vmem>>
    %dma_start3A_185 = tpu.memref_slice %arg3[%mul3A_179] : memref<270336xf32, #tpu.memory_space<hbm>> -> memref<384xf32, #tpu.memory_space<hbm>>
    %dma_start3A_186 = tpu.memref_slice %arg14[%dma_start3A_181] : memref<4x!tpu.dma_semaphore, #tpu.memory_space<semaphore_mem>> -> memref<1x!tpu.dma_semaphore, #tpu.memory_space<semaphore_mem>>
    %dma_start3A_187 = tpu.memref_squeeze %dma_start3A_186 : memref<1x!tpu.dma_semaphore, #tpu.memory_space<semaphore_mem>> -> memref<!tpu.dma_semaphore, #tpu.memory_space<semaphore_mem>>
    %dma_start3A_188 = arith.constant 0 : i32
    %dma_start3A_189 = tpu.memref_slice %arg11[%dma_start3A_180, %dma_start3A_188] : memref<4x384xf32, #tpu.memory_space<vmem>> -> memref<1x384xf32, #tpu.memory_space<vmem>>
    %dma_start3A_190 = tpu.memref_squeeze %dma_start3A_189 : memref<1x384xf32, #tpu.memory_space<vmem>> -> memref<384xf32, #tpu.memory_space<vmem>>
    %dma_start3A_191 = tpu.memref_slice %arg3[%mul3A_179] : memref<270336xf32, #tpu.memory_space<hbm>> -> memref<384xf32, #tpu.memory_space<hbm>>
    tpu.enqueue_dma source(%dma_start3A_191 : memref<384xf32, #tpu.memory_space<hbm>>) target(%dma_start3A_190 : memref<384xf32, #tpu.memory_space<vmem>>) target_semaphore(%dma_start3A_187 : memref<!tpu.dma_semaphore, #tpu.memory_space<semaphore_mem>>)
    %add3A_192 = arith.constant 3 : i32
    %add3A_193 = arith.addi %mul3A_143, %add3A_192 : i32
    %dma_start3A_194 = arith.constant 1 : i32
    %dma_start3A_195 = arith.constant 1 : i32
    %dma_start3A_196 = arith.constant 0 : i32
    %dma_start3A_197 = arith.constant 0 : i32
    %dma_start3A_198 = tpu.memref_slice %arg9[%dma_start3A_194, %dma_start3A_196, %dma_start3A_197] : memref<4x3x128xi32, #tpu.memory_space<vmem>> -> memref<1x3x128xi32, #tpu.memory_space<vmem>>
    %dma_start3A_199 = tpu.memref_squeeze %dma_start3A_198 : memref<1x3x128xi32, #tpu.memory_space<vmem>> -> memref<3x128xi32, #tpu.memory_space<vmem>>
    %dma_start3A_200 = arith.constant 0 : i32
    %dma_start3A_201 = tpu.memref_slice %arg5[%add3A_193, %dma_start3A_200] : memref<2112x128xi32, #tpu.memory_space<hbm>> -> memref<3x128xi32, #tpu.memory_space<hbm>>
    %dma_start3A_202 = tpu.memref_slice %arg14[%dma_start3A_195] : memref<4x!tpu.dma_semaphore, #tpu.memory_space<semaphore_mem>> -> memref<1x!tpu.dma_semaphore, #tpu.memory_space<semaphore_mem>>
    %dma_start3A_203 = tpu.memref_squeeze %dma_start3A_202 : memref<1x!tpu.dma_semaphore, #tpu.memory_space<semaphore_mem>> -> memref<!tpu.dma_semaphore, #tpu.memory_space<semaphore_mem>>
    %dma_start3A_204 = arith.constant 0 : i32
    %dma_start3A_205 = arith.constant 0 : i32
    %dma_start3A_206 = tpu.memref_slice %arg9[%dma_start3A_194, %dma_start3A_204, %dma_start3A_205] : memref<4x3x128xi32, #tpu.memory_space<vmem>> -> memref<1x3x128xi32, #tpu.memory_space<vmem>>
    %dma_start3A_207 = tpu.memref_squeeze %dma_start3A_206 : memref<1x3x128xi32, #tpu.memory_space<vmem>> -> memref<3x128xi32, #tpu.memory_space<vmem>>
    %dma_start3A_208 = arith.constant 0 : i32
    %dma_start3A_209 = tpu.memref_slice %arg5[%add3A_193, %dma_start3A_208] : memref<2112x128xi32, #tpu.memory_space<hbm>> -> memref<3x128xi32, #tpu.memory_space<hbm>>
    tpu.enqueue_dma source(%dma_start3A_209 : memref<3x128xi32, #tpu.memory_space<hbm>>) target(%dma_start3A_207 : memref<3x128xi32, #tpu.memory_space<vmem>>) target_semaphore(%dma_start3A_203 : memref<!tpu.dma_semaphore, #tpu.memory_space<semaphore_mem>>)
    %dma_start3A_210 = arith.constant 1 : i32
    %dma_start3A_211 = arith.constant 1 : i32
    %dma_start3A_212 = arith.constant 0 : i32
    %dma_start3A_213 = arith.constant 0 : i32
    %dma_start3A_214 = tpu.memref_slice %arg10[%dma_start3A_210, %dma_start3A_212, %dma_start3A_213] : memref<4x3x128xi32, #tpu.memory_space<vmem>> -> memref<1x3x128xi32, #tpu.memory_space<vmem>>
    %dma_start3A_215 = tpu.memref_squeeze %dma_start3A_214 : memref<1x3x128xi32, #tpu.memory_space<vmem>> -> memref<3x128xi32, #tpu.memory_space<vmem>>
    %dma_start3A_216 = arith.constant 0 : i32
    %dma_start3A_217 = tpu.memref_slice %arg4[%add3A_193, %dma_start3A_216] : memref<2112x128xi32, #tpu.memory_space<hbm>> -> memref<3x128xi32, #tpu.memory_space<hbm>>
    %dma_start3A_218 = tpu.memref_slice %arg14[%dma_start3A_211] : memref<4x!tpu.dma_semaphore, #tpu.memory_space<semaphore_mem>> -> memref<1x!tpu.dma_semaphore, #tpu.memory_space<semaphore_mem>>
    %dma_start3A_219 = tpu.memref_squeeze %dma_start3A_218 : memref<1x!tpu.dma_semaphore, #tpu.memory_space<semaphore_mem>> -> memref<!tpu.dma_semaphore, #tpu.memory_space<semaphore_mem>>
    %dma_start3A_220 = arith.constant 0 : i32
    %dma_start3A_221 = arith.constant 0 : i32
    %dma_start3A_222 = tpu.memref_slice %arg10[%dma_start3A_210, %dma_start3A_220, %dma_start3A_221] : memref<4x3x128xi32, #tpu.memory_space<vmem>> -> memref<1x3x128xi32, #tpu.memory_space<vmem>>
    %dma_start3A_223 = tpu.memref_squeeze %dma_start3A_222 : memref<1x3x128xi32, #tpu.memory_space<vmem>> -> memref<3x128xi32, #tpu.memory_space<vmem>>
    %dma_start3A_224 = arith.constant 0 : i32
    %dma_start3A_225 = tpu.memref_slice %arg4[%add3A_193, %dma_start3A_224] : memref<2112x128xi32, #tpu.memory_space<hbm>> -> memref<3x128xi32, #tpu.memory_space<hbm>>
    tpu.enqueue_dma source(%dma_start3A_225 : memref<3x128xi32, #tpu.memory_space<hbm>>) target(%dma_start3A_223 : memref<3x128xi32, #tpu.memory_space<vmem>>) target_semaphore(%dma_start3A_219 : memref<!tpu.dma_semaphore, #tpu.memory_space<semaphore_mem>>)
    %mul3A_226 = arith.constant 128 : i32
    %mul3A_227 = arith.muli %add3A_193, %mul3A_226 : i32
    %dma_start3A_228 = arith.constant 1 : i32
    %dma_start3A_229 = arith.constant 1 : i32
    %dma_start3A_230 = arith.constant 0 : i32
    %dma_start3A_231 = tpu.memref_slice %arg11[%dma_start3A_228, %dma_start3A_230] : memref<4x384xf32, #tpu.memory_space<vmem>> -> memref<1x384xf32, #tpu.memory_space<vmem>>
    %dma_start3A_232 = tpu.memref_squeeze %dma_start3A_231 : memref<1x384xf32, #tpu.memory_space<vmem>> -> memref<384xf32, #tpu.memory_space<vmem>>
    %dma_start3A_233 = tpu.memref_slice %arg3[%mul3A_227] : memref<270336xf32, #tpu.memory_space<hbm>> -> memref<384xf32, #tpu.memory_space<hbm>>
    %dma_start3A_234 = tpu.memref_slice %arg14[%dma_start3A_229] : memref<4x!tpu.dma_semaphore, #tpu.memory_space<semaphore_mem>> -> memref<1x!tpu.dma_semaphore, #tpu.memory_space<semaphore_mem>>
    %dma_start3A_235 = tpu.memref_squeeze %dma_start3A_234 : memref<1x!tpu.dma_semaphore, #tpu.memory_space<semaphore_mem>> -> memref<!tpu.dma_semaphore, #tpu.memory_space<semaphore_mem>>
    %dma_start3A_236 = arith.constant 0 : i32
    %dma_start3A_237 = tpu.memref_slice %arg11[%dma_start3A_228, %dma_start3A_236] : memref<4x384xf32, #tpu.memory_space<vmem>> -> memref<1x384xf32, #tpu.memory_space<vmem>>
    %dma_start3A_238 = tpu.memref_squeeze %dma_start3A_237 : memref<1x384xf32, #tpu.memory_space<vmem>> -> memref<384xf32, #tpu.memory_space<vmem>>
    %dma_start3A_239 = tpu.memref_slice %arg3[%mul3A_227] : memref<270336xf32, #tpu.memory_space<hbm>> -> memref<384xf32, #tpu.memory_space<hbm>>
    tpu.enqueue_dma source(%dma_start3A_239 : memref<384xf32, #tpu.memory_space<hbm>>) target(%dma_start3A_238 : memref<384xf32, #tpu.memory_space<vmem>>) target_semaphore(%dma_start3A_235 : memref<!tpu.dma_semaphore, #tpu.memory_space<semaphore_mem>>)
    %dma_wait3A_240 = arith.constant 0 : i32
    %dma_wait3A_241 = arith.constant 0 : i32
    %dma_wait3A_242 = arith.constant 0 : i32
    %dma_wait3A_243 = arith.constant 0 : i32
    %dma_wait3A_244 = tpu.memref_slice %arg9[%dma_wait3A_240, %dma_wait3A_242, %dma_wait3A_243] : memref<4x3x128xi32, #tpu.memory_space<vmem>> -> memref<1x3x128xi32, #tpu.memory_space<vmem>>
    %dma_wait3A_245 = tpu.memref_squeeze %dma_wait3A_244 : memref<1x3x128xi32, #tpu.memory_space<vmem>> -> memref<3x128xi32, #tpu.memory_space<vmem>>
    %dma_wait3A_246 = arith.constant 0 : i32
    %dma_wait3A_247 = arith.constant 0 : i32
    %dma_wait3A_248 = tpu.memref_slice %arg5[%dma_wait3A_246, %dma_wait3A_247] : memref<2112x128xi32, #tpu.memory_space<hbm>> -> memref<3x128xi32, #tpu.memory_space<hbm>>
    %dma_wait3A_249 = tpu.memref_slice %arg14[%dma_wait3A_241] : memref<4x!tpu.dma_semaphore, #tpu.memory_space<semaphore_mem>> -> memref<1x!tpu.dma_semaphore, #tpu.memory_space<semaphore_mem>>
    %dma_wait3A_250 = tpu.memref_squeeze %dma_wait3A_249 : memref<1x!tpu.dma_semaphore, #tpu.memory_space<semaphore_mem>> -> memref<!tpu.dma_semaphore, #tpu.memory_space<semaphore_mem>>
    %dma_wait3A_251 = arith.constant 0 : i32
    %dma_wait3A_252 = arith.constant 0 : i32
    %dma_wait3A_253 = tpu.memref_slice %arg9[%dma_wait3A_240, %dma_wait3A_251, %dma_wait3A_252] : memref<4x3x128xi32, #tpu.memory_space<vmem>> -> memref<1x3x128xi32, #tpu.memory_space<vmem>>
    %dma_wait3A_254 = tpu.memref_squeeze %dma_wait3A_253 : memref<1x3x128xi32, #tpu.memory_space<vmem>> -> memref<3x128xi32, #tpu.memory_space<vmem>>
    %dma_wait3A_255 = arith.constant 0 : i32
    %dma_wait3A_256 = arith.constant 0 : i32
    %dma_wait3A_257 = tpu.memref_slice %arg5[%dma_wait3A_255, %dma_wait3A_256] : memref<2112x128xi32, #tpu.memory_space<hbm>> -> memref<3x128xi32, #tpu.memory_space<hbm>>
    tpu.wait_dma2 semaphore(%dma_wait3A_250 : memref<!tpu.dma_semaphore, #tpu.memory_space<semaphore_mem>>) src(%dma_wait3A_257 : memref<3x128xi32, #tpu.memory_space<hbm>>) dst(%dma_wait3A_254 : memref<3x128xi32, #tpu.memory_space<vmem>>)
    %dma_wait3A_258 = arith.constant 0 : i32
    %dma_wait3A_259 = arith.constant 0 : i32
    %dma_wait3A_260 = arith.constant 0 : i32
    %dma_wait3A_261 = arith.constant 0 : i32
    %dma_wait3A_262 = tpu.memref_slice %arg10[%dma_wait3A_258, %dma_wait3A_260, %dma_wait3A_261] : memref<4x3x128xi32, #tpu.memory_space<vmem>> -> memref<1x3x128xi32, #tpu.memory_space<vmem>>
    %dma_wait3A_263 = tpu.memref_squeeze %dma_wait3A_262 : memref<1x3x128xi32, #tpu.memory_space<vmem>> -> memref<3x128xi32, #tpu.memory_space<vmem>>
    %dma_wait3A_264 = arith.constant 0 : i32
    %dma_wait3A_265 = arith.constant 0 : i32
    %dma_wait3A_266 = tpu.memref_slice %arg4[%dma_wait3A_264, %dma_wait3A_265] : memref<2112x128xi32, #tpu.memory_space<hbm>> -> memref<3x128xi32, #tpu.memory_space<hbm>>
    %dma_wait3A_267 = tpu.memref_slice %arg14[%dma_wait3A_259] : memref<4x!tpu.dma_semaphore, #tpu.memory_space<semaphore_mem>> -> memref<1x!tpu.dma_semaphore, #tpu.memory_space<semaphore_mem>>
    %dma_wait3A_268 = tpu.memref_squeeze %dma_wait3A_267 : memref<1x!tpu.dma_semaphore, #tpu.memory_space<semaphore_mem>> -> memref<!tpu.dma_semaphore, #tpu.memory_space<semaphore_mem>>
    %dma_wait3A_269 = arith.constant 0 : i32
    %dma_wait3A_270 = arith.constant 0 : i32
    %dma_wait3A_271 = tpu.memref_slice %arg10[%dma_wait3A_258, %dma_wait3A_269, %dma_wait3A_270] : memref<4x3x128xi32, #tpu.memory_space<vmem>> -> memref<1x3x128xi32, #tpu.memory_space<vmem>>
    %dma_wait3A_272 = tpu.memref_squeeze %dma_wait3A_271 : memref<1x3x128xi32, #tpu.memory_space<vmem>> -> memref<3x128xi32, #tpu.memory_space<vmem>>
    %dma_wait3A_273 = arith.constant 0 : i32
    %dma_wait3A_274 = arith.constant 0 : i32
    %dma_wait3A_275 = tpu.memref_slice %arg4[%dma_wait3A_273, %dma_wait3A_274] : memref<2112x128xi32, #tpu.memory_space<hbm>> -> memref<3x128xi32, #tpu.memory_space<hbm>>
    tpu.wait_dma2 semaphore(%dma_wait3A_268 : memref<!tpu.dma_semaphore, #tpu.memory_space<semaphore_mem>>) src(%dma_wait3A_275 : memref<3x128xi32, #tpu.memory_space<hbm>>) dst(%dma_wait3A_272 : memref<3x128xi32, #tpu.memory_space<vmem>>)
    %dma_wait3A_276 = arith.constant 0 : i32
    %dma_wait3A_277 = arith.constant 0 : i32
    %dma_wait3A_278 = arith.constant 0 : i32
    %dma_wait3A_279 = tpu.memref_slice %arg11[%dma_wait3A_276, %dma_wait3A_278] : memref<4x384xf32, #tpu.memory_space<vmem>> -> memref<1x384xf32, #tpu.memory_space<vmem>>
    %dma_wait3A_280 = tpu.memref_squeeze %dma_wait3A_279 : memref<1x384xf32, #tpu.memory_space<vmem>> -> memref<384xf32, #tpu.memory_space<vmem>>
    %dma_wait3A_281 = arith.constant 0 : i32
    %dma_wait3A_282 = tpu.memref_slice %arg3[%dma_wait3A_281] : memref<270336xf32, #tpu.memory_space<hbm>> -> memref<384xf32, #tpu.memory_space<hbm>>
    %dma_wait3A_283 = tpu.memref_slice %arg14[%dma_wait3A_277] : memref<4x!tpu.dma_semaphore, #tpu.memory_space<semaphore_mem>> -> memref<1x!tpu.dma_semaphore, #tpu.memory_space<semaphore_mem>>
    %dma_wait3A_284 = tpu.memref_squeeze %dma_wait3A_283 : memref<1x!tpu.dma_semaphore, #tpu.memory_space<semaphore_mem>> -> memref<!tpu.dma_semaphore, #tpu.memory_space<semaphore_mem>>
    %dma_wait3A_285 = arith.constant 0 : i32
    %dma_wait3A_286 = tpu.memref_slice %arg11[%dma_wait3A_276, %dma_wait3A_285] : memref<4x384xf32, #tpu.memory_space<vmem>> -> memref<1x384xf32, #tpu.memory_space<vmem>>
    %dma_wait3A_287 = tpu.memref_squeeze %dma_wait3A_286 : memref<1x384xf32, #tpu.memory_space<vmem>> -> memref<384xf32, #tpu.memory_space<vmem>>
    %dma_wait3A_288 = arith.constant 0 : i32
    %dma_wait3A_289 = tpu.memref_slice %arg3[%dma_wait3A_288] : memref<270336xf32, #tpu.memory_space<hbm>> -> memref<384xf32, #tpu.memory_space<hbm>>
    tpu.wait_dma2 semaphore(%dma_wait3A_284 : memref<!tpu.dma_semaphore, #tpu.memory_space<semaphore_mem>>) src(%dma_wait3A_289 : memref<384xf32, #tpu.memory_space<hbm>>) dst(%dma_wait3A_287 : memref<384xf32, #tpu.memory_space<vmem>>)
    %dma_start3A_290 = arith.constant 0 : i32
    %dma_start3A_291 = arith.constant 0 : i32
    %dma_start3A_292 = arith.constant 0 : i32
    %dma_start3A_293 = arith.constant 0 : i32
    %dma_start3A_294 = arith.constant 0 : i32
    %dma_start3A_295 = arith.constant 0 : i32
    %dma_start3A_296 = tpu.memref_slice %arg12[%dma_start3A_292, %dma_start3A_294, %dma_start3A_295] : memref<4x384x32xf32, #tpu.memory_space<vmem>> -> memref<1x128x32xf32, #tpu.memory_space<vmem>>
    %dma_start3A_297 = tpu.memref_squeeze %dma_start3A_296 : memref<1x128x32xf32, #tpu.memory_space<vmem>> -> memref<128x32xf32, #tpu.memory_space<vmem>>
    %dma_start3A_298 = arith.constant 0 : i32
    %dma_start3A_299 = tpu.memref_slice %arg9[%dma_start3A_290, %dma_start3A_291, %dma_start3A_298] : memref<4x3x128xi32, #tpu.memory_space<vmem>> -> memref<1x1x128xi32, #tpu.memory_space<vmem>>
    %dma_start3A_300 = tpu.memref_squeeze %dma_start3A_299 : memref<1x1x128xi32, #tpu.memory_space<vmem>> -> memref<128xi32, #tpu.memory_space<vmem>>
    %dma_start3A_301 = arith.constant 0 : i32
    %dma_start3A_302 = arith.constant 0 : i32
    %dma_start3A_303 = tpu.memref_slice %arg7[%dma_start3A_301, %dma_start3A_302] : memref<16384x32xf32, #tpu.memory_space<vmem_shared>> -> memref<16384x32xf32, #tpu.memory_space<vmem_shared>>
    %dma_start3A_304 = tpu.memref_slice %arg15[%dma_start3A_293] : memref<4x!tpu.dma_semaphore, #tpu.memory_space<semaphore_mem>> -> memref<1x!tpu.dma_semaphore, #tpu.memory_space<semaphore_mem>>
    %dma_start3A_305 = tpu.memref_squeeze %dma_start3A_304 : memref<1x!tpu.dma_semaphore, #tpu.memory_space<semaphore_mem>> -> memref<!tpu.dma_semaphore, #tpu.memory_space<semaphore_mem>>
    tpu.enqueue_indirect_dma source(%dma_start3A_303 : memref<16384x32xf32, #tpu.memory_space<vmem_shared>>) target(%dma_start3A_297 : memref<128x32xf32, #tpu.memory_space<vmem>>) offsets(%dma_start3A_300 : memref<128xi32, #tpu.memory_space<vmem>>) semaphore(%dma_start3A_305 : memref<!tpu.dma_semaphore, #tpu.memory_space<semaphore_mem>>)
    %dma_start3A_306 = arith.constant 0 : i32
    %dma_start3A_307 = arith.constant 1 : i32
    %dma_start3A_308 = arith.constant 0 : i32
    %dma_start3A_309 = arith.constant 0 : i32
    %dma_start3A_310 = arith.constant 128 : i32
    %dma_start3A_311 = arith.constant 0 : i32
    %dma_start3A_312 = tpu.memref_slice %arg12[%dma_start3A_308, %dma_start3A_310, %dma_start3A_311] : memref<4x384x32xf32, #tpu.memory_space<vmem>> -> memref<1x128x32xf32, #tpu.memory_space<vmem>>
    %dma_start3A_313 = tpu.memref_squeeze %dma_start3A_312 : memref<1x128x32xf32, #tpu.memory_space<vmem>> -> memref<128x32xf32, #tpu.memory_space<vmem>>
    %dma_start3A_314 = arith.constant 0 : i32
    %dma_start3A_315 = tpu.memref_slice %arg9[%dma_start3A_306, %dma_start3A_307, %dma_start3A_314] : memref<4x3x128xi32, #tpu.memory_space<vmem>> -> memref<1x1x128xi32, #tpu.memory_space<vmem>>
    %dma_start3A_316 = tpu.memref_squeeze %dma_start3A_315 : memref<1x1x128xi32, #tpu.memory_space<vmem>> -> memref<128xi32, #tpu.memory_space<vmem>>
    %dma_start3A_317 = arith.constant 0 : i32
    %dma_start3A_318 = arith.constant 0 : i32
    %dma_start3A_319 = tpu.memref_slice %arg7[%dma_start3A_317, %dma_start3A_318] : memref<16384x32xf32, #tpu.memory_space<vmem_shared>> -> memref<16384x32xf32, #tpu.memory_space<vmem_shared>>
    %dma_start3A_320 = tpu.memref_slice %arg15[%dma_start3A_309] : memref<4x!tpu.dma_semaphore, #tpu.memory_space<semaphore_mem>> -> memref<1x!tpu.dma_semaphore, #tpu.memory_space<semaphore_mem>>
    %dma_start3A_321 = tpu.memref_squeeze %dma_start3A_320 : memref<1x!tpu.dma_semaphore, #tpu.memory_space<semaphore_mem>> -> memref<!tpu.dma_semaphore, #tpu.memory_space<semaphore_mem>>
    tpu.enqueue_indirect_dma source(%dma_start3A_319 : memref<16384x32xf32, #tpu.memory_space<vmem_shared>>) target(%dma_start3A_313 : memref<128x32xf32, #tpu.memory_space<vmem>>) offsets(%dma_start3A_316 : memref<128xi32, #tpu.memory_space<vmem>>) semaphore(%dma_start3A_321 : memref<!tpu.dma_semaphore, #tpu.memory_space<semaphore_mem>>)
    %dma_start3A_322 = arith.constant 0 : i32
    %dma_start3A_323 = arith.constant 2 : i32
    %dma_start3A_324 = arith.constant 0 : i32
    %dma_start3A_325 = arith.constant 0 : i32
    %dma_start3A_326 = arith.constant 256 : i32
    %dma_start3A_327 = arith.constant 0 : i32
    %dma_start3A_328 = tpu.memref_slice %arg12[%dma_start3A_324, %dma_start3A_326, %dma_start3A_327] : memref<4x384x32xf32, #tpu.memory_space<vmem>> -> memref<1x128x32xf32, #tpu.memory_space<vmem>>
    %dma_start3A_329 = tpu.memref_squeeze %dma_start3A_328 : memref<1x128x32xf32, #tpu.memory_space<vmem>> -> memref<128x32xf32, #tpu.memory_space<vmem>>
    %dma_start3A_330 = arith.constant 0 : i32
    %dma_start3A_331 = tpu.memref_slice %arg9[%dma_start3A_322, %dma_start3A_323, %dma_start3A_330] : memref<4x3x128xi32, #tpu.memory_space<vmem>> -> memref<1x1x128xi32, #tpu.memory_space<vmem>>
    %dma_start3A_332 = tpu.memref_squeeze %dma_start3A_331 : memref<1x1x128xi32, #tpu.memory_space<vmem>> -> memref<128xi32, #tpu.memory_space<vmem>>
    %dma_start3A_333 = arith.constant 0 : i32
    %dma_start3A_334 = arith.constant 0 : i32
    %dma_start3A_335 = tpu.memref_slice %arg7[%dma_start3A_333, %dma_start3A_334] : memref<16384x32xf32, #tpu.memory_space<vmem_shared>> -> memref<16384x32xf32, #tpu.memory_space<vmem_shared>>
    %dma_start3A_336 = tpu.memref_slice %arg15[%dma_start3A_325] : memref<4x!tpu.dma_semaphore, #tpu.memory_space<semaphore_mem>> -> memref<1x!tpu.dma_semaphore, #tpu.memory_space<semaphore_mem>>
    %dma_start3A_337 = tpu.memref_squeeze %dma_start3A_336 : memref<1x!tpu.dma_semaphore, #tpu.memory_space<semaphore_mem>> -> memref<!tpu.dma_semaphore, #tpu.memory_space<semaphore_mem>>
    tpu.enqueue_indirect_dma source(%dma_start3A_335 : memref<16384x32xf32, #tpu.memory_space<vmem_shared>>) target(%dma_start3A_329 : memref<128x32xf32, #tpu.memory_space<vmem>>) offsets(%dma_start3A_332 : memref<128xi32, #tpu.memory_space<vmem>>) semaphore(%dma_start3A_337 : memref<!tpu.dma_semaphore, #tpu.memory_space<semaphore_mem>>)
    %dma_wait3A_338 = arith.constant 1 : i32
    %dma_wait3A_339 = arith.constant 1 : i32
    %dma_wait3A_340 = arith.constant 0 : i32
    %dma_wait3A_341 = arith.constant 0 : i32
    %dma_wait3A_342 = tpu.memref_slice %arg9[%dma_wait3A_338, %dma_wait3A_340, %dma_wait3A_341] : memref<4x3x128xi32, #tpu.memory_space<vmem>> -> memref<1x3x128xi32, #tpu.memory_space<vmem>>
    %dma_wait3A_343 = tpu.memref_squeeze %dma_wait3A_342 : memref<1x3x128xi32, #tpu.memory_space<vmem>> -> memref<3x128xi32, #tpu.memory_space<vmem>>
    %dma_wait3A_344 = arith.constant 0 : i32
    %dma_wait3A_345 = arith.constant 0 : i32
    %dma_wait3A_346 = tpu.memref_slice %arg5[%dma_wait3A_344, %dma_wait3A_345] : memref<2112x128xi32, #tpu.memory_space<hbm>> -> memref<3x128xi32, #tpu.memory_space<hbm>>
    %dma_wait3A_347 = tpu.memref_slice %arg14[%dma_wait3A_339] : memref<4x!tpu.dma_semaphore, #tpu.memory_space<semaphore_mem>> -> memref<1x!tpu.dma_semaphore, #tpu.memory_space<semaphore_mem>>
    %dma_wait3A_348 = tpu.memref_squeeze %dma_wait3A_347 : memref<1x!tpu.dma_semaphore, #tpu.memory_space<semaphore_mem>> -> memref<!tpu.dma_semaphore, #tpu.memory_space<semaphore_mem>>
    %dma_wait3A_349 = arith.constant 0 : i32
    %dma_wait3A_350 = arith.constant 0 : i32
    %dma_wait3A_351 = tpu.memref_slice %arg9[%dma_wait3A_338, %dma_wait3A_349, %dma_wait3A_350] : memref<4x3x128xi32, #tpu.memory_space<vmem>> -> memref<1x3x128xi32, #tpu.memory_space<vmem>>
    %dma_wait3A_352 = tpu.memref_squeeze %dma_wait3A_351 : memref<1x3x128xi32, #tpu.memory_space<vmem>> -> memref<3x128xi32, #tpu.memory_space<vmem>>
    %dma_wait3A_353 = arith.constant 0 : i32
    %dma_wait3A_354 = arith.constant 0 : i32
    %dma_wait3A_355 = tpu.memref_slice %arg5[%dma_wait3A_353, %dma_wait3A_354] : memref<2112x128xi32, #tpu.memory_space<hbm>> -> memref<3x128xi32, #tpu.memory_space<hbm>>
    tpu.wait_dma2 semaphore(%dma_wait3A_348 : memref<!tpu.dma_semaphore, #tpu.memory_space<semaphore_mem>>) src(%dma_wait3A_355 : memref<3x128xi32, #tpu.memory_space<hbm>>) dst(%dma_wait3A_352 : memref<3x128xi32, #tpu.memory_space<vmem>>)
    %dma_wait3A_356 = arith.constant 1 : i32
    %dma_wait3A_357 = arith.constant 1 : i32
    %dma_wait3A_358 = arith.constant 0 : i32
    %dma_wait3A_359 = arith.constant 0 : i32
    %dma_wait3A_360 = tpu.memref_slice %arg10[%dma_wait3A_356, %dma_wait3A_358, %dma_wait3A_359] : memref<4x3x128xi32, #tpu.memory_space<vmem>> -> memref<1x3x128xi32, #tpu.memory_space<vmem>>
    %dma_wait3A_361 = tpu.memref_squeeze %dma_wait3A_360 : memref<1x3x128xi32, #tpu.memory_space<vmem>> -> memref<3x128xi32, #tpu.memory_space<vmem>>
    %dma_wait3A_362 = arith.constant 0 : i32
    %dma_wait3A_363 = arith.constant 0 : i32
    %dma_wait3A_364 = tpu.memref_slice %arg4[%dma_wait3A_362, %dma_wait3A_363] : memref<2112x128xi32, #tpu.memory_space<hbm>> -> memref<3x128xi32, #tpu.memory_space<hbm>>
    %dma_wait3A_365 = tpu.memref_slice %arg14[%dma_wait3A_357] : memref<4x!tpu.dma_semaphore, #tpu.memory_space<semaphore_mem>> -> memref<1x!tpu.dma_semaphore, #tpu.memory_space<semaphore_mem>>
    %dma_wait3A_366 = tpu.memref_squeeze %dma_wait3A_365 : memref<1x!tpu.dma_semaphore, #tpu.memory_space<semaphore_mem>> -> memref<!tpu.dma_semaphore, #tpu.memory_space<semaphore_mem>>
    %dma_wait3A_367 = arith.constant 0 : i32
    %dma_wait3A_368 = arith.constant 0 : i32
    %dma_wait3A_369 = tpu.memref_slice %arg10[%dma_wait3A_356, %dma_wait3A_367, %dma_wait3A_368] : memref<4x3x128xi32, #tpu.memory_space<vmem>> -> memref<1x3x128xi32, #tpu.memory_space<vmem>>
    %dma_wait3A_370 = tpu.memref_squeeze %dma_wait3A_369 : memref<1x3x128xi32, #tpu.memory_space<vmem>> -> memref<3x128xi32, #tpu.memory_space<vmem>>
    %dma_wait3A_371 = arith.constant 0 : i32
    %dma_wait3A_372 = arith.constant 0 : i32
    %dma_wait3A_373 = tpu.memref_slice %arg4[%dma_wait3A_371, %dma_wait3A_372] : memref<2112x128xi32, #tpu.memory_space<hbm>> -> memref<3x128xi32, #tpu.memory_space<hbm>>
    tpu.wait_dma2 semaphore(%dma_wait3A_366 : memref<!tpu.dma_semaphore, #tpu.memory_space<semaphore_mem>>) src(%dma_wait3A_373 : memref<3x128xi32, #tpu.memory_space<hbm>>) dst(%dma_wait3A_370 : memref<3x128xi32, #tpu.memory_space<vmem>>)
    %dma_wait3A_374 = arith.constant 1 : i32
    %dma_wait3A_375 = arith.constant 1 : i32
    %dma_wait3A_376 = arith.constant 0 : i32
    %dma_wait3A_377 = tpu.memref_slice %arg11[%dma_wait3A_374, %dma_wait3A_376] : memref<4x384xf32, #tpu.memory_space<vmem>> -> memref<1x384xf32, #tpu.memory_space<vmem>>
    %dma_wait3A_378 = tpu.memref_squeeze %dma_wait3A_377 : memref<1x384xf32, #tpu.memory_space<vmem>> -> memref<384xf32, #tpu.memory_space<vmem>>
    %dma_wait3A_379 = arith.constant 0 : i32
    %dma_wait3A_380 = tpu.memref_slice %arg3[%dma_wait3A_379] : memref<270336xf32, #tpu.memory_space<hbm>> -> memref<384xf32, #tpu.memory_space<hbm>>
    %dma_wait3A_381 = tpu.memref_slice %arg14[%dma_wait3A_375] : memref<4x!tpu.dma_semaphore, #tpu.memory_space<semaphore_mem>> -> memref<1x!tpu.dma_semaphore, #tpu.memory_space<semaphore_mem>>
    %dma_wait3A_382 = tpu.memref_squeeze %dma_wait3A_381 : memref<1x!tpu.dma_semaphore, #tpu.memory_space<semaphore_mem>> -> memref<!tpu.dma_semaphore, #tpu.memory_space<semaphore_mem>>
    %dma_wait3A_383 = arith.constant 0 : i32
    %dma_wait3A_384 = tpu.memref_slice %arg11[%dma_wait3A_374, %dma_wait3A_383] : memref<4x384xf32, #tpu.memory_space<vmem>> -> memref<1x384xf32, #tpu.memory_space<vmem>>
    %dma_wait3A_385 = tpu.memref_squeeze %dma_wait3A_384 : memref<1x384xf32, #tpu.memory_space<vmem>> -> memref<384xf32, #tpu.memory_space<vmem>>
    %dma_wait3A_386 = arith.constant 0 : i32
    %dma_wait3A_387 = tpu.memref_slice %arg3[%dma_wait3A_386] : memref<270336xf32, #tpu.memory_space<hbm>> -> memref<384xf32, #tpu.memory_space<hbm>>
    tpu.wait_dma2 semaphore(%dma_wait3A_382 : memref<!tpu.dma_semaphore, #tpu.memory_space<semaphore_mem>>) src(%dma_wait3A_387 : memref<384xf32, #tpu.memory_space<hbm>>) dst(%dma_wait3A_385 : memref<384xf32, #tpu.memory_space<vmem>>)
    %dma_start3A_388 = arith.constant 1 : i32
    %dma_start3A_389 = arith.constant 0 : i32
    %dma_start3A_390 = arith.constant 1 : i32
    %dma_start3A_391 = arith.constant 1 : i32
    %dma_start3A_392 = arith.constant 0 : i32
    %dma_start3A_393 = arith.constant 0 : i32
    %dma_start3A_394 = tpu.memref_slice %arg12[%dma_start3A_390, %dma_start3A_392, %dma_start3A_393] : memref<4x384x32xf32, #tpu.memory_space<vmem>> -> memref<1x128x32xf32, #tpu.memory_space<vmem>>
    %dma_start3A_395 = tpu.memref_squeeze %dma_start3A_394 : memref<1x128x32xf32, #tpu.memory_space<vmem>> -> memref<128x32xf32, #tpu.memory_space<vmem>>
    %dma_start3A_396 = arith.constant 0 : i32
    %dma_start3A_397 = tpu.memref_slice %arg9[%dma_start3A_388, %dma_start3A_389, %dma_start3A_396] : memref<4x3x128xi32, #tpu.memory_space<vmem>> -> memref<1x1x128xi32, #tpu.memory_space<vmem>>
    %dma_start3A_398 = tpu.memref_squeeze %dma_start3A_397 : memref<1x1x128xi32, #tpu.memory_space<vmem>> -> memref<128xi32, #tpu.memory_space<vmem>>
    %dma_start3A_399 = arith.constant 0 : i32
    %dma_start3A_400 = arith.constant 0 : i32
    %dma_start3A_401 = tpu.memref_slice %arg7[%dma_start3A_399, %dma_start3A_400] : memref<16384x32xf32, #tpu.memory_space<vmem_shared>> -> memref<16384x32xf32, #tpu.memory_space<vmem_shared>>
    %dma_start3A_402 = tpu.memref_slice %arg15[%dma_start3A_391] : memref<4x!tpu.dma_semaphore, #tpu.memory_space<semaphore_mem>> -> memref<1x!tpu.dma_semaphore, #tpu.memory_space<semaphore_mem>>
    %dma_start3A_403 = tpu.memref_squeeze %dma_start3A_402 : memref<1x!tpu.dma_semaphore, #tpu.memory_space<semaphore_mem>> -> memref<!tpu.dma_semaphore, #tpu.memory_space<semaphore_mem>>
    tpu.enqueue_indirect_dma source(%dma_start3A_401 : memref<16384x32xf32, #tpu.memory_space<vmem_shared>>) target(%dma_start3A_395 : memref<128x32xf32, #tpu.memory_space<vmem>>) offsets(%dma_start3A_398 : memref<128xi32, #tpu.memory_space<vmem>>) semaphore(%dma_start3A_403 : memref<!tpu.dma_semaphore, #tpu.memory_space<semaphore_mem>>)
    %dma_start3A_404 = arith.constant 1 : i32
    %dma_start3A_405 = arith.constant 1 : i32
    %dma_start3A_406 = arith.constant 1 : i32
    %dma_start3A_407 = arith.constant 1 : i32
    %dma_start3A_408 = arith.constant 128 : i32
    %dma_start3A_409 = arith.constant 0 : i32
    %dma_start3A_410 = tpu.memref_slice %arg12[%dma_start3A_406, %dma_start3A_408, %dma_start3A_409] : memref<4x384x32xf32, #tpu.memory_space<vmem>> -> memref<1x128x32xf32, #tpu.memory_space<vmem>>
    %dma_start3A_411 = tpu.memref_squeeze %dma_start3A_410 : memref<1x128x32xf32, #tpu.memory_space<vmem>> -> memref<128x32xf32, #tpu.memory_space<vmem>>
    %dma_start3A_412 = arith.constant 0 : i32
    %dma_start3A_413 = tpu.memref_slice %arg9[%dma_start3A_404, %dma_start3A_405, %dma_start3A_412] : memref<4x3x128xi32, #tpu.memory_space<vmem>> -> memref<1x1x128xi32, #tpu.memory_space<vmem>>
    %dma_start3A_414 = tpu.memref_squeeze %dma_start3A_413 : memref<1x1x128xi32, #tpu.memory_space<vmem>> -> memref<128xi32, #tpu.memory_space<vmem>>
    %dma_start3A_415 = arith.constant 0 : i32
    %dma_start3A_416 = arith.constant 0 : i32
    %dma_start3A_417 = tpu.memref_slice %arg7[%dma_start3A_415, %dma_start3A_416] : memref<16384x32xf32, #tpu.memory_space<vmem_shared>> -> memref<16384x32xf32, #tpu.memory_space<vmem_shared>>
    %dma_start3A_418 = tpu.memref_slice %arg15[%dma_start3A_407] : memref<4x!tpu.dma_semaphore, #tpu.memory_space<semaphore_mem>> -> memref<1x!tpu.dma_semaphore, #tpu.memory_space<semaphore_mem>>
    %dma_start3A_419 = tpu.memref_squeeze %dma_start3A_418 : memref<1x!tpu.dma_semaphore, #tpu.memory_space<semaphore_mem>> -> memref<!tpu.dma_semaphore, #tpu.memory_space<semaphore_mem>>
    tpu.enqueue_indirect_dma source(%dma_start3A_417 : memref<16384x32xf32, #tpu.memory_space<vmem_shared>>) target(%dma_start3A_411 : memref<128x32xf32, #tpu.memory_space<vmem>>) offsets(%dma_start3A_414 : memref<128xi32, #tpu.memory_space<vmem>>) semaphore(%dma_start3A_419 : memref<!tpu.dma_semaphore, #tpu.memory_space<semaphore_mem>>)
    %dma_start3A_420 = arith.constant 1 : i32
    %dma_start3A_421 = arith.constant 2 : i32
    %dma_start3A_422 = arith.constant 1 : i32
    %dma_start3A_423 = arith.constant 1 : i32
    %dma_start3A_424 = arith.constant 256 : i32
    %dma_start3A_425 = arith.constant 0 : i32
    %dma_start3A_426 = tpu.memref_slice %arg12[%dma_start3A_422, %dma_start3A_424, %dma_start3A_425] : memref<4x384x32xf32, #tpu.memory_space<vmem>> -> memref<1x128x32xf32, #tpu.memory_space<vmem>>
    %dma_start3A_427 = tpu.memref_squeeze %dma_start3A_426 : memref<1x128x32xf32, #tpu.memory_space<vmem>> -> memref<128x32xf32, #tpu.memory_space<vmem>>
    %dma_start3A_428 = arith.constant 0 : i32
    %dma_start3A_429 = tpu.memref_slice %arg9[%dma_start3A_420, %dma_start3A_421, %dma_start3A_428] : memref<4x3x128xi32, #tpu.memory_space<vmem>> -> memref<1x1x128xi32, #tpu.memory_space<vmem>>
    %dma_start3A_430 = tpu.memref_squeeze %dma_start3A_429 : memref<1x1x128xi32, #tpu.memory_space<vmem>> -> memref<128xi32, #tpu.memory_space<vmem>>
    %dma_start3A_431 = arith.constant 0 : i32
    %dma_start3A_432 = arith.constant 0 : i32
    %dma_start3A_433 = tpu.memref_slice %arg7[%dma_start3A_431, %dma_start3A_432] : memref<16384x32xf32, #tpu.memory_space<vmem_shared>> -> memref<16384x32xf32, #tpu.memory_space<vmem_shared>>
    %dma_start3A_434 = tpu.memref_slice %arg15[%dma_start3A_423] : memref<4x!tpu.dma_semaphore, #tpu.memory_space<semaphore_mem>> -> memref<1x!tpu.dma_semaphore, #tpu.memory_space<semaphore_mem>>
    %dma_start3A_435 = tpu.memref_squeeze %dma_start3A_434 : memref<1x!tpu.dma_semaphore, #tpu.memory_space<semaphore_mem>> -> memref<!tpu.dma_semaphore, #tpu.memory_space<semaphore_mem>>
    tpu.enqueue_indirect_dma source(%dma_start3A_433 : memref<16384x32xf32, #tpu.memory_space<vmem_shared>>) target(%dma_start3A_427 : memref<128x32xf32, #tpu.memory_space<vmem>>) offsets(%dma_start3A_430 : memref<128xi32, #tpu.memory_space<vmem>>) semaphore(%dma_start3A_435 : memref<!tpu.dma_semaphore, #tpu.memory_space<semaphore_mem>>)
    %dma_wait3A_436 = arith.constant 0 : i32
    %dma_wait3A_437 = arith.constant 0 : i32
    %dma_wait3A_438 = arith.constant 0 : i32
    %dma_wait3A_439 = arith.constant 0 : i32
    %dma_wait3A_440 = arith.constant 0 : i32
    %dma_wait3A_441 = arith.constant 0 : i32
    %dma_wait3A_442 = tpu.memref_slice %arg12[%dma_wait3A_438, %dma_wait3A_440, %dma_wait3A_441] : memref<4x384x32xf32, #tpu.memory_space<vmem>> -> memref<1x128x32xf32, #tpu.memory_space<vmem>>
    %dma_wait3A_443 = tpu.memref_squeeze %dma_wait3A_442 : memref<1x128x32xf32, #tpu.memory_space<vmem>> -> memref<128x32xf32, #tpu.memory_space<vmem>>
    %dma_wait3A_444 = arith.constant 0 : i32
    %dma_wait3A_445 = tpu.memref_slice %arg9[%dma_wait3A_436, %dma_wait3A_437, %dma_wait3A_444] : memref<4x3x128xi32, #tpu.memory_space<vmem>> -> memref<1x1x128xi32, #tpu.memory_space<vmem>>
    %dma_wait3A_446 = tpu.memref_squeeze %dma_wait3A_445 : memref<1x1x128xi32, #tpu.memory_space<vmem>> -> memref<128xi32, #tpu.memory_space<vmem>>
    %dma_wait3A_447 = arith.constant 0 : i32
    %dma_wait3A_448 = arith.constant 0 : i32
    %dma_wait3A_449 = tpu.memref_slice %arg7[%dma_wait3A_447, %dma_wait3A_448] : memref<16384x32xf32, #tpu.memory_space<vmem_shared>> -> memref<16384x32xf32, #tpu.memory_space<vmem_shared>>
    %dma_wait3A_450 = tpu.memref_slice %arg15[%dma_wait3A_439] : memref<4x!tpu.dma_semaphore, #tpu.memory_space<semaphore_mem>> -> memref<1x!tpu.dma_semaphore, #tpu.memory_space<semaphore_mem>>
    %dma_wait3A_451 = tpu.memref_squeeze %dma_wait3A_450 : memref<1x!tpu.dma_semaphore, #tpu.memory_space<semaphore_mem>> -> memref<!tpu.dma_semaphore, #tpu.memory_space<semaphore_mem>>
    tpu.wait_indirect_dma semaphore(%dma_wait3A_451 : memref<!tpu.dma_semaphore, #tpu.memory_space<semaphore_mem>>) src(%dma_wait3A_449 : memref<16384x32xf32, #tpu.memory_space<vmem_shared>>) dst(%dma_wait3A_443 : memref<128x32xf32, #tpu.memory_space<vmem>>)
    %dma_wait3A_452 = arith.constant 0 : i32
    %dma_wait3A_453 = arith.constant 1 : i32
    %dma_wait3A_454 = arith.constant 0 : i32
    %dma_wait3A_455 = arith.constant 0 : i32
    %dma_wait3A_456 = arith.constant 128 : i32
    %dma_wait3A_457 = arith.constant 0 : i32
    %dma_wait3A_458 = tpu.memref_slice %arg12[%dma_wait3A_454, %dma_wait3A_456, %dma_wait3A_457] : memref<4x384x32xf32, #tpu.memory_space<vmem>> -> memref<1x128x32xf32, #tpu.memory_space<vmem>>
    %dma_wait3A_459 = tpu.memref_squeeze %dma_wait3A_458 : memref<1x128x32xf32, #tpu.memory_space<vmem>> -> memref<128x32xf32, #tpu.memory_space<vmem>>
    %dma_wait3A_460 = arith.constant 0 : i32
    %dma_wait3A_461 = tpu.memref_slice %arg9[%dma_wait3A_452, %dma_wait3A_453, %dma_wait3A_460] : memref<4x3x128xi32, #tpu.memory_space<vmem>> -> memref<1x1x128xi32, #tpu.memory_space<vmem>>
    %dma_wait3A_462 = tpu.memref_squeeze %dma_wait3A_461 : memref<1x1x128xi32, #tpu.memory_space<vmem>> -> memref<128xi32, #tpu.memory_space<vmem>>
    %dma_wait3A_463 = arith.constant 0 : i32
    %dma_wait3A_464 = arith.constant 0 : i32
    %dma_wait3A_465 = tpu.memref_slice %arg7[%dma_wait3A_463, %dma_wait3A_464] : memref<16384x32xf32, #tpu.memory_space<vmem_shared>> -> memref<16384x32xf32, #tpu.memory_space<vmem_shared>>
    %dma_wait3A_466 = tpu.memref_slice %arg15[%dma_wait3A_455] : memref<4x!tpu.dma_semaphore, #tpu.memory_space<semaphore_mem>> -> memref<1x!tpu.dma_semaphore, #tpu.memory_space<semaphore_mem>>
    %dma_wait3A_467 = tpu.memref_squeeze %dma_wait3A_466 : memref<1x!tpu.dma_semaphore, #tpu.memory_space<semaphore_mem>> -> memref<!tpu.dma_semaphore, #tpu.memory_space<semaphore_mem>>
    tpu.wait_indirect_dma semaphore(%dma_wait3A_467 : memref<!tpu.dma_semaphore, #tpu.memory_space<semaphore_mem>>) src(%dma_wait3A_465 : memref<16384x32xf32, #tpu.memory_space<vmem_shared>>) dst(%dma_wait3A_459 : memref<128x32xf32, #tpu.memory_space<vmem>>)
    %dma_wait3A_468 = arith.constant 0 : i32
    %dma_wait3A_469 = arith.constant 2 : i32
    %dma_wait3A_470 = arith.constant 0 : i32
    %dma_wait3A_471 = arith.constant 0 : i32
    %dma_wait3A_472 = arith.constant 256 : i32
    %dma_wait3A_473 = arith.constant 0 : i32
    %dma_wait3A_474 = tpu.memref_slice %arg12[%dma_wait3A_470, %dma_wait3A_472, %dma_wait3A_473] : memref<4x384x32xf32, #tpu.memory_space<vmem>> -> memref<1x128x32xf32, #tpu.memory_space<vmem>>
    %dma_wait3A_475 = tpu.memref_squeeze %dma_wait3A_474 : memref<1x128x32xf32, #tpu.memory_space<vmem>> -> memref<128x32xf32, #tpu.memory_space<vmem>>
    %dma_wait3A_476 = arith.constant 0 : i32
    %dma_wait3A_477 = tpu.memref_slice %arg9[%dma_wait3A_468, %dma_wait3A_469, %dma_wait3A_476] : memref<4x3x128xi32, #tpu.memory_space<vmem>> -> memref<1x1x128xi32, #tpu.memory_space<vmem>>
    %dma_wait3A_478 = tpu.memref_squeeze %dma_wait3A_477 : memref<1x1x128xi32, #tpu.memory_space<vmem>> -> memref<128xi32, #tpu.memory_space<vmem>>
    %dma_wait3A_479 = arith.constant 0 : i32
    %dma_wait3A_480 = arith.constant 0 : i32
    %dma_wait3A_481 = tpu.memref_slice %arg7[%dma_wait3A_479, %dma_wait3A_480] : memref<16384x32xf32, #tpu.memory_space<vmem_shared>> -> memref<16384x32xf32, #tpu.memory_space<vmem_shared>>
    %dma_wait3A_482 = tpu.memref_slice %arg15[%dma_wait3A_471] : memref<4x!tpu.dma_semaphore, #tpu.memory_space<semaphore_mem>> -> memref<1x!tpu.dma_semaphore, #tpu.memory_space<semaphore_mem>>
    %dma_wait3A_483 = tpu.memref_squeeze %dma_wait3A_482 : memref<1x!tpu.dma_semaphore, #tpu.memory_space<semaphore_mem>> -> memref<!tpu.dma_semaphore, #tpu.memory_space<semaphore_mem>>
    tpu.wait_indirect_dma semaphore(%dma_wait3A_483 : memref<!tpu.dma_semaphore, #tpu.memory_space<semaphore_mem>>) src(%dma_wait3A_481 : memref<16384x32xf32, #tpu.memory_space<vmem_shared>>) dst(%dma_wait3A_475 : memref<128x32xf32, #tpu.memory_space<vmem>>)
    %parallel_loop3A = arith.constant 0 : i32
    %parallel_loop3A_484 = arith.constant 384 : i32
    %parallel_loop3A_485 = arith.constant 1 : i32
    scf.for %parallel_loop3A_1617 = %parallel_loop3A to %parallel_loop3A_484 step %parallel_loop3A_485  : i32 {
      %parallel_loop3A_1618 = vector.broadcast %parallel_loop3A_1617 : i32 to vector<16xi32>
      %parallel_loop3A_1619 = arith.constant 0 : i32
      %parallel_loop3A_1620 = arith.constant 0 : i32
      %parallel_loop3A_1621 = tpu.memref_slice %arg11[%parallel_loop3A_1619, %parallel_loop3A_1620] : memref<4x384xf32, #tpu.memory_space<vmem>> -> memref<1x384xf32, #tpu.memory_space<vmem>>
      %parallel_loop3A_1622 = tpu.memref_squeeze %parallel_loop3A_1621 : memref<1x384xf32, #tpu.memory_space<vmem>> -> memref<384xf32, #tpu.memory_space<vmem>>
      %parallel_loop3A_1623 = tpu.vector_load_idx %parallel_loop3A_1622[%parallel_loop3A_1618] : memref<384xf32, #tpu.memory_space<vmem>>[vector<16xi32>], vector<16xf32>,
      %parallel_loop3A_1624 = arith.constant 0 : i32
      %parallel_loop3A_1625 = arith.index_cast %parallel_loop3A_1624 : i32 to index
      %parallel_loop3A_1626 = arith.index_cast %parallel_loop3A_1617 : i32 to index
      %parallel_loop3A_1627 = arith.constant 0 : index
      %parallel_loop3A_1628 = tpu.vector_load %arg12[%parallel_loop3A_1625, %parallel_loop3A_1626, %parallel_loop3A_1627] {strides = array<i32>} : memref<4x384x32xf32, #tpu.memory_space<vmem>>, vector<16xf32>,
      %parallel_loop3A_1629 = arith.mulf %parallel_loop3A_1628, %parallel_loop3A_1623 : vector<16xf32>
      %parallel_loop3A_1630 = arith.constant 0 : i32
      %parallel_loop3A_1631 = arith.index_cast %parallel_loop3A_1630 : i32 to index
      %parallel_loop3A_1632 = arith.index_cast %parallel_loop3A_1617 : i32 to index
      %parallel_loop3A_1633 = arith.constant 0 : index
      %parallel_loop3A_1634 = tpu.vector_load %arg12[%parallel_loop3A_1631, %parallel_loop3A_1632, %parallel_loop3A_1633] {strides = array<i32>} : memref<4x384x32xf32, #tpu.memory_space<vmem>>, vector<16xf32>,
      tpu.vector_store %arg12[%parallel_loop3A_1631, %parallel_loop3A_1632, %parallel_loop3A_1633], %parallel_loop3A_1629 {strides = array<i32>} : memref<4x384x32xf32, #tpu.memory_space<vmem>>, vector<16xf32>,
      %parallel_loop3A_1635 = arith.constant 0 : i32
      %parallel_loop3A_1636 = arith.index_cast %parallel_loop3A_1635 : i32 to index
      %parallel_loop3A_1637 = arith.index_cast %parallel_loop3A_1617 : i32 to index
      %parallel_loop3A_1638 = arith.constant 16 : index
      %parallel_loop3A_1639 = tpu.vector_load %arg12[%parallel_loop3A_1636, %parallel_loop3A_1637, %parallel_loop3A_1638] {strides = array<i32>} : memref<4x384x32xf32, #tpu.memory_space<vmem>>, vector<16xf32>,
      %parallel_loop3A_1640 = arith.mulf %parallel_loop3A_1639, %parallel_loop3A_1623 : vector<16xf32>
      %parallel_loop3A_1641 = arith.constant 0 : i32
      %parallel_loop3A_1642 = arith.index_cast %parallel_loop3A_1641 : i32 to index
      %parallel_loop3A_1643 = arith.index_cast %parallel_loop3A_1617 : i32 to index
      %parallel_loop3A_1644 = arith.constant 16 : index
      %parallel_loop3A_1645 = tpu.vector_load %arg12[%parallel_loop3A_1642, %parallel_loop3A_1643, %parallel_loop3A_1644] {strides = array<i32>} : memref<4x384x32xf32, #tpu.memory_space<vmem>>, vector<16xf32>,
      tpu.vector_store %arg12[%parallel_loop3A_1642, %parallel_loop3A_1643, %parallel_loop3A_1644], %parallel_loop3A_1640 {strides = array<i32>} : memref<4x384x32xf32, #tpu.memory_space<vmem>>, vector<16xf32>,
    } {sc.loop_unroll_factor = 4 : i64, sc.parallel_access}
    %dma_start3A_486 = arith.constant 0 : i32
    %dma_start3A_487 = arith.constant 0 : i32
    %dma_start3A_488 = arith.constant 0 : i32
    %dma_start3A_489 = arith.constant 0 : i32
    %dma_start3A_490 = arith.constant 0 : i32
    %dma_start3A_491 = arith.constant 0 : i32
    %dma_start3A_492 = tpu.memref_slice %arg12[%dma_start3A_486, %dma_start3A_490, %dma_start3A_491] : memref<4x384x32xf32, #tpu.memory_space<vmem>> -> memref<1x128x32xf32, #tpu.memory_space<vmem>>
    %dma_start3A_493 = tpu.memref_squeeze %dma_start3A_492 : memref<1x128x32xf32, #tpu.memory_space<vmem>> -> memref<128x32xf32, #tpu.memory_space<vmem>>
    %dma_start3A_494 = arith.constant 0 : i32
    %dma_start3A_495 = tpu.memref_slice %arg10[%dma_start3A_487, %dma_start3A_488, %dma_start3A_494] : memref<4x3x128xi32, #tpu.memory_space<vmem>> -> memref<1x1x128xi32, #tpu.memory_space<vmem>>
    %dma_start3A_496 = tpu.memref_squeeze %dma_start3A_495 : memref<1x1x128xi32, #tpu.memory_space<vmem>> -> memref<128xi32, #tpu.memory_space<vmem>>
    %dma_start3A_497 = arith.constant 0 : i32
    %dma_start3A_498 = arith.constant 0 : i32
    %dma_start3A_499 = tpu.memref_slice %arg8[%dma_start3A_497, %dma_start3A_498] : memref<16384x32xf32, #tpu.memory_space<vmem_shared>> -> memref<16384x32xf32, #tpu.memory_space<vmem_shared>>
    %dma_start3A_500 = tpu.memref_slice %arg16[%dma_start3A_489] : memref<4x!tpu.dma_semaphore, #tpu.memory_space<semaphore_mem>> -> memref<1x!tpu.dma_semaphore, #tpu.memory_space<semaphore_mem>>
    %dma_start3A_501 = tpu.memref_squeeze %dma_start3A_500 : memref<1x!tpu.dma_semaphore, #tpu.memory_space<semaphore_mem>> -> memref<!tpu.dma_semaphore, #tpu.memory_space<semaphore_mem>>
    tpu.enqueue_indirect_dma source(%dma_start3A_493 : memref<128x32xf32, #tpu.memory_space<vmem>>) target(%dma_start3A_499 : memref<16384x32xf32, #tpu.memory_space<vmem_shared>>) offsets(%dma_start3A_496 : memref<128xi32, #tpu.memory_space<vmem>>) semaphore(%dma_start3A_501 : memref<!tpu.dma_semaphore, #tpu.memory_space<semaphore_mem>>) {add = true}
    %dma_start3A_502 = arith.constant 0 : i32
    %dma_start3A_503 = arith.constant 0 : i32
    %dma_start3A_504 = arith.constant 1 : i32
    %dma_start3A_505 = arith.constant 0 : i32
    %dma_start3A_506 = arith.constant 128 : i32
    %dma_start3A_507 = arith.constant 0 : i32
    %dma_start3A_508 = tpu.memref_slice %arg12[%dma_start3A_502, %dma_start3A_506, %dma_start3A_507] : memref<4x384x32xf32, #tpu.memory_space<vmem>> -> memref<1x128x32xf32, #tpu.memory_space<vmem>>
    %dma_start3A_509 = tpu.memref_squeeze %dma_start3A_508 : memref<1x128x32xf32, #tpu.memory_space<vmem>> -> memref<128x32xf32, #tpu.memory_space<vmem>>
    %dma_start3A_510 = arith.constant 0 : i32
    %dma_start3A_511 = tpu.memref_slice %arg10[%dma_start3A_503, %dma_start3A_504, %dma_start3A_510] : memref<4x3x128xi32, #tpu.memory_space<vmem>> -> memref<1x1x128xi32, #tpu.memory_space<vmem>>
    %dma_start3A_512 = tpu.memref_squeeze %dma_start3A_511 : memref<1x1x128xi32, #tpu.memory_space<vmem>> -> memref<128xi32, #tpu.memory_space<vmem>>
    %dma_start3A_513 = arith.constant 0 : i32
    %dma_start3A_514 = arith.constant 0 : i32
    %dma_start3A_515 = tpu.memref_slice %arg8[%dma_start3A_513, %dma_start3A_514] : memref<16384x32xf32, #tpu.memory_space<vmem_shared>> -> memref<16384x32xf32, #tpu.memory_space<vmem_shared>>
    %dma_start3A_516 = tpu.memref_slice %arg16[%dma_start3A_505] : memref<4x!tpu.dma_semaphore, #tpu.memory_space<semaphore_mem>> -> memref<1x!tpu.dma_semaphore, #tpu.memory_space<semaphore_mem>>
    %dma_start3A_517 = tpu.memref_squeeze %dma_start3A_516 : memref<1x!tpu.dma_semaphore, #tpu.memory_space<semaphore_mem>> -> memref<!tpu.dma_semaphore, #tpu.memory_space<semaphore_mem>>
    tpu.enqueue_indirect_dma source(%dma_start3A_509 : memref<128x32xf32, #tpu.memory_space<vmem>>) target(%dma_start3A_515 : memref<16384x32xf32, #tpu.memory_space<vmem_shared>>) offsets(%dma_start3A_512 : memref<128xi32, #tpu.memory_space<vmem>>) semaphore(%dma_start3A_517 : memref<!tpu.dma_semaphore, #tpu.memory_space<semaphore_mem>>) {add = true}
    %dma_start3A_518 = arith.constant 0 : i32
    %dma_start3A_519 = arith.constant 0 : i32
    %dma_start3A_520 = arith.constant 2 : i32
    %dma_start3A_521 = arith.constant 0 : i32
    %dma_start3A_522 = arith.constant 256 : i32
    %dma_start3A_523 = arith.constant 0 : i32
    %dma_start3A_524 = tpu.memref_slice %arg12[%dma_start3A_518, %dma_start3A_522, %dma_start3A_523] : memref<4x384x32xf32, #tpu.memory_space<vmem>> -> memref<1x128x32xf32, #tpu.memory_space<vmem>>
    %dma_start3A_525 = tpu.memref_squeeze %dma_start3A_524 : memref<1x128x32xf32, #tpu.memory_space<vmem>> -> memref<128x32xf32, #tpu.memory_space<vmem>>
    %dma_start3A_526 = arith.constant 0 : i32
    %dma_start3A_527 = tpu.memref_slice %arg10[%dma_start3A_519, %dma_start3A_520, %dma_start3A_526] : memref<4x3x128xi32, #tpu.memory_space<vmem>> -> memref<1x1x128xi32, #tpu.memory_space<vmem>>
    %dma_start3A_528 = tpu.memref_squeeze %dma_start3A_527 : memref<1x1x128xi32, #tpu.memory_space<vmem>> -> memref<128xi32, #tpu.memory_space<vmem>>
    %dma_start3A_529 = arith.constant 0 : i32
    %dma_start3A_530 = arith.constant 0 : i32
    %dma_start3A_531 = tpu.memref_slice %arg8[%dma_start3A_529, %dma_start3A_530] : memref<16384x32xf32, #tpu.memory_space<vmem_shared>> -> memref<16384x32xf32, #tpu.memory_space<vmem_shared>>
    %dma_start3A_532 = tpu.memref_slice %arg16[%dma_start3A_521] : memref<4x!tpu.dma_semaphore, #tpu.memory_space<semaphore_mem>> -> memref<1x!tpu.dma_semaphore, #tpu.memory_space<semaphore_mem>>
    %dma_start3A_533 = tpu.memref_squeeze %dma_start3A_532 : memref<1x!tpu.dma_semaphore, #tpu.memory_space<semaphore_mem>> -> memref<!tpu.dma_semaphore, #tpu.memory_space<semaphore_mem>>
    tpu.enqueue_indirect_dma source(%dma_start3A_525 : memref<128x32xf32, #tpu.memory_space<vmem>>) target(%dma_start3A_531 : memref<16384x32xf32, #tpu.memory_space<vmem_shared>>) offsets(%dma_start3A_528 : memref<128xi32, #tpu.memory_space<vmem>>) semaphore(%dma_start3A_533 : memref<!tpu.dma_semaphore, #tpu.memory_space<semaphore_mem>>) {add = true}
    %add3A_534 = arith.constant 6 : i32
    %add3A_535 = arith.addi %mul3A_143, %add3A_534 : i32
    %dma_start3A_536 = arith.constant 2 : i32
    %dma_start3A_537 = arith.constant 2 : i32
    %dma_start3A_538 = arith.constant 0 : i32
    %dma_start3A_539 = arith.constant 0 : i32
    %dma_start3A_540 = tpu.memref_slice %arg9[%dma_start3A_536, %dma_start3A_538, %dma_start3A_539] : memref<4x3x128xi32, #tpu.memory_space<vmem>> -> memref<1x3x128xi32, #tpu.memory_space<vmem>>
    %dma_start3A_541 = tpu.memref_squeeze %dma_start3A_540 : memref<1x3x128xi32, #tpu.memory_space<vmem>> -> memref<3x128xi32, #tpu.memory_space<vmem>>
    %dma_start3A_542 = arith.constant 0 : i32
    %dma_start3A_543 = tpu.memref_slice %arg5[%add3A_535, %dma_start3A_542] : memref<2112x128xi32, #tpu.memory_space<hbm>> -> memref<3x128xi32, #tpu.memory_space<hbm>>
    %dma_start3A_544 = tpu.memref_slice %arg14[%dma_start3A_537] : memref<4x!tpu.dma_semaphore, #tpu.memory_space<semaphore_mem>> -> memref<1x!tpu.dma_semaphore, #tpu.memory_space<semaphore_mem>>
    %dma_start3A_545 = tpu.memref_squeeze %dma_start3A_544 : memref<1x!tpu.dma_semaphore, #tpu.memory_space<semaphore_mem>> -> memref<!tpu.dma_semaphore, #tpu.memory_space<semaphore_mem>>
    %dma_start3A_546 = arith.constant 0 : i32
    %dma_start3A_547 = arith.constant 0 : i32
    %dma_start3A_548 = tpu.memref_slice %arg9[%dma_start3A_536, %dma_start3A_546, %dma_start3A_547] : memref<4x3x128xi32, #tpu.memory_space<vmem>> -> memref<1x3x128xi32, #tpu.memory_space<vmem>>
    %dma_start3A_549 = tpu.memref_squeeze %dma_start3A_548 : memref<1x3x128xi32, #tpu.memory_space<vmem>> -> memref<3x128xi32, #tpu.memory_space<vmem>>
    %dma_start3A_550 = arith.constant 0 : i32
    %dma_start3A_551 = tpu.memref_slice %arg5[%add3A_535, %dma_start3A_550] : memref<2112x128xi32, #tpu.memory_space<hbm>> -> memref<3x128xi32, #tpu.memory_space<hbm>>
    tpu.enqueue_dma source(%dma_start3A_551 : memref<3x128xi32, #tpu.memory_space<hbm>>) target(%dma_start3A_549 : memref<3x128xi32, #tpu.memory_space<vmem>>) target_semaphore(%dma_start3A_545 : memref<!tpu.dma_semaphore, #tpu.memory_space<semaphore_mem>>)
    %dma_start3A_552 = arith.constant 2 : i32
    %dma_start3A_553 = arith.constant 2 : i32
    %dma_start3A_554 = arith.constant 0 : i32
    %dma_start3A_555 = arith.constant 0 : i32
    %dma_start3A_556 = tpu.memref_slice %arg10[%dma_start3A_552, %dma_start3A_554, %dma_start3A_555] : memref<4x3x128xi32, #tpu.memory_space<vmem>> -> memref<1x3x128xi32, #tpu.memory_space<vmem>>
    %dma_start3A_557 = tpu.memref_squeeze %dma_start3A_556 : memref<1x3x128xi32, #tpu.memory_space<vmem>> -> memref<3x128xi32, #tpu.memory_space<vmem>>
    %dma_start3A_558 = arith.constant 0 : i32
    %dma_start3A_559 = tpu.memref_slice %arg4[%add3A_535, %dma_start3A_558] : memref<2112x128xi32, #tpu.memory_space<hbm>> -> memref<3x128xi32, #tpu.memory_space<hbm>>
    %dma_start3A_560 = tpu.memref_slice %arg14[%dma_start3A_553] : memref<4x!tpu.dma_semaphore, #tpu.memory_space<semaphore_mem>> -> memref<1x!tpu.dma_semaphore, #tpu.memory_space<semaphore_mem>>
    %dma_start3A_561 = tpu.memref_squeeze %dma_start3A_560 : memref<1x!tpu.dma_semaphore, #tpu.memory_space<semaphore_mem>> -> memref<!tpu.dma_semaphore, #tpu.memory_space<semaphore_mem>>
    %dma_start3A_562 = arith.constant 0 : i32
    %dma_start3A_563 = arith.constant 0 : i32
    %dma_start3A_564 = tpu.memref_slice %arg10[%dma_start3A_552, %dma_start3A_562, %dma_start3A_563] : memref<4x3x128xi32, #tpu.memory_space<vmem>> -> memref<1x3x128xi32, #tpu.memory_space<vmem>>
    %dma_start3A_565 = tpu.memref_squeeze %dma_start3A_564 : memref<1x3x128xi32, #tpu.memory_space<vmem>> -> memref<3x128xi32, #tpu.memory_space<vmem>>
    %dma_start3A_566 = arith.constant 0 : i32
    %dma_start3A_567 = tpu.memref_slice %arg4[%add3A_535, %dma_start3A_566] : memref<2112x128xi32, #tpu.memory_space<hbm>> -> memref<3x128xi32, #tpu.memory_space<hbm>>
    tpu.enqueue_dma source(%dma_start3A_567 : memref<3x128xi32, #tpu.memory_space<hbm>>) target(%dma_start3A_565 : memref<3x128xi32, #tpu.memory_space<vmem>>) target_semaphore(%dma_start3A_561 : memref<!tpu.dma_semaphore, #tpu.memory_space<semaphore_mem>>)
    %mul3A_568 = arith.constant 128 : i32
    %mul3A_569 = arith.muli %add3A_535, %mul3A_568 : i32
    %dma_start3A_570 = arith.constant 2 : i32
    %dma_start3A_571 = arith.constant 2 : i32
    %dma_start3A_572 = arith.constant 0 : i32
    %dma_start3A_573 = tpu.memref_slice %arg11[%dma_start3A_570, %dma_start3A_572] : memref<4x384xf32, #tpu.memory_space<vmem>> -> memref<1x384xf32, #tpu.memory_space<vmem>>
    %dma_start3A_574 = tpu.memref_squeeze %dma_start3A_573 : memref<1x384xf32, #tpu.memory_space<vmem>> -> memref<384xf32, #tpu.memory_space<vmem>>
    %dma_start3A_575 = tpu.memref_slice %arg3[%mul3A_569] : memref<270336xf32, #tpu.memory_space<hbm>> -> memref<384xf32, #tpu.memory_space<hbm>>
    %dma_start3A_576 = tpu.memref_slice %arg14[%dma_start3A_571] : memref<4x!tpu.dma_semaphore, #tpu.memory_space<semaphore_mem>> -> memref<1x!tpu.dma_semaphore, #tpu.memory_space<semaphore_mem>>
    %dma_start3A_577 = tpu.memref_squeeze %dma_start3A_576 : memref<1x!tpu.dma_semaphore, #tpu.memory_space<semaphore_mem>> -> memref<!tpu.dma_semaphore, #tpu.memory_space<semaphore_mem>>
    %dma_start3A_578 = arith.constant 0 : i32
    %dma_start3A_579 = tpu.memref_slice %arg11[%dma_start3A_570, %dma_start3A_578] : memref<4x384xf32, #tpu.memory_space<vmem>> -> memref<1x384xf32, #tpu.memory_space<vmem>>
    %dma_start3A_580 = tpu.memref_squeeze %dma_start3A_579 : memref<1x384xf32, #tpu.memory_space<vmem>> -> memref<384xf32, #tpu.memory_space<vmem>>
    %dma_start3A_581 = tpu.memref_slice %arg3[%mul3A_569] : memref<270336xf32, #tpu.memory_space<hbm>> -> memref<384xf32, #tpu.memory_space<hbm>>
    tpu.enqueue_dma source(%dma_start3A_581 : memref<384xf32, #tpu.memory_space<hbm>>) target(%dma_start3A_580 : memref<384xf32, #tpu.memory_space<vmem>>) target_semaphore(%dma_start3A_577 : memref<!tpu.dma_semaphore, #tpu.memory_space<semaphore_mem>>)
    %dma_wait3A_582 = arith.constant 2 : i32
    %dma_wait3A_583 = arith.constant 2 : i32
    %dma_wait3A_584 = arith.constant 0 : i32
    %dma_wait3A_585 = arith.constant 0 : i32
    %dma_wait3A_586 = tpu.memref_slice %arg9[%dma_wait3A_582, %dma_wait3A_584, %dma_wait3A_585] : memref<4x3x128xi32, #tpu.memory_space<vmem>> -> memref<1x3x128xi32, #tpu.memory_space<vmem>>
    %dma_wait3A_587 = tpu.memref_squeeze %dma_wait3A_586 : memref<1x3x128xi32, #tpu.memory_space<vmem>> -> memref<3x128xi32, #tpu.memory_space<vmem>>
    %dma_wait3A_588 = arith.constant 0 : i32
    %dma_wait3A_589 = arith.constant 0 : i32
    %dma_wait3A_590 = tpu.memref_slice %arg5[%dma_wait3A_588, %dma_wait3A_589] : memref<2112x128xi32, #tpu.memory_space<hbm>> -> memref<3x128xi32, #tpu.memory_space<hbm>>
    %dma_wait3A_591 = tpu.memref_slice %arg14[%dma_wait3A_583] : memref<4x!tpu.dma_semaphore, #tpu.memory_space<semaphore_mem>> -> memref<1x!tpu.dma_semaphore, #tpu.memory_space<semaphore_mem>>
    %dma_wait3A_592 = tpu.memref_squeeze %dma_wait3A_591 : memref<1x!tpu.dma_semaphore, #tpu.memory_space<semaphore_mem>> -> memref<!tpu.dma_semaphore, #tpu.memory_space<semaphore_mem>>
    %dma_wait3A_593 = arith.constant 0 : i32
    %dma_wait3A_594 = arith.constant 0 : i32
    %dma_wait3A_595 = tpu.memref_slice %arg9[%dma_wait3A_582, %dma_wait3A_593, %dma_wait3A_594] : memref<4x3x128xi32, #tpu.memory_space<vmem>> -> memref<1x3x128xi32, #tpu.memory_space<vmem>>
    %dma_wait3A_596 = tpu.memref_squeeze %dma_wait3A_595 : memref<1x3x128xi32, #tpu.memory_space<vmem>> -> memref<3x128xi32, #tpu.memory_space<vmem>>
    %dma_wait3A_597 = arith.constant 0 : i32
    %dma_wait3A_598 = arith.constant 0 : i32
    %dma_wait3A_599 = tpu.memref_slice %arg5[%dma_wait3A_597, %dma_wait3A_598] : memref<2112x128xi32, #tpu.memory_space<hbm>> -> memref<3x128xi32, #tpu.memory_space<hbm>>
    tpu.wait_dma2 semaphore(%dma_wait3A_592 : memref<!tpu.dma_semaphore, #tpu.memory_space<semaphore_mem>>) src(%dma_wait3A_599 : memref<3x128xi32, #tpu.memory_space<hbm>>) dst(%dma_wait3A_596 : memref<3x128xi32, #tpu.memory_space<vmem>>)
    %dma_wait3A_600 = arith.constant 2 : i32
    %dma_wait3A_601 = arith.constant 2 : i32
    %dma_wait3A_602 = arith.constant 0 : i32
    %dma_wait3A_603 = arith.constant 0 : i32
    %dma_wait3A_604 = tpu.memref_slice %arg10[%dma_wait3A_600, %dma_wait3A_602, %dma_wait3A_603] : memref<4x3x128xi32, #tpu.memory_space<vmem>> -> memref<1x3x128xi32, #tpu.memory_space<vmem>>
    %dma_wait3A_605 = tpu.memref_squeeze %dma_wait3A_604 : memref<1x3x128xi32, #tpu.memory_space<vmem>> -> memref<3x128xi32, #tpu.memory_space<vmem>>
    %dma_wait3A_606 = arith.constant 0 : i32
    %dma_wait3A_607 = arith.constant 0 : i32
    %dma_wait3A_608 = tpu.memref_slice %arg4[%dma_wait3A_606, %dma_wait3A_607] : memref<2112x128xi32, #tpu.memory_space<hbm>> -> memref<3x128xi32, #tpu.memory_space<hbm>>
    %dma_wait3A_609 = tpu.memref_slice %arg14[%dma_wait3A_601] : memref<4x!tpu.dma_semaphore, #tpu.memory_space<semaphore_mem>> -> memref<1x!tpu.dma_semaphore, #tpu.memory_space<semaphore_mem>>
    %dma_wait3A_610 = tpu.memref_squeeze %dma_wait3A_609 : memref<1x!tpu.dma_semaphore, #tpu.memory_space<semaphore_mem>> -> memref<!tpu.dma_semaphore, #tpu.memory_space<semaphore_mem>>
    %dma_wait3A_611 = arith.constant 0 : i32
    %dma_wait3A_612 = arith.constant 0 : i32
    %dma_wait3A_613 = tpu.memref_slice %arg10[%dma_wait3A_600, %dma_wait3A_611, %dma_wait3A_612] : memref<4x3x128xi32, #tpu.memory_space<vmem>> -> memref<1x3x128xi32, #tpu.memory_space<vmem>>
    %dma_wait3A_614 = tpu.memref_squeeze %dma_wait3A_613 : memref<1x3x128xi32, #tpu.memory_space<vmem>> -> memref<3x128xi32, #tpu.memory_space<vmem>>
    %dma_wait3A_615 = arith.constant 0 : i32
    %dma_wait3A_616 = arith.constant 0 : i32
    %dma_wait3A_617 = tpu.memref_slice %arg4[%dma_wait3A_615, %dma_wait3A_616] : memref<2112x128xi32, #tpu.memory_space<hbm>> -> memref<3x128xi32, #tpu.memory_space<hbm>>
    tpu.wait_dma2 semaphore(%dma_wait3A_610 : memref<!tpu.dma_semaphore, #tpu.memory_space<semaphore_mem>>) src(%dma_wait3A_617 : memref<3x128xi32, #tpu.memory_space<hbm>>) dst(%dma_wait3A_614 : memref<3x128xi32, #tpu.memory_space<vmem>>)
    %dma_wait3A_618 = arith.constant 2 : i32
    %dma_wait3A_619 = arith.constant 2 : i32
    %dma_wait3A_620 = arith.constant 0 : i32
    %dma_wait3A_621 = tpu.memref_slice %arg11[%dma_wait3A_618, %dma_wait3A_620] : memref<4x384xf32, #tpu.memory_space<vmem>> -> memref<1x384xf32, #tpu.memory_space<vmem>>
    %dma_wait3A_622 = tpu.memref_squeeze %dma_wait3A_621 : memref<1x384xf32, #tpu.memory_space<vmem>> -> memref<384xf32, #tpu.memory_space<vmem>>
    %dma_wait3A_623 = arith.constant 0 : i32
    %dma_wait3A_624 = tpu.memref_slice %arg3[%dma_wait3A_623] : memref<270336xf32, #tpu.memory_space<hbm>> -> memref<384xf32, #tpu.memory_space<hbm>>
    %dma_wait3A_625 = tpu.memref_slice %arg14[%dma_wait3A_619] : memref<4x!tpu.dma_semaphore, #tpu.memory_space<semaphore_mem>> -> memref<1x!tpu.dma_semaphore, #tpu.memory_space<semaphore_mem>>
    %dma_wait3A_626 = tpu.memref_squeeze %dma_wait3A_625 : memref<1x!tpu.dma_semaphore, #tpu.memory_space<semaphore_mem>> -> memref<!tpu.dma_semaphore, #tpu.memory_space<semaphore_mem>>
    %dma_wait3A_627 = arith.constant 0 : i32
    %dma_wait3A_628 = tpu.memref_slice %arg11[%dma_wait3A_618, %dma_wait3A_627] : memref<4x384xf32, #tpu.memory_space<vmem>> -> memref<1x384xf32, #tpu.memory_space<vmem>>
    %dma_wait3A_629 = tpu.memref_squeeze %dma_wait3A_628 : memref<1x384xf32, #tpu.memory_space<vmem>> -> memref<384xf32, #tpu.memory_space<vmem>>
    %dma_wait3A_630 = arith.constant 0 : i32
    %dma_wait3A_631 = tpu.memref_slice %arg3[%dma_wait3A_630] : memref<270336xf32, #tpu.memory_space<hbm>> -> memref<384xf32, #tpu.memory_space<hbm>>
    tpu.wait_dma2 semaphore(%dma_wait3A_626 : memref<!tpu.dma_semaphore, #tpu.memory_space<semaphore_mem>>) src(%dma_wait3A_631 : memref<384xf32, #tpu.memory_space<hbm>>) dst(%dma_wait3A_629 : memref<384xf32, #tpu.memory_space<vmem>>)
    %dma_start3A_632 = arith.constant 2 : i32
    %dma_start3A_633 = arith.constant 0 : i32
    %dma_start3A_634 = arith.constant 2 : i32
    %dma_start3A_635 = arith.constant 2 : i32
    %dma_start3A_636 = arith.constant 0 : i32
    %dma_start3A_637 = arith.constant 0 : i32
    %dma_start3A_638 = tpu.memref_slice %arg12[%dma_start3A_634, %dma_start3A_636, %dma_start3A_637] : memref<4x384x32xf32, #tpu.memory_space<vmem>> -> memref<1x128x32xf32, #tpu.memory_space<vmem>>
    %dma_start3A_639 = tpu.memref_squeeze %dma_start3A_638 : memref<1x128x32xf32, #tpu.memory_space<vmem>> -> memref<128x32xf32, #tpu.memory_space<vmem>>
    %dma_start3A_640 = arith.constant 0 : i32
    %dma_start3A_641 = tpu.memref_slice %arg9[%dma_start3A_632, %dma_start3A_633, %dma_start3A_640] : memref<4x3x128xi32, #tpu.memory_space<vmem>> -> memref<1x1x128xi32, #tpu.memory_space<vmem>>
    %dma_start3A_642 = tpu.memref_squeeze %dma_start3A_641 : memref<1x1x128xi32, #tpu.memory_space<vmem>> -> memref<128xi32, #tpu.memory_space<vmem>>
    %dma_start3A_643 = arith.constant 0 : i32
    %dma_start3A_644 = arith.constant 0 : i32
    %dma_start3A_645 = tpu.memref_slice %arg7[%dma_start3A_643, %dma_start3A_644] : memref<16384x32xf32, #tpu.memory_space<vmem_shared>> -> memref<16384x32xf32, #tpu.memory_space<vmem_shared>>
    %dma_start3A_646 = tpu.memref_slice %arg15[%dma_start3A_635] : memref<4x!tpu.dma_semaphore, #tpu.memory_space<semaphore_mem>> -> memref<1x!tpu.dma_semaphore, #tpu.memory_space<semaphore_mem>>
    %dma_start3A_647 = tpu.memref_squeeze %dma_start3A_646 : memref<1x!tpu.dma_semaphore, #tpu.memory_space<semaphore_mem>> -> memref<!tpu.dma_semaphore, #tpu.memory_space<semaphore_mem>>
    tpu.enqueue_indirect_dma source(%dma_start3A_645 : memref<16384x32xf32, #tpu.memory_space<vmem_shared>>) target(%dma_start3A_639 : memref<128x32xf32, #tpu.memory_space<vmem>>) offsets(%dma_start3A_642 : memref<128xi32, #tpu.memory_space<vmem>>) semaphore(%dma_start3A_647 : memref<!tpu.dma_semaphore, #tpu.memory_space<semaphore_mem>>)
    %dma_start3A_648 = arith.constant 2 : i32
    %dma_start3A_649 = arith.constant 1 : i32
    %dma_start3A_650 = arith.constant 2 : i32
    %dma_start3A_651 = arith.constant 2 : i32
    %dma_start3A_652 = arith.constant 128 : i32
    %dma_start3A_653 = arith.constant 0 : i32
    %dma_start3A_654 = tpu.memref_slice %arg12[%dma_start3A_650, %dma_start3A_652, %dma_start3A_653] : memref<4x384x32xf32, #tpu.memory_space<vmem>> -> memref<1x128x32xf32, #tpu.memory_space<vmem>>
    %dma_start3A_655 = tpu.memref_squeeze %dma_start3A_654 : memref<1x128x32xf32, #tpu.memory_space<vmem>> -> memref<128x32xf32, #tpu.memory_space<vmem>>
    %dma_start3A_656 = arith.constant 0 : i32
    %dma_start3A_657 = tpu.memref_slice %arg9[%dma_start3A_648, %dma_start3A_649, %dma_start3A_656] : memref<4x3x128xi32, #tpu.memory_space<vmem>> -> memref<1x1x128xi32, #tpu.memory_space<vmem>>
    %dma_start3A_658 = tpu.memref_squeeze %dma_start3A_657 : memref<1x1x128xi32, #tpu.memory_space<vmem>> -> memref<128xi32, #tpu.memory_space<vmem>>
    %dma_start3A_659 = arith.constant 0 : i32
    %dma_start3A_660 = arith.constant 0 : i32
    %dma_start3A_661 = tpu.memref_slice %arg7[%dma_start3A_659, %dma_start3A_660] : memref<16384x32xf32, #tpu.memory_space<vmem_shared>> -> memref<16384x32xf32, #tpu.memory_space<vmem_shared>>
    %dma_start3A_662 = tpu.memref_slice %arg15[%dma_start3A_651] : memref<4x!tpu.dma_semaphore, #tpu.memory_space<semaphore_mem>> -> memref<1x!tpu.dma_semaphore, #tpu.memory_space<semaphore_mem>>
    %dma_start3A_663 = tpu.memref_squeeze %dma_start3A_662 : memref<1x!tpu.dma_semaphore, #tpu.memory_space<semaphore_mem>> -> memref<!tpu.dma_semaphore, #tpu.memory_space<semaphore_mem>>
    tpu.enqueue_indirect_dma source(%dma_start3A_661 : memref<16384x32xf32, #tpu.memory_space<vmem_shared>>) target(%dma_start3A_655 : memref<128x32xf32, #tpu.memory_space<vmem>>) offsets(%dma_start3A_658 : memref<128xi32, #tpu.memory_space<vmem>>) semaphore(%dma_start3A_663 : memref<!tpu.dma_semaphore, #tpu.memory_space<semaphore_mem>>)
    %dma_start3A_664 = arith.constant 2 : i32
    %dma_start3A_665 = arith.constant 2 : i32
    %dma_start3A_666 = arith.constant 2 : i32
    %dma_start3A_667 = arith.constant 2 : i32
    %dma_start3A_668 = arith.constant 256 : i32
    %dma_start3A_669 = arith.constant 0 : i32
    %dma_start3A_670 = tpu.memref_slice %arg12[%dma_start3A_666, %dma_start3A_668, %dma_start3A_669] : memref<4x384x32xf32, #tpu.memory_space<vmem>> -> memref<1x128x32xf32, #tpu.memory_space<vmem>>
    %dma_start3A_671 = tpu.memref_squeeze %dma_start3A_670 : memref<1x128x32xf32, #tpu.memory_space<vmem>> -> memref<128x32xf32, #tpu.memory_space<vmem>>
    %dma_start3A_672 = arith.constant 0 : i32
    %dma_start3A_673 = tpu.memref_slice %arg9[%dma_start3A_664, %dma_start3A_665, %dma_start3A_672] : memref<4x3x128xi32, #tpu.memory_space<vmem>> -> memref<1x1x128xi32, #tpu.memory_space<vmem>>
    %dma_start3A_674 = tpu.memref_squeeze %dma_start3A_673 : memref<1x1x128xi32, #tpu.memory_space<vmem>> -> memref<128xi32, #tpu.memory_space<vmem>>
    %dma_start3A_675 = arith.constant 0 : i32
    %dma_start3A_676 = arith.constant 0 : i32
    %dma_start3A_677 = tpu.memref_slice %arg7[%dma_start3A_675, %dma_start3A_676] : memref<16384x32xf32, #tpu.memory_space<vmem_shared>> -> memref<16384x32xf32, #tpu.memory_space<vmem_shared>>
    %dma_start3A_678 = tpu.memref_slice %arg15[%dma_start3A_667] : memref<4x!tpu.dma_semaphore, #tpu.memory_space<semaphore_mem>> -> memref<1x!tpu.dma_semaphore, #tpu.memory_space<semaphore_mem>>
    %dma_start3A_679 = tpu.memref_squeeze %dma_start3A_678 : memref<1x!tpu.dma_semaphore, #tpu.memory_space<semaphore_mem>> -> memref<!tpu.dma_semaphore, #tpu.memory_space<semaphore_mem>>
    tpu.enqueue_indirect_dma source(%dma_start3A_677 : memref<16384x32xf32, #tpu.memory_space<vmem_shared>>) target(%dma_start3A_671 : memref<128x32xf32, #tpu.memory_space<vmem>>) offsets(%dma_start3A_674 : memref<128xi32, #tpu.memory_space<vmem>>) semaphore(%dma_start3A_679 : memref<!tpu.dma_semaphore, #tpu.memory_space<semaphore_mem>>)
    %dma_wait3A_680 = arith.constant 1 : i32
    %dma_wait3A_681 = arith.constant 0 : i32
    %dma_wait3A_682 = arith.constant 1 : i32
    %dma_wait3A_683 = arith.constant 1 : i32
    %dma_wait3A_684 = arith.constant 0 : i32
    %dma_wait3A_685 = arith.constant 0 : i32
    %dma_wait3A_686 = tpu.memref_slice %arg12[%dma_wait3A_682, %dma_wait3A_684, %dma_wait3A_685] : memref<4x384x32xf32, #tpu.memory_space<vmem>> -> memref<1x128x32xf32, #tpu.memory_space<vmem>>
    %dma_wait3A_687 = tpu.memref_squeeze %dma_wait3A_686 : memref<1x128x32xf32, #tpu.memory_space<vmem>> -> memref<128x32xf32, #tpu.memory_space<vmem>>
    %dma_wait3A_688 = arith.constant 0 : i32
    %dma_wait3A_689 = tpu.memref_slice %arg9[%dma_wait3A_680, %dma_wait3A_681, %dma_wait3A_688] : memref<4x3x128xi32, #tpu.memory_space<vmem>> -> memref<1x1x128xi32, #tpu.memory_space<vmem>>
    %dma_wait3A_690 = tpu.memref_squeeze %dma_wait3A_689 : memref<1x1x128xi32, #tpu.memory_space<vmem>> -> memref<128xi32, #tpu.memory_space<vmem>>
    %dma_wait3A_691 = arith.constant 0 : i32
    %dma_wait3A_692 = arith.constant 0 : i32
    %dma_wait3A_693 = tpu.memref_slice %arg7[%dma_wait3A_691, %dma_wait3A_692] : memref<16384x32xf32, #tpu.memory_space<vmem_shared>> -> memref<16384x32xf32, #tpu.memory_space<vmem_shared>>
    %dma_wait3A_694 = tpu.memref_slice %arg15[%dma_wait3A_683] : memref<4x!tpu.dma_semaphore, #tpu.memory_space<semaphore_mem>> -> memref<1x!tpu.dma_semaphore, #tpu.memory_space<semaphore_mem>>
    %dma_wait3A_695 = tpu.memref_squeeze %dma_wait3A_694 : memref<1x!tpu.dma_semaphore, #tpu.memory_space<semaphore_mem>> -> memref<!tpu.dma_semaphore, #tpu.memory_space<semaphore_mem>>
    tpu.wait_indirect_dma semaphore(%dma_wait3A_695 : memref<!tpu.dma_semaphore, #tpu.memory_space<semaphore_mem>>) src(%dma_wait3A_693 : memref<16384x32xf32, #tpu.memory_space<vmem_shared>>) dst(%dma_wait3A_687 : memref<128x32xf32, #tpu.memory_space<vmem>>)
    %dma_wait3A_696 = arith.constant 1 : i32
    %dma_wait3A_697 = arith.constant 1 : i32
    %dma_wait3A_698 = arith.constant 1 : i32
    %dma_wait3A_699 = arith.constant 1 : i32
    %dma_wait3A_700 = arith.constant 128 : i32
    %dma_wait3A_701 = arith.constant 0 : i32
    %dma_wait3A_702 = tpu.memref_slice %arg12[%dma_wait3A_698, %dma_wait3A_700, %dma_wait3A_701] : memref<4x384x32xf32, #tpu.memory_space<vmem>> -> memref<1x128x32xf32, #tpu.memory_space<vmem>>
    %dma_wait3A_703 = tpu.memref_squeeze %dma_wait3A_702 : memref<1x128x32xf32, #tpu.memory_space<vmem>> -> memref<128x32xf32, #tpu.memory_space<vmem>>
    %dma_wait3A_704 = arith.constant 0 : i32
    %dma_wait3A_705 = tpu.memref_slice %arg9[%dma_wait3A_696, %dma_wait3A_697, %dma_wait3A_704] : memref<4x3x128xi32, #tpu.memory_space<vmem>> -> memref<1x1x128xi32, #tpu.memory_space<vmem>>
    %dma_wait3A_706 = tpu.memref_squeeze %dma_wait3A_705 : memref<1x1x128xi32, #tpu.memory_space<vmem>> -> memref<128xi32, #tpu.memory_space<vmem>>
    %dma_wait3A_707 = arith.constant 0 : i32
    %dma_wait3A_708 = arith.constant 0 : i32
    %dma_wait3A_709 = tpu.memref_slice %arg7[%dma_wait3A_707, %dma_wait3A_708] : memref<16384x32xf32, #tpu.memory_space<vmem_shared>> -> memref<16384x32xf32, #tpu.memory_space<vmem_shared>>
    %dma_wait3A_710 = tpu.memref_slice %arg15[%dma_wait3A_699] : memref<4x!tpu.dma_semaphore, #tpu.memory_space<semaphore_mem>> -> memref<1x!tpu.dma_semaphore, #tpu.memory_space<semaphore_mem>>
    %dma_wait3A_711 = tpu.memref_squeeze %dma_wait3A_710 : memref<1x!tpu.dma_semaphore, #tpu.memory_space<semaphore_mem>> -> memref<!tpu.dma_semaphore, #tpu.memory_space<semaphore_mem>>
    tpu.wait_indirect_dma semaphore(%dma_wait3A_711 : memref<!tpu.dma_semaphore, #tpu.memory_space<semaphore_mem>>) src(%dma_wait3A_709 : memref<16384x32xf32, #tpu.memory_space<vmem_shared>>) dst(%dma_wait3A_703 : memref<128x32xf32, #tpu.memory_space<vmem>>)
    %dma_wait3A_712 = arith.constant 1 : i32
    %dma_wait3A_713 = arith.constant 2 : i32
    %dma_wait3A_714 = arith.constant 1 : i32
    %dma_wait3A_715 = arith.constant 1 : i32
    %dma_wait3A_716 = arith.constant 256 : i32
    %dma_wait3A_717 = arith.constant 0 : i32
    %dma_wait3A_718 = tpu.memref_slice %arg12[%dma_wait3A_714, %dma_wait3A_716, %dma_wait3A_717] : memref<4x384x32xf32, #tpu.memory_space<vmem>> -> memref<1x128x32xf32, #tpu.memory_space<vmem>>
    %dma_wait3A_719 = tpu.memref_squeeze %dma_wait3A_718 : memref<1x128x32xf32, #tpu.memory_space<vmem>> -> memref<128x32xf32, #tpu.memory_space<vmem>>
    %dma_wait3A_720 = arith.constant 0 : i32
    %dma_wait3A_721 = tpu.memref_slice %arg9[%dma_wait3A_712, %dma_wait3A_713, %dma_wait3A_720] : memref<4x3x128xi32, #tpu.memory_space<vmem>> -> memref<1x1x128xi32, #tpu.memory_space<vmem>>
    %dma_wait3A_722 = tpu.memref_squeeze %dma_wait3A_721 : memref<1x1x128xi32, #tpu.memory_space<vmem>> -> memref<128xi32, #tpu.memory_space<vmem>>
    %dma_wait3A_723 = arith.constant 0 : i32
    %dma_wait3A_724 = arith.constant 0 : i32
    %dma_wait3A_725 = tpu.memref_slice %arg7[%dma_wait3A_723, %dma_wait3A_724] : memref<16384x32xf32, #tpu.memory_space<vmem_shared>> -> memref<16384x32xf32, #tpu.memory_space<vmem_shared>>
    %dma_wait3A_726 = tpu.memref_slice %arg15[%dma_wait3A_715] : memref<4x!tpu.dma_semaphore, #tpu.memory_space<semaphore_mem>> -> memref<1x!tpu.dma_semaphore, #tpu.memory_space<semaphore_mem>>
    %dma_wait3A_727 = tpu.memref_squeeze %dma_wait3A_726 : memref<1x!tpu.dma_semaphore, #tpu.memory_space<semaphore_mem>> -> memref<!tpu.dma_semaphore, #tpu.memory_space<semaphore_mem>>
    tpu.wait_indirect_dma semaphore(%dma_wait3A_727 : memref<!tpu.dma_semaphore, #tpu.memory_space<semaphore_mem>>) src(%dma_wait3A_725 : memref<16384x32xf32, #tpu.memory_space<vmem_shared>>) dst(%dma_wait3A_719 : memref<128x32xf32, #tpu.memory_space<vmem>>)
    %parallel_loop3A_728 = arith.constant 0 : i32
    %parallel_loop3A_729 = arith.constant 384 : i32
    %parallel_loop3A_730 = arith.constant 1 : i32
    scf.for %parallel_loop3A_1617 = %parallel_loop3A_728 to %parallel_loop3A_729 step %parallel_loop3A_730  : i32 {
      %parallel_loop3A_1618 = vector.broadcast %parallel_loop3A_1617 : i32 to vector<16xi32>
      %parallel_loop3A_1619 = arith.constant 1 : i32
      %parallel_loop3A_1620 = arith.constant 0 : i32
      %parallel_loop3A_1621 = tpu.memref_slice %arg11[%parallel_loop3A_1619, %parallel_loop3A_1620] : memref<4x384xf32, #tpu.memory_space<vmem>> -> memref<1x384xf32, #tpu.memory_space<vmem>>
      %parallel_loop3A_1622 = tpu.memref_squeeze %parallel_loop3A_1621 : memref<1x384xf32, #tpu.memory_space<vmem>> -> memref<384xf32, #tpu.memory_space<vmem>>
      %parallel_loop3A_1623 = tpu.vector_load_idx %parallel_loop3A_1622[%parallel_loop3A_1618] : memref<384xf32, #tpu.memory_space<vmem>>[vector<16xi32>], vector<16xf32>,
      %parallel_loop3A_1624 = arith.constant 1 : i32
      %parallel_loop3A_1625 = arith.index_cast %parallel_loop3A_1624 : i32 to index
      %parallel_loop3A_1626 = arith.index_cast %parallel_loop3A_1617 : i32 to index
      %parallel_loop3A_1627 = arith.constant 0 : index
      %parallel_loop3A_1628 = tpu.vector_load %arg12[%parallel_loop3A_1625, %parallel_loop3A_1626, %parallel_loop3A_1627] {strides = array<i32>} : memref<4x384x32xf32, #tpu.memory_space<vmem>>, vector<16xf32>,
      %parallel_loop3A_1629 = arith.mulf %parallel_loop3A_1628, %parallel_loop3A_1623 : vector<16xf32>
      %parallel_loop3A_1630 = arith.constant 1 : i32
      %parallel_loop3A_1631 = arith.index_cast %parallel_loop3A_1630 : i32 to index
      %parallel_loop3A_1632 = arith.index_cast %parallel_loop3A_1617 : i32 to index
      %parallel_loop3A_1633 = arith.constant 0 : index
      %parallel_loop3A_1634 = tpu.vector_load %arg12[%parallel_loop3A_1631, %parallel_loop3A_1632, %parallel_loop3A_1633] {strides = array<i32>} : memref<4x384x32xf32, #tpu.memory_space<vmem>>, vector<16xf32>,
      tpu.vector_store %arg12[%parallel_loop3A_1631, %parallel_loop3A_1632, %parallel_loop3A_1633], %parallel_loop3A_1629 {strides = array<i32>} : memref<4x384x32xf32, #tpu.memory_space<vmem>>, vector<16xf32>,
      %parallel_loop3A_1635 = arith.constant 1 : i32
      %parallel_loop3A_1636 = arith.index_cast %parallel_loop3A_1635 : i32 to index
      %parallel_loop3A_1637 = arith.index_cast %parallel_loop3A_1617 : i32 to index
      %parallel_loop3A_1638 = arith.constant 16 : index
      %parallel_loop3A_1639 = tpu.vector_load %arg12[%parallel_loop3A_1636, %parallel_loop3A_1637, %parallel_loop3A_1638] {strides = array<i32>} : memref<4x384x32xf32, #tpu.memory_space<vmem>>, vector<16xf32>,
      %parallel_loop3A_1640 = arith.mulf %parallel_loop3A_1639, %parallel_loop3A_1623 : vector<16xf32>
      %parallel_loop3A_1641 = arith.constant 1 : i32
      %parallel_loop3A_1642 = arith.index_cast %parallel_loop3A_1641 : i32 to index
      %parallel_loop3A_1643 = arith.index_cast %parallel_loop3A_1617 : i32 to index
      %parallel_loop3A_1644 = arith.constant 16 : index
      %parallel_loop3A_1645 = tpu.vector_load %arg12[%parallel_loop3A_1642, %parallel_loop3A_1643, %parallel_loop3A_1644] {strides = array<i32>} : memref<4x384x32xf32, #tpu.memory_space<vmem>>, vector<16xf32>,
      tpu.vector_store %arg12[%parallel_loop3A_1642, %parallel_loop3A_1643, %parallel_loop3A_1644], %parallel_loop3A_1640 {strides = array<i32>} : memref<4x384x32xf32, #tpu.memory_space<vmem>>, vector<16xf32>,
    } {sc.loop_unroll_factor = 4 : i64, sc.parallel_access}
    %dma_start3A_731 = arith.constant 1 : i32
    %dma_start3A_732 = arith.constant 1 : i32
    %dma_start3A_733 = arith.constant 0 : i32
    %dma_start3A_734 = arith.constant 1 : i32
    %dma_start3A_735 = arith.constant 0 : i32
    %dma_start3A_736 = arith.constant 0 : i32
    %dma_start3A_737 = tpu.memref_slice %arg12[%dma_start3A_731, %dma_start3A_735, %dma_start3A_736] : memref<4x384x32xf32, #tpu.memory_space<vmem>> -> memref<1x128x32xf32, #tpu.memory_space<vmem>>
    %dma_start3A_738 = tpu.memref_squeeze %dma_start3A_737 : memref<1x128x32xf32, #tpu.memory_space<vmem>> -> memref<128x32xf32, #tpu.memory_space<vmem>>
    %dma_start3A_739 = arith.constant 0 : i32
    %dma_start3A_740 = tpu.memref_slice %arg10[%dma_start3A_732, %dma_start3A_733, %dma_start3A_739] : memref<4x3x128xi32, #tpu.memory_space<vmem>> -> memref<1x1x128xi32, #tpu.memory_space<vmem>>
    %dma_start3A_741 = tpu.memref_squeeze %dma_start3A_740 : memref<1x1x128xi32, #tpu.memory_space<vmem>> -> memref<128xi32, #tpu.memory_space<vmem>>
    %dma_start3A_742 = arith.constant 0 : i32
    %dma_start3A_743 = arith.constant 0 : i32
    %dma_start3A_744 = tpu.memref_slice %arg8[%dma_start3A_742, %dma_start3A_743] : memref<16384x32xf32, #tpu.memory_space<vmem_shared>> -> memref<16384x32xf32, #tpu.memory_space<vmem_shared>>
    %dma_start3A_745 = tpu.memref_slice %arg16[%dma_start3A_734] : memref<4x!tpu.dma_semaphore, #tpu.memory_space<semaphore_mem>> -> memref<1x!tpu.dma_semaphore, #tpu.memory_space<semaphore_mem>>
    %dma_start3A_746 = tpu.memref_squeeze %dma_start3A_745 : memref<1x!tpu.dma_semaphore, #tpu.memory_space<semaphore_mem>> -> memref<!tpu.dma_semaphore, #tpu.memory_space<semaphore_mem>>
    tpu.enqueue_indirect_dma source(%dma_start3A_738 : memref<128x32xf32, #tpu.memory_space<vmem>>) target(%dma_start3A_744 : memref<16384x32xf32, #tpu.memory_space<vmem_shared>>) offsets(%dma_start3A_741 : memref<128xi32, #tpu.memory_space<vmem>>) semaphore(%dma_start3A_746 : memref<!tpu.dma_semaphore, #tpu.memory_space<semaphore_mem>>) {add = true}
    %dma_start3A_747 = arith.constant 1 : i32
    %dma_start3A_748 = arith.constant 1 : i32
    %dma_start3A_749 = arith.constant 1 : i32
    %dma_start3A_750 = arith.constant 1 : i32
    %dma_start3A_751 = arith.constant 128 : i32
    %dma_start3A_752 = arith.constant 0 : i32
    %dma_start3A_753 = tpu.memref_slice %arg12[%dma_start3A_747, %dma_start3A_751, %dma_start3A_752] : memref<4x384x32xf32, #tpu.memory_space<vmem>> -> memref<1x128x32xf32, #tpu.memory_space<vmem>>
    %dma_start3A_754 = tpu.memref_squeeze %dma_start3A_753 : memref<1x128x32xf32, #tpu.memory_space<vmem>> -> memref<128x32xf32, #tpu.memory_space<vmem>>
    %dma_start3A_755 = arith.constant 0 : i32
    %dma_start3A_756 = tpu.memref_slice %arg10[%dma_start3A_748, %dma_start3A_749, %dma_start3A_755] : memref<4x3x128xi32, #tpu.memory_space<vmem>> -> memref<1x1x128xi32, #tpu.memory_space<vmem>>
    %dma_start3A_757 = tpu.memref_squeeze %dma_start3A_756 : memref<1x1x128xi32, #tpu.memory_space<vmem>> -> memref<128xi32, #tpu.memory_space<vmem>>
    %dma_start3A_758 = arith.constant 0 : i32
    %dma_start3A_759 = arith.constant 0 : i32
    %dma_start3A_760 = tpu.memref_slice %arg8[%dma_start3A_758, %dma_start3A_759] : memref<16384x32xf32, #tpu.memory_space<vmem_shared>> -> memref<16384x32xf32, #tpu.memory_space<vmem_shared>>
    %dma_start3A_761 = tpu.memref_slice %arg16[%dma_start3A_750] : memref<4x!tpu.dma_semaphore, #tpu.memory_space<semaphore_mem>> -> memref<1x!tpu.dma_semaphore, #tpu.memory_space<semaphore_mem>>
    %dma_start3A_762 = tpu.memref_squeeze %dma_start3A_761 : memref<1x!tpu.dma_semaphore, #tpu.memory_space<semaphore_mem>> -> memref<!tpu.dma_semaphore, #tpu.memory_space<semaphore_mem>>
    tpu.enqueue_indirect_dma source(%dma_start3A_754 : memref<128x32xf32, #tpu.memory_space<vmem>>) target(%dma_start3A_760 : memref<16384x32xf32, #tpu.memory_space<vmem_shared>>) offsets(%dma_start3A_757 : memref<128xi32, #tpu.memory_space<vmem>>) semaphore(%dma_start3A_762 : memref<!tpu.dma_semaphore, #tpu.memory_space<semaphore_mem>>) {add = true}
    %dma_start3A_763 = arith.constant 1 : i32
    %dma_start3A_764 = arith.constant 1 : i32
    %dma_start3A_765 = arith.constant 2 : i32
    %dma_start3A_766 = arith.constant 1 : i32
    %dma_start3A_767 = arith.constant 256 : i32
    %dma_start3A_768 = arith.constant 0 : i32
    %dma_start3A_769 = tpu.memref_slice %arg12[%dma_start3A_763, %dma_start3A_767, %dma_start3A_768] : memref<4x384x32xf32, #tpu.memory_space<vmem>> -> memref<1x128x32xf32, #tpu.memory_space<vmem>>
    %dma_start3A_770 = tpu.memref_squeeze %dma_start3A_769 : memref<1x128x32xf32, #tpu.memory_space<vmem>> -> memref<128x32xf32, #tpu.memory_space<vmem>>
    %dma_start3A_771 = arith.constant 0 : i32
    %dma_start3A_772 = tpu.memref_slice %arg10[%dma_start3A_764, %dma_start3A_765, %dma_start3A_771] : memref<4x3x128xi32, #tpu.memory_space<vmem>> -> memref<1x1x128xi32, #tpu.memory_space<vmem>>
    %dma_start3A_773 = tpu.memref_squeeze %dma_start3A_772 : memref<1x1x128xi32, #tpu.memory_space<vmem>> -> memref<128xi32, #tpu.memory_space<vmem>>
    %dma_start3A_774 = arith.constant 0 : i32
    %dma_start3A_775 = arith.constant 0 : i32
    %dma_start3A_776 = tpu.memref_slice %arg8[%dma_start3A_774, %dma_start3A_775] : memref<16384x32xf32, #tpu.memory_space<vmem_shared>> -> memref<16384x32xf32, #tpu.memory_space<vmem_shared>>
    %dma_start3A_777 = tpu.memref_slice %arg16[%dma_start3A_766] : memref<4x!tpu.dma_semaphore, #tpu.memory_space<semaphore_mem>> -> memref<1x!tpu.dma_semaphore, #tpu.memory_space<semaphore_mem>>
    %dma_start3A_778 = tpu.memref_squeeze %dma_start3A_777 : memref<1x!tpu.dma_semaphore, #tpu.memory_space<semaphore_mem>> -> memref<!tpu.dma_semaphore, #tpu.memory_space<semaphore_mem>>
    tpu.enqueue_indirect_dma source(%dma_start3A_770 : memref<128x32xf32, #tpu.memory_space<vmem>>) target(%dma_start3A_776 : memref<16384x32xf32, #tpu.memory_space<vmem_shared>>) offsets(%dma_start3A_773 : memref<128xi32, #tpu.memory_space<vmem>>) semaphore(%dma_start3A_778 : memref<!tpu.dma_semaphore, #tpu.memory_space<semaphore_mem>>) {add = true}
    %add3A_779 = arith.constant 9 : i32
    %add3A_780 = arith.addi %mul3A_143, %add3A_779 : i32
    %dma_start3A_781 = arith.constant 3 : i32
    %dma_start3A_782 = arith.constant 3 : i32
    %dma_start3A_783 = arith.constant 0 : i32
    %dma_start3A_784 = arith.constant 0 : i32
    %dma_start3A_785 = tpu.memref_slice %arg9[%dma_start3A_781, %dma_start3A_783, %dma_start3A_784] : memref<4x3x128xi32, #tpu.memory_space<vmem>> -> memref<1x3x128xi32, #tpu.memory_space<vmem>>
    %dma_start3A_786 = tpu.memref_squeeze %dma_start3A_785 : memref<1x3x128xi32, #tpu.memory_space<vmem>> -> memref<3x128xi32, #tpu.memory_space<vmem>>
    %dma_start3A_787 = arith.constant 0 : i32
    %dma_start3A_788 = tpu.memref_slice %arg5[%add3A_780, %dma_start3A_787] : memref<2112x128xi32, #tpu.memory_space<hbm>> -> memref<3x128xi32, #tpu.memory_space<hbm>>
    %dma_start3A_789 = tpu.memref_slice %arg14[%dma_start3A_782] : memref<4x!tpu.dma_semaphore, #tpu.memory_space<semaphore_mem>> -> memref<1x!tpu.dma_semaphore, #tpu.memory_space<semaphore_mem>>
    %dma_start3A_790 = tpu.memref_squeeze %dma_start3A_789 : memref<1x!tpu.dma_semaphore, #tpu.memory_space<semaphore_mem>> -> memref<!tpu.dma_semaphore, #tpu.memory_space<semaphore_mem>>
    %dma_start3A_791 = arith.constant 0 : i32
    %dma_start3A_792 = arith.constant 0 : i32
    %dma_start3A_793 = tpu.memref_slice %arg9[%dma_start3A_781, %dma_start3A_791, %dma_start3A_792] : memref<4x3x128xi32, #tpu.memory_space<vmem>> -> memref<1x3x128xi32, #tpu.memory_space<vmem>>
    %dma_start3A_794 = tpu.memref_squeeze %dma_start3A_793 : memref<1x3x128xi32, #tpu.memory_space<vmem>> -> memref<3x128xi32, #tpu.memory_space<vmem>>
    %dma_start3A_795 = arith.constant 0 : i32
    %dma_start3A_796 = tpu.memref_slice %arg5[%add3A_780, %dma_start3A_795] : memref<2112x128xi32, #tpu.memory_space<hbm>> -> memref<3x128xi32, #tpu.memory_space<hbm>>
    tpu.enqueue_dma source(%dma_start3A_796 : memref<3x128xi32, #tpu.memory_space<hbm>>) target(%dma_start3A_794 : memref<3x128xi32, #tpu.memory_space<vmem>>) target_semaphore(%dma_start3A_790 : memref<!tpu.dma_semaphore, #tpu.memory_space<semaphore_mem>>)
    %dma_start3A_797 = arith.constant 3 : i32
    %dma_start3A_798 = arith.constant 3 : i32
    %dma_start3A_799 = arith.constant 0 : i32
    %dma_start3A_800 = arith.constant 0 : i32
    %dma_start3A_801 = tpu.memref_slice %arg10[%dma_start3A_797, %dma_start3A_799, %dma_start3A_800] : memref<4x3x128xi32, #tpu.memory_space<vmem>> -> memref<1x3x128xi32, #tpu.memory_space<vmem>>
    %dma_start3A_802 = tpu.memref_squeeze %dma_start3A_801 : memref<1x3x128xi32, #tpu.memory_space<vmem>> -> memref<3x128xi32, #tpu.memory_space<vmem>>
    %dma_start3A_803 = arith.constant 0 : i32
    %dma_start3A_804 = tpu.memref_slice %arg4[%add3A_780, %dma_start3A_803] : memref<2112x128xi32, #tpu.memory_space<hbm>> -> memref<3x128xi32, #tpu.memory_space<hbm>>
    %dma_start3A_805 = tpu.memref_slice %arg14[%dma_start3A_798] : memref<4x!tpu.dma_semaphore, #tpu.memory_space<semaphore_mem>> -> memref<1x!tpu.dma_semaphore, #tpu.memory_space<semaphore_mem>>
    %dma_start3A_806 = tpu.memref_squeeze %dma_start3A_805 : memref<1x!tpu.dma_semaphore, #tpu.memory_space<semaphore_mem>> -> memref<!tpu.dma_semaphore, #tpu.memory_space<semaphore_mem>>
    %dma_start3A_807 = arith.constant 0 : i32
    %dma_start3A_808 = arith.constant 0 : i32
    %dma_start3A_809 = tpu.memref_slice %arg10[%dma_start3A_797, %dma_start3A_807, %dma_start3A_808] : memref<4x3x128xi32, #tpu.memory_space<vmem>> -> memref<1x3x128xi32, #tpu.memory_space<vmem>>
    %dma_start3A_810 = tpu.memref_squeeze %dma_start3A_809 : memref<1x3x128xi32, #tpu.memory_space<vmem>> -> memref<3x128xi32, #tpu.memory_space<vmem>>
    %dma_start3A_811 = arith.constant 0 : i32
    %dma_start3A_812 = tpu.memref_slice %arg4[%add3A_780, %dma_start3A_811] : memref<2112x128xi32, #tpu.memory_space<hbm>> -> memref<3x128xi32, #tpu.memory_space<hbm>>
    tpu.enqueue_dma source(%dma_start3A_812 : memref<3x128xi32, #tpu.memory_space<hbm>>) target(%dma_start3A_810 : memref<3x128xi32, #tpu.memory_space<vmem>>) target_semaphore(%dma_start3A_806 : memref<!tpu.dma_semaphore, #tpu.memory_space<semaphore_mem>>)
    %mul3A_813 = arith.constant 128 : i32
    %mul3A_814 = arith.muli %add3A_780, %mul3A_813 : i32
    %dma_start3A_815 = arith.constant 3 : i32
    %dma_start3A_816 = arith.constant 3 : i32
    %dma_start3A_817 = arith.constant 0 : i32
    %dma_start3A_818 = tpu.memref_slice %arg11[%dma_start3A_815, %dma_start3A_817] : memref<4x384xf32, #tpu.memory_space<vmem>> -> memref<1x384xf32, #tpu.memory_space<vmem>>
    %dma_start3A_819 = tpu.memref_squeeze %dma_start3A_818 : memref<1x384xf32, #tpu.memory_space<vmem>> -> memref<384xf32, #tpu.memory_space<vmem>>
    %dma_start3A_820 = tpu.memref_slice %arg3[%mul3A_814] : memref<270336xf32, #tpu.memory_space<hbm>> -> memref<384xf32, #tpu.memory_space<hbm>>
    %dma_start3A_821 = tpu.memref_slice %arg14[%dma_start3A_816] : memref<4x!tpu.dma_semaphore, #tpu.memory_space<semaphore_mem>> -> memref<1x!tpu.dma_semaphore, #tpu.memory_space<semaphore_mem>>
    %dma_start3A_822 = tpu.memref_squeeze %dma_start3A_821 : memref<1x!tpu.dma_semaphore, #tpu.memory_space<semaphore_mem>> -> memref<!tpu.dma_semaphore, #tpu.memory_space<semaphore_mem>>
    %dma_start3A_823 = arith.constant 0 : i32
    %dma_start3A_824 = tpu.memref_slice %arg11[%dma_start3A_815, %dma_start3A_823] : memref<4x384xf32, #tpu.memory_space<vmem>> -> memref<1x384xf32, #tpu.memory_space<vmem>>
    %dma_start3A_825 = tpu.memref_squeeze %dma_start3A_824 : memref<1x384xf32, #tpu.memory_space<vmem>> -> memref<384xf32, #tpu.memory_space<vmem>>
    %dma_start3A_826 = tpu.memref_slice %arg3[%mul3A_814] : memref<270336xf32, #tpu.memory_space<hbm>> -> memref<384xf32, #tpu.memory_space<hbm>>
    tpu.enqueue_dma source(%dma_start3A_826 : memref<384xf32, #tpu.memory_space<hbm>>) target(%dma_start3A_825 : memref<384xf32, #tpu.memory_space<vmem>>) target_semaphore(%dma_start3A_822 : memref<!tpu.dma_semaphore, #tpu.memory_space<semaphore_mem>>)
    %dma_wait3A_827 = arith.constant 3 : i32
    %dma_wait3A_828 = arith.constant 3 : i32
    %dma_wait3A_829 = arith.constant 0 : i32
    %dma_wait3A_830 = arith.constant 0 : i32
    %dma_wait3A_831 = tpu.memref_slice %arg9[%dma_wait3A_827, %dma_wait3A_829, %dma_wait3A_830] : memref<4x3x128xi32, #tpu.memory_space<vmem>> -> memref<1x3x128xi32, #tpu.memory_space<vmem>>
    %dma_wait3A_832 = tpu.memref_squeeze %dma_wait3A_831 : memref<1x3x128xi32, #tpu.memory_space<vmem>> -> memref<3x128xi32, #tpu.memory_space<vmem>>
    %dma_wait3A_833 = arith.constant 0 : i32
    %dma_wait3A_834 = arith.constant 0 : i32
    %dma_wait3A_835 = tpu.memref_slice %arg5[%dma_wait3A_833, %dma_wait3A_834] : memref<2112x128xi32, #tpu.memory_space<hbm>> -> memref<3x128xi32, #tpu.memory_space<hbm>>
    %dma_wait3A_836 = tpu.memref_slice %arg14[%dma_wait3A_828] : memref<4x!tpu.dma_semaphore, #tpu.memory_space<semaphore_mem>> -> memref<1x!tpu.dma_semaphore, #tpu.memory_space<semaphore_mem>>
    %dma_wait3A_837 = tpu.memref_squeeze %dma_wait3A_836 : memref<1x!tpu.dma_semaphore, #tpu.memory_space<semaphore_mem>> -> memref<!tpu.dma_semaphore, #tpu.memory_space<semaphore_mem>>
    %dma_wait3A_838 = arith.constant 0 : i32
    %dma_wait3A_839 = arith.constant 0 : i32
    %dma_wait3A_840 = tpu.memref_slice %arg9[%dma_wait3A_827, %dma_wait3A_838, %dma_wait3A_839] : memref<4x3x128xi32, #tpu.memory_space<vmem>> -> memref<1x3x128xi32, #tpu.memory_space<vmem>>
    %dma_wait3A_841 = tpu.memref_squeeze %dma_wait3A_840 : memref<1x3x128xi32, #tpu.memory_space<vmem>> -> memref<3x128xi32, #tpu.memory_space<vmem>>
    %dma_wait3A_842 = arith.constant 0 : i32
    %dma_wait3A_843 = arith.constant 0 : i32
    %dma_wait3A_844 = tpu.memref_slice %arg5[%dma_wait3A_842, %dma_wait3A_843] : memref<2112x128xi32, #tpu.memory_space<hbm>> -> memref<3x128xi32, #tpu.memory_space<hbm>>
    tpu.wait_dma2 semaphore(%dma_wait3A_837 : memref<!tpu.dma_semaphore, #tpu.memory_space<semaphore_mem>>) src(%dma_wait3A_844 : memref<3x128xi32, #tpu.memory_space<hbm>>) dst(%dma_wait3A_841 : memref<3x128xi32, #tpu.memory_space<vmem>>)
    %dma_wait3A_845 = arith.constant 3 : i32
    %dma_wait3A_846 = arith.constant 3 : i32
    %dma_wait3A_847 = arith.constant 0 : i32
    %dma_wait3A_848 = arith.constant 0 : i32
    %dma_wait3A_849 = tpu.memref_slice %arg10[%dma_wait3A_845, %dma_wait3A_847, %dma_wait3A_848] : memref<4x3x128xi32, #tpu.memory_space<vmem>> -> memref<1x3x128xi32, #tpu.memory_space<vmem>>
    %dma_wait3A_850 = tpu.memref_squeeze %dma_wait3A_849 : memref<1x3x128xi32, #tpu.memory_space<vmem>> -> memref<3x128xi32, #tpu.memory_space<vmem>>
    %dma_wait3A_851 = arith.constant 0 : i32
    %dma_wait3A_852 = arith.constant 0 : i32
    %dma_wait3A_853 = tpu.memref_slice %arg4[%dma_wait3A_851, %dma_wait3A_852] : memref<2112x128xi32, #tpu.memory_space<hbm>> -> memref<3x128xi32, #tpu.memory_space<hbm>>
    %dma_wait3A_854 = tpu.memref_slice %arg14[%dma_wait3A_846] : memref<4x!tpu.dma_semaphore, #tpu.memory_space<semaphore_mem>> -> memref<1x!tpu.dma_semaphore, #tpu.memory_space<semaphore_mem>>
    %dma_wait3A_855 = tpu.memref_squeeze %dma_wait3A_854 : memref<1x!tpu.dma_semaphore, #tpu.memory_space<semaphore_mem>> -> memref<!tpu.dma_semaphore, #tpu.memory_space<semaphore_mem>>
    %dma_wait3A_856 = arith.constant 0 : i32
    %dma_wait3A_857 = arith.constant 0 : i32
    %dma_wait3A_858 = tpu.memref_slice %arg10[%dma_wait3A_845, %dma_wait3A_856, %dma_wait3A_857] : memref<4x3x128xi32, #tpu.memory_space<vmem>> -> memref<1x3x128xi32, #tpu.memory_space<vmem>>
    %dma_wait3A_859 = tpu.memref_squeeze %dma_wait3A_858 : memref<1x3x128xi32, #tpu.memory_space<vmem>> -> memref<3x128xi32, #tpu.memory_space<vmem>>
    %dma_wait3A_860 = arith.constant 0 : i32
    %dma_wait3A_861 = arith.constant 0 : i32
    %dma_wait3A_862 = tpu.memref_slice %arg4[%dma_wait3A_860, %dma_wait3A_861] : memref<2112x128xi32, #tpu.memory_space<hbm>> -> memref<3x128xi32, #tpu.memory_space<hbm>>
    tpu.wait_dma2 semaphore(%dma_wait3A_855 : memref<!tpu.dma_semaphore, #tpu.memory_space<semaphore_mem>>) src(%dma_wait3A_862 : memref<3x128xi32, #tpu.memory_space<hbm>>) dst(%dma_wait3A_859 : memref<3x128xi32, #tpu.memory_space<vmem>>)
    %dma_wait3A_863 = arith.constant 3 : i32
    %dma_wait3A_864 = arith.constant 3 : i32
    %dma_wait3A_865 = arith.constant 0 : i32
    %dma_wait3A_866 = tpu.memref_slice %arg11[%dma_wait3A_863, %dma_wait3A_865] : memref<4x384xf32, #tpu.memory_space<vmem>> -> memref<1x384xf32, #tpu.memory_space<vmem>>
    %dma_wait3A_867 = tpu.memref_squeeze %dma_wait3A_866 : memref<1x384xf32, #tpu.memory_space<vmem>> -> memref<384xf32, #tpu.memory_space<vmem>>
    %dma_wait3A_868 = arith.constant 0 : i32
    %dma_wait3A_869 = tpu.memref_slice %arg3[%dma_wait3A_868] : memref<270336xf32, #tpu.memory_space<hbm>> -> memref<384xf32, #tpu.memory_space<hbm>>
    %dma_wait3A_870 = tpu.memref_slice %arg14[%dma_wait3A_864] : memref<4x!tpu.dma_semaphore, #tpu.memory_space<semaphore_mem>> -> memref<1x!tpu.dma_semaphore, #tpu.memory_space<semaphore_mem>>
    %dma_wait3A_871 = tpu.memref_squeeze %dma_wait3A_870 : memref<1x!tpu.dma_semaphore, #tpu.memory_space<semaphore_mem>> -> memref<!tpu.dma_semaphore, #tpu.memory_space<semaphore_mem>>
    %dma_wait3A_872 = arith.constant 0 : i32
    %dma_wait3A_873 = tpu.memref_slice %arg11[%dma_wait3A_863, %dma_wait3A_872] : memref<4x384xf32, #tpu.memory_space<vmem>> -> memref<1x384xf32, #tpu.memory_space<vmem>>
    %dma_wait3A_874 = tpu.memref_squeeze %dma_wait3A_873 : memref<1x384xf32, #tpu.memory_space<vmem>> -> memref<384xf32, #tpu.memory_space<vmem>>
    %dma_wait3A_875 = arith.constant 0 : i32
    %dma_wait3A_876 = tpu.memref_slice %arg3[%dma_wait3A_875] : memref<270336xf32, #tpu.memory_space<hbm>> -> memref<384xf32, #tpu.memory_space<hbm>>
    tpu.wait_dma2 semaphore(%dma_wait3A_871 : memref<!tpu.dma_semaphore, #tpu.memory_space<semaphore_mem>>) src(%dma_wait3A_876 : memref<384xf32, #tpu.memory_space<hbm>>) dst(%dma_wait3A_874 : memref<384xf32, #tpu.memory_space<vmem>>)
    %dma_start3A_877 = arith.constant 3 : i32
    %dma_start3A_878 = arith.constant 0 : i32
    %dma_start3A_879 = arith.constant 3 : i32
    %dma_start3A_880 = arith.constant 3 : i32
    %dma_start3A_881 = arith.constant 0 : i32
    %dma_start3A_882 = arith.constant 0 : i32
    %dma_start3A_883 = tpu.memref_slice %arg12[%dma_start3A_879, %dma_start3A_881, %dma_start3A_882] : memref<4x384x32xf32, #tpu.memory_space<vmem>> -> memref<1x128x32xf32, #tpu.memory_space<vmem>>
    %dma_start3A_884 = tpu.memref_squeeze %dma_start3A_883 : memref<1x128x32xf32, #tpu.memory_space<vmem>> -> memref<128x32xf32, #tpu.memory_space<vmem>>
    %dma_start3A_885 = arith.constant 0 : i32
    %dma_start3A_886 = tpu.memref_slice %arg9[%dma_start3A_877, %dma_start3A_878, %dma_start3A_885] : memref<4x3x128xi32, #tpu.memory_space<vmem>> -> memref<1x1x128xi32, #tpu.memory_space<vmem>>
    %dma_start3A_887 = tpu.memref_squeeze %dma_start3A_886 : memref<1x1x128xi32, #tpu.memory_space<vmem>> -> memref<128xi32, #tpu.memory_space<vmem>>
    %dma_start3A_888 = arith.constant 0 : i32
    %dma_start3A_889 = arith.constant 0 : i32
    %dma_start3A_890 = tpu.memref_slice %arg7[%dma_start3A_888, %dma_start3A_889] : memref<16384x32xf32, #tpu.memory_space<vmem_shared>> -> memref<16384x32xf32, #tpu.memory_space<vmem_shared>>
    %dma_start3A_891 = tpu.memref_slice %arg15[%dma_start3A_880] : memref<4x!tpu.dma_semaphore, #tpu.memory_space<semaphore_mem>> -> memref<1x!tpu.dma_semaphore, #tpu.memory_space<semaphore_mem>>
    %dma_start3A_892 = tpu.memref_squeeze %dma_start3A_891 : memref<1x!tpu.dma_semaphore, #tpu.memory_space<semaphore_mem>> -> memref<!tpu.dma_semaphore, #tpu.memory_space<semaphore_mem>>
    tpu.enqueue_indirect_dma source(%dma_start3A_890 : memref<16384x32xf32, #tpu.memory_space<vmem_shared>>) target(%dma_start3A_884 : memref<128x32xf32, #tpu.memory_space<vmem>>) offsets(%dma_start3A_887 : memref<128xi32, #tpu.memory_space<vmem>>) semaphore(%dma_start3A_892 : memref<!tpu.dma_semaphore, #tpu.memory_space<semaphore_mem>>)
    %dma_start3A_893 = arith.constant 3 : i32
    %dma_start3A_894 = arith.constant 1 : i32
    %dma_start3A_895 = arith.constant 3 : i32
    %dma_start3A_896 = arith.constant 3 : i32
    %dma_start3A_897 = arith.constant 128 : i32
    %dma_start3A_898 = arith.constant 0 : i32
    %dma_start3A_899 = tpu.memref_slice %arg12[%dma_start3A_895, %dma_start3A_897, %dma_start3A_898] : memref<4x384x32xf32, #tpu.memory_space<vmem>> -> memref<1x128x32xf32, #tpu.memory_space<vmem>>
    %dma_start3A_900 = tpu.memref_squeeze %dma_start3A_899 : memref<1x128x32xf32, #tpu.memory_space<vmem>> -> memref<128x32xf32, #tpu.memory_space<vmem>>
    %dma_start3A_901 = arith.constant 0 : i32
    %dma_start3A_902 = tpu.memref_slice %arg9[%dma_start3A_893, %dma_start3A_894, %dma_start3A_901] : memref<4x3x128xi32, #tpu.memory_space<vmem>> -> memref<1x1x128xi32, #tpu.memory_space<vmem>>
    %dma_start3A_903 = tpu.memref_squeeze %dma_start3A_902 : memref<1x1x128xi32, #tpu.memory_space<vmem>> -> memref<128xi32, #tpu.memory_space<vmem>>
    %dma_start3A_904 = arith.constant 0 : i32
    %dma_start3A_905 = arith.constant 0 : i32
    %dma_start3A_906 = tpu.memref_slice %arg7[%dma_start3A_904, %dma_start3A_905] : memref<16384x32xf32, #tpu.memory_space<vmem_shared>> -> memref<16384x32xf32, #tpu.memory_space<vmem_shared>>
    %dma_start3A_907 = tpu.memref_slice %arg15[%dma_start3A_896] : memref<4x!tpu.dma_semaphore, #tpu.memory_space<semaphore_mem>> -> memref<1x!tpu.dma_semaphore, #tpu.memory_space<semaphore_mem>>
    %dma_start3A_908 = tpu.memref_squeeze %dma_start3A_907 : memref<1x!tpu.dma_semaphore, #tpu.memory_space<semaphore_mem>> -> memref<!tpu.dma_semaphore, #tpu.memory_space<semaphore_mem>>
    tpu.enqueue_indirect_dma source(%dma_start3A_906 : memref<16384x32xf32, #tpu.memory_space<vmem_shared>>) target(%dma_start3A_900 : memref<128x32xf32, #tpu.memory_space<vmem>>) offsets(%dma_start3A_903 : memref<128xi32, #tpu.memory_space<vmem>>) semaphore(%dma_start3A_908 : memref<!tpu.dma_semaphore, #tpu.memory_space<semaphore_mem>>)
    %dma_start3A_909 = arith.constant 3 : i32
    %dma_start3A_910 = arith.constant 2 : i32
    %dma_start3A_911 = arith.constant 3 : i32
    %dma_start3A_912 = arith.constant 3 : i32
    %dma_start3A_913 = arith.constant 256 : i32
    %dma_start3A_914 = arith.constant 0 : i32
    %dma_start3A_915 = tpu.memref_slice %arg12[%dma_start3A_911, %dma_start3A_913, %dma_start3A_914] : memref<4x384x32xf32, #tpu.memory_space<vmem>> -> memref<1x128x32xf32, #tpu.memory_space<vmem>>
    %dma_start3A_916 = tpu.memref_squeeze %dma_start3A_915 : memref<1x128x32xf32, #tpu.memory_space<vmem>> -> memref<128x32xf32, #tpu.memory_space<vmem>>
    %dma_start3A_917 = arith.constant 0 : i32
    %dma_start3A_918 = tpu.memref_slice %arg9[%dma_start3A_909, %dma_start3A_910, %dma_start3A_917] : memref<4x3x128xi32, #tpu.memory_space<vmem>> -> memref<1x1x128xi32, #tpu.memory_space<vmem>>
    %dma_start3A_919 = tpu.memref_squeeze %dma_start3A_918 : memref<1x1x128xi32, #tpu.memory_space<vmem>> -> memref<128xi32, #tpu.memory_space<vmem>>
    %dma_start3A_920 = arith.constant 0 : i32
    %dma_start3A_921 = arith.constant 0 : i32
    %dma_start3A_922 = tpu.memref_slice %arg7[%dma_start3A_920, %dma_start3A_921] : memref<16384x32xf32, #tpu.memory_space<vmem_shared>> -> memref<16384x32xf32, #tpu.memory_space<vmem_shared>>
    %dma_start3A_923 = tpu.memref_slice %arg15[%dma_start3A_912] : memref<4x!tpu.dma_semaphore, #tpu.memory_space<semaphore_mem>> -> memref<1x!tpu.dma_semaphore, #tpu.memory_space<semaphore_mem>>
    %dma_start3A_924 = tpu.memref_squeeze %dma_start3A_923 : memref<1x!tpu.dma_semaphore, #tpu.memory_space<semaphore_mem>> -> memref<!tpu.dma_semaphore, #tpu.memory_space<semaphore_mem>>
    tpu.enqueue_indirect_dma source(%dma_start3A_922 : memref<16384x32xf32, #tpu.memory_space<vmem_shared>>) target(%dma_start3A_916 : memref<128x32xf32, #tpu.memory_space<vmem>>) offsets(%dma_start3A_919 : memref<128xi32, #tpu.memory_space<vmem>>) semaphore(%dma_start3A_924 : memref<!tpu.dma_semaphore, #tpu.memory_space<semaphore_mem>>)
    %dma_wait3A_925 = arith.constant 2 : i32
    %dma_wait3A_926 = arith.constant 0 : i32
    %dma_wait3A_927 = arith.constant 2 : i32
    %dma_wait3A_928 = arith.constant 2 : i32
    %dma_wait3A_929 = arith.constant 0 : i32
    %dma_wait3A_930 = arith.constant 0 : i32
    %dma_wait3A_931 = tpu.memref_slice %arg12[%dma_wait3A_927, %dma_wait3A_929, %dma_wait3A_930] : memref<4x384x32xf32, #tpu.memory_space<vmem>> -> memref<1x128x32xf32, #tpu.memory_space<vmem>>
    %dma_wait3A_932 = tpu.memref_squeeze %dma_wait3A_931 : memref<1x128x32xf32, #tpu.memory_space<vmem>> -> memref<128x32xf32, #tpu.memory_space<vmem>>
    %dma_wait3A_933 = arith.constant 0 : i32
    %dma_wait3A_934 = tpu.memref_slice %arg9[%dma_wait3A_925, %dma_wait3A_926, %dma_wait3A_933] : memref<4x3x128xi32, #tpu.memory_space<vmem>> -> memref<1x1x128xi32, #tpu.memory_space<vmem>>
    %dma_wait3A_935 = tpu.memref_squeeze %dma_wait3A_934 : memref<1x1x128xi32, #tpu.memory_space<vmem>> -> memref<128xi32, #tpu.memory_space<vmem>>
    %dma_wait3A_936 = arith.constant 0 : i32
    %dma_wait3A_937 = arith.constant 0 : i32
    %dma_wait3A_938 = tpu.memref_slice %arg7[%dma_wait3A_936, %dma_wait3A_937] : memref<16384x32xf32, #tpu.memory_space<vmem_shared>> -> memref<16384x32xf32, #tpu.memory_space<vmem_shared>>
    %dma_wait3A_939 = tpu.memref_slice %arg15[%dma_wait3A_928] : memref<4x!tpu.dma_semaphore, #tpu.memory_space<semaphore_mem>> -> memref<1x!tpu.dma_semaphore, #tpu.memory_space<semaphore_mem>>
    %dma_wait3A_940 = tpu.memref_squeeze %dma_wait3A_939 : memref<1x!tpu.dma_semaphore, #tpu.memory_space<semaphore_mem>> -> memref<!tpu.dma_semaphore, #tpu.memory_space<semaphore_mem>>
    tpu.wait_indirect_dma semaphore(%dma_wait3A_940 : memref<!tpu.dma_semaphore, #tpu.memory_space<semaphore_mem>>) src(%dma_wait3A_938 : memref<16384x32xf32, #tpu.memory_space<vmem_shared>>) dst(%dma_wait3A_932 : memref<128x32xf32, #tpu.memory_space<vmem>>)
    %dma_wait3A_941 = arith.constant 2 : i32
    %dma_wait3A_942 = arith.constant 1 : i32
    %dma_wait3A_943 = arith.constant 2 : i32
    %dma_wait3A_944 = arith.constant 2 : i32
    %dma_wait3A_945 = arith.constant 128 : i32
    %dma_wait3A_946 = arith.constant 0 : i32
    %dma_wait3A_947 = tpu.memref_slice %arg12[%dma_wait3A_943, %dma_wait3A_945, %dma_wait3A_946] : memref<4x384x32xf32, #tpu.memory_space<vmem>> -> memref<1x128x32xf32, #tpu.memory_space<vmem>>
    %dma_wait3A_948 = tpu.memref_squeeze %dma_wait3A_947 : memref<1x128x32xf32, #tpu.memory_space<vmem>> -> memref<128x32xf32, #tpu.memory_space<vmem>>
    %dma_wait3A_949 = arith.constant 0 : i32
    %dma_wait3A_950 = tpu.memref_slice %arg9[%dma_wait3A_941, %dma_wait3A_942, %dma_wait3A_949] : memref<4x3x128xi32, #tpu.memory_space<vmem>> -> memref<1x1x128xi32, #tpu.memory_space<vmem>>
    %dma_wait3A_951 = tpu.memref_squeeze %dma_wait3A_950 : memref<1x1x128xi32, #tpu.memory_space<vmem>> -> memref<128xi32, #tpu.memory_space<vmem>>
    %dma_wait3A_952 = arith.constant 0 : i32
    %dma_wait3A_953 = arith.constant 0 : i32
    %dma_wait3A_954 = tpu.memref_slice %arg7[%dma_wait3A_952, %dma_wait3A_953] : memref<16384x32xf32, #tpu.memory_space<vmem_shared>> -> memref<16384x32xf32, #tpu.memory_space<vmem_shared>>
    %dma_wait3A_955 = tpu.memref_slice %arg15[%dma_wait3A_944] : memref<4x!tpu.dma_semaphore, #tpu.memory_space<semaphore_mem>> -> memref<1x!tpu.dma_semaphore, #tpu.memory_space<semaphore_mem>>
    %dma_wait3A_956 = tpu.memref_squeeze %dma_wait3A_955 : memref<1x!tpu.dma_semaphore, #tpu.memory_space<semaphore_mem>> -> memref<!tpu.dma_semaphore, #tpu.memory_space<semaphore_mem>>
    tpu.wait_indirect_dma semaphore(%dma_wait3A_956 : memref<!tpu.dma_semaphore, #tpu.memory_space<semaphore_mem>>) src(%dma_wait3A_954 : memref<16384x32xf32, #tpu.memory_space<vmem_shared>>) dst(%dma_wait3A_948 : memref<128x32xf32, #tpu.memory_space<vmem>>)
    %dma_wait3A_957 = arith.constant 2 : i32
    %dma_wait3A_958 = arith.constant 2 : i32
    %dma_wait3A_959 = arith.constant 2 : i32
    %dma_wait3A_960 = arith.constant 2 : i32
    %dma_wait3A_961 = arith.constant 256 : i32
    %dma_wait3A_962 = arith.constant 0 : i32
    %dma_wait3A_963 = tpu.memref_slice %arg12[%dma_wait3A_959, %dma_wait3A_961, %dma_wait3A_962] : memref<4x384x32xf32, #tpu.memory_space<vmem>> -> memref<1x128x32xf32, #tpu.memory_space<vmem>>
    %dma_wait3A_964 = tpu.memref_squeeze %dma_wait3A_963 : memref<1x128x32xf32, #tpu.memory_space<vmem>> -> memref<128x32xf32, #tpu.memory_space<vmem>>
    %dma_wait3A_965 = arith.constant 0 : i32
    %dma_wait3A_966 = tpu.memref_slice %arg9[%dma_wait3A_957, %dma_wait3A_958, %dma_wait3A_965] : memref<4x3x128xi32, #tpu.memory_space<vmem>> -> memref<1x1x128xi32, #tpu.memory_space<vmem>>
    %dma_wait3A_967 = tpu.memref_squeeze %dma_wait3A_966 : memref<1x1x128xi32, #tpu.memory_space<vmem>> -> memref<128xi32, #tpu.memory_space<vmem>>
    %dma_wait3A_968 = arith.constant 0 : i32
    %dma_wait3A_969 = arith.constant 0 : i32
    %dma_wait3A_970 = tpu.memref_slice %arg7[%dma_wait3A_968, %dma_wait3A_969] : memref<16384x32xf32, #tpu.memory_space<vmem_shared>> -> memref<16384x32xf32, #tpu.memory_space<vmem_shared>>
    %dma_wait3A_971 = tpu.memref_slice %arg15[%dma_wait3A_960] : memref<4x!tpu.dma_semaphore, #tpu.memory_space<semaphore_mem>> -> memref<1x!tpu.dma_semaphore, #tpu.memory_space<semaphore_mem>>
    %dma_wait3A_972 = tpu.memref_squeeze %dma_wait3A_971 : memref<1x!tpu.dma_semaphore, #tpu.memory_space<semaphore_mem>> -> memref<!tpu.dma_semaphore, #tpu.memory_space<semaphore_mem>>
    tpu.wait_indirect_dma semaphore(%dma_wait3A_972 : memref<!tpu.dma_semaphore, #tpu.memory_space<semaphore_mem>>) src(%dma_wait3A_970 : memref<16384x32xf32, #tpu.memory_space<vmem_shared>>) dst(%dma_wait3A_964 : memref<128x32xf32, #tpu.memory_space<vmem>>)
    %parallel_loop3A_973 = arith.constant 0 : i32
    %parallel_loop3A_974 = arith.constant 384 : i32
    %parallel_loop3A_975 = arith.constant 1 : i32
    scf.for %parallel_loop3A_1617 = %parallel_loop3A_973 to %parallel_loop3A_974 step %parallel_loop3A_975  : i32 {
      %parallel_loop3A_1618 = vector.broadcast %parallel_loop3A_1617 : i32 to vector<16xi32>
      %parallel_loop3A_1619 = arith.constant 2 : i32
      %parallel_loop3A_1620 = arith.constant 0 : i32
      %parallel_loop3A_1621 = tpu.memref_slice %arg11[%parallel_loop3A_1619, %parallel_loop3A_1620] : memref<4x384xf32, #tpu.memory_space<vmem>> -> memref<1x384xf32, #tpu.memory_space<vmem>>
      %parallel_loop3A_1622 = tpu.memref_squeeze %parallel_loop3A_1621 : memref<1x384xf32, #tpu.memory_space<vmem>> -> memref<384xf32, #tpu.memory_space<vmem>>
      %parallel_loop3A_1623 = tpu.vector_load_idx %parallel_loop3A_1622[%parallel_loop3A_1618] : memref<384xf32, #tpu.memory_space<vmem>>[vector<16xi32>], vector<16xf32>,
      %parallel_loop3A_1624 = arith.constant 2 : i32
      %parallel_loop3A_1625 = arith.index_cast %parallel_loop3A_1624 : i32 to index
      %parallel_loop3A_1626 = arith.index_cast %parallel_loop3A_1617 : i32 to index
      %parallel_loop3A_1627 = arith.constant 0 : index
      %parallel_loop3A_1628 = tpu.vector_load %arg12[%parallel_loop3A_1625, %parallel_loop3A_1626, %parallel_loop3A_1627] {strides = array<i32>} : memref<4x384x32xf32, #tpu.memory_space<vmem>>, vector<16xf32>,
      %parallel_loop3A_1629 = arith.mulf %parallel_loop3A_1628, %parallel_loop3A_1623 : vector<16xf32>
      %parallel_loop3A_1630 = arith.constant 2 : i32
      %parallel_loop3A_1631 = arith.index_cast %parallel_loop3A_1630 : i32 to index
      %parallel_loop3A_1632 = arith.index_cast %parallel_loop3A_1617 : i32 to index
      %parallel_loop3A_1633 = arith.constant 0 : index
      %parallel_loop3A_1634 = tpu.vector_load %arg12[%parallel_loop3A_1631, %parallel_loop3A_1632, %parallel_loop3A_1633] {strides = array<i32>} : memref<4x384x32xf32, #tpu.memory_space<vmem>>, vector<16xf32>,
      tpu.vector_store %arg12[%parallel_loop3A_1631, %parallel_loop3A_1632, %parallel_loop3A_1633], %parallel_loop3A_1629 {strides = array<i32>} : memref<4x384x32xf32, #tpu.memory_space<vmem>>, vector<16xf32>,
      %parallel_loop3A_1635 = arith.constant 2 : i32
      %parallel_loop3A_1636 = arith.index_cast %parallel_loop3A_1635 : i32 to index
      %parallel_loop3A_1637 = arith.index_cast %parallel_loop3A_1617 : i32 to index
      %parallel_loop3A_1638 = arith.constant 16 : index
      %parallel_loop3A_1639 = tpu.vector_load %arg12[%parallel_loop3A_1636, %parallel_loop3A_1637, %parallel_loop3A_1638] {strides = array<i32>} : memref<4x384x32xf32, #tpu.memory_space<vmem>>, vector<16xf32>,
      %parallel_loop3A_1640 = arith.mulf %parallel_loop3A_1639, %parallel_loop3A_1623 : vector<16xf32>
      %parallel_loop3A_1641 = arith.constant 2 : i32
      %parallel_loop3A_1642 = arith.index_cast %parallel_loop3A_1641 : i32 to index
      %parallel_loop3A_1643 = arith.index_cast %parallel_loop3A_1617 : i32 to index
      %parallel_loop3A_1644 = arith.constant 16 : index
      %parallel_loop3A_1645 = tpu.vector_load %arg12[%parallel_loop3A_1642, %parallel_loop3A_1643, %parallel_loop3A_1644] {strides = array<i32>} : memref<4x384x32xf32, #tpu.memory_space<vmem>>, vector<16xf32>,
      tpu.vector_store %arg12[%parallel_loop3A_1642, %parallel_loop3A_1643, %parallel_loop3A_1644], %parallel_loop3A_1640 {strides = array<i32>} : memref<4x384x32xf32, #tpu.memory_space<vmem>>, vector<16xf32>,
    } {sc.loop_unroll_factor = 4 : i64, sc.parallel_access}
    %dma_start3A_976 = arith.constant 2 : i32
    %dma_start3A_977 = arith.constant 2 : i32
    %dma_start3A_978 = arith.constant 0 : i32
    %dma_start3A_979 = arith.constant 2 : i32
    %dma_start3A_980 = arith.constant 0 : i32
    %dma_start3A_981 = arith.constant 0 : i32
    %dma_start3A_982 = tpu.memref_slice %arg12[%dma_start3A_976, %dma_start3A_980, %dma_start3A_981] : memref<4x384x32xf32, #tpu.memory_space<vmem>> -> memref<1x128x32xf32, #tpu.memory_space<vmem>>
    %dma_start3A_983 = tpu.memref_squeeze %dma_start3A_982 : memref<1x128x32xf32, #tpu.memory_space<vmem>> -> memref<128x32xf32, #tpu.memory_space<vmem>>
    %dma_start3A_984 = arith.constant 0 : i32
    %dma_start3A_985 = tpu.memref_slice %arg10[%dma_start3A_977, %dma_start3A_978, %dma_start3A_984] : memref<4x3x128xi32, #tpu.memory_space<vmem>> -> memref<1x1x128xi32, #tpu.memory_space<vmem>>
    %dma_start3A_986 = tpu.memref_squeeze %dma_start3A_985 : memref<1x1x128xi32, #tpu.memory_space<vmem>> -> memref<128xi32, #tpu.memory_space<vmem>>
    %dma_start3A_987 = arith.constant 0 : i32
    %dma_start3A_988 = arith.constant 0 : i32
    %dma_start3A_989 = tpu.memref_slice %arg8[%dma_start3A_987, %dma_start3A_988] : memref<16384x32xf32, #tpu.memory_space<vmem_shared>> -> memref<16384x32xf32, #tpu.memory_space<vmem_shared>>
    %dma_start3A_990 = tpu.memref_slice %arg16[%dma_start3A_979] : memref<4x!tpu.dma_semaphore, #tpu.memory_space<semaphore_mem>> -> memref<1x!tpu.dma_semaphore, #tpu.memory_space<semaphore_mem>>
    %dma_start3A_991 = tpu.memref_squeeze %dma_start3A_990 : memref<1x!tpu.dma_semaphore, #tpu.memory_space<semaphore_mem>> -> memref<!tpu.dma_semaphore, #tpu.memory_space<semaphore_mem>>
    tpu.enqueue_indirect_dma source(%dma_start3A_983 : memref<128x32xf32, #tpu.memory_space<vmem>>) target(%dma_start3A_989 : memref<16384x32xf32, #tpu.memory_space<vmem_shared>>) offsets(%dma_start3A_986 : memref<128xi32, #tpu.memory_space<vmem>>) semaphore(%dma_start3A_991 : memref<!tpu.dma_semaphore, #tpu.memory_space<semaphore_mem>>) {add = true}
    %dma_start3A_992 = arith.constant 2 : i32
    %dma_start3A_993 = arith.constant 2 : i32
    %dma_start3A_994 = arith.constant 1 : i32
    %dma_start3A_995 = arith.constant 2 : i32
    %dma_start3A_996 = arith.constant 128 : i32
    %dma_start3A_997 = arith.constant 0 : i32
    %dma_start3A_998 = tpu.memref_slice %arg12[%dma_start3A_992, %dma_start3A_996, %dma_start3A_997] : memref<4x384x32xf32, #tpu.memory_space<vmem>> -> memref<1x128x32xf32, #tpu.memory_space<vmem>>
    %dma_start3A_999 = tpu.memref_squeeze %dma_start3A_998 : memref<1x128x32xf32, #tpu.memory_space<vmem>> -> memref<128x32xf32, #tpu.memory_space<vmem>>
    %dma_start3A_1000 = arith.constant 0 : i32
    %dma_start3A_1001 = tpu.memref_slice %arg10[%dma_start3A_993, %dma_start3A_994, %dma_start3A_1000] : memref<4x3x128xi32, #tpu.memory_space<vmem>> -> memref<1x1x128xi32, #tpu.memory_space<vmem>>
    %dma_start3A_1002 = tpu.memref_squeeze %dma_start3A_1001 : memref<1x1x128xi32, #tpu.memory_space<vmem>> -> memref<128xi32, #tpu.memory_space<vmem>>
    %dma_start3A_1003 = arith.constant 0 : i32
    %dma_start3A_1004 = arith.constant 0 : i32
    %dma_start3A_1005 = tpu.memref_slice %arg8[%dma_start3A_1003, %dma_start3A_1004] : memref<16384x32xf32, #tpu.memory_space<vmem_shared>> -> memref<16384x32xf32, #tpu.memory_space<vmem_shared>>
    %dma_start3A_1006 = tpu.memref_slice %arg16[%dma_start3A_995] : memref<4x!tpu.dma_semaphore, #tpu.memory_space<semaphore_mem>> -> memref<1x!tpu.dma_semaphore, #tpu.memory_space<semaphore_mem>>
    %dma_start3A_1007 = tpu.memref_squeeze %dma_start3A_1006 : memref<1x!tpu.dma_semaphore, #tpu.memory_space<semaphore_mem>> -> memref<!tpu.dma_semaphore, #tpu.memory_space<semaphore_mem>>
    tpu.enqueue_indirect_dma source(%dma_start3A_999 : memref<128x32xf32, #tpu.memory_space<vmem>>) target(%dma_start3A_1005 : memref<16384x32xf32, #tpu.memory_space<vmem_shared>>) offsets(%dma_start3A_1002 : memref<128xi32, #tpu.memory_space<vmem>>) semaphore(%dma_start3A_1007 : memref<!tpu.dma_semaphore, #tpu.memory_space<semaphore_mem>>) {add = true}
    %dma_start3A_1008 = arith.constant 2 : i32
    %dma_start3A_1009 = arith.constant 2 : i32
    %dma_start3A_1010 = arith.constant 2 : i32
    %dma_start3A_1011 = arith.constant 2 : i32
    %dma_start3A_1012 = arith.constant 256 : i32
    %dma_start3A_1013 = arith.constant 0 : i32
    %dma_start3A_1014 = tpu.memref_slice %arg12[%dma_start3A_1008, %dma_start3A_1012, %dma_start3A_1013] : memref<4x384x32xf32, #tpu.memory_space<vmem>> -> memref<1x128x32xf32, #tpu.memory_space<vmem>>
    %dma_start3A_1015 = tpu.memref_squeeze %dma_start3A_1014 : memref<1x128x32xf32, #tpu.memory_space<vmem>> -> memref<128x32xf32, #tpu.memory_space<vmem>>
    %dma_start3A_1016 = arith.constant 0 : i32
    %dma_start3A_1017 = tpu.memref_slice %arg10[%dma_start3A_1009, %dma_start3A_1010, %dma_start3A_1016] : memref<4x3x128xi32, #tpu.memory_space<vmem>> -> memref<1x1x128xi32, #tpu.memory_space<vmem>>
    %dma_start3A_1018 = tpu.memref_squeeze %dma_start3A_1017 : memref<1x1x128xi32, #tpu.memory_space<vmem>> -> memref<128xi32, #tpu.memory_space<vmem>>
    %dma_start3A_1019 = arith.constant 0 : i32
    %dma_start3A_1020 = arith.constant 0 : i32
    %dma_start3A_1021 = tpu.memref_slice %arg8[%dma_start3A_1019, %dma_start3A_1020] : memref<16384x32xf32, #tpu.memory_space<vmem_shared>> -> memref<16384x32xf32, #tpu.memory_space<vmem_shared>>
    %dma_start3A_1022 = tpu.memref_slice %arg16[%dma_start3A_1011] : memref<4x!tpu.dma_semaphore, #tpu.memory_space<semaphore_mem>> -> memref<1x!tpu.dma_semaphore, #tpu.memory_space<semaphore_mem>>
    %dma_start3A_1023 = tpu.memref_squeeze %dma_start3A_1022 : memref<1x!tpu.dma_semaphore, #tpu.memory_space<semaphore_mem>> -> memref<!tpu.dma_semaphore, #tpu.memory_space<semaphore_mem>>
    tpu.enqueue_indirect_dma source(%dma_start3A_1015 : memref<128x32xf32, #tpu.memory_space<vmem>>) target(%dma_start3A_1021 : memref<16384x32xf32, #tpu.memory_space<vmem_shared>>) offsets(%dma_start3A_1018 : memref<128xi32, #tpu.memory_space<vmem>>) semaphore(%dma_start3A_1023 : memref<!tpu.dma_semaphore, #tpu.memory_space<semaphore_mem>>) {add = true}
    %dma_wait3A_1024 = arith.constant 0 : i32
    %dma_wait3A_1025 = arith.constant 0 : i32
    %dma_wait3A_1026 = arith.constant 0 : i32
    %dma_wait3A_1027 = arith.constant 0 : i32
    %dma_wait3A_1028 = arith.constant 0 : i32
    %dma_wait3A_1029 = arith.constant 0 : i32
    %dma_wait3A_1030 = tpu.memref_slice %arg12[%dma_wait3A_1024, %dma_wait3A_1028, %dma_wait3A_1029] : memref<4x384x32xf32, #tpu.memory_space<vmem>> -> memref<1x128x32xf32, #tpu.memory_space<vmem>>
    %dma_wait3A_1031 = tpu.memref_squeeze %dma_wait3A_1030 : memref<1x128x32xf32, #tpu.memory_space<vmem>> -> memref<128x32xf32, #tpu.memory_space<vmem>>
    %dma_wait3A_1032 = arith.constant 0 : i32
    %dma_wait3A_1033 = tpu.memref_slice %arg10[%dma_wait3A_1025, %dma_wait3A_1026, %dma_wait3A_1032] : memref<4x3x128xi32, #tpu.memory_space<vmem>> -> memref<1x1x128xi32, #tpu.memory_space<vmem>>
    %dma_wait3A_1034 = tpu.memref_squeeze %dma_wait3A_1033 : memref<1x1x128xi32, #tpu.memory_space<vmem>> -> memref<128xi32, #tpu.memory_space<vmem>>
    %dma_wait3A_1035 = arith.constant 0 : i32
    %dma_wait3A_1036 = arith.constant 0 : i32
    %dma_wait3A_1037 = tpu.memref_slice %arg8[%dma_wait3A_1035, %dma_wait3A_1036] : memref<16384x32xf32, #tpu.memory_space<vmem_shared>> -> memref<16384x32xf32, #tpu.memory_space<vmem_shared>>
    %dma_wait3A_1038 = tpu.memref_slice %arg16[%dma_wait3A_1027] : memref<4x!tpu.dma_semaphore, #tpu.memory_space<semaphore_mem>> -> memref<1x!tpu.dma_semaphore, #tpu.memory_space<semaphore_mem>>
    %dma_wait3A_1039 = tpu.memref_squeeze %dma_wait3A_1038 : memref<1x!tpu.dma_semaphore, #tpu.memory_space<semaphore_mem>> -> memref<!tpu.dma_semaphore, #tpu.memory_space<semaphore_mem>>
    tpu.wait_indirect_dma semaphore(%dma_wait3A_1039 : memref<!tpu.dma_semaphore, #tpu.memory_space<semaphore_mem>>) src(%dma_wait3A_1031 : memref<128x32xf32, #tpu.memory_space<vmem>>) dst(%dma_wait3A_1037 : memref<16384x32xf32, #tpu.memory_space<vmem_shared>>)
    %dma_wait3A_1040 = arith.constant 0 : i32
    %dma_wait3A_1041 = arith.constant 0 : i32
    %dma_wait3A_1042 = arith.constant 1 : i32
    %dma_wait3A_1043 = arith.constant 0 : i32
    %dma_wait3A_1044 = arith.constant 128 : i32
    %dma_wait3A_1045 = arith.constant 0 : i32
    %dma_wait3A_1046 = tpu.memref_slice %arg12[%dma_wait3A_1040, %dma_wait3A_1044, %dma_wait3A_1045] : memref<4x384x32xf32, #tpu.memory_space<vmem>> -> memref<1x128x32xf32, #tpu.memory_space<vmem>>
    %dma_wait3A_1047 = tpu.memref_squeeze %dma_wait3A_1046 : memref<1x128x32xf32, #tpu.memory_space<vmem>> -> memref<128x32xf32, #tpu.memory_space<vmem>>
    %dma_wait3A_1048 = arith.constant 0 : i32
    %dma_wait3A_1049 = tpu.memref_slice %arg10[%dma_wait3A_1041, %dma_wait3A_1042, %dma_wait3A_1048] : memref<4x3x128xi32, #tpu.memory_space<vmem>> -> memref<1x1x128xi32, #tpu.memory_space<vmem>>
    %dma_wait3A_1050 = tpu.memref_squeeze %dma_wait3A_1049 : memref<1x1x128xi32, #tpu.memory_space<vmem>> -> memref<128xi32, #tpu.memory_space<vmem>>
    %dma_wait3A_1051 = arith.constant 0 : i32
    %dma_wait3A_1052 = arith.constant 0 : i32
    %dma_wait3A_1053 = tpu.memref_slice %arg8[%dma_wait3A_1051, %dma_wait3A_1052] : memref<16384x32xf32, #tpu.memory_space<vmem_shared>> -> memref<16384x32xf32, #tpu.memory_space<vmem_shared>>
    %dma_wait3A_1054 = tpu.memref_slice %arg16[%dma_wait3A_1043] : memref<4x!tpu.dma_semaphore, #tpu.memory_space<semaphore_mem>> -> memref<1x!tpu.dma_semaphore, #tpu.memory_space<semaphore_mem>>
    %dma_wait3A_1055 = tpu.memref_squeeze %dma_wait3A_1054 : memref<1x!tpu.dma_semaphore, #tpu.memory_space<semaphore_mem>> -> memref<!tpu.dma_semaphore, #tpu.memory_space<semaphore_mem>>
    tpu.wait_indirect_dma semaphore(%dma_wait3A_1055 : memref<!tpu.dma_semaphore, #tpu.memory_space<semaphore_mem>>) src(%dma_wait3A_1047 : memref<128x32xf32, #tpu.memory_space<vmem>>) dst(%dma_wait3A_1053 : memref<16384x32xf32, #tpu.memory_space<vmem_shared>>)
    %dma_wait3A_1056 = arith.constant 0 : i32
    %dma_wait3A_1057 = arith.constant 0 : i32
    %dma_wait3A_1058 = arith.constant 2 : i32
    %dma_wait3A_1059 = arith.constant 0 : i32
    %dma_wait3A_1060 = arith.constant 256 : i32
    %dma_wait3A_1061 = arith.constant 0 : i32
    %dma_wait3A_1062 = tpu.memref_slice %arg12[%dma_wait3A_1056, %dma_wait3A_1060, %dma_wait3A_1061] : memref<4x384x32xf32, #tpu.memory_space<vmem>> -> memref<1x128x32xf32, #tpu.memory_space<vmem>>
    %dma_wait3A_1063 = tpu.memref_squeeze %dma_wait3A_1062 : memref<1x128x32xf32, #tpu.memory_space<vmem>> -> memref<128x32xf32, #tpu.memory_space<vmem>>
    %dma_wait3A_1064 = arith.constant 0 : i32
    %dma_wait3A_1065 = tpu.memref_slice %arg10[%dma_wait3A_1057, %dma_wait3A_1058, %dma_wait3A_1064] : memref<4x3x128xi32, #tpu.memory_space<vmem>> -> memref<1x1x128xi32, #tpu.memory_space<vmem>>
    %dma_wait3A_1066 = tpu.memref_squeeze %dma_wait3A_1065 : memref<1x1x128xi32, #tpu.memory_space<vmem>> -> memref<128xi32, #tpu.memory_space<vmem>>
    %dma_wait3A_1067 = arith.constant 0 : i32
    %dma_wait3A_1068 = arith.constant 0 : i32
    %dma_wait3A_1069 = tpu.memref_slice %arg8[%dma_wait3A_1067, %dma_wait3A_1068] : memref<16384x32xf32, #tpu.memory_space<vmem_shared>> -> memref<16384x32xf32, #tpu.memory_space<vmem_shared>>
    %dma_wait3A_1070 = tpu.memref_slice %arg16[%dma_wait3A_1059] : memref<4x!tpu.dma_semaphore, #tpu.memory_space<semaphore_mem>> -> memref<1x!tpu.dma_semaphore, #tpu.memory_space<semaphore_mem>>
    %dma_wait3A_1071 = tpu.memref_squeeze %dma_wait3A_1070 : memref<1x!tpu.dma_semaphore, #tpu.memory_space<semaphore_mem>> -> memref<!tpu.dma_semaphore, #tpu.memory_space<semaphore_mem>>
    tpu.wait_indirect_dma semaphore(%dma_wait3A_1071 : memref<!tpu.dma_semaphore, #tpu.memory_space<semaphore_mem>>) src(%dma_wait3A_1063 : memref<128x32xf32, #tpu.memory_space<vmem>>) dst(%dma_wait3A_1069 : memref<16384x32xf32, #tpu.memory_space<vmem_shared>>)
    %add3A_1072 = arith.constant 12 : i32
    %add3A_1073 = arith.addi %mul3A_143, %add3A_1072 : i32
    %dma_start3A_1074 = arith.constant 0 : i32
    %dma_start3A_1075 = arith.constant 0 : i32
    %dma_start3A_1076 = arith.constant 0 : i32
    %dma_start3A_1077 = arith.constant 0 : i32
    %dma_start3A_1078 = tpu.memref_slice %arg9[%dma_start3A_1074, %dma_start3A_1076, %dma_start3A_1077] : memref<4x3x128xi32, #tpu.memory_space<vmem>> -> memref<1x3x128xi32, #tpu.memory_space<vmem>>
    %dma_start3A_1079 = tpu.memref_squeeze %dma_start3A_1078 : memref<1x3x128xi32, #tpu.memory_space<vmem>> -> memref<3x128xi32, #tpu.memory_space<vmem>>
    %dma_start3A_1080 = arith.constant 0 : i32
    %dma_start3A_1081 = tpu.memref_slice %arg5[%add3A_1073, %dma_start3A_1080] : memref<2112x128xi32, #tpu.memory_space<hbm>> -> memref<3x128xi32, #tpu.memory_space<hbm>>
    %dma_start3A_1082 = tpu.memref_slice %arg14[%dma_start3A_1075] : memref<4x!tpu.dma_semaphore, #tpu.memory_space<semaphore_mem>> -> memref<1x!tpu.dma_semaphore, #tpu.memory_space<semaphore_mem>>
    %dma_start3A_1083 = tpu.memref_squeeze %dma_start3A_1082 : memref<1x!tpu.dma_semaphore, #tpu.memory_space<semaphore_mem>> -> memref<!tpu.dma_semaphore, #tpu.memory_space<semaphore_mem>>
    %dma_start3A_1084 = arith.constant 0 : i32
    %dma_start3A_1085 = arith.constant 0 : i32
    %dma_start3A_1086 = tpu.memref_slice %arg9[%dma_start3A_1074, %dma_start3A_1084, %dma_start3A_1085] : memref<4x3x128xi32, #tpu.memory_space<vmem>> -> memref<1x3x128xi32, #tpu.memory_space<vmem>>
    %dma_start3A_1087 = tpu.memref_squeeze %dma_start3A_1086 : memref<1x3x128xi32, #tpu.memory_space<vmem>> -> memref<3x128xi32, #tpu.memory_space<vmem>>
    %dma_start3A_1088 = arith.constant 0 : i32
    %dma_start3A_1089 = tpu.memref_slice %arg5[%add3A_1073, %dma_start3A_1088] : memref<2112x128xi32, #tpu.memory_space<hbm>> -> memref<3x128xi32, #tpu.memory_space<hbm>>
    tpu.enqueue_dma source(%dma_start3A_1089 : memref<3x128xi32, #tpu.memory_space<hbm>>) target(%dma_start3A_1087 : memref<3x128xi32, #tpu.memory_space<vmem>>) target_semaphore(%dma_start3A_1083 : memref<!tpu.dma_semaphore, #tpu.memory_space<semaphore_mem>>)
    %dma_start3A_1090 = arith.constant 0 : i32
    %dma_start3A_1091 = arith.constant 0 : i32
    %dma_start3A_1092 = arith.constant 0 : i32
    %dma_start3A_1093 = arith.constant 0 : i32
    %dma_start3A_1094 = tpu.memref_slice %arg10[%dma_start3A_1090, %dma_start3A_1092, %dma_start3A_1093] : memref<4x3x128xi32, #tpu.memory_space<vmem>> -> memref<1x3x128xi32, #tpu.memory_space<vmem>>
    %dma_start3A_1095 = tpu.memref_squeeze %dma_start3A_1094 : memref<1x3x128xi32, #tpu.memory_space<vmem>> -> memref<3x128xi32, #tpu.memory_space<vmem>>
    %dma_start3A_1096 = arith.constant 0 : i32
    %dma_start3A_1097 = tpu.memref_slice %arg4[%add3A_1073, %dma_start3A_1096] : memref<2112x128xi32, #tpu.memory_space<hbm>> -> memref<3x128xi32, #tpu.memory_space<hbm>>
    %dma_start3A_1098 = tpu.memref_slice %arg14[%dma_start3A_1091] : memref<4x!tpu.dma_semaphore, #tpu.memory_space<semaphore_mem>> -> memref<1x!tpu.dma_semaphore, #tpu.memory_space<semaphore_mem>>
    %dma_start3A_1099 = tpu.memref_squeeze %dma_start3A_1098 : memref<1x!tpu.dma_semaphore, #tpu.memory_space<semaphore_mem>> -> memref<!tpu.dma_semaphore, #tpu.memory_space<semaphore_mem>>
    %dma_start3A_1100 = arith.constant 0 : i32
    %dma_start3A_1101 = arith.constant 0 : i32
    %dma_start3A_1102 = tpu.memref_slice %arg10[%dma_start3A_1090, %dma_start3A_1100, %dma_start3A_1101] : memref<4x3x128xi32, #tpu.memory_space<vmem>> -> memref<1x3x128xi32, #tpu.memory_space<vmem>>
    %dma_start3A_1103 = tpu.memref_squeeze %dma_start3A_1102 : memref<1x3x128xi32, #tpu.memory_space<vmem>> -> memref<3x128xi32, #tpu.memory_space<vmem>>
    %dma_start3A_1104 = arith.constant 0 : i32
    %dma_start3A_1105 = tpu.memref_slice %arg4[%add3A_1073, %dma_start3A_1104] : memref<2112x128xi32, #tpu.memory_space<hbm>> -> memref<3x128xi32, #tpu.memory_space<hbm>>
    tpu.enqueue_dma source(%dma_start3A_1105 : memref<3x128xi32, #tpu.memory_space<hbm>>) target(%dma_start3A_1103 : memref<3x128xi32, #tpu.memory_space<vmem>>) target_semaphore(%dma_start3A_1099 : memref<!tpu.dma_semaphore, #tpu.memory_space<semaphore_mem>>)
    %mul3A_1106 = arith.constant 128 : i32
    %mul3A_1107 = arith.muli %add3A_1073, %mul3A_1106 : i32
    %dma_start3A_1108 = arith.constant 0 : i32
    %dma_start3A_1109 = arith.constant 0 : i32
    %dma_start3A_1110 = arith.constant 0 : i32
    %dma_start3A_1111 = tpu.memref_slice %arg11[%dma_start3A_1108, %dma_start3A_1110] : memref<4x384xf32, #tpu.memory_space<vmem>> -> memref<1x384xf32, #tpu.memory_space<vmem>>
    %dma_start3A_1112 = tpu.memref_squeeze %dma_start3A_1111 : memref<1x384xf32, #tpu.memory_space<vmem>> -> memref<384xf32, #tpu.memory_space<vmem>>
    %dma_start3A_1113 = tpu.memref_slice %arg3[%mul3A_1107] : memref<270336xf32, #tpu.memory_space<hbm>> -> memref<384xf32, #tpu.memory_space<hbm>>
    %dma_start3A_1114 = tpu.memref_slice %arg14[%dma_start3A_1109] : memref<4x!tpu.dma_semaphore, #tpu.memory_space<semaphore_mem>> -> memref<1x!tpu.dma_semaphore, #tpu.memory_space<semaphore_mem>>
    %dma_start3A_1115 = tpu.memref_squeeze %dma_start3A_1114 : memref<1x!tpu.dma_semaphore, #tpu.memory_space<semaphore_mem>> -> memref<!tpu.dma_semaphore, #tpu.memory_space<semaphore_mem>>
    %dma_start3A_1116 = arith.constant 0 : i32
    %dma_start3A_1117 = tpu.memref_slice %arg11[%dma_start3A_1108, %dma_start3A_1116] : memref<4x384xf32, #tpu.memory_space<vmem>> -> memref<1x384xf32, #tpu.memory_space<vmem>>
    %dma_start3A_1118 = tpu.memref_squeeze %dma_start3A_1117 : memref<1x384xf32, #tpu.memory_space<vmem>> -> memref<384xf32, #tpu.memory_space<vmem>>
    %dma_start3A_1119 = tpu.memref_slice %arg3[%mul3A_1107] : memref<270336xf32, #tpu.memory_space<hbm>> -> memref<384xf32, #tpu.memory_space<hbm>>
    tpu.enqueue_dma source(%dma_start3A_1119 : memref<384xf32, #tpu.memory_space<hbm>>) target(%dma_start3A_1118 : memref<384xf32, #tpu.memory_space<vmem>>) target_semaphore(%dma_start3A_1115 : memref<!tpu.dma_semaphore, #tpu.memory_space<semaphore_mem>>)
    %dma_wait3A_1120 = arith.constant 0 : i32
    %dma_wait3A_1121 = arith.constant 0 : i32
    %dma_wait3A_1122 = arith.constant 0 : i32
    %dma_wait3A_1123 = arith.constant 0 : i32
    %dma_wait3A_1124 = tpu.memref_slice %arg9[%dma_wait3A_1120, %dma_wait3A_1122, %dma_wait3A_1123] : memref<4x3x128xi32, #tpu.memory_space<vmem>> -> memref<1x3x128xi32, #tpu.memory_space<vmem>>
    %dma_wait3A_1125 = tpu.memref_squeeze %dma_wait3A_1124 : memref<1x3x128xi32, #tpu.memory_space<vmem>> -> memref<3x128xi32, #tpu.memory_space<vmem>>
    %dma_wait3A_1126 = arith.constant 0 : i32
    %dma_wait3A_1127 = arith.constant 0 : i32
    %dma_wait3A_1128 = tpu.memref_slice %arg5[%dma_wait3A_1126, %dma_wait3A_1127] : memref<2112x128xi32, #tpu.memory_space<hbm>> -> memref<3x128xi32, #tpu.memory_space<hbm>>
    %dma_wait3A_1129 = tpu.memref_slice %arg14[%dma_wait3A_1121] : memref<4x!tpu.dma_semaphore, #tpu.memory_space<semaphore_mem>> -> memref<1x!tpu.dma_semaphore, #tpu.memory_space<semaphore_mem>>
    %dma_wait3A_1130 = tpu.memref_squeeze %dma_wait3A_1129 : memref<1x!tpu.dma_semaphore, #tpu.memory_space<semaphore_mem>> -> memref<!tpu.dma_semaphore, #tpu.memory_space<semaphore_mem>>
    %dma_wait3A_1131 = arith.constant 0 : i32
    %dma_wait3A_1132 = arith.constant 0 : i32
    %dma_wait3A_1133 = tpu.memref_slice %arg9[%dma_wait3A_1120, %dma_wait3A_1131, %dma_wait3A_1132] : memref<4x3x128xi32, #tpu.memory_space<vmem>> -> memref<1x3x128xi32, #tpu.memory_space<vmem>>
    %dma_wait3A_1134 = tpu.memref_squeeze %dma_wait3A_1133 : memref<1x3x128xi32, #tpu.memory_space<vmem>> -> memref<3x128xi32, #tpu.memory_space<vmem>>
    %dma_wait3A_1135 = arith.constant 0 : i32
    %dma_wait3A_1136 = arith.constant 0 : i32
    %dma_wait3A_1137 = tpu.memref_slice %arg5[%dma_wait3A_1135, %dma_wait3A_1136] : memref<2112x128xi32, #tpu.memory_space<hbm>> -> memref<3x128xi32, #tpu.memory_space<hbm>>
    tpu.wait_dma2 semaphore(%dma_wait3A_1130 : memref<!tpu.dma_semaphore, #tpu.memory_space<semaphore_mem>>) src(%dma_wait3A_1137 : memref<3x128xi32, #tpu.memory_space<hbm>>) dst(%dma_wait3A_1134 : memref<3x128xi32, #tpu.memory_space<vmem>>)
    %dma_wait3A_1138 = arith.constant 0 : i32
    %dma_wait3A_1139 = arith.constant 0 : i32
    %dma_wait3A_1140 = arith.constant 0 : i32
    %dma_wait3A_1141 = arith.constant 0 : i32
    %dma_wait3A_1142 = tpu.memref_slice %arg10[%dma_wait3A_1138, %dma_wait3A_1140, %dma_wait3A_1141] : memref<4x3x128xi32, #tpu.memory_space<vmem>> -> memref<1x3x128xi32, #tpu.memory_space<vmem>>
    %dma_wait3A_1143 = tpu.memref_squeeze %dma_wait3A_1142 : memref<1x3x128xi32, #tpu.memory_space<vmem>> -> memref<3x128xi32, #tpu.memory_space<vmem>>
    %dma_wait3A_1144 = arith.constant 0 : i32
    %dma_wait3A_1145 = arith.constant 0 : i32
    %dma_wait3A_1146 = tpu.memref_slice %arg4[%dma_wait3A_1144, %dma_wait3A_1145] : memref<2112x128xi32, #tpu.memory_space<hbm>> -> memref<3x128xi32, #tpu.memory_space<hbm>>
    %dma_wait3A_1147 = tpu.memref_slice %arg14[%dma_wait3A_1139] : memref<4x!tpu.dma_semaphore, #tpu.memory_space<semaphore_mem>> -> memref<1x!tpu.dma_semaphore, #tpu.memory_space<semaphore_mem>>
    %dma_wait3A_1148 = tpu.memref_squeeze %dma_wait3A_1147 : memref<1x!tpu.dma_semaphore, #tpu.memory_space<semaphore_mem>> -> memref<!tpu.dma_semaphore, #tpu.memory_space<semaphore_mem>>
    %dma_wait3A_1149 = arith.constant 0 : i32
    %dma_wait3A_1150 = arith.constant 0 : i32
    %dma_wait3A_1151 = tpu.memref_slice %arg10[%dma_wait3A_1138, %dma_wait3A_1149, %dma_wait3A_1150] : memref<4x3x128xi32, #tpu.memory_space<vmem>> -> memref<1x3x128xi32, #tpu.memory_space<vmem>>
    %dma_wait3A_1152 = tpu.memref_squeeze %dma_wait3A_1151 : memref<1x3x128xi32, #tpu.memory_space<vmem>> -> memref<3x128xi32, #tpu.memory_space<vmem>>
    %dma_wait3A_1153 = arith.constant 0 : i32
    %dma_wait3A_1154 = arith.constant 0 : i32
    %dma_wait3A_1155 = tpu.memref_slice %arg4[%dma_wait3A_1153, %dma_wait3A_1154] : memref<2112x128xi32, #tpu.memory_space<hbm>> -> memref<3x128xi32, #tpu.memory_space<hbm>>
    tpu.wait_dma2 semaphore(%dma_wait3A_1148 : memref<!tpu.dma_semaphore, #tpu.memory_space<semaphore_mem>>) src(%dma_wait3A_1155 : memref<3x128xi32, #tpu.memory_space<hbm>>) dst(%dma_wait3A_1152 : memref<3x128xi32, #tpu.memory_space<vmem>>)
    %dma_wait3A_1156 = arith.constant 0 : i32
    %dma_wait3A_1157 = arith.constant 0 : i32
    %dma_wait3A_1158 = arith.constant 0 : i32
    %dma_wait3A_1159 = tpu.memref_slice %arg11[%dma_wait3A_1156, %dma_wait3A_1158] : memref<4x384xf32, #tpu.memory_space<vmem>> -> memref<1x384xf32, #tpu.memory_space<vmem>>
    %dma_wait3A_1160 = tpu.memref_squeeze %dma_wait3A_1159 : memref<1x384xf32, #tpu.memory_space<vmem>> -> memref<384xf32, #tpu.memory_space<vmem>>
    %dma_wait3A_1161 = arith.constant 0 : i32
    %dma_wait3A_1162 = tpu.memref_slice %arg3[%dma_wait3A_1161] : memref<270336xf32, #tpu.memory_space<hbm>> -> memref<384xf32, #tpu.memory_space<hbm>>
    %dma_wait3A_1163 = tpu.memref_slice %arg14[%dma_wait3A_1157] : memref<4x!tpu.dma_semaphore, #tpu.memory_space<semaphore_mem>> -> memref<1x!tpu.dma_semaphore, #tpu.memory_space<semaphore_mem>>
    %dma_wait3A_1164 = tpu.memref_squeeze %dma_wait3A_1163 : memref<1x!tpu.dma_semaphore, #tpu.memory_space<semaphore_mem>> -> memref<!tpu.dma_semaphore, #tpu.memory_space<semaphore_mem>>
    %dma_wait3A_1165 = arith.constant 0 : i32
    %dma_wait3A_1166 = tpu.memref_slice %arg11[%dma_wait3A_1156, %dma_wait3A_1165] : memref<4x384xf32, #tpu.memory_space<vmem>> -> memref<1x384xf32, #tpu.memory_space<vmem>>
    %dma_wait3A_1167 = tpu.memref_squeeze %dma_wait3A_1166 : memref<1x384xf32, #tpu.memory_space<vmem>> -> memref<384xf32, #tpu.memory_space<vmem>>
    %dma_wait3A_1168 = arith.constant 0 : i32
    %dma_wait3A_1169 = tpu.memref_slice %arg3[%dma_wait3A_1168] : memref<270336xf32, #tpu.memory_space<hbm>> -> memref<384xf32, #tpu.memory_space<hbm>>
    tpu.wait_dma2 semaphore(%dma_wait3A_1164 : memref<!tpu.dma_semaphore, #tpu.memory_space<semaphore_mem>>) src(%dma_wait3A_1169 : memref<384xf32, #tpu.memory_space<hbm>>) dst(%dma_wait3A_1167 : memref<384xf32, #tpu.memory_space<vmem>>)
    %dma_start3A_1170 = arith.constant 0 : i32
    %dma_start3A_1171 = arith.constant 0 : i32
    %dma_start3A_1172 = arith.constant 0 : i32
    %dma_start3A_1173 = arith.constant 0 : i32
    %dma_start3A_1174 = arith.constant 0 : i32
    %dma_start3A_1175 = arith.constant 0 : i32
    %dma_start3A_1176 = tpu.memref_slice %arg12[%dma_start3A_1172, %dma_start3A_1174, %dma_start3A_1175] : memref<4x384x32xf32, #tpu.memory_space<vmem>> -> memref<1x128x32xf32, #tpu.memory_space<vmem>>
    %dma_start3A_1177 = tpu.memref_squeeze %dma_start3A_1176 : memref<1x128x32xf32, #tpu.memory_space<vmem>> -> memref<128x32xf32, #tpu.memory_space<vmem>>
    %dma_start3A_1178 = arith.constant 0 : i32
    %dma_start3A_1179 = tpu.memref_slice %arg9[%dma_start3A_1170, %dma_start3A_1171, %dma_start3A_1178] : memref<4x3x128xi32, #tpu.memory_space<vmem>> -> memref<1x1x128xi32, #tpu.memory_space<vmem>>
    %dma_start3A_1180 = tpu.memref_squeeze %dma_start3A_1179 : memref<1x1x128xi32, #tpu.memory_space<vmem>> -> memref<128xi32, #tpu.memory_space<vmem>>
    %dma_start3A_1181 = arith.constant 0 : i32
    %dma_start3A_1182 = arith.constant 0 : i32
    %dma_start3A_1183 = tpu.memref_slice %arg7[%dma_start3A_1181, %dma_start3A_1182] : memref<16384x32xf32, #tpu.memory_space<vmem_shared>> -> memref<16384x32xf32, #tpu.memory_space<vmem_shared>>
    %dma_start3A_1184 = tpu.memref_slice %arg15[%dma_start3A_1173] : memref<4x!tpu.dma_semaphore, #tpu.memory_space<semaphore_mem>> -> memref<1x!tpu.dma_semaphore, #tpu.memory_space<semaphore_mem>>
    %dma_start3A_1185 = tpu.memref_squeeze %dma_start3A_1184 : memref<1x!tpu.dma_semaphore, #tpu.memory_space<semaphore_mem>> -> memref<!tpu.dma_semaphore, #tpu.memory_space<semaphore_mem>>
    tpu.enqueue_indirect_dma source(%dma_start3A_1183 : memref<16384x32xf32, #tpu.memory_space<vmem_shared>>) target(%dma_start3A_1177 : memref<128x32xf32, #tpu.memory_space<vmem>>) offsets(%dma_start3A_1180 : memref<128xi32, #tpu.memory_space<vmem>>) semaphore(%dma_start3A_1185 : memref<!tpu.dma_semaphore, #tpu.memory_space<semaphore_mem>>)
    %dma_start3A_1186 = arith.constant 0 : i32
    %dma_start3A_1187 = arith.constant 1 : i32
    %dma_start3A_1188 = arith.constant 0 : i32
    %dma_start3A_1189 = arith.constant 0 : i32
    %dma_start3A_1190 = arith.constant 128 : i32
    %dma_start3A_1191 = arith.constant 0 : i32
    %dma_start3A_1192 = tpu.memref_slice %arg12[%dma_start3A_1188, %dma_start3A_1190, %dma_start3A_1191] : memref<4x384x32xf32, #tpu.memory_space<vmem>> -> memref<1x128x32xf32, #tpu.memory_space<vmem>>
    %dma_start3A_1193 = tpu.memref_squeeze %dma_start3A_1192 : memref<1x128x32xf32, #tpu.memory_space<vmem>> -> memref<128x32xf32, #tpu.memory_space<vmem>>
    %dma_start3A_1194 = arith.constant 0 : i32
    %dma_start3A_1195 = tpu.memref_slice %arg9[%dma_start3A_1186, %dma_start3A_1187, %dma_start3A_1194] : memref<4x3x128xi32, #tpu.memory_space<vmem>> -> memref<1x1x128xi32, #tpu.memory_space<vmem>>
    %dma_start3A_1196 = tpu.memref_squeeze %dma_start3A_1195 : memref<1x1x128xi32, #tpu.memory_space<vmem>> -> memref<128xi32, #tpu.memory_space<vmem>>
    %dma_start3A_1197 = arith.constant 0 : i32
    %dma_start3A_1198 = arith.constant 0 : i32
    %dma_start3A_1199 = tpu.memref_slice %arg7[%dma_start3A_1197, %dma_start3A_1198] : memref<16384x32xf32, #tpu.memory_space<vmem_shared>> -> memref<16384x32xf32, #tpu.memory_space<vmem_shared>>
    %dma_start3A_1200 = tpu.memref_slice %arg15[%dma_start3A_1189] : memref<4x!tpu.dma_semaphore, #tpu.memory_space<semaphore_mem>> -> memref<1x!tpu.dma_semaphore, #tpu.memory_space<semaphore_mem>>
    %dma_start3A_1201 = tpu.memref_squeeze %dma_start3A_1200 : memref<1x!tpu.dma_semaphore, #tpu.memory_space<semaphore_mem>> -> memref<!tpu.dma_semaphore, #tpu.memory_space<semaphore_mem>>
    tpu.enqueue_indirect_dma source(%dma_start3A_1199 : memref<16384x32xf32, #tpu.memory_space<vmem_shared>>) target(%dma_start3A_1193 : memref<128x32xf32, #tpu.memory_space<vmem>>) offsets(%dma_start3A_1196 : memref<128xi32, #tpu.memory_space<vmem>>) semaphore(%dma_start3A_1201 : memref<!tpu.dma_semaphore, #tpu.memory_space<semaphore_mem>>)
    %dma_start3A_1202 = arith.constant 0 : i32
    %dma_start3A_1203 = arith.constant 2 : i32
    %dma_start3A_1204 = arith.constant 0 : i32
    %dma_start3A_1205 = arith.constant 0 : i32
    %dma_start3A_1206 = arith.constant 256 : i32
    %dma_start3A_1207 = arith.constant 0 : i32
    %dma_start3A_1208 = tpu.memref_slice %arg12[%dma_start3A_1204, %dma_start3A_1206, %dma_start3A_1207] : memref<4x384x32xf32, #tpu.memory_space<vmem>> -> memref<1x128x32xf32, #tpu.memory_space<vmem>>
    %dma_start3A_1209 = tpu.memref_squeeze %dma_start3A_1208 : memref<1x128x32xf32, #tpu.memory_space<vmem>> -> memref<128x32xf32, #tpu.memory_space<vmem>>
    %dma_start3A_1210 = arith.constant 0 : i32
    %dma_start3A_1211 = tpu.memref_slice %arg9[%dma_start3A_1202, %dma_start3A_1203, %dma_start3A_1210] : memref<4x3x128xi32, #tpu.memory_space<vmem>> -> memref<1x1x128xi32, #tpu.memory_space<vmem>>
    %dma_start3A_1212 = tpu.memref_squeeze %dma_start3A_1211 : memref<1x1x128xi32, #tpu.memory_space<vmem>> -> memref<128xi32, #tpu.memory_space<vmem>>
    %dma_start3A_1213 = arith.constant 0 : i32
    %dma_start3A_1214 = arith.constant 0 : i32
    %dma_start3A_1215 = tpu.memref_slice %arg7[%dma_start3A_1213, %dma_start3A_1214] : memref<16384x32xf32, #tpu.memory_space<vmem_shared>> -> memref<16384x32xf32, #tpu.memory_space<vmem_shared>>
    %dma_start3A_1216 = tpu.memref_slice %arg15[%dma_start3A_1205] : memref<4x!tpu.dma_semaphore, #tpu.memory_space<semaphore_mem>> -> memref<1x!tpu.dma_semaphore, #tpu.memory_space<semaphore_mem>>
    %dma_start3A_1217 = tpu.memref_squeeze %dma_start3A_1216 : memref<1x!tpu.dma_semaphore, #tpu.memory_space<semaphore_mem>> -> memref<!tpu.dma_semaphore, #tpu.memory_space<semaphore_mem>>
    tpu.enqueue_indirect_dma source(%dma_start3A_1215 : memref<16384x32xf32, #tpu.memory_space<vmem_shared>>) target(%dma_start3A_1209 : memref<128x32xf32, #tpu.memory_space<vmem>>) offsets(%dma_start3A_1212 : memref<128xi32, #tpu.memory_space<vmem>>) semaphore(%dma_start3A_1217 : memref<!tpu.dma_semaphore, #tpu.memory_space<semaphore_mem>>)
    %dma_wait3A_1218 = arith.constant 3 : i32
    %dma_wait3A_1219 = arith.constant 0 : i32
    %dma_wait3A_1220 = arith.constant 3 : i32
    %dma_wait3A_1221 = arith.constant 3 : i32
    %dma_wait3A_1222 = arith.constant 0 : i32
    %dma_wait3A_1223 = arith.constant 0 : i32
    %dma_wait3A_1224 = tpu.memref_slice %arg12[%dma_wait3A_1220, %dma_wait3A_1222, %dma_wait3A_1223] : memref<4x384x32xf32, #tpu.memory_space<vmem>> -> memref<1x128x32xf32, #tpu.memory_space<vmem>>
    %dma_wait3A_1225 = tpu.memref_squeeze %dma_wait3A_1224 : memref<1x128x32xf32, #tpu.memory_space<vmem>> -> memref<128x32xf32, #tpu.memory_space<vmem>>
    %dma_wait3A_1226 = arith.constant 0 : i32
    %dma_wait3A_1227 = tpu.memref_slice %arg9[%dma_wait3A_1218, %dma_wait3A_1219, %dma_wait3A_1226] : memref<4x3x128xi32, #tpu.memory_space<vmem>> -> memref<1x1x128xi32, #tpu.memory_space<vmem>>
    %dma_wait3A_1228 = tpu.memref_squeeze %dma_wait3A_1227 : memref<1x1x128xi32, #tpu.memory_space<vmem>> -> memref<128xi32, #tpu.memory_space<vmem>>
    %dma_wait3A_1229 = arith.constant 0 : i32
    %dma_wait3A_1230 = arith.constant 0 : i32
    %dma_wait3A_1231 = tpu.memref_slice %arg7[%dma_wait3A_1229, %dma_wait3A_1230] : memref<16384x32xf32, #tpu.memory_space<vmem_shared>> -> memref<16384x32xf32, #tpu.memory_space<vmem_shared>>
    %dma_wait3A_1232 = tpu.memref_slice %arg15[%dma_wait3A_1221] : memref<4x!tpu.dma_semaphore, #tpu.memory_space<semaphore_mem>> -> memref<1x!tpu.dma_semaphore, #tpu.memory_space<semaphore_mem>>
    %dma_wait3A_1233 = tpu.memref_squeeze %dma_wait3A_1232 : memref<1x!tpu.dma_semaphore, #tpu.memory_space<semaphore_mem>> -> memref<!tpu.dma_semaphore, #tpu.memory_space<semaphore_mem>>
    tpu.wait_indirect_dma semaphore(%dma_wait3A_1233 : memref<!tpu.dma_semaphore, #tpu.memory_space<semaphore_mem>>) src(%dma_wait3A_1231 : memref<16384x32xf32, #tpu.memory_space<vmem_shared>>) dst(%dma_wait3A_1225 : memref<128x32xf32, #tpu.memory_space<vmem>>)
    %dma_wait3A_1234 = arith.constant 3 : i32
    %dma_wait3A_1235 = arith.constant 1 : i32
    %dma_wait3A_1236 = arith.constant 3 : i32
    %dma_wait3A_1237 = arith.constant 3 : i32
    %dma_wait3A_1238 = arith.constant 128 : i32
    %dma_wait3A_1239 = arith.constant 0 : i32
    %dma_wait3A_1240 = tpu.memref_slice %arg12[%dma_wait3A_1236, %dma_wait3A_1238, %dma_wait3A_1239] : memref<4x384x32xf32, #tpu.memory_space<vmem>> -> memref<1x128x32xf32, #tpu.memory_space<vmem>>
    %dma_wait3A_1241 = tpu.memref_squeeze %dma_wait3A_1240 : memref<1x128x32xf32, #tpu.memory_space<vmem>> -> memref<128x32xf32, #tpu.memory_space<vmem>>
    %dma_wait3A_1242 = arith.constant 0 : i32
    %dma_wait3A_1243 = tpu.memref_slice %arg9[%dma_wait3A_1234, %dma_wait3A_1235, %dma_wait3A_1242] : memref<4x3x128xi32, #tpu.memory_space<vmem>> -> memref<1x1x128xi32, #tpu.memory_space<vmem>>
    %dma_wait3A_1244 = tpu.memref_squeeze %dma_wait3A_1243 : memref<1x1x128xi32, #tpu.memory_space<vmem>> -> memref<128xi32, #tpu.memory_space<vmem>>
    %dma_wait3A_1245 = arith.constant 0 : i32
    %dma_wait3A_1246 = arith.constant 0 : i32
    %dma_wait3A_1247 = tpu.memref_slice %arg7[%dma_wait3A_1245, %dma_wait3A_1246] : memref<16384x32xf32, #tpu.memory_space<vmem_shared>> -> memref<16384x32xf32, #tpu.memory_space<vmem_shared>>
    %dma_wait3A_1248 = tpu.memref_slice %arg15[%dma_wait3A_1237] : memref<4x!tpu.dma_semaphore, #tpu.memory_space<semaphore_mem>> -> memref<1x!tpu.dma_semaphore, #tpu.memory_space<semaphore_mem>>
    %dma_wait3A_1249 = tpu.memref_squeeze %dma_wait3A_1248 : memref<1x!tpu.dma_semaphore, #tpu.memory_space<semaphore_mem>> -> memref<!tpu.dma_semaphore, #tpu.memory_space<semaphore_mem>>
    tpu.wait_indirect_dma semaphore(%dma_wait3A_1249 : memref<!tpu.dma_semaphore, #tpu.memory_space<semaphore_mem>>) src(%dma_wait3A_1247 : memref<16384x32xf32, #tpu.memory_space<vmem_shared>>) dst(%dma_wait3A_1241 : memref<128x32xf32, #tpu.memory_space<vmem>>)
    %dma_wait3A_1250 = arith.constant 3 : i32
    %dma_wait3A_1251 = arith.constant 2 : i32
    %dma_wait3A_1252 = arith.constant 3 : i32
    %dma_wait3A_1253 = arith.constant 3 : i32
    %dma_wait3A_1254 = arith.constant 256 : i32
    %dma_wait3A_1255 = arith.constant 0 : i32
    %dma_wait3A_1256 = tpu.memref_slice %arg12[%dma_wait3A_1252, %dma_wait3A_1254, %dma_wait3A_1255] : memref<4x384x32xf32, #tpu.memory_space<vmem>> -> memref<1x128x32xf32, #tpu.memory_space<vmem>>
    %dma_wait3A_1257 = tpu.memref_squeeze %dma_wait3A_1256 : memref<1x128x32xf32, #tpu.memory_space<vmem>> -> memref<128x32xf32, #tpu.memory_space<vmem>>
    %dma_wait3A_1258 = arith.constant 0 : i32
    %dma_wait3A_1259 = tpu.memref_slice %arg9[%dma_wait3A_1250, %dma_wait3A_1251, %dma_wait3A_1258] : memref<4x3x128xi32, #tpu.memory_space<vmem>> -> memref<1x1x128xi32, #tpu.memory_space<vmem>>
    %dma_wait3A_1260 = tpu.memref_squeeze %dma_wait3A_1259 : memref<1x1x128xi32, #tpu.memory_space<vmem>> -> memref<128xi32, #tpu.memory_space<vmem>>
    %dma_wait3A_1261 = arith.constant 0 : i32
    %dma_wait3A_1262 = arith.constant 0 : i32
    %dma_wait3A_1263 = tpu.memref_slice %arg7[%dma_wait3A_1261, %dma_wait3A_1262] : memref<16384x32xf32, #tpu.memory_space<vmem_shared>> -> memref<16384x32xf32, #tpu.memory_space<vmem_shared>>
    %dma_wait3A_1264 = tpu.memref_slice %arg15[%dma_wait3A_1253] : memref<4x!tpu.dma_semaphore, #tpu.memory_space<semaphore_mem>> -> memref<1x!tpu.dma_semaphore, #tpu.memory_space<semaphore_mem>>
    %dma_wait3A_1265 = tpu.memref_squeeze %dma_wait3A_1264 : memref<1x!tpu.dma_semaphore, #tpu.memory_space<semaphore_mem>> -> memref<!tpu.dma_semaphore, #tpu.memory_space<semaphore_mem>>
    tpu.wait_indirect_dma semaphore(%dma_wait3A_1265 : memref<!tpu.dma_semaphore, #tpu.memory_space<semaphore_mem>>) src(%dma_wait3A_1263 : memref<16384x32xf32, #tpu.memory_space<vmem_shared>>) dst(%dma_wait3A_1257 : memref<128x32xf32, #tpu.memory_space<vmem>>)
    %parallel_loop3A_1266 = arith.constant 0 : i32
    %parallel_loop3A_1267 = arith.constant 384 : i32
    %parallel_loop3A_1268 = arith.constant 1 : i32
    scf.for %parallel_loop3A_1617 = %parallel_loop3A_1266 to %parallel_loop3A_1267 step %parallel_loop3A_1268  : i32 {
      %parallel_loop3A_1618 = vector.broadcast %parallel_loop3A_1617 : i32 to vector<16xi32>
      %parallel_loop3A_1619 = arith.constant 3 : i32
      %parallel_loop3A_1620 = arith.constant 0 : i32
      %parallel_loop3A_1621 = tpu.memref_slice %arg11[%parallel_loop3A_1619, %parallel_loop3A_1620] : memref<4x384xf32, #tpu.memory_space<vmem>> -> memref<1x384xf32, #tpu.memory_space<vmem>>
      %parallel_loop3A_1622 = tpu.memref_squeeze %parallel_loop3A_1621 : memref<1x384xf32, #tpu.memory_space<vmem>> -> memref<384xf32, #tpu.memory_space<vmem>>
      %parallel_loop3A_1623 = tpu.vector_load_idx %parallel_loop3A_1622[%parallel_loop3A_1618] : memref<384xf32, #tpu.memory_space<vmem>>[vector<16xi32>], vector<16xf32>,
      %parallel_loop3A_1624 = arith.constant 3 : i32
      %parallel_loop3A_1625 = arith.index_cast %parallel_loop3A_1624 : i32 to index
      %parallel_loop3A_1626 = arith.index_cast %parallel_loop3A_1617 : i32 to index
      %parallel_loop3A_1627 = arith.constant 0 : index
      %parallel_loop3A_1628 = tpu.vector_load %arg12[%parallel_loop3A_1625, %parallel_loop3A_1626, %parallel_loop3A_1627] {strides = array<i32>} : memref<4x384x32xf32, #tpu.memory_space<vmem>>, vector<16xf32>,
      %parallel_loop3A_1629 = arith.mulf %parallel_loop3A_1628, %parallel_loop3A_1623 : vector<16xf32>
      %parallel_loop3A_1630 = arith.constant 3 : i32
      %parallel_loop3A_1631 = arith.index_cast %parallel_loop3A_1630 : i32 to index
      %parallel_loop3A_1632 = arith.index_cast %parallel_loop3A_1617 : i32 to index
      %parallel_loop3A_1633 = arith.constant 0 : index
      %parallel_loop3A_1634 = tpu.vector_load %arg12[%parallel_loop3A_1631, %parallel_loop3A_1632, %parallel_loop3A_1633] {strides = array<i32>} : memref<4x384x32xf32, #tpu.memory_space<vmem>>, vector<16xf32>,
      tpu.vector_store %arg12[%parallel_loop3A_1631, %parallel_loop3A_1632, %parallel_loop3A_1633], %parallel_loop3A_1629 {strides = array<i32>} : memref<4x384x32xf32, #tpu.memory_space<vmem>>, vector<16xf32>,
      %parallel_loop3A_1635 = arith.constant 3 : i32
      %parallel_loop3A_1636 = arith.index_cast %parallel_loop3A_1635 : i32 to index
      %parallel_loop3A_1637 = arith.index_cast %parallel_loop3A_1617 : i32 to index
      %parallel_loop3A_1638 = arith.constant 16 : index
      %parallel_loop3A_1639 = tpu.vector_load %arg12[%parallel_loop3A_1636, %parallel_loop3A_1637, %parallel_loop3A_1638] {strides = array<i32>} : memref<4x384x32xf32, #tpu.memory_space<vmem>>, vector<16xf32>,
      %parallel_loop3A_1640 = arith.mulf %parallel_loop3A_1639, %parallel_loop3A_1623 : vector<16xf32>
      %parallel_loop3A_1641 = arith.constant 3 : i32
      %parallel_loop3A_1642 = arith.index_cast %parallel_loop3A_1641 : i32 to index
      %parallel_loop3A_1643 = arith.index_cast %parallel_loop3A_1617 : i32 to index
      %parallel_loop3A_1644 = arith.constant 16 : index
      %parallel_loop3A_1645 = tpu.vector_load %arg12[%parallel_loop3A_1642, %parallel_loop3A_1643, %parallel_loop3A_1644] {strides = array<i32>} : memref<4x384x32xf32, #tpu.memory_space<vmem>>, vector<16xf32>,
      tpu.vector_store %arg12[%parallel_loop3A_1642, %parallel_loop3A_1643, %parallel_loop3A_1644], %parallel_loop3A_1640 {strides = array<i32>} : memref<4x384x32xf32, #tpu.memory_space<vmem>>, vector<16xf32>,
    } {sc.loop_unroll_factor = 4 : i64, sc.parallel_access}
    %dma_start3A_1269 = arith.constant 3 : i32
    %dma_start3A_1270 = arith.constant 3 : i32
    %dma_start3A_1271 = arith.constant 0 : i32
    %dma_start3A_1272 = arith.constant 3 : i32
    %dma_start3A_1273 = arith.constant 0 : i32
    %dma_start3A_1274 = arith.constant 0 : i32
    %dma_start3A_1275 = tpu.memref_slice %arg12[%dma_start3A_1269, %dma_start3A_1273, %dma_start3A_1274] : memref<4x384x32xf32, #tpu.memory_space<vmem>> -> memref<1x128x32xf32, #tpu.memory_space<vmem>>
    %dma_start3A_1276 = tpu.memref_squeeze %dma_start3A_1275 : memref<1x128x32xf32, #tpu.memory_space<vmem>> -> memref<128x32xf32, #tpu.memory_space<vmem>>
    %dma_start3A_1277 = arith.constant 0 : i32
    %dma_start3A_1278 = tpu.memref_slice %arg10[%dma_start3A_1270, %dma_start3A_1271, %dma_start3A_1277] : memref<4x3x128xi32, #tpu.memory_space<vmem>> -> memref<1x1x128xi32, #tpu.memory_space<vmem>>
    %dma_start3A_1279 = tpu.memref_squeeze %dma_start3A_1278 : memref<1x1x128xi32, #tpu.memory_space<vmem>> -> memref<128xi32, #tpu.memory_space<vmem>>
    %dma_start3A_1280 = arith.constant 0 : i32
    %dma_start3A_1281 = arith.constant 0 : i32
    %dma_start3A_1282 = tpu.memref_slice %arg8[%dma_start3A_1280, %dma_start3A_1281] : memref<16384x32xf32, #tpu.memory_space<vmem_shared>> -> memref<16384x32xf32, #tpu.memory_space<vmem_shared>>
    %dma_start3A_1283 = tpu.memref_slice %arg16[%dma_start3A_1272] : memref<4x!tpu.dma_semaphore, #tpu.memory_space<semaphore_mem>> -> memref<1x!tpu.dma_semaphore, #tpu.memory_space<semaphore_mem>>
    %dma_start3A_1284 = tpu.memref_squeeze %dma_start3A_1283 : memref<1x!tpu.dma_semaphore, #tpu.memory_space<semaphore_mem>> -> memref<!tpu.dma_semaphore, #tpu.memory_space<semaphore_mem>>
    tpu.enqueue_indirect_dma source(%dma_start3A_1276 : memref<128x32xf32, #tpu.memory_space<vmem>>) target(%dma_start3A_1282 : memref<16384x32xf32, #tpu.memory_space<vmem_shared>>) offsets(%dma_start3A_1279 : memref<128xi32, #tpu.memory_space<vmem>>) semaphore(%dma_start3A_1284 : memref<!tpu.dma_semaphore, #tpu.memory_space<semaphore_mem>>) {add = true}
    %dma_start3A_1285 = arith.constant 3 : i32
    %dma_start3A_1286 = arith.constant 3 : i32
    %dma_start3A_1287 = arith.constant 1 : i32
    %dma_start3A_1288 = arith.constant 3 : i32
    %dma_start3A_1289 = arith.constant 128 : i32
    %dma_start3A_1290 = arith.constant 0 : i32
    %dma_start3A_1291 = tpu.memref_slice %arg12[%dma_start3A_1285, %dma_start3A_1289, %dma_start3A_1290] : memref<4x384x32xf32, #tpu.memory_space<vmem>> -> memref<1x128x32xf32, #tpu.memory_space<vmem>>
    %dma_start3A_1292 = tpu.memref_squeeze %dma_start3A_1291 : memref<1x128x32xf32, #tpu.memory_space<vmem>> -> memref<128x32xf32, #tpu.memory_space<vmem>>
    %dma_start3A_1293 = arith.constant 0 : i32
    %dma_start3A_1294 = tpu.memref_slice %arg10[%dma_start3A_1286, %dma_start3A_1287, %dma_start3A_1293] : memref<4x3x128xi32, #tpu.memory_space<vmem>> -> memref<1x1x128xi32, #tpu.memory_space<vmem>>
    %dma_start3A_1295 = tpu.memref_squeeze %dma_start3A_1294 : memref<1x1x128xi32, #tpu.memory_space<vmem>> -> memref<128xi32, #tpu.memory_space<vmem>>
    %dma_start3A_1296 = arith.constant 0 : i32
    %dma_start3A_1297 = arith.constant 0 : i32
    %dma_start3A_1298 = tpu.memref_slice %arg8[%dma_start3A_1296, %dma_start3A_1297] : memref<16384x32xf32, #tpu.memory_space<vmem_shared>> -> memref<16384x32xf32, #tpu.memory_space<vmem_shared>>
    %dma_start3A_1299 = tpu.memref_slice %arg16[%dma_start3A_1288] : memref<4x!tpu.dma_semaphore, #tpu.memory_space<semaphore_mem>> -> memref<1x!tpu.dma_semaphore, #tpu.memory_space<semaphore_mem>>
    %dma_start3A_1300 = tpu.memref_squeeze %dma_start3A_1299 : memref<1x!tpu.dma_semaphore, #tpu.memory_space<semaphore_mem>> -> memref<!tpu.dma_semaphore, #tpu.memory_space<semaphore_mem>>
    tpu.enqueue_indirect_dma source(%dma_start3A_1292 : memref<128x32xf32, #tpu.memory_space<vmem>>) target(%dma_start3A_1298 : memref<16384x32xf32, #tpu.memory_space<vmem_shared>>) offsets(%dma_start3A_1295 : memref<128xi32, #tpu.memory_space<vmem>>) semaphore(%dma_start3A_1300 : memref<!tpu.dma_semaphore, #tpu.memory_space<semaphore_mem>>) {add = true}
    %dma_start3A_1301 = arith.constant 3 : i32
    %dma_start3A_1302 = arith.constant 3 : i32
    %dma_start3A_1303 = arith.constant 2 : i32
    %dma_start3A_1304 = arith.constant 3 : i32
    %dma_start3A_1305 = arith.constant 256 : i32
    %dma_start3A_1306 = arith.constant 0 : i32
    %dma_start3A_1307 = tpu.memref_slice %arg12[%dma_start3A_1301, %dma_start3A_1305, %dma_start3A_1306] : memref<4x384x32xf32, #tpu.memory_space<vmem>> -> memref<1x128x32xf32, #tpu.memory_space<vmem>>
    %dma_start3A_1308 = tpu.memref_squeeze %dma_start3A_1307 : memref<1x128x32xf32, #tpu.memory_space<vmem>> -> memref<128x32xf32, #tpu.memory_space<vmem>>
    %dma_start3A_1309 = arith.constant 0 : i32
    %dma_start3A_1310 = tpu.memref_slice %arg10[%dma_start3A_1302, %dma_start3A_1303, %dma_start3A_1309] : memref<4x3x128xi32, #tpu.memory_space<vmem>> -> memref<1x1x128xi32, #tpu.memory_space<vmem>>
    %dma_start3A_1311 = tpu.memref_squeeze %dma_start3A_1310 : memref<1x1x128xi32, #tpu.memory_space<vmem>> -> memref<128xi32, #tpu.memory_space<vmem>>
    %dma_start3A_1312 = arith.constant 0 : i32
    %dma_start3A_1313 = arith.constant 0 : i32
    %dma_start3A_1314 = tpu.memref_slice %arg8[%dma_start3A_1312, %dma_start3A_1313] : memref<16384x32xf32, #tpu.memory_space<vmem_shared>> -> memref<16384x32xf32, #tpu.memory_space<vmem_shared>>
    %dma_start3A_1315 = tpu.memref_slice %arg16[%dma_start3A_1304] : memref<4x!tpu.dma_semaphore, #tpu.memory_space<semaphore_mem>> -> memref<1x!tpu.dma_semaphore, #tpu.memory_space<semaphore_mem>>
    %dma_start3A_1316 = tpu.memref_squeeze %dma_start3A_1315 : memref<1x!tpu.dma_semaphore, #tpu.memory_space<semaphore_mem>> -> memref<!tpu.dma_semaphore, #tpu.memory_space<semaphore_mem>>
    tpu.enqueue_indirect_dma source(%dma_start3A_1308 : memref<128x32xf32, #tpu.memory_space<vmem>>) target(%dma_start3A_1314 : memref<16384x32xf32, #tpu.memory_space<vmem_shared>>) offsets(%dma_start3A_1311 : memref<128xi32, #tpu.memory_space<vmem>>) semaphore(%dma_start3A_1316 : memref<!tpu.dma_semaphore, #tpu.memory_space<semaphore_mem>>) {add = true}
    %dma_wait3A_1317 = arith.constant 1 : i32
    %dma_wait3A_1318 = arith.constant 1 : i32
    %dma_wait3A_1319 = arith.constant 0 : i32
    %dma_wait3A_1320 = arith.constant 1 : i32
    %dma_wait3A_1321 = arith.constant 0 : i32
    %dma_wait3A_1322 = arith.constant 0 : i32
    %dma_wait3A_1323 = tpu.memref_slice %arg12[%dma_wait3A_1317, %dma_wait3A_1321, %dma_wait3A_1322] : memref<4x384x32xf32, #tpu.memory_space<vmem>> -> memref<1x128x32xf32, #tpu.memory_space<vmem>>
    %dma_wait3A_1324 = tpu.memref_squeeze %dma_wait3A_1323 : memref<1x128x32xf32, #tpu.memory_space<vmem>> -> memref<128x32xf32, #tpu.memory_space<vmem>>
    %dma_wait3A_1325 = arith.constant 0 : i32
    %dma_wait3A_1326 = tpu.memref_slice %arg10[%dma_wait3A_1318, %dma_wait3A_1319, %dma_wait3A_1325] : memref<4x3x128xi32, #tpu.memory_space<vmem>> -> memref<1x1x128xi32, #tpu.memory_space<vmem>>
    %dma_wait3A_1327 = tpu.memref_squeeze %dma_wait3A_1326 : memref<1x1x128xi32, #tpu.memory_space<vmem>> -> memref<128xi32, #tpu.memory_space<vmem>>
    %dma_wait3A_1328 = arith.constant 0 : i32
    %dma_wait3A_1329 = arith.constant 0 : i32
    %dma_wait3A_1330 = tpu.memref_slice %arg8[%dma_wait3A_1328, %dma_wait3A_1329] : memref<16384x32xf32, #tpu.memory_space<vmem_shared>> -> memref<16384x32xf32, #tpu.memory_space<vmem_shared>>
    %dma_wait3A_1331 = tpu.memref_slice %arg16[%dma_wait3A_1320] : memref<4x!tpu.dma_semaphore, #tpu.memory_space<semaphore_mem>> -> memref<1x!tpu.dma_semaphore, #tpu.memory_space<semaphore_mem>>
    %dma_wait3A_1332 = tpu.memref_squeeze %dma_wait3A_1331 : memref<1x!tpu.dma_semaphore, #tpu.memory_space<semaphore_mem>> -> memref<!tpu.dma_semaphore, #tpu.memory_space<semaphore_mem>>
    tpu.wait_indirect_dma semaphore(%dma_wait3A_1332 : memref<!tpu.dma_semaphore, #tpu.memory_space<semaphore_mem>>) src(%dma_wait3A_1324 : memref<128x32xf32, #tpu.memory_space<vmem>>) dst(%dma_wait3A_1330 : memref<16384x32xf32, #tpu.memory_space<vmem_shared>>)
    %dma_wait3A_1333 = arith.constant 1 : i32
    %dma_wait3A_1334 = arith.constant 1 : i32
    %dma_wait3A_1335 = arith.constant 1 : i32
    %dma_wait3A_1336 = arith.constant 1 : i32
    %dma_wait3A_1337 = arith.constant 128 : i32
    %dma_wait3A_1338 = arith.constant 0 : i32
    %dma_wait3A_1339 = tpu.memref_slice %arg12[%dma_wait3A_1333, %dma_wait3A_1337, %dma_wait3A_1338] : memref<4x384x32xf32, #tpu.memory_space<vmem>> -> memref<1x128x32xf32, #tpu.memory_space<vmem>>
    %dma_wait3A_1340 = tpu.memref_squeeze %dma_wait3A_1339 : memref<1x128x32xf32, #tpu.memory_space<vmem>> -> memref<128x32xf32, #tpu.memory_space<vmem>>
    %dma_wait3A_1341 = arith.constant 0 : i32
    %dma_wait3A_1342 = tpu.memref_slice %arg10[%dma_wait3A_1334, %dma_wait3A_1335, %dma_wait3A_1341] : memref<4x3x128xi32, #tpu.memory_space<vmem>> -> memref<1x1x128xi32, #tpu.memory_space<vmem>>
    %dma_wait3A_1343 = tpu.memref_squeeze %dma_wait3A_1342 : memref<1x1x128xi32, #tpu.memory_space<vmem>> -> memref<128xi32, #tpu.memory_space<vmem>>
    %dma_wait3A_1344 = arith.constant 0 : i32
    %dma_wait3A_1345 = arith.constant 0 : i32
    %dma_wait3A_1346 = tpu.memref_slice %arg8[%dma_wait3A_1344, %dma_wait3A_1345] : memref<16384x32xf32, #tpu.memory_space<vmem_shared>> -> memref<16384x32xf32, #tpu.memory_space<vmem_shared>>
    %dma_wait3A_1347 = tpu.memref_slice %arg16[%dma_wait3A_1336] : memref<4x!tpu.dma_semaphore, #tpu.memory_space<semaphore_mem>> -> memref<1x!tpu.dma_semaphore, #tpu.memory_space<semaphore_mem>>
    %dma_wait3A_1348 = tpu.memref_squeeze %dma_wait3A_1347 : memref<1x!tpu.dma_semaphore, #tpu.memory_space<semaphore_mem>> -> memref<!tpu.dma_semaphore, #tpu.memory_space<semaphore_mem>>
    tpu.wait_indirect_dma semaphore(%dma_wait3A_1348 : memref<!tpu.dma_semaphore, #tpu.memory_space<semaphore_mem>>) src(%dma_wait3A_1340 : memref<128x32xf32, #tpu.memory_space<vmem>>) dst(%dma_wait3A_1346 : memref<16384x32xf32, #tpu.memory_space<vmem_shared>>)
    %dma_wait3A_1349 = arith.constant 1 : i32
    %dma_wait3A_1350 = arith.constant 1 : i32
    %dma_wait3A_1351 = arith.constant 2 : i32
    %dma_wait3A_1352 = arith.constant 1 : i32
    %dma_wait3A_1353 = arith.constant 256 : i32
    %dma_wait3A_1354 = arith.constant 0 : i32
    %dma_wait3A_1355 = tpu.memref_slice %arg12[%dma_wait3A_1349, %dma_wait3A_1353, %dma_wait3A_1354] : memref<4x384x32xf32, #tpu.memory_space<vmem>> -> memref<1x128x32xf32, #tpu.memory_space<vmem>>
    %dma_wait3A_1356 = tpu.memref_squeeze %dma_wait3A_1355 : memref<1x128x32xf32, #tpu.memory_space<vmem>> -> memref<128x32xf32, #tpu.memory_space<vmem>>
    %dma_wait3A_1357 = arith.constant 0 : i32
    %dma_wait3A_1358 = tpu.memref_slice %arg10[%dma_wait3A_1350, %dma_wait3A_1351, %dma_wait3A_1357] : memref<4x3x128xi32, #tpu.memory_space<vmem>> -> memref<1x1x128xi32, #tpu.memory_space<vmem>>
    %dma_wait3A_1359 = tpu.memref_squeeze %dma_wait3A_1358 : memref<1x1x128xi32, #tpu.memory_space<vmem>> -> memref<128xi32, #tpu.memory_space<vmem>>
    %dma_wait3A_1360 = arith.constant 0 : i32
    %dma_wait3A_1361 = arith.constant 0 : i32
    %dma_wait3A_1362 = tpu.memref_slice %arg8[%dma_wait3A_1360, %dma_wait3A_1361] : memref<16384x32xf32, #tpu.memory_space<vmem_shared>> -> memref<16384x32xf32, #tpu.memory_space<vmem_shared>>
    %dma_wait3A_1363 = tpu.memref_slice %arg16[%dma_wait3A_1352] : memref<4x!tpu.dma_semaphore, #tpu.memory_space<semaphore_mem>> -> memref<1x!tpu.dma_semaphore, #tpu.memory_space<semaphore_mem>>
    %dma_wait3A_1364 = tpu.memref_squeeze %dma_wait3A_1363 : memref<1x!tpu.dma_semaphore, #tpu.memory_space<semaphore_mem>> -> memref<!tpu.dma_semaphore, #tpu.memory_space<semaphore_mem>>
    tpu.wait_indirect_dma semaphore(%dma_wait3A_1364 : memref<!tpu.dma_semaphore, #tpu.memory_space<semaphore_mem>>) src(%dma_wait3A_1356 : memref<128x32xf32, #tpu.memory_space<vmem>>) dst(%dma_wait3A_1362 : memref<16384x32xf32, #tpu.memory_space<vmem_shared>>)
    %add3A_1365 = arith.constant 15 : i32
    %add3A_1366 = arith.addi %mul3A_143, %add3A_1365 : i32
    %dma_start3A_1367 = arith.constant 1 : i32
    %dma_start3A_1368 = arith.constant 1 : i32
    %dma_start3A_1369 = arith.constant 0 : i32
    %dma_start3A_1370 = arith.constant 0 : i32
    %dma_start3A_1371 = tpu.memref_slice %arg9[%dma_start3A_1367, %dma_start3A_1369, %dma_start3A_1370] : memref<4x3x128xi32, #tpu.memory_space<vmem>> -> memref<1x3x128xi32, #tpu.memory_space<vmem>>
    %dma_start3A_1372 = tpu.memref_squeeze %dma_start3A_1371 : memref<1x3x128xi32, #tpu.memory_space<vmem>> -> memref<3x128xi32, #tpu.memory_space<vmem>>
    %dma_start3A_1373 = arith.constant 0 : i32
    %dma_start3A_1374 = tpu.memref_slice %arg5[%add3A_1366, %dma_start3A_1373] : memref<2112x128xi32, #tpu.memory_space<hbm>> -> memref<3x128xi32, #tpu.memory_space<hbm>>
    %dma_start3A_1375 = tpu.memref_slice %arg14[%dma_start3A_1368] : memref<4x!tpu.dma_semaphore, #tpu.memory_space<semaphore_mem>> -> memref<1x!tpu.dma_semaphore, #tpu.memory_space<semaphore_mem>>
    %dma_start3A_1376 = tpu.memref_squeeze %dma_start3A_1375 : memref<1x!tpu.dma_semaphore, #tpu.memory_space<semaphore_mem>> -> memref<!tpu.dma_semaphore, #tpu.memory_space<semaphore_mem>>
    %dma_start3A_1377 = arith.constant 0 : i32
    %dma_start3A_1378 = arith.constant 0 : i32
    %dma_start3A_1379 = tpu.memref_slice %arg9[%dma_start3A_1367, %dma_start3A_1377, %dma_start3A_1378] : memref<4x3x128xi32, #tpu.memory_space<vmem>> -> memref<1x3x128xi32, #tpu.memory_space<vmem>>
    %dma_start3A_1380 = tpu.memref_squeeze %dma_start3A_1379 : memref<1x3x128xi32, #tpu.memory_space<vmem>> -> memref<3x128xi32, #tpu.memory_space<vmem>>
    %dma_start3A_1381 = arith.constant 0 : i32
    %dma_start3A_1382 = tpu.memref_slice %arg5[%add3A_1366, %dma_start3A_1381] : memref<2112x128xi32, #tpu.memory_space<hbm>> -> memref<3x128xi32, #tpu.memory_space<hbm>>
    tpu.enqueue_dma source(%dma_start3A_1382 : memref<3x128xi32, #tpu.memory_space<hbm>>) target(%dma_start3A_1380 : memref<3x128xi32, #tpu.memory_space<vmem>>) target_semaphore(%dma_start3A_1376 : memref<!tpu.dma_semaphore, #tpu.memory_space<semaphore_mem>>)
    %dma_start3A_1383 = arith.constant 1 : i32
    %dma_start3A_1384 = arith.constant 1 : i32
    %dma_start3A_1385 = arith.constant 0 : i32
    %dma_start3A_1386 = arith.constant 0 : i32
    %dma_start3A_1387 = tpu.memref_slice %arg10[%dma_start3A_1383, %dma_start3A_1385, %dma_start3A_1386] : memref<4x3x128xi32, #tpu.memory_space<vmem>> -> memref<1x3x128xi32, #tpu.memory_space<vmem>>
    %dma_start3A_1388 = tpu.memref_squeeze %dma_start3A_1387 : memref<1x3x128xi32, #tpu.memory_space<vmem>> -> memref<3x128xi32, #tpu.memory_space<vmem>>
    %dma_start3A_1389 = arith.constant 0 : i32
    %dma_start3A_1390 = tpu.memref_slice %arg4[%add3A_1366, %dma_start3A_1389] : memref<2112x128xi32, #tpu.memory_space<hbm>> -> memref<3x128xi32, #tpu.memory_space<hbm>>
    %dma_start3A_1391 = tpu.memref_slice %arg14[%dma_start3A_1384] : memref<4x!tpu.dma_semaphore, #tpu.memory_space<semaphore_mem>> -> memref<1x!tpu.dma_semaphore, #tpu.memory_space<semaphore_mem>>
    %dma_start3A_1392 = tpu.memref_squeeze %dma_start3A_1391 : memref<1x!tpu.dma_semaphore, #tpu.memory_space<semaphore_mem>> -> memref<!tpu.dma_semaphore, #tpu.memory_space<semaphore_mem>>
    %dma_start3A_1393 = arith.constant 0 : i32
    %dma_start3A_1394 = arith.constant 0 : i32
    %dma_start3A_1395 = tpu.memref_slice %arg10[%dma_start3A_1383, %dma_start3A_1393, %dma_start3A_1394] : memref<4x3x128xi32, #tpu.memory_space<vmem>> -> memref<1x3x128xi32, #tpu.memory_space<vmem>>
    %dma_start3A_1396 = tpu.memref_squeeze %dma_start3A_1395 : memref<1x3x128xi32, #tpu.memory_space<vmem>> -> memref<3x128xi32, #tpu.memory_space<vmem>>
    %dma_start3A_1397 = arith.constant 0 : i32
    %dma_start3A_1398 = tpu.memref_slice %arg4[%add3A_1366, %dma_start3A_1397] : memref<2112x128xi32, #tpu.memory_space<hbm>> -> memref<3x128xi32, #tpu.memory_space<hbm>>
    tpu.enqueue_dma source(%dma_start3A_1398 : memref<3x128xi32, #tpu.memory_space<hbm>>) target(%dma_start3A_1396 : memref<3x128xi32, #tpu.memory_space<vmem>>) target_semaphore(%dma_start3A_1392 : memref<!tpu.dma_semaphore, #tpu.memory_space<semaphore_mem>>)
    %mul3A_1399 = arith.constant 128 : i32
    %mul3A_1400 = arith.muli %add3A_1366, %mul3A_1399 : i32
    %dma_start3A_1401 = arith.constant 1 : i32
    %dma_start3A_1402 = arith.constant 1 : i32
    %dma_start3A_1403 = arith.constant 0 : i32
    %dma_start3A_1404 = tpu.memref_slice %arg11[%dma_start3A_1401, %dma_start3A_1403] : memref<4x384xf32, #tpu.memory_space<vmem>> -> memref<1x384xf32, #tpu.memory_space<vmem>>
    %dma_start3A_1405 = tpu.memref_squeeze %dma_start3A_1404 : memref<1x384xf32, #tpu.memory_space<vmem>> -> memref<384xf32, #tpu.memory_space<vmem>>
    %dma_start3A_1406 = tpu.memref_slice %arg3[%mul3A_1400] : memref<270336xf32, #tpu.memory_space<hbm>> -> memref<384xf32, #tpu.memory_space<hbm>>
    %dma_start3A_1407 = tpu.memref_slice %arg14[%dma_start3A_1402] : memref<4x!tpu.dma_semaphore, #tpu.memory_space<semaphore_mem>> -> memref<1x!tpu.dma_semaphore, #tpu.memory_space<semaphore_mem>>
    %dma_start3A_1408 = tpu.memref_squeeze %dma_start3A_1407 : memref<1x!tpu.dma_semaphore, #tpu.memory_space<semaphore_mem>> -> memref<!tpu.dma_semaphore, #tpu.memory_space<semaphore_mem>>
    %dma_start3A_1409 = arith.constant 0 : i32
    %dma_start3A_1410 = tpu.memref_slice %arg11[%dma_start3A_1401, %dma_start3A_1409] : memref<4x384xf32, #tpu.memory_space<vmem>> -> memref<1x384xf32, #tpu.memory_space<vmem>>
    %dma_start3A_1411 = tpu.memref_squeeze %dma_start3A_1410 : memref<1x384xf32, #tpu.memory_space<vmem>> -> memref<384xf32, #tpu.memory_space<vmem>>
    %dma_start3A_1412 = tpu.memref_slice %arg3[%mul3A_1400] : memref<270336xf32, #tpu.memory_space<hbm>> -> memref<384xf32, #tpu.memory_space<hbm>>
    tpu.enqueue_dma source(%dma_start3A_1412 : memref<384xf32, #tpu.memory_space<hbm>>) target(%dma_start3A_1411 : memref<384xf32, #tpu.memory_space<vmem>>) target_semaphore(%dma_start3A_1408 : memref<!tpu.dma_semaphore, #tpu.memory_space<semaphore_mem>>)
    %scan3A_1413 = arith.constant 0 : i32
    %scan3A_1414 = arith.constant 1 : i32
    %scan3A_1415 = arith.constant 10 : i32
    %scan3A_1416 = arith.addi %scan3A_1414, %scan3A_1415 : i32
    %scan3A_1417 = arith.constant 1 : i32
    %scan3A_1418 = scf.for %scan3A_1617 = %scan3A_1414 to %scan3A_1416 step %scan3A_1417 iter_args(%scan3A_1618 = %scan3A_1413) -> (i32)  : i32 {
      %mul3A_1619 = arith.constant 4 : i32
      %mul3A_1620 = arith.muli %scan3A_1617, %mul3A_1619 : i32
      %add3A_1621 = arith.constant 0 : i32
      %add3A_1622 = arith.addi %mul3A_1620, %add3A_1621 : i32
      %dma_wait3A_1623 = arith.constant 1 : i32
      %dma_wait3A_1624 = arith.constant 1 : i32
      %dma_wait3A_1625 = arith.constant 0 : i32
      %dma_wait3A_1626 = arith.constant 0 : i32
      %dma_wait3A_1627 = tpu.memref_slice %arg9[%dma_wait3A_1623, %dma_wait3A_1625, %dma_wait3A_1626] : memref<4x3x128xi32, #tpu.memory_space<vmem>> -> memref<1x3x128xi32, #tpu.memory_space<vmem>>
      %dma_wait3A_1628 = tpu.memref_squeeze %dma_wait3A_1627 : memref<1x3x128xi32, #tpu.memory_space<vmem>> -> memref<3x128xi32, #tpu.memory_space<vmem>>
      %dma_wait3A_1629 = arith.constant 0 : i32
      %dma_wait3A_1630 = arith.constant 0 : i32
      %dma_wait3A_1631 = tpu.memref_slice %arg5[%dma_wait3A_1629, %dma_wait3A_1630] : memref<2112x128xi32, #tpu.memory_space<hbm>> -> memref<3x128xi32, #tpu.memory_space<hbm>>
      %dma_wait3A_1632 = tpu.memref_slice %arg14[%dma_wait3A_1624] : memref<4x!tpu.dma_semaphore, #tpu.memory_space<semaphore_mem>> -> memref<1x!tpu.dma_semaphore, #tpu.memory_space<semaphore_mem>>
      %dma_wait3A_1633 = tpu.memref_squeeze %dma_wait3A_1632 : memref<1x!tpu.dma_semaphore, #tpu.memory_space<semaphore_mem>> -> memref<!tpu.dma_semaphore, #tpu.memory_space<semaphore_mem>>
      %dma_wait3A_1634 = arith.constant 0 : i32
      %dma_wait3A_1635 = arith.constant 0 : i32
      %dma_wait3A_1636 = tpu.memref_slice %arg9[%dma_wait3A_1623, %dma_wait3A_1634, %dma_wait3A_1635] : memref<4x3x128xi32, #tpu.memory_space<vmem>> -> memref<1x3x128xi32, #tpu.memory_space<vmem>>
      %dma_wait3A_1637 = tpu.memref_squeeze %dma_wait3A_1636 : memref<1x3x128xi32, #tpu.memory_space<vmem>> -> memref<3x128xi32, #tpu.memory_space<vmem>>
      %dma_wait3A_1638 = arith.constant 0 : i32
      %dma_wait3A_1639 = arith.constant 0 : i32
      %dma_wait3A_1640 = tpu.memref_slice %arg5[%dma_wait3A_1638, %dma_wait3A_1639] : memref<2112x128xi32, #tpu.memory_space<hbm>> -> memref<3x128xi32, #tpu.memory_space<hbm>>
      tpu.wait_dma2 semaphore(%dma_wait3A_1633 : memref<!tpu.dma_semaphore, #tpu.memory_space<semaphore_mem>>) src(%dma_wait3A_1640 : memref<3x128xi32, #tpu.memory_space<hbm>>) dst(%dma_wait3A_1637 : memref<3x128xi32, #tpu.memory_space<vmem>>)
      %dma_wait3A_1641 = arith.constant 1 : i32
      %dma_wait3A_1642 = arith.constant 1 : i32
      %dma_wait3A_1643 = arith.constant 0 : i32
      %dma_wait3A_1644 = arith.constant 0 : i32
      %dma_wait3A_1645 = tpu.memref_slice %arg10[%dma_wait3A_1641, %dma_wait3A_1643, %dma_wait3A_1644] : memref<4x3x128xi32, #tpu.memory_space<vmem>> -> memref<1x3x128xi32, #tpu.memory_space<vmem>>
      %dma_wait3A_1646 = tpu.memref_squeeze %dma_wait3A_1645 : memref<1x3x128xi32, #tpu.memory_space<vmem>> -> memref<3x128xi32, #tpu.memory_space<vmem>>
      %dma_wait3A_1647 = arith.constant 0 : i32
      %dma_wait3A_1648 = arith.constant 0 : i32
      %dma_wait3A_1649 = tpu.memref_slice %arg4[%dma_wait3A_1647, %dma_wait3A_1648] : memref<2112x128xi32, #tpu.memory_space<hbm>> -> memref<3x128xi32, #tpu.memory_space<hbm>>
      %dma_wait3A_1650 = tpu.memref_slice %arg14[%dma_wait3A_1642] : memref<4x!tpu.dma_semaphore, #tpu.memory_space<semaphore_mem>> -> memref<1x!tpu.dma_semaphore, #tpu.memory_space<semaphore_mem>>
      %dma_wait3A_1651 = tpu.memref_squeeze %dma_wait3A_1650 : memref<1x!tpu.dma_semaphore, #tpu.memory_space<semaphore_mem>> -> memref<!tpu.dma_semaphore, #tpu.memory_space<semaphore_mem>>
      %dma_wait3A_1652 = arith.constant 0 : i32
      %dma_wait3A_1653 = arith.constant 0 : i32
      %dma_wait3A_1654 = tpu.memref_slice %arg10[%dma_wait3A_1641, %dma_wait3A_1652, %dma_wait3A_1653] : memref<4x3x128xi32, #tpu.memory_space<vmem>> -> memref<1x3x128xi32, #tpu.memory_space<vmem>>
      %dma_wait3A_1655 = tpu.memref_squeeze %dma_wait3A_1654 : memref<1x3x128xi32, #tpu.memory_space<vmem>> -> memref<3x128xi32, #tpu.memory_space<vmem>>
      %dma_wait3A_1656 = arith.constant 0 : i32
      %dma_wait3A_1657 = arith.constant 0 : i32
      %dma_wait3A_1658 = tpu.memref_slice %arg4[%dma_wait3A_1656, %dma_wait3A_1657] : memref<2112x128xi32, #tpu.memory_space<hbm>> -> memref<3x128xi32, #tpu.memory_space<hbm>>
      tpu.wait_dma2 semaphore(%dma_wait3A_1651 : memref<!tpu.dma_semaphore, #tpu.memory_space<semaphore_mem>>) src(%dma_wait3A_1658 : memref<3x128xi32, #tpu.memory_space<hbm>>) dst(%dma_wait3A_1655 : memref<3x128xi32, #tpu.memory_space<vmem>>)
      %dma_wait3A_1659 = arith.constant 1 : i32
      %dma_wait3A_1660 = arith.constant 1 : i32
      %dma_wait3A_1661 = arith.constant 0 : i32
      %dma_wait3A_1662 = tpu.memref_slice %arg11[%dma_wait3A_1659, %dma_wait3A_1661] : memref<4x384xf32, #tpu.memory_space<vmem>> -> memref<1x384xf32, #tpu.memory_space<vmem>>
      %dma_wait3A_1663 = tpu.memref_squeeze %dma_wait3A_1662 : memref<1x384xf32, #tpu.memory_space<vmem>> -> memref<384xf32, #tpu.memory_space<vmem>>
      %dma_wait3A_1664 = arith.constant 0 : i32
      %dma_wait3A_1665 = tpu.memref_slice %arg3[%dma_wait3A_1664] : memref<270336xf32, #tpu.memory_space<hbm>> -> memref<384xf32, #tpu.memory_space<hbm>>
      %dma_wait3A_1666 = tpu.memref_slice %arg14[%dma_wait3A_1660] : memref<4x!tpu.dma_semaphore, #tpu.memory_space<semaphore_mem>> -> memref<1x!tpu.dma_semaphore, #tpu.memory_space<semaphore_mem>>
      %dma_wait3A_1667 = tpu.memref_squeeze %dma_wait3A_1666 : memref<1x!tpu.dma_semaphore, #tpu.memory_space<semaphore_mem>> -> memref<!tpu.dma_semaphore, #tpu.memory_space<semaphore_mem>>
      %dma_wait3A_1668 = arith.constant 0 : i32
      %dma_wait3A_1669 = tpu.memref_slice %arg11[%dma_wait3A_1659, %dma_wait3A_1668] : memref<4x384xf32, #tpu.memory_space<vmem>> -> memref<1x384xf32, #tpu.memory_space<vmem>>
      %dma_wait3A_1670 = tpu.memref_squeeze %dma_wait3A_1669 : memref<1x384xf32, #tpu.memory_space<vmem>> -> memref<384xf32, #tpu.memory_space<vmem>>
      %dma_wait3A_1671 = arith.constant 0 : i32
      %dma_wait3A_1672 = tpu.memref_slice %arg3[%dma_wait3A_1671] : memref<270336xf32, #tpu.memory_space<hbm>> -> memref<384xf32, #tpu.memory_space<hbm>>
      tpu.wait_dma2 semaphore(%dma_wait3A_1667 : memref<!tpu.dma_semaphore, #tpu.memory_space<semaphore_mem>>) src(%dma_wait3A_1672 : memref<384xf32, #tpu.memory_space<hbm>>) dst(%dma_wait3A_1670 : memref<384xf32, #tpu.memory_space<vmem>>)
      %dma_start3A_1673 = arith.constant 1 : i32
      %dma_start3A_1674 = arith.constant 0 : i32
      %dma_start3A_1675 = arith.constant 1 : i32
      %dma_start3A_1676 = arith.constant 1 : i32
      %dma_start3A_1677 = arith.constant 0 : i32
      %dma_start3A_1678 = arith.constant 0 : i32
      %dma_start3A_1679 = tpu.memref_slice %arg12[%dma_start3A_1675, %dma_start3A_1677, %dma_start3A_1678] : memref<4x384x32xf32, #tpu.memory_space<vmem>> -> memref<1x128x32xf32, #tpu.memory_space<vmem>>
      %dma_start3A_1680 = tpu.memref_squeeze %dma_start3A_1679 : memref<1x128x32xf32, #tpu.memory_space<vmem>> -> memref<128x32xf32, #tpu.memory_space<vmem>>
      %dma_start3A_1681 = arith.constant 0 : i32
      %dma_start3A_1682 = tpu.memref_slice %arg9[%dma_start3A_1673, %dma_start3A_1674, %dma_start3A_1681] : memref<4x3x128xi32, #tpu.memory_space<vmem>> -> memref<1x1x128xi32, #tpu.memory_space<vmem>>
      %dma_start3A_1683 = tpu.memref_squeeze %dma_start3A_1682 : memref<1x1x128xi32, #tpu.memory_space<vmem>> -> memref<128xi32, #tpu.memory_space<vmem>>
      %dma_start3A_1684 = arith.constant 0 : i32
      %dma_start3A_1685 = arith.constant 0 : i32
      %dma_start3A_1686 = tpu.memref_slice %arg7[%dma_start3A_1684, %dma_start3A_1685] : memref<16384x32xf32, #tpu.memory_space<vmem_shared>> -> memref<16384x32xf32, #tpu.memory_space<vmem_shared>>
      %dma_start3A_1687 = tpu.memref_slice %arg15[%dma_start3A_1676] : memref<4x!tpu.dma_semaphore, #tpu.memory_space<semaphore_mem>> -> memref<1x!tpu.dma_semaphore, #tpu.memory_space<semaphore_mem>>
      %dma_start3A_1688 = tpu.memref_squeeze %dma_start3A_1687 : memref<1x!tpu.dma_semaphore, #tpu.memory_space<semaphore_mem>> -> memref<!tpu.dma_semaphore, #tpu.memory_space<semaphore_mem>>
      tpu.enqueue_indirect_dma source(%dma_start3A_1686 : memref<16384x32xf32, #tpu.memory_space<vmem_shared>>) target(%dma_start3A_1680 : memref<128x32xf32, #tpu.memory_space<vmem>>) offsets(%dma_start3A_1683 : memref<128xi32, #tpu.memory_space<vmem>>) semaphore(%dma_start3A_1688 : memref<!tpu.dma_semaphore, #tpu.memory_space<semaphore_mem>>)
      %dma_start3A_1689 = arith.constant 1 : i32
      %dma_start3A_1690 = arith.constant 1 : i32
      %dma_start3A_1691 = arith.constant 1 : i32
      %dma_start3A_1692 = arith.constant 1 : i32
      %dma_start3A_1693 = arith.constant 128 : i32
      %dma_start3A_1694 = arith.constant 0 : i32
      %dma_start3A_1695 = tpu.memref_slice %arg12[%dma_start3A_1691, %dma_start3A_1693, %dma_start3A_1694] : memref<4x384x32xf32, #tpu.memory_space<vmem>> -> memref<1x128x32xf32, #tpu.memory_space<vmem>>
      %dma_start3A_1696 = tpu.memref_squeeze %dma_start3A_1695 : memref<1x128x32xf32, #tpu.memory_space<vmem>> -> memref<128x32xf32, #tpu.memory_space<vmem>>
      %dma_start3A_1697 = arith.constant 0 : i32
      %dma_start3A_1698 = tpu.memref_slice %arg9[%dma_start3A_1689, %dma_start3A_1690, %dma_start3A_1697] : memref<4x3x128xi32, #tpu.memory_space<vmem>> -> memref<1x1x128xi32, #tpu.memory_space<vmem>>
      %dma_start3A_1699 = tpu.memref_squeeze %dma_start3A_1698 : memref<1x1x128xi32, #tpu.memory_space<vmem>> -> memref<128xi32, #tpu.memory_space<vmem>>
      %dma_start3A_1700 = arith.constant 0 : i32
      %dma_start3A_1701 = arith.constant 0 : i32
      %dma_start3A_1702 = tpu.memref_slice %arg7[%dma_start3A_1700, %dma_start3A_1701] : memref<16384x32xf32, #tpu.memory_space<vmem_shared>> -> memref<16384x32xf32, #tpu.memory_space<vmem_shared>>
      %dma_start3A_1703 = tpu.memref_slice %arg15[%dma_start3A_1692] : memref<4x!tpu.dma_semaphore, #tpu.memory_space<semaphore_mem>> -> memref<1x!tpu.dma_semaphore, #tpu.memory_space<semaphore_mem>>
      %dma_start3A_1704 = tpu.memref_squeeze %dma_start3A_1703 : memref<1x!tpu.dma_semaphore, #tpu.memory_space<semaphore_mem>> -> memref<!tpu.dma_semaphore, #tpu.memory_space<semaphore_mem>>
      tpu.enqueue_indirect_dma source(%dma_start3A_1702 : memref<16384x32xf32, #tpu.memory_space<vmem_shared>>) target(%dma_start3A_1696 : memref<128x32xf32, #tpu.memory_space<vmem>>) offsets(%dma_start3A_1699 : memref<128xi32, #tpu.memory_space<vmem>>) semaphore(%dma_start3A_1704 : memref<!tpu.dma_semaphore, #tpu.memory_space<semaphore_mem>>)
      %dma_start3A_1705 = arith.constant 1 : i32
      %dma_start3A_1706 = arith.constant 2 : i32
      %dma_start3A_1707 = arith.constant 1 : i32
      %dma_start3A_1708 = arith.constant 1 : i32
      %dma_start3A_1709 = arith.constant 256 : i32
      %dma_start3A_1710 = arith.constant 0 : i32
      %dma_start3A_1711 = tpu.memref_slice %arg12[%dma_start3A_1707, %dma_start3A_1709, %dma_start3A_1710] : memref<4x384x32xf32, #tpu.memory_space<vmem>> -> memref<1x128x32xf32, #tpu.memory_space<vmem>>
      %dma_start3A_1712 = tpu.memref_squeeze %dma_start3A_1711 : memref<1x128x32xf32, #tpu.memory_space<vmem>> -> memref<128x32xf32, #tpu.memory_space<vmem>>
      %dma_start3A_1713 = arith.constant 0 : i32
      %dma_start3A_1714 = tpu.memref_slice %arg9[%dma_start3A_1705, %dma_start3A_1706, %dma_start3A_1713] : memref<4x3x128xi32, #tpu.memory_space<vmem>> -> memref<1x1x128xi32, #tpu.memory_space<vmem>>
      %dma_start3A_1715 = tpu.memref_squeeze %dma_start3A_1714 : memref<1x1x128xi32, #tpu.memory_space<vmem>> -> memref<128xi32, #tpu.memory_space<vmem>>
      %dma_start3A_1716 = arith.constant 0 : i32
      %dma_start3A_1717 = arith.constant 0 : i32
      %dma_start3A_1718 = tpu.memref_slice %arg7[%dma_start3A_1716, %dma_start3A_1717] : memref<16384x32xf32, #tpu.memory_space<vmem_shared>> -> memref<16384x32xf32, #tpu.memory_space<vmem_shared>>
      %dma_start3A_1719 = tpu.memref_slice %arg15[%dma_start3A_1708] : memref<4x!tpu.dma_semaphore, #tpu.memory_space<semaphore_mem>> -> memref<1x!tpu.dma_semaphore, #tpu.memory_space<semaphore_mem>>
      %dma_start3A_1720 = tpu.memref_squeeze %dma_start3A_1719 : memref<1x!tpu.dma_semaphore, #tpu.memory_space<semaphore_mem>> -> memref<!tpu.dma_semaphore, #tpu.memory_space<semaphore_mem>>
      tpu.enqueue_indirect_dma source(%dma_start3A_1718 : memref<16384x32xf32, #tpu.memory_space<vmem_shared>>) target(%dma_start3A_1712 : memref<128x32xf32, #tpu.memory_space<vmem>>) offsets(%dma_start3A_1715 : memref<128xi32, #tpu.memory_space<vmem>>) semaphore(%dma_start3A_1720 : memref<!tpu.dma_semaphore, #tpu.memory_space<semaphore_mem>>)
      %dma_wait3A_1721 = arith.constant 0 : i32
      %dma_wait3A_1722 = arith.constant 0 : i32
      %dma_wait3A_1723 = arith.constant 0 : i32
      %dma_wait3A_1724 = arith.constant 0 : i32
      %dma_wait3A_1725 = arith.constant 0 : i32
      %dma_wait3A_1726 = arith.constant 0 : i32
      %dma_wait3A_1727 = tpu.memref_slice %arg12[%dma_wait3A_1723, %dma_wait3A_1725, %dma_wait3A_1726] : memref<4x384x32xf32, #tpu.memory_space<vmem>> -> memref<1x128x32xf32, #tpu.memory_space<vmem>>
      %dma_wait3A_1728 = tpu.memref_squeeze %dma_wait3A_1727 : memref<1x128x32xf32, #tpu.memory_space<vmem>> -> memref<128x32xf32, #tpu.memory_space<vmem>>
      %dma_wait3A_1729 = arith.constant 0 : i32
      %dma_wait3A_1730 = tpu.memref_slice %arg9[%dma_wait3A_1721, %dma_wait3A_1722, %dma_wait3A_1729] : memref<4x3x128xi32, #tpu.memory_space<vmem>> -> memref<1x1x128xi32, #tpu.memory_space<vmem>>
      %dma_wait3A_1731 = tpu.memref_squeeze %dma_wait3A_1730 : memref<1x1x128xi32, #tpu.memory_space<vmem>> -> memref<128xi32, #tpu.memory_space<vmem>>
      %dma_wait3A_1732 = arith.constant 0 : i32
      %dma_wait3A_1733 = arith.constant 0 : i32
      %dma_wait3A_1734 = tpu.memref_slice %arg7[%dma_wait3A_1732, %dma_wait3A_1733] : memref<16384x32xf32, #tpu.memory_space<vmem_shared>> -> memref<16384x32xf32, #tpu.memory_space<vmem_shared>>
      %dma_wait3A_1735 = tpu.memref_slice %arg15[%dma_wait3A_1724] : memref<4x!tpu.dma_semaphore, #tpu.memory_space<semaphore_mem>> -> memref<1x!tpu.dma_semaphore, #tpu.memory_space<semaphore_mem>>
      %dma_wait3A_1736 = tpu.memref_squeeze %dma_wait3A_1735 : memref<1x!tpu.dma_semaphore, #tpu.memory_space<semaphore_mem>> -> memref<!tpu.dma_semaphore, #tpu.memory_space<semaphore_mem>>
      tpu.wait_indirect_dma semaphore(%dma_wait3A_1736 : memref<!tpu.dma_semaphore, #tpu.memory_space<semaphore_mem>>) src(%dma_wait3A_1734 : memref<16384x32xf32, #tpu.memory_space<vmem_shared>>) dst(%dma_wait3A_1728 : memref<128x32xf32, #tpu.memory_space<vmem>>)
      %dma_wait3A_1737 = arith.constant 0 : i32
      %dma_wait3A_1738 = arith.constant 1 : i32
      %dma_wait3A_1739 = arith.constant 0 : i32
      %dma_wait3A_1740 = arith.constant 0 : i32
      %dma_wait3A_1741 = arith.constant 128 : i32
      %dma_wait3A_1742 = arith.constant 0 : i32
      %dma_wait3A_1743 = tpu.memref_slice %arg12[%dma_wait3A_1739, %dma_wait3A_1741, %dma_wait3A_1742] : memref<4x384x32xf32, #tpu.memory_space<vmem>> -> memref<1x128x32xf32, #tpu.memory_space<vmem>>
      %dma_wait3A_1744 = tpu.memref_squeeze %dma_wait3A_1743 : memref<1x128x32xf32, #tpu.memory_space<vmem>> -> memref<128x32xf32, #tpu.memory_space<vmem>>
      %dma_wait3A_1745 = arith.constant 0 : i32
      %dma_wait3A_1746 = tpu.memref_slice %arg9[%dma_wait3A_1737, %dma_wait3A_1738, %dma_wait3A_1745] : memref<4x3x128xi32, #tpu.memory_space<vmem>> -> memref<1x1x128xi32, #tpu.memory_space<vmem>>
      %dma_wait3A_1747 = tpu.memref_squeeze %dma_wait3A_1746 : memref<1x1x128xi32, #tpu.memory_space<vmem>> -> memref<128xi32, #tpu.memory_space<vmem>>
      %dma_wait3A_1748 = arith.constant 0 : i32
      %dma_wait3A_1749 = arith.constant 0 : i32
      %dma_wait3A_1750 = tpu.memref_slice %arg7[%dma_wait3A_1748, %dma_wait3A_1749] : memref<16384x32xf32, #tpu.memory_space<vmem_shared>> -> memref<16384x32xf32, #tpu.memory_space<vmem_shared>>
      %dma_wait3A_1751 = tpu.memref_slice %arg15[%dma_wait3A_1740] : memref<4x!tpu.dma_semaphore, #tpu.memory_space<semaphore_mem>> -> memref<1x!tpu.dma_semaphore, #tpu.memory_space<semaphore_mem>>
      %dma_wait3A_1752 = tpu.memref_squeeze %dma_wait3A_1751 : memref<1x!tpu.dma_semaphore, #tpu.memory_space<semaphore_mem>> -> memref<!tpu.dma_semaphore, #tpu.memory_space<semaphore_mem>>
      tpu.wait_indirect_dma semaphore(%dma_wait3A_1752 : memref<!tpu.dma_semaphore, #tpu.memory_space<semaphore_mem>>) src(%dma_wait3A_1750 : memref<16384x32xf32, #tpu.memory_space<vmem_shared>>) dst(%dma_wait3A_1744 : memref<128x32xf32, #tpu.memory_space<vmem>>)
      %dma_wait3A_1753 = arith.constant 0 : i32
      %dma_wait3A_1754 = arith.constant 2 : i32
      %dma_wait3A_1755 = arith.constant 0 : i32
      %dma_wait3A_1756 = arith.constant 0 : i32
      %dma_wait3A_1757 = arith.constant 256 : i32
      %dma_wait3A_1758 = arith.constant 0 : i32
      %dma_wait3A_1759 = tpu.memref_slice %arg12[%dma_wait3A_1755, %dma_wait3A_1757, %dma_wait3A_1758] : memref<4x384x32xf32, #tpu.memory_space<vmem>> -> memref<1x128x32xf32, #tpu.memory_space<vmem>>
      %dma_wait3A_1760 = tpu.memref_squeeze %dma_wait3A_1759 : memref<1x128x32xf32, #tpu.memory_space<vmem>> -> memref<128x32xf32, #tpu.memory_space<vmem>>
      %dma_wait3A_1761 = arith.constant 0 : i32
      %dma_wait3A_1762 = tpu.memref_slice %arg9[%dma_wait3A_1753, %dma_wait3A_1754, %dma_wait3A_1761] : memref<4x3x128xi32, #tpu.memory_space<vmem>> -> memref<1x1x128xi32, #tpu.memory_space<vmem>>
      %dma_wait3A_1763 = tpu.memref_squeeze %dma_wait3A_1762 : memref<1x1x128xi32, #tpu.memory_space<vmem>> -> memref<128xi32, #tpu.memory_space<vmem>>
      %dma_wait3A_1764 = arith.constant 0 : i32
      %dma_wait3A_1765 = arith.constant 0 : i32
      %dma_wait3A_1766 = tpu.memref_slice %arg7[%dma_wait3A_1764, %dma_wait3A_1765] : memref<16384x32xf32, #tpu.memory_space<vmem_shared>> -> memref<16384x32xf32, #tpu.memory_space<vmem_shared>>
      %dma_wait3A_1767 = tpu.memref_slice %arg15[%dma_wait3A_1756] : memref<4x!tpu.dma_semaphore, #tpu.memory_space<semaphore_mem>> -> memref<1x!tpu.dma_semaphore, #tpu.memory_space<semaphore_mem>>
      %dma_wait3A_1768 = tpu.memref_squeeze %dma_wait3A_1767 : memref<1x!tpu.dma_semaphore, #tpu.memory_space<semaphore_mem>> -> memref<!tpu.dma_semaphore, #tpu.memory_space<semaphore_mem>>
      tpu.wait_indirect_dma semaphore(%dma_wait3A_1768 : memref<!tpu.dma_semaphore, #tpu.memory_space<semaphore_mem>>) src(%dma_wait3A_1766 : memref<16384x32xf32, #tpu.memory_space<vmem_shared>>) dst(%dma_wait3A_1760 : memref<128x32xf32, #tpu.memory_space<vmem>>)
      %parallel_loop3A_1769 = arith.constant 0 : i32
      %parallel_loop3A_1770 = arith.constant 384 : i32
      %parallel_loop3A_1771 = arith.constant 1 : i32
      scf.for %parallel_loop3A_2871 = %parallel_loop3A_1769 to %parallel_loop3A_1770 step %parallel_loop3A_1771  : i32 {
        %parallel_loop3A_2872 = vector.broadcast %parallel_loop3A_2871 : i32 to vector<16xi32>
        %parallel_loop3A_2873 = arith.constant 0 : i32
        %parallel_loop3A_2874 = arith.constant 0 : i32
        %parallel_loop3A_2875 = tpu.memref_slice %arg11[%parallel_loop3A_2873, %parallel_loop3A_2874] : memref<4x384xf32, #tpu.memory_space<vmem>> -> memref<1x384xf32, #tpu.memory_space<vmem>>
        %parallel_loop3A_2876 = tpu.memref_squeeze %parallel_loop3A_2875 : memref<1x384xf32, #tpu.memory_space<vmem>> -> memref<384xf32, #tpu.memory_space<vmem>>
        %parallel_loop3A_2877 = tpu.vector_load_idx %parallel_loop3A_2876[%parallel_loop3A_2872] : memref<384xf32, #tpu.memory_space<vmem>>[vector<16xi32>], vector<16xf32>,
        %parallel_loop3A_2878 = arith.constant 0 : i32
        %parallel_loop3A_2879 = arith.index_cast %parallel_loop3A_2878 : i32 to index
        %parallel_loop3A_2880 = arith.index_cast %parallel_loop3A_2871 : i32 to index
        %parallel_loop3A_2881 = arith.constant 0 : index
        %parallel_loop3A_2882 = tpu.vector_load %arg12[%parallel_loop3A_2879, %parallel_loop3A_2880, %parallel_loop3A_2881] {strides = array<i32>} : memref<4x384x32xf32, #tpu.memory_space<vmem>>, vector<16xf32>,
        %parallel_loop3A_2883 = arith.mulf %parallel_loop3A_2882, %parallel_loop3A_2877 : vector<16xf32>
        %parallel_loop3A_2884 = arith.constant 0 : i32
        %parallel_loop3A_2885 = arith.index_cast %parallel_loop3A_2884 : i32 to index
        %parallel_loop3A_2886 = arith.index_cast %parallel_loop3A_2871 : i32 to index
        %parallel_loop3A_2887 = arith.constant 0 : index
        %parallel_loop3A_2888 = tpu.vector_load %arg12[%parallel_loop3A_2885, %parallel_loop3A_2886, %parallel_loop3A_2887] {strides = array<i32>} : memref<4x384x32xf32, #tpu.memory_space<vmem>>, vector<16xf32>,
        tpu.vector_store %arg12[%parallel_loop3A_2885, %parallel_loop3A_2886, %parallel_loop3A_2887], %parallel_loop3A_2883 {strides = array<i32>} : memref<4x384x32xf32, #tpu.memory_space<vmem>>, vector<16xf32>,
        %parallel_loop3A_2889 = arith.constant 0 : i32
        %parallel_loop3A_2890 = arith.index_cast %parallel_loop3A_2889 : i32 to index
        %parallel_loop3A_2891 = arith.index_cast %parallel_loop3A_2871 : i32 to index
        %parallel_loop3A_2892 = arith.constant 16 : index
        %parallel_loop3A_2893 = tpu.vector_load %arg12[%parallel_loop3A_2890, %parallel_loop3A_2891, %parallel_loop3A_2892] {strides = array<i32>} : memref<4x384x32xf32, #tpu.memory_space<vmem>>, vector<16xf32>,
        %parallel_loop3A_2894 = arith.mulf %parallel_loop3A_2893, %parallel_loop3A_2877 : vector<16xf32>
        %parallel_loop3A_2895 = arith.constant 0 : i32
        %parallel_loop3A_2896 = arith.index_cast %parallel_loop3A_2895 : i32 to index
        %parallel_loop3A_2897 = arith.index_cast %parallel_loop3A_2871 : i32 to index
        %parallel_loop3A_2898 = arith.constant 16 : index
        %parallel_loop3A_2899 = tpu.vector_load %arg12[%parallel_loop3A_2896, %parallel_loop3A_2897, %parallel_loop3A_2898] {strides = array<i32>} : memref<4x384x32xf32, #tpu.memory_space<vmem>>, vector<16xf32>,
        tpu.vector_store %arg12[%parallel_loop3A_2896, %parallel_loop3A_2897, %parallel_loop3A_2898], %parallel_loop3A_2894 {strides = array<i32>} : memref<4x384x32xf32, #tpu.memory_space<vmem>>, vector<16xf32>,
      } {sc.loop_unroll_factor = 4 : i64, sc.parallel_access}
      %dma_start3A_1772 = arith.constant 0 : i32
      %dma_start3A_1773 = arith.constant 0 : i32
      %dma_start3A_1774 = arith.constant 0 : i32
      %dma_start3A_1775 = arith.constant 0 : i32
      %dma_start3A_1776 = arith.constant 0 : i32
      %dma_start3A_1777 = arith.constant 0 : i32
      %dma_start3A_1778 = tpu.memref_slice %arg12[%dma_start3A_1772, %dma_start3A_1776, %dma_start3A_1777] : memref<4x384x32xf32, #tpu.memory_space<vmem>> -> memref<1x128x32xf32, #tpu.memory_space<vmem>>
      %dma_start3A_1779 = tpu.memref_squeeze %dma_start3A_1778 : memref<1x128x32xf32, #tpu.memory_space<vmem>> -> memref<128x32xf32, #tpu.memory_space<vmem>>
      %dma_start3A_1780 = arith.constant 0 : i32
      %dma_start3A_1781 = tpu.memref_slice %arg10[%dma_start3A_1773, %dma_start3A_1774, %dma_start3A_1780] : memref<4x3x128xi32, #tpu.memory_space<vmem>> -> memref<1x1x128xi32, #tpu.memory_space<vmem>>
      %dma_start3A_1782 = tpu.memref_squeeze %dma_start3A_1781 : memref<1x1x128xi32, #tpu.memory_space<vmem>> -> memref<128xi32, #tpu.memory_space<vmem>>
      %dma_start3A_1783 = arith.constant 0 : i32
      %dma_start3A_1784 = arith.constant 0 : i32
      %dma_start3A_1785 = tpu.memref_slice %arg8[%dma_start3A_1783, %dma_start3A_1784] : memref<16384x32xf32, #tpu.memory_space<vmem_shared>> -> memref<16384x32xf32, #tpu.memory_space<vmem_shared>>
      %dma_start3A_1786 = tpu.memref_slice %arg16[%dma_start3A_1775] : memref<4x!tpu.dma_semaphore, #tpu.memory_space<semaphore_mem>> -> memref<1x!tpu.dma_semaphore, #tpu.memory_space<semaphore_mem>>
      %dma_start3A_1787 = tpu.memref_squeeze %dma_start3A_1786 : memref<1x!tpu.dma_semaphore, #tpu.memory_space<semaphore_mem>> -> memref<!tpu.dma_semaphore, #tpu.memory_space<semaphore_mem>>
      tpu.enqueue_indirect_dma source(%dma_start3A_1779 : memref<128x32xf32, #tpu.memory_space<vmem>>) target(%dma_start3A_1785 : memref<16384x32xf32, #tpu.memory_space<vmem_shared>>) offsets(%dma_start3A_1782 : memref<128xi32, #tpu.memory_space<vmem>>) semaphore(%dma_start3A_1787 : memref<!tpu.dma_semaphore, #tpu.memory_space<semaphore_mem>>) {add = true}
      %dma_start3A_1788 = arith.constant 0 : i32
      %dma_start3A_1789 = arith.constant 0 : i32
      %dma_start3A_1790 = arith.constant 1 : i32
      %dma_start3A_1791 = arith.constant 0 : i32
      %dma_start3A_1792 = arith.constant 128 : i32
      %dma_start3A_1793 = arith.constant 0 : i32
      %dma_start3A_1794 = tpu.memref_slice %arg12[%dma_start3A_1788, %dma_start3A_1792, %dma_start3A_1793] : memref<4x384x32xf32, #tpu.memory_space<vmem>> -> memref<1x128x32xf32, #tpu.memory_space<vmem>>
      %dma_start3A_1795 = tpu.memref_squeeze %dma_start3A_1794 : memref<1x128x32xf32, #tpu.memory_space<vmem>> -> memref<128x32xf32, #tpu.memory_space<vmem>>
      %dma_start3A_1796 = arith.constant 0 : i32
      %dma_start3A_1797 = tpu.memref_slice %arg10[%dma_start3A_1789, %dma_start3A_1790, %dma_start3A_1796] : memref<4x3x128xi32, #tpu.memory_space<vmem>> -> memref<1x1x128xi32, #tpu.memory_space<vmem>>
      %dma_start3A_1798 = tpu.memref_squeeze %dma_start3A_1797 : memref<1x1x128xi32, #tpu.memory_space<vmem>> -> memref<128xi32, #tpu.memory_space<vmem>>
      %dma_start3A_1799 = arith.constant 0 : i32
      %dma_start3A_1800 = arith.constant 0 : i32
      %dma_start3A_1801 = tpu.memref_slice %arg8[%dma_start3A_1799, %dma_start3A_1800] : memref<16384x32xf32, #tpu.memory_space<vmem_shared>> -> memref<16384x32xf32, #tpu.memory_space<vmem_shared>>
      %dma_start3A_1802 = tpu.memref_slice %arg16[%dma_start3A_1791] : memref<4x!tpu.dma_semaphore, #tpu.memory_space<semaphore_mem>> -> memref<1x!tpu.dma_semaphore, #tpu.memory_space<semaphore_mem>>
      %dma_start3A_1803 = tpu.memref_squeeze %dma_start3A_1802 : memref<1x!tpu.dma_semaphore, #tpu.memory_space<semaphore_mem>> -> memref<!tpu.dma_semaphore, #tpu.memory_space<semaphore_mem>>
      tpu.enqueue_indirect_dma source(%dma_start3A_1795 : memref<128x32xf32, #tpu.memory_space<vmem>>) target(%dma_start3A_1801 : memref<16384x32xf32, #tpu.memory_space<vmem_shared>>) offsets(%dma_start3A_1798 : memref<128xi32, #tpu.memory_space<vmem>>) semaphore(%dma_start3A_1803 : memref<!tpu.dma_semaphore, #tpu.memory_space<semaphore_mem>>) {add = true}
      %dma_start3A_1804 = arith.constant 0 : i32
      %dma_start3A_1805 = arith.constant 0 : i32
      %dma_start3A_1806 = arith.constant 2 : i32
      %dma_start3A_1807 = arith.constant 0 : i32
      %dma_start3A_1808 = arith.constant 256 : i32
      %dma_start3A_1809 = arith.constant 0 : i32
      %dma_start3A_1810 = tpu.memref_slice %arg12[%dma_start3A_1804, %dma_start3A_1808, %dma_start3A_1809] : memref<4x384x32xf32, #tpu.memory_space<vmem>> -> memref<1x128x32xf32, #tpu.memory_space<vmem>>
      %dma_start3A_1811 = tpu.memref_squeeze %dma_start3A_1810 : memref<1x128x32xf32, #tpu.memory_space<vmem>> -> memref<128x32xf32, #tpu.memory_space<vmem>>
      %dma_start3A_1812 = arith.constant 0 : i32
      %dma_start3A_1813 = tpu.memref_slice %arg10[%dma_start3A_1805, %dma_start3A_1806, %dma_start3A_1812] : memref<4x3x128xi32, #tpu.memory_space<vmem>> -> memref<1x1x128xi32, #tpu.memory_space<vmem>>
      %dma_start3A_1814 = tpu.memref_squeeze %dma_start3A_1813 : memref<1x1x128xi32, #tpu.memory_space<vmem>> -> memref<128xi32, #tpu.memory_space<vmem>>
      %dma_start3A_1815 = arith.constant 0 : i32
      %dma_start3A_1816 = arith.constant 0 : i32
      %dma_start3A_1817 = tpu.memref_slice %arg8[%dma_start3A_1815, %dma_start3A_1816] : memref<16384x32xf32, #tpu.memory_space<vmem_shared>> -> memref<16384x32xf32, #tpu.memory_space<vmem_shared>>
      %dma_start3A_1818 = tpu.memref_slice %arg16[%dma_start3A_1807] : memref<4x!tpu.dma_semaphore, #tpu.memory_space<semaphore_mem>> -> memref<1x!tpu.dma_semaphore, #tpu.memory_space<semaphore_mem>>
      %dma_start3A_1819 = tpu.memref_squeeze %dma_start3A_1818 : memref<1x!tpu.dma_semaphore, #tpu.memory_space<semaphore_mem>> -> memref<!tpu.dma_semaphore, #tpu.memory_space<semaphore_mem>>
      tpu.enqueue_indirect_dma source(%dma_start3A_1811 : memref<128x32xf32, #tpu.memory_space<vmem>>) target(%dma_start3A_1817 : memref<16384x32xf32, #tpu.memory_space<vmem_shared>>) offsets(%dma_start3A_1814 : memref<128xi32, #tpu.memory_space<vmem>>) semaphore(%dma_start3A_1819 : memref<!tpu.dma_semaphore, #tpu.memory_space<semaphore_mem>>) {add = true}
      %dma_wait3A_1820 = arith.constant 2 : i32
      %dma_wait3A_1821 = arith.constant 2 : i32
      %dma_wait3A_1822 = arith.constant 0 : i32
      %dma_wait3A_1823 = arith.constant 2 : i32
      %dma_wait3A_1824 = arith.constant 0 : i32
      %dma_wait3A_1825 = arith.constant 0 : i32
      %dma_wait3A_1826 = tpu.memref_slice %arg12[%dma_wait3A_1820, %dma_wait3A_1824, %dma_wait3A_1825] : memref<4x384x32xf32, #tpu.memory_space<vmem>> -> memref<1x128x32xf32, #tpu.memory_space<vmem>>
      %dma_wait3A_1827 = tpu.memref_squeeze %dma_wait3A_1826 : memref<1x128x32xf32, #tpu.memory_space<vmem>> -> memref<128x32xf32, #tpu.memory_space<vmem>>
      %dma_wait3A_1828 = arith.constant 0 : i32
      %dma_wait3A_1829 = tpu.memref_slice %arg10[%dma_wait3A_1821, %dma_wait3A_1822, %dma_wait3A_1828] : memref<4x3x128xi32, #tpu.memory_space<vmem>> -> memref<1x1x128xi32, #tpu.memory_space<vmem>>
      %dma_wait3A_1830 = tpu.memref_squeeze %dma_wait3A_1829 : memref<1x1x128xi32, #tpu.memory_space<vmem>> -> memref<128xi32, #tpu.memory_space<vmem>>
      %dma_wait3A_1831 = arith.constant 0 : i32
      %dma_wait3A_1832 = arith.constant 0 : i32
      %dma_wait3A_1833 = tpu.memref_slice %arg8[%dma_wait3A_1831, %dma_wait3A_1832] : memref<16384x32xf32, #tpu.memory_space<vmem_shared>> -> memref<16384x32xf32, #tpu.memory_space<vmem_shared>>
      %dma_wait3A_1834 = tpu.memref_slice %arg16[%dma_wait3A_1823] : memref<4x!tpu.dma_semaphore, #tpu.memory_space<semaphore_mem>> -> memref<1x!tpu.dma_semaphore, #tpu.memory_space<semaphore_mem>>
      %dma_wait3A_1835 = tpu.memref_squeeze %dma_wait3A_1834 : memref<1x!tpu.dma_semaphore, #tpu.memory_space<semaphore_mem>> -> memref<!tpu.dma_semaphore, #tpu.memory_space<semaphore_mem>>
      tpu.wait_indirect_dma semaphore(%dma_wait3A_1835 : memref<!tpu.dma_semaphore, #tpu.memory_space<semaphore_mem>>) src(%dma_wait3A_1827 : memref<128x32xf32, #tpu.memory_space<vmem>>) dst(%dma_wait3A_1833 : memref<16384x32xf32, #tpu.memory_space<vmem_shared>>)
      %dma_wait3A_1836 = arith.constant 2 : i32
      %dma_wait3A_1837 = arith.constant 2 : i32
      %dma_wait3A_1838 = arith.constant 1 : i32
      %dma_wait3A_1839 = arith.constant 2 : i32
      %dma_wait3A_1840 = arith.constant 128 : i32
      %dma_wait3A_1841 = arith.constant 0 : i32
      %dma_wait3A_1842 = tpu.memref_slice %arg12[%dma_wait3A_1836, %dma_wait3A_1840, %dma_wait3A_1841] : memref<4x384x32xf32, #tpu.memory_space<vmem>> -> memref<1x128x32xf32, #tpu.memory_space<vmem>>
      %dma_wait3A_1843 = tpu.memref_squeeze %dma_wait3A_1842 : memref<1x128x32xf32, #tpu.memory_space<vmem>> -> memref<128x32xf32, #tpu.memory_space<vmem>>
      %dma_wait3A_1844 = arith.constant 0 : i32
      %dma_wait3A_1845 = tpu.memref_slice %arg10[%dma_wait3A_1837, %dma_wait3A_1838, %dma_wait3A_1844] : memref<4x3x128xi32, #tpu.memory_space<vmem>> -> memref<1x1x128xi32, #tpu.memory_space<vmem>>
      %dma_wait3A_1846 = tpu.memref_squeeze %dma_wait3A_1845 : memref<1x1x128xi32, #tpu.memory_space<vmem>> -> memref<128xi32, #tpu.memory_space<vmem>>
      %dma_wait3A_1847 = arith.constant 0 : i32
      %dma_wait3A_1848 = arith.constant 0 : i32
      %dma_wait3A_1849 = tpu.memref_slice %arg8[%dma_wait3A_1847, %dma_wait3A_1848] : memref<16384x32xf32, #tpu.memory_space<vmem_shared>> -> memref<16384x32xf32, #tpu.memory_space<vmem_shared>>
      %dma_wait3A_1850 = tpu.memref_slice %arg16[%dma_wait3A_1839] : memref<4x!tpu.dma_semaphore, #tpu.memory_space<semaphore_mem>> -> memref<1x!tpu.dma_semaphore, #tpu.memory_space<semaphore_mem>>
      %dma_wait3A_1851 = tpu.memref_squeeze %dma_wait3A_1850 : memref<1x!tpu.dma_semaphore, #tpu.memory_space<semaphore_mem>> -> memref<!tpu.dma_semaphore, #tpu.memory_space<semaphore_mem>>
      tpu.wait_indirect_dma semaphore(%dma_wait3A_1851 : memref<!tpu.dma_semaphore, #tpu.memory_space<semaphore_mem>>) src(%dma_wait3A_1843 : memref<128x32xf32, #tpu.memory_space<vmem>>) dst(%dma_wait3A_1849 : memref<16384x32xf32, #tpu.memory_space<vmem_shared>>)
      %dma_wait3A_1852 = arith.constant 2 : i32
      %dma_wait3A_1853 = arith.constant 2 : i32
      %dma_wait3A_1854 = arith.constant 2 : i32
      %dma_wait3A_1855 = arith.constant 2 : i32
      %dma_wait3A_1856 = arith.constant 256 : i32
      %dma_wait3A_1857 = arith.constant 0 : i32
      %dma_wait3A_1858 = tpu.memref_slice %arg12[%dma_wait3A_1852, %dma_wait3A_1856, %dma_wait3A_1857] : memref<4x384x32xf32, #tpu.memory_space<vmem>> -> memref<1x128x32xf32, #tpu.memory_space<vmem>>
      %dma_wait3A_1859 = tpu.memref_squeeze %dma_wait3A_1858 : memref<1x128x32xf32, #tpu.memory_space<vmem>> -> memref<128x32xf32, #tpu.memory_space<vmem>>
      %dma_wait3A_1860 = arith.constant 0 : i32
      %dma_wait3A_1861 = tpu.memref_slice %arg10[%dma_wait3A_1853, %dma_wait3A_1854, %dma_wait3A_1860] : memref<4x3x128xi32, #tpu.memory_space<vmem>> -> memref<1x1x128xi32, #tpu.memory_space<vmem>>
      %dma_wait3A_1862 = tpu.memref_squeeze %dma_wait3A_1861 : memref<1x1x128xi32, #tpu.memory_space<vmem>> -> memref<128xi32, #tpu.memory_space<vmem>>
      %dma_wait3A_1863 = arith.constant 0 : i32
      %dma_wait3A_1864 = arith.constant 0 : i32
      %dma_wait3A_1865 = tpu.memref_slice %arg8[%dma_wait3A_1863, %dma_wait3A_1864] : memref<16384x32xf32, #tpu.memory_space<vmem_shared>> -> memref<16384x32xf32, #tpu.memory_space<vmem_shared>>
      %dma_wait3A_1866 = tpu.memref_slice %arg16[%dma_wait3A_1855] : memref<4x!tpu.dma_semaphore, #tpu.memory_space<semaphore_mem>> -> memref<1x!tpu.dma_semaphore, #tpu.memory_space<semaphore_mem>>
      %dma_wait3A_1867 = tpu.memref_squeeze %dma_wait3A_1866 : memref<1x!tpu.dma_semaphore, #tpu.memory_space<semaphore_mem>> -> memref<!tpu.dma_semaphore, #tpu.memory_space<semaphore_mem>>
      tpu.wait_indirect_dma semaphore(%dma_wait3A_1867 : memref<!tpu.dma_semaphore, #tpu.memory_space<semaphore_mem>>) src(%dma_wait3A_1859 : memref<128x32xf32, #tpu.memory_space<vmem>>) dst(%dma_wait3A_1865 : memref<16384x32xf32, #tpu.memory_space<vmem_shared>>)
      %add3A_1868 = arith.constant 2 : i32
      %add3A_1869 = arith.addi %add3A_1622, %add3A_1868 : i32
      %jit3A = arith.constant 44 : i32
      %eq3A = arith.constant 0 : i32
      %eq3A_1870 = arith.cmpi eq, %jit3A, %eq3A : i32
      %jit3A_1871 = arith.constant 1 : i32
      %select_n3A = arith.select %eq3A_1870, %jit3A_1871, %jit3A : i32
      %rem3A = arith.remsi %add3A_1869, %select_n3A : i32
      %ne3A = arith.constant 0 : i32
      %ne3A_1872 = arith.cmpi ne, %rem3A, %ne3A : i32
      %lt3A = arith.constant 0 : i32
      %lt3A_1873 = arith.cmpi slt, %rem3A, %lt3A : i32
      %lt3A_1874 = arith.constant 0 : i32
      %lt3A_1875 = arith.cmpi slt, %select_n3A, %lt3A_1874 : i32
      %ne3A_1876 = arith.xori %lt3A_1873, %lt3A_1875 : i1
      %and3A = arith.andi %ne3A_1876, %ne3A_1872 : i1
      %add3A_1877 = arith.addi %rem3A, %select_n3A : i32
      %select_n3A_1878 = arith.select %and3A, %add3A_1877, %rem3A : i32
      %mul3A_1879 = arith.constant 3 : i32
      %mul3A_1880 = arith.muli %select_n3A_1878, %mul3A_1879 : i32
      %add3A_1881 = arith.addi %mul3A_143, %mul3A_1880 : i32
      %dma_start3A_1882 = arith.constant 2 : i32
      %dma_start3A_1883 = arith.constant 2 : i32
      %dma_start3A_1884 = arith.constant 0 : i32
      %dma_start3A_1885 = arith.constant 0 : i32
      %dma_start3A_1886 = tpu.memref_slice %arg9[%dma_start3A_1882, %dma_start3A_1884, %dma_start3A_1885] : memref<4x3x128xi32, #tpu.memory_space<vmem>> -> memref<1x3x128xi32, #tpu.memory_space<vmem>>
      %dma_start3A_1887 = tpu.memref_squeeze %dma_start3A_1886 : memref<1x3x128xi32, #tpu.memory_space<vmem>> -> memref<3x128xi32, #tpu.memory_space<vmem>>
      %dma_start3A_1888 = arith.constant 0 : i32
      %dma_start3A_1889 = tpu.memref_slice %arg5[%add3A_1881, %dma_start3A_1888] : memref<2112x128xi32, #tpu.memory_space<hbm>> -> memref<3x128xi32, #tpu.memory_space<hbm>>
      %dma_start3A_1890 = tpu.memref_slice %arg14[%dma_start3A_1883] : memref<4x!tpu.dma_semaphore, #tpu.memory_space<semaphore_mem>> -> memref<1x!tpu.dma_semaphore, #tpu.memory_space<semaphore_mem>>
      %dma_start3A_1891 = tpu.memref_squeeze %dma_start3A_1890 : memref<1x!tpu.dma_semaphore, #tpu.memory_space<semaphore_mem>> -> memref<!tpu.dma_semaphore, #tpu.memory_space<semaphore_mem>>
      %dma_start3A_1892 = arith.constant 0 : i32
      %dma_start3A_1893 = arith.constant 0 : i32
      %dma_start3A_1894 = tpu.memref_slice %arg9[%dma_start3A_1882, %dma_start3A_1892, %dma_start3A_1893] : memref<4x3x128xi32, #tpu.memory_space<vmem>> -> memref<1x3x128xi32, #tpu.memory_space<vmem>>
      %dma_start3A_1895 = tpu.memref_squeeze %dma_start3A_1894 : memref<1x3x128xi32, #tpu.memory_space<vmem>> -> memref<3x128xi32, #tpu.memory_space<vmem>>
      %dma_start3A_1896 = arith.constant 0 : i32
      %dma_start3A_1897 = tpu.memref_slice %arg5[%add3A_1881, %dma_start3A_1896] : memref<2112x128xi32, #tpu.memory_space<hbm>> -> memref<3x128xi32, #tpu.memory_space<hbm>>
      tpu.enqueue_dma source(%dma_start3A_1897 : memref<3x128xi32, #tpu.memory_space<hbm>>) target(%dma_start3A_1895 : memref<3x128xi32, #tpu.memory_space<vmem>>) target_semaphore(%dma_start3A_1891 : memref<!tpu.dma_semaphore, #tpu.memory_space<semaphore_mem>>)
      %dma_start3A_1898 = arith.constant 2 : i32
      %dma_start3A_1899 = arith.constant 2 : i32
      %dma_start3A_1900 = arith.constant 0 : i32
      %dma_start3A_1901 = arith.constant 0 : i32
      %dma_start3A_1902 = tpu.memref_slice %arg10[%dma_start3A_1898, %dma_start3A_1900, %dma_start3A_1901] : memref<4x3x128xi32, #tpu.memory_space<vmem>> -> memref<1x3x128xi32, #tpu.memory_space<vmem>>
      %dma_start3A_1903 = tpu.memref_squeeze %dma_start3A_1902 : memref<1x3x128xi32, #tpu.memory_space<vmem>> -> memref<3x128xi32, #tpu.memory_space<vmem>>
      %dma_start3A_1904 = arith.constant 0 : i32
      %dma_start3A_1905 = tpu.memref_slice %arg4[%add3A_1881, %dma_start3A_1904] : memref<2112x128xi32, #tpu.memory_space<hbm>> -> memref<3x128xi32, #tpu.memory_space<hbm>>
      %dma_start3A_1906 = tpu.memref_slice %arg14[%dma_start3A_1899] : memref<4x!tpu.dma_semaphore, #tpu.memory_space<semaphore_mem>> -> memref<1x!tpu.dma_semaphore, #tpu.memory_space<semaphore_mem>>
      %dma_start3A_1907 = tpu.memref_squeeze %dma_start3A_1906 : memref<1x!tpu.dma_semaphore, #tpu.memory_space<semaphore_mem>> -> memref<!tpu.dma_semaphore, #tpu.memory_space<semaphore_mem>>
      %dma_start3A_1908 = arith.constant 0 : i32
      %dma_start3A_1909 = arith.constant 0 : i32
      %dma_start3A_1910 = tpu.memref_slice %arg10[%dma_start3A_1898, %dma_start3A_1908, %dma_start3A_1909] : memref<4x3x128xi32, #tpu.memory_space<vmem>> -> memref<1x3x128xi32, #tpu.memory_space<vmem>>
      %dma_start3A_1911 = tpu.memref_squeeze %dma_start3A_1910 : memref<1x3x128xi32, #tpu.memory_space<vmem>> -> memref<3x128xi32, #tpu.memory_space<vmem>>
      %dma_start3A_1912 = arith.constant 0 : i32
      %dma_start3A_1913 = tpu.memref_slice %arg4[%add3A_1881, %dma_start3A_1912] : memref<2112x128xi32, #tpu.memory_space<hbm>> -> memref<3x128xi32, #tpu.memory_space<hbm>>
      tpu.enqueue_dma source(%dma_start3A_1913 : memref<3x128xi32, #tpu.memory_space<hbm>>) target(%dma_start3A_1911 : memref<3x128xi32, #tpu.memory_space<vmem>>) target_semaphore(%dma_start3A_1907 : memref<!tpu.dma_semaphore, #tpu.memory_space<semaphore_mem>>)
      %mul3A_1914 = arith.constant 128 : i32
      %mul3A_1915 = arith.muli %add3A_1881, %mul3A_1914 : i32
      %dma_start3A_1916 = arith.constant 2 : i32
      %dma_start3A_1917 = arith.constant 2 : i32
      %dma_start3A_1918 = arith.constant 0 : i32
      %dma_start3A_1919 = tpu.memref_slice %arg11[%dma_start3A_1916, %dma_start3A_1918] : memref<4x384xf32, #tpu.memory_space<vmem>> -> memref<1x384xf32, #tpu.memory_space<vmem>>
      %dma_start3A_1920 = tpu.memref_squeeze %dma_start3A_1919 : memref<1x384xf32, #tpu.memory_space<vmem>> -> memref<384xf32, #tpu.memory_space<vmem>>
      %dma_start3A_1921 = tpu.memref_slice %arg3[%mul3A_1915] : memref<270336xf32, #tpu.memory_space<hbm>> -> memref<384xf32, #tpu.memory_space<hbm>>
      %dma_start3A_1922 = tpu.memref_slice %arg14[%dma_start3A_1917] : memref<4x!tpu.dma_semaphore, #tpu.memory_space<semaphore_mem>> -> memref<1x!tpu.dma_semaphore, #tpu.memory_space<semaphore_mem>>
      %dma_start3A_1923 = tpu.memref_squeeze %dma_start3A_1922 : memref<1x!tpu.dma_semaphore, #tpu.memory_space<semaphore_mem>> -> memref<!tpu.dma_semaphore, #tpu.memory_space<semaphore_mem>>
      %dma_start3A_1924 = arith.constant 0 : i32
      %dma_start3A_1925 = tpu.memref_slice %arg11[%dma_start3A_1916, %dma_start3A_1924] : memref<4x384xf32, #tpu.memory_space<vmem>> -> memref<1x384xf32, #tpu.memory_space<vmem>>
      %dma_start3A_1926 = tpu.memref_squeeze %dma_start3A_1925 : memref<1x384xf32, #tpu.memory_space<vmem>> -> memref<384xf32, #tpu.memory_space<vmem>>
      %dma_start3A_1927 = tpu.memref_slice %arg3[%mul3A_1915] : memref<270336xf32, #tpu.memory_space<hbm>> -> memref<384xf32, #tpu.memory_space<hbm>>
      tpu.enqueue_dma source(%dma_start3A_1927 : memref<384xf32, #tpu.memory_space<hbm>>) target(%dma_start3A_1926 : memref<384xf32, #tpu.memory_space<vmem>>) target_semaphore(%dma_start3A_1923 : memref<!tpu.dma_semaphore, #tpu.memory_space<semaphore_mem>>)
      %add3A_1928 = arith.constant 1 : i32
      %add3A_1929 = arith.addi %mul3A_1620, %add3A_1928 : i32
      %dma_wait3A_1930 = arith.constant 2 : i32
      %dma_wait3A_1931 = arith.constant 2 : i32
      %dma_wait3A_1932 = arith.constant 0 : i32
      %dma_wait3A_1933 = arith.constant 0 : i32
      %dma_wait3A_1934 = tpu.memref_slice %arg9[%dma_wait3A_1930, %dma_wait3A_1932, %dma_wait3A_1933] : memref<4x3x128xi32, #tpu.memory_space<vmem>> -> memref<1x3x128xi32, #tpu.memory_space<vmem>>
      %dma_wait3A_1935 = tpu.memref_squeeze %dma_wait3A_1934 : memref<1x3x128xi32, #tpu.memory_space<vmem>> -> memref<3x128xi32, #tpu.memory_space<vmem>>
      %dma_wait3A_1936 = arith.constant 0 : i32
      %dma_wait3A_1937 = arith.constant 0 : i32
      %dma_wait3A_1938 = tpu.memref_slice %arg5[%dma_wait3A_1936, %dma_wait3A_1937] : memref<2112x128xi32, #tpu.memory_space<hbm>> -> memref<3x128xi32, #tpu.memory_space<hbm>>
      %dma_wait3A_1939 = tpu.memref_slice %arg14[%dma_wait3A_1931] : memref<4x!tpu.dma_semaphore, #tpu.memory_space<semaphore_mem>> -> memref<1x!tpu.dma_semaphore, #tpu.memory_space<semaphore_mem>>
      %dma_wait3A_1940 = tpu.memref_squeeze %dma_wait3A_1939 : memref<1x!tpu.dma_semaphore, #tpu.memory_space<semaphore_mem>> -> memref<!tpu.dma_semaphore, #tpu.memory_space<semaphore_mem>>
      %dma_wait3A_1941 = arith.constant 0 : i32
      %dma_wait3A_1942 = arith.constant 0 : i32
      %dma_wait3A_1943 = tpu.memref_slice %arg9[%dma_wait3A_1930, %dma_wait3A_1941, %dma_wait3A_1942] : memref<4x3x128xi32, #tpu.memory_space<vmem>> -> memref<1x3x128xi32, #tpu.memory_space<vmem>>
      %dma_wait3A_1944 = tpu.memref_squeeze %dma_wait3A_1943 : memref<1x3x128xi32, #tpu.memory_space<vmem>> -> memref<3x128xi32, #tpu.memory_space<vmem>>
      %dma_wait3A_1945 = arith.constant 0 : i32
      %dma_wait3A_1946 = arith.constant 0 : i32
      %dma_wait3A_1947 = tpu.memref_slice %arg5[%dma_wait3A_1945, %dma_wait3A_1946] : memref<2112x128xi32, #tpu.memory_space<hbm>> -> memref<3x128xi32, #tpu.memory_space<hbm>>
      tpu.wait_dma2 semaphore(%dma_wait3A_1940 : memref<!tpu.dma_semaphore, #tpu.memory_space<semaphore_mem>>) src(%dma_wait3A_1947 : memref<3x128xi32, #tpu.memory_space<hbm>>) dst(%dma_wait3A_1944 : memref<3x128xi32, #tpu.memory_space<vmem>>)
      %dma_wait3A_1948 = arith.constant 2 : i32
      %dma_wait3A_1949 = arith.constant 2 : i32
      %dma_wait3A_1950 = arith.constant 0 : i32
      %dma_wait3A_1951 = arith.constant 0 : i32
      %dma_wait3A_1952 = tpu.memref_slice %arg10[%dma_wait3A_1948, %dma_wait3A_1950, %dma_wait3A_1951] : memref<4x3x128xi32, #tpu.memory_space<vmem>> -> memref<1x3x128xi32, #tpu.memory_space<vmem>>
      %dma_wait3A_1953 = tpu.memref_squeeze %dma_wait3A_1952 : memref<1x3x128xi32, #tpu.memory_space<vmem>> -> memref<3x128xi32, #tpu.memory_space<vmem>>
      %dma_wait3A_1954 = arith.constant 0 : i32
      %dma_wait3A_1955 = arith.constant 0 : i32
      %dma_wait3A_1956 = tpu.memref_slice %arg4[%dma_wait3A_1954, %dma_wait3A_1955] : memref<2112x128xi32, #tpu.memory_space<hbm>> -> memref<3x128xi32, #tpu.memory_space<hbm>>
      %dma_wait3A_1957 = tpu.memref_slice %arg14[%dma_wait3A_1949] : memref<4x!tpu.dma_semaphore, #tpu.memory_space<semaphore_mem>> -> memref<1x!tpu.dma_semaphore, #tpu.memory_space<semaphore_mem>>
      %dma_wait3A_1958 = tpu.memref_squeeze %dma_wait3A_1957 : memref<1x!tpu.dma_semaphore, #tpu.memory_space<semaphore_mem>> -> memref<!tpu.dma_semaphore, #tpu.memory_space<semaphore_mem>>
      %dma_wait3A_1959 = arith.constant 0 : i32
      %dma_wait3A_1960 = arith.constant 0 : i32
      %dma_wait3A_1961 = tpu.memref_slice %arg10[%dma_wait3A_1948, %dma_wait3A_1959, %dma_wait3A_1960] : memref<4x3x128xi32, #tpu.memory_space<vmem>> -> memref<1x3x128xi32, #tpu.memory_space<vmem>>
      %dma_wait3A_1962 = tpu.memref_squeeze %dma_wait3A_1961 : memref<1x3x128xi32, #tpu.memory_space<vmem>> -> memref<3x128xi32, #tpu.memory_space<vmem>>
      %dma_wait3A_1963 = arith.constant 0 : i32
      %dma_wait3A_1964 = arith.constant 0 : i32
      %dma_wait3A_1965 = tpu.memref_slice %arg4[%dma_wait3A_1963, %dma_wait3A_1964] : memref<2112x128xi32, #tpu.memory_space<hbm>> -> memref<3x128xi32, #tpu.memory_space<hbm>>
      tpu.wait_dma2 semaphore(%dma_wait3A_1958 : memref<!tpu.dma_semaphore, #tpu.memory_space<semaphore_mem>>) src(%dma_wait3A_1965 : memref<3x128xi32, #tpu.memory_space<hbm>>) dst(%dma_wait3A_1962 : memref<3x128xi32, #tpu.memory_space<vmem>>)
      %dma_wait3A_1966 = arith.constant 2 : i32
      %dma_wait3A_1967 = arith.constant 2 : i32
      %dma_wait3A_1968 = arith.constant 0 : i32
      %dma_wait3A_1969 = tpu.memref_slice %arg11[%dma_wait3A_1966, %dma_wait3A_1968] : memref<4x384xf32, #tpu.memory_space<vmem>> -> memref<1x384xf32, #tpu.memory_space<vmem>>
      %dma_wait3A_1970 = tpu.memref_squeeze %dma_wait3A_1969 : memref<1x384xf32, #tpu.memory_space<vmem>> -> memref<384xf32, #tpu.memory_space<vmem>>
      %dma_wait3A_1971 = arith.constant 0 : i32
      %dma_wait3A_1972 = tpu.memref_slice %arg3[%dma_wait3A_1971] : memref<270336xf32, #tpu.memory_space<hbm>> -> memref<384xf32, #tpu.memory_space<hbm>>
      %dma_wait3A_1973 = tpu.memref_slice %arg14[%dma_wait3A_1967] : memref<4x!tpu.dma_semaphore, #tpu.memory_space<semaphore_mem>> -> memref<1x!tpu.dma_semaphore, #tpu.memory_space<semaphore_mem>>
      %dma_wait3A_1974 = tpu.memref_squeeze %dma_wait3A_1973 : memref<1x!tpu.dma_semaphore, #tpu.memory_space<semaphore_mem>> -> memref<!tpu.dma_semaphore, #tpu.memory_space<semaphore_mem>>
      %dma_wait3A_1975 = arith.constant 0 : i32
      %dma_wait3A_1976 = tpu.memref_slice %arg11[%dma_wait3A_1966, %dma_wait3A_1975] : memref<4x384xf32, #tpu.memory_space<vmem>> -> memref<1x384xf32, #tpu.memory_space<vmem>>
      %dma_wait3A_1977 = tpu.memref_squeeze %dma_wait3A_1976 : memref<1x384xf32, #tpu.memory_space<vmem>> -> memref<384xf32, #tpu.memory_space<vmem>>
      %dma_wait3A_1978 = arith.constant 0 : i32
      %dma_wait3A_1979 = tpu.memref_slice %arg3[%dma_wait3A_1978] : memref<270336xf32, #tpu.memory_space<hbm>> -> memref<384xf32, #tpu.memory_space<hbm>>
      tpu.wait_dma2 semaphore(%dma_wait3A_1974 : memref<!tpu.dma_semaphore, #tpu.memory_space<semaphore_mem>>) src(%dma_wait3A_1979 : memref<384xf32, #tpu.memory_space<hbm>>) dst(%dma_wait3A_1977 : memref<384xf32, #tpu.memory_space<vmem>>)
      %dma_start3A_1980 = arith.constant 2 : i32
      %dma_start3A_1981 = arith.constant 0 : i32
      %dma_start3A_1982 = arith.constant 2 : i32
      %dma_start3A_1983 = arith.constant 2 : i32
      %dma_start3A_1984 = arith.constant 0 : i32
      %dma_start3A_1985 = arith.constant 0 : i32
      %dma_start3A_1986 = tpu.memref_slice %arg12[%dma_start3A_1982, %dma_start3A_1984, %dma_start3A_1985] : memref<4x384x32xf32, #tpu.memory_space<vmem>> -> memref<1x128x32xf32, #tpu.memory_space<vmem>>
      %dma_start3A_1987 = tpu.memref_squeeze %dma_start3A_1986 : memref<1x128x32xf32, #tpu.memory_space<vmem>> -> memref<128x32xf32, #tpu.memory_space<vmem>>
      %dma_start3A_1988 = arith.constant 0 : i32
      %dma_start3A_1989 = tpu.memref_slice %arg9[%dma_start3A_1980, %dma_start3A_1981, %dma_start3A_1988] : memref<4x3x128xi32, #tpu.memory_space<vmem>> -> memref<1x1x128xi32, #tpu.memory_space<vmem>>
      %dma_start3A_1990 = tpu.memref_squeeze %dma_start3A_1989 : memref<1x1x128xi32, #tpu.memory_space<vmem>> -> memref<128xi32, #tpu.memory_space<vmem>>
      %dma_start3A_1991 = arith.constant 0 : i32
      %dma_start3A_1992 = arith.constant 0 : i32
      %dma_start3A_1993 = tpu.memref_slice %arg7[%dma_start3A_1991, %dma_start3A_1992] : memref<16384x32xf32, #tpu.memory_space<vmem_shared>> -> memref<16384x32xf32, #tpu.memory_space<vmem_shared>>
      %dma_start3A_1994 = tpu.memref_slice %arg15[%dma_start3A_1983] : memref<4x!tpu.dma_semaphore, #tpu.memory_space<semaphore_mem>> -> memref<1x!tpu.dma_semaphore, #tpu.memory_space<semaphore_mem>>
      %dma_start3A_1995 = tpu.memref_squeeze %dma_start3A_1994 : memref<1x!tpu.dma_semaphore, #tpu.memory_space<semaphore_mem>> -> memref<!tpu.dma_semaphore, #tpu.memory_space<semaphore_mem>>
      tpu.enqueue_indirect_dma source(%dma_start3A_1993 : memref<16384x32xf32, #tpu.memory_space<vmem_shared>>) target(%dma_start3A_1987 : memref<128x32xf32, #tpu.memory_space<vmem>>) offsets(%dma_start3A_1990 : memref<128xi32, #tpu.memory_space<vmem>>) semaphore(%dma_start3A_1995 : memref<!tpu.dma_semaphore, #tpu.memory_space<semaphore_mem>>)
      %dma_start3A_1996 = arith.constant 2 : i32
      %dma_start3A_1997 = arith.constant 1 : i32
      %dma_start3A_1998 = arith.constant 2 : i32
      %dma_start3A_1999 = arith.constant 2 : i32
      %dma_start3A_2000 = arith.constant 128 : i32
      %dma_start3A_2001 = arith.constant 0 : i32
      %dma_start3A_2002 = tpu.memref_slice %arg12[%dma_start3A_1998, %dma_start3A_2000, %dma_start3A_2001] : memref<4x384x32xf32, #tpu.memory_space<vmem>> -> memref<1x128x32xf32, #tpu.memory_space<vmem>>
      %dma_start3A_2003 = tpu.memref_squeeze %dma_start3A_2002 : memref<1x128x32xf32, #tpu.memory_space<vmem>> -> memref<128x32xf32, #tpu.memory_space<vmem>>
      %dma_start3A_2004 = arith.constant 0 : i32
      %dma_start3A_2005 = tpu.memref_slice %arg9[%dma_start3A_1996, %dma_start3A_1997, %dma_start3A_2004] : memref<4x3x128xi32, #tpu.memory_space<vmem>> -> memref<1x1x128xi32, #tpu.memory_space<vmem>>
      %dma_start3A_2006 = tpu.memref_squeeze %dma_start3A_2005 : memref<1x1x128xi32, #tpu.memory_space<vmem>> -> memref<128xi32, #tpu.memory_space<vmem>>
      %dma_start3A_2007 = arith.constant 0 : i32
      %dma_start3A_2008 = arith.constant 0 : i32
      %dma_start3A_2009 = tpu.memref_slice %arg7[%dma_start3A_2007, %dma_start3A_2008] : memref<16384x32xf32, #tpu.memory_space<vmem_shared>> -> memref<16384x32xf32, #tpu.memory_space<vmem_shared>>
      %dma_start3A_2010 = tpu.memref_slice %arg15[%dma_start3A_1999] : memref<4x!tpu.dma_semaphore, #tpu.memory_space<semaphore_mem>> -> memref<1x!tpu.dma_semaphore, #tpu.memory_space<semaphore_mem>>
      %dma_start3A_2011 = tpu.memref_squeeze %dma_start3A_2010 : memref<1x!tpu.dma_semaphore, #tpu.memory_space<semaphore_mem>> -> memref<!tpu.dma_semaphore, #tpu.memory_space<semaphore_mem>>
      tpu.enqueue_indirect_dma source(%dma_start3A_2009 : memref<16384x32xf32, #tpu.memory_space<vmem_shared>>) target(%dma_start3A_2003 : memref<128x32xf32, #tpu.memory_space<vmem>>) offsets(%dma_start3A_2006 : memref<128xi32, #tpu.memory_space<vmem>>) semaphore(%dma_start3A_2011 : memref<!tpu.dma_semaphore, #tpu.memory_space<semaphore_mem>>)
      %dma_start3A_2012 = arith.constant 2 : i32
      %dma_start3A_2013 = arith.constant 2 : i32
      %dma_start3A_2014 = arith.constant 2 : i32
      %dma_start3A_2015 = arith.constant 2 : i32
      %dma_start3A_2016 = arith.constant 256 : i32
      %dma_start3A_2017 = arith.constant 0 : i32
      %dma_start3A_2018 = tpu.memref_slice %arg12[%dma_start3A_2014, %dma_start3A_2016, %dma_start3A_2017] : memref<4x384x32xf32, #tpu.memory_space<vmem>> -> memref<1x128x32xf32, #tpu.memory_space<vmem>>
      %dma_start3A_2019 = tpu.memref_squeeze %dma_start3A_2018 : memref<1x128x32xf32, #tpu.memory_space<vmem>> -> memref<128x32xf32, #tpu.memory_space<vmem>>
      %dma_start3A_2020 = arith.constant 0 : i32
      %dma_start3A_2021 = tpu.memref_slice %arg9[%dma_start3A_2012, %dma_start3A_2013, %dma_start3A_2020] : memref<4x3x128xi32, #tpu.memory_space<vmem>> -> memref<1x1x128xi32, #tpu.memory_space<vmem>>
      %dma_start3A_2022 = tpu.memref_squeeze %dma_start3A_2021 : memref<1x1x128xi32, #tpu.memory_space<vmem>> -> memref<128xi32, #tpu.memory_space<vmem>>
      %dma_start3A_2023 = arith.constant 0 : i32
      %dma_start3A_2024 = arith.constant 0 : i32
      %dma_start3A_2025 = tpu.memref_slice %arg7[%dma_start3A_2023, %dma_start3A_2024] : memref<16384x32xf32, #tpu.memory_space<vmem_shared>> -> memref<16384x32xf32, #tpu.memory_space<vmem_shared>>
      %dma_start3A_2026 = tpu.memref_slice %arg15[%dma_start3A_2015] : memref<4x!tpu.dma_semaphore, #tpu.memory_space<semaphore_mem>> -> memref<1x!tpu.dma_semaphore, #tpu.memory_space<semaphore_mem>>
      %dma_start3A_2027 = tpu.memref_squeeze %dma_start3A_2026 : memref<1x!tpu.dma_semaphore, #tpu.memory_space<semaphore_mem>> -> memref<!tpu.dma_semaphore, #tpu.memory_space<semaphore_mem>>
      tpu.enqueue_indirect_dma source(%dma_start3A_2025 : memref<16384x32xf32, #tpu.memory_space<vmem_shared>>) target(%dma_start3A_2019 : memref<128x32xf32, #tpu.memory_space<vmem>>) offsets(%dma_start3A_2022 : memref<128xi32, #tpu.memory_space<vmem>>) semaphore(%dma_start3A_2027 : memref<!tpu.dma_semaphore, #tpu.memory_space<semaphore_mem>>)
      %dma_wait3A_2028 = arith.constant 1 : i32
      %dma_wait3A_2029 = arith.constant 0 : i32
      %dma_wait3A_2030 = arith.constant 1 : i32
      %dma_wait3A_2031 = arith.constant 1 : i32
      %dma_wait3A_2032 = arith.constant 0 : i32
      %dma_wait3A_2033 = arith.constant 0 : i32
      %dma_wait3A_2034 = tpu.memref_slice %arg12[%dma_wait3A_2030, %dma_wait3A_2032, %dma_wait3A_2033] : memref<4x384x32xf32, #tpu.memory_space<vmem>> -> memref<1x128x32xf32, #tpu.memory_space<vmem>>
      %dma_wait3A_2035 = tpu.memref_squeeze %dma_wait3A_2034 : memref<1x128x32xf32, #tpu.memory_space<vmem>> -> memref<128x32xf32, #tpu.memory_space<vmem>>
      %dma_wait3A_2036 = arith.constant 0 : i32
      %dma_wait3A_2037 = tpu.memref_slice %arg9[%dma_wait3A_2028, %dma_wait3A_2029, %dma_wait3A_2036] : memref<4x3x128xi32, #tpu.memory_space<vmem>> -> memref<1x1x128xi32, #tpu.memory_space<vmem>>
      %dma_wait3A_2038 = tpu.memref_squeeze %dma_wait3A_2037 : memref<1x1x128xi32, #tpu.memory_space<vmem>> -> memref<128xi32, #tpu.memory_space<vmem>>
      %dma_wait3A_2039 = arith.constant 0 : i32
      %dma_wait3A_2040 = arith.constant 0 : i32
      %dma_wait3A_2041 = tpu.memref_slice %arg7[%dma_wait3A_2039, %dma_wait3A_2040] : memref<16384x32xf32, #tpu.memory_space<vmem_shared>> -> memref<16384x32xf32, #tpu.memory_space<vmem_shared>>
      %dma_wait3A_2042 = tpu.memref_slice %arg15[%dma_wait3A_2031] : memref<4x!tpu.dma_semaphore, #tpu.memory_space<semaphore_mem>> -> memref<1x!tpu.dma_semaphore, #tpu.memory_space<semaphore_mem>>
      %dma_wait3A_2043 = tpu.memref_squeeze %dma_wait3A_2042 : memref<1x!tpu.dma_semaphore, #tpu.memory_space<semaphore_mem>> -> memref<!tpu.dma_semaphore, #tpu.memory_space<semaphore_mem>>
      tpu.wait_indirect_dma semaphore(%dma_wait3A_2043 : memref<!tpu.dma_semaphore, #tpu.memory_space<semaphore_mem>>) src(%dma_wait3A_2041 : memref<16384x32xf32, #tpu.memory_space<vmem_shared>>) dst(%dma_wait3A_2035 : memref<128x32xf32, #tpu.memory_space<vmem>>)
      %dma_wait3A_2044 = arith.constant 1 : i32
      %dma_wait3A_2045 = arith.constant 1 : i32
      %dma_wait3A_2046 = arith.constant 1 : i32
      %dma_wait3A_2047 = arith.constant 1 : i32
      %dma_wait3A_2048 = arith.constant 128 : i32
      %dma_wait3A_2049 = arith.constant 0 : i32
      %dma_wait3A_2050 = tpu.memref_slice %arg12[%dma_wait3A_2046, %dma_wait3A_2048, %dma_wait3A_2049] : memref<4x384x32xf32, #tpu.memory_space<vmem>> -> memref<1x128x32xf32, #tpu.memory_space<vmem>>
      %dma_wait3A_2051 = tpu.memref_squeeze %dma_wait3A_2050 : memref<1x128x32xf32, #tpu.memory_space<vmem>> -> memref<128x32xf32, #tpu.memory_space<vmem>>
      %dma_wait3A_2052 = arith.constant 0 : i32
      %dma_wait3A_2053 = tpu.memref_slice %arg9[%dma_wait3A_2044, %dma_wait3A_2045, %dma_wait3A_2052] : memref<4x3x128xi32, #tpu.memory_space<vmem>> -> memref<1x1x128xi32, #tpu.memory_space<vmem>>
      %dma_wait3A_2054 = tpu.memref_squeeze %dma_wait3A_2053 : memref<1x1x128xi32, #tpu.memory_space<vmem>> -> memref<128xi32, #tpu.memory_space<vmem>>
      %dma_wait3A_2055 = arith.constant 0 : i32
      %dma_wait3A_2056 = arith.constant 0 : i32
      %dma_wait3A_2057 = tpu.memref_slice %arg7[%dma_wait3A_2055, %dma_wait3A_2056] : memref<16384x32xf32, #tpu.memory_space<vmem_shared>> -> memref<16384x32xf32, #tpu.memory_space<vmem_shared>>
      %dma_wait3A_2058 = tpu.memref_slice %arg15[%dma_wait3A_2047] : memref<4x!tpu.dma_semaphore, #tpu.memory_space<semaphore_mem>> -> memref<1x!tpu.dma_semaphore, #tpu.memory_space<semaphore_mem>>
      %dma_wait3A_2059 = tpu.memref_squeeze %dma_wait3A_2058 : memref<1x!tpu.dma_semaphore, #tpu.memory_space<semaphore_mem>> -> memref<!tpu.dma_semaphore, #tpu.memory_space<semaphore_mem>>
      tpu.wait_indirect_dma semaphore(%dma_wait3A_2059 : memref<!tpu.dma_semaphore, #tpu.memory_space<semaphore_mem>>) src(%dma_wait3A_2057 : memref<16384x32xf32, #tpu.memory_space<vmem_shared>>) dst(%dma_wait3A_2051 : memref<128x32xf32, #tpu.memory_space<vmem>>)
      %dma_wait3A_2060 = arith.constant 1 : i32
      %dma_wait3A_2061 = arith.constant 2 : i32
      %dma_wait3A_2062 = arith.constant 1 : i32
      %dma_wait3A_2063 = arith.constant 1 : i32
      %dma_wait3A_2064 = arith.constant 256 : i32
      %dma_wait3A_2065 = arith.constant 0 : i32
      %dma_wait3A_2066 = tpu.memref_slice %arg12[%dma_wait3A_2062, %dma_wait3A_2064, %dma_wait3A_2065] : memref<4x384x32xf32, #tpu.memory_space<vmem>> -> memref<1x128x32xf32, #tpu.memory_space<vmem>>
      %dma_wait3A_2067 = tpu.memref_squeeze %dma_wait3A_2066 : memref<1x128x32xf32, #tpu.memory_space<vmem>> -> memref<128x32xf32, #tpu.memory_space<vmem>>
      %dma_wait3A_2068 = arith.constant 0 : i32
      %dma_wait3A_2069 = tpu.memref_slice %arg9[%dma_wait3A_2060, %dma_wait3A_2061, %dma_wait3A_2068] : memref<4x3x128xi32, #tpu.memory_space<vmem>> -> memref<1x1x128xi32, #tpu.memory_space<vmem>>
      %dma_wait3A_2070 = tpu.memref_squeeze %dma_wait3A_2069 : memref<1x1x128xi32, #tpu.memory_space<vmem>> -> memref<128xi32, #tpu.memory_space<vmem>>
      %dma_wait3A_2071 = arith.constant 0 : i32
      %dma_wait3A_2072 = arith.constant 0 : i32
      %dma_wait3A_2073 = tpu.memref_slice %arg7[%dma_wait3A_2071, %dma_wait3A_2072] : memref<16384x32xf32, #tpu.memory_space<vmem_shared>> -> memref<16384x32xf32, #tpu.memory_space<vmem_shared>>
      %dma_wait3A_2074 = tpu.memref_slice %arg15[%dma_wait3A_2063] : memref<4x!tpu.dma_semaphore, #tpu.memory_space<semaphore_mem>> -> memref<1x!tpu.dma_semaphore, #tpu.memory_space<semaphore_mem>>
      %dma_wait3A_2075 = tpu.memref_squeeze %dma_wait3A_2074 : memref<1x!tpu.dma_semaphore, #tpu.memory_space<semaphore_mem>> -> memref<!tpu.dma_semaphore, #tpu.memory_space<semaphore_mem>>
      tpu.wait_indirect_dma semaphore(%dma_wait3A_2075 : memref<!tpu.dma_semaphore, #tpu.memory_space<semaphore_mem>>) src(%dma_wait3A_2073 : memref<16384x32xf32, #tpu.memory_space<vmem_shared>>) dst(%dma_wait3A_2067 : memref<128x32xf32, #tpu.memory_space<vmem>>)
      %parallel_loop3A_2076 = arith.constant 0 : i32
      %parallel_loop3A_2077 = arith.constant 384 : i32
      %parallel_loop3A_2078 = arith.constant 1 : i32
      scf.for %parallel_loop3A_2871 = %parallel_loop3A_2076 to %parallel_loop3A_2077 step %parallel_loop3A_2078  : i32 {
        %parallel_loop3A_2872 = vector.broadcast %parallel_loop3A_2871 : i32 to vector<16xi32>
        %parallel_loop3A_2873 = arith.constant 1 : i32
        %parallel_loop3A_2874 = arith.constant 0 : i32
        %parallel_loop3A_2875 = tpu.memref_slice %arg11[%parallel_loop3A_2873, %parallel_loop3A_2874] : memref<4x384xf32, #tpu.memory_space<vmem>> -> memref<1x384xf32, #tpu.memory_space<vmem>>
        %parallel_loop3A_2876 = tpu.memref_squeeze %parallel_loop3A_2875 : memref<1x384xf32, #tpu.memory_space<vmem>> -> memref<384xf32, #tpu.memory_space<vmem>>
        %parallel_loop3A_2877 = tpu.vector_load_idx %parallel_loop3A_2876[%parallel_loop3A_2872] : memref<384xf32, #tpu.memory_space<vmem>>[vector<16xi32>], vector<16xf32>,
        %parallel_loop3A_2878 = arith.constant 1 : i32
        %parallel_loop3A_2879 = arith.index_cast %parallel_loop3A_2878 : i32 to index
        %parallel_loop3A_2880 = arith.index_cast %parallel_loop3A_2871 : i32 to index
        %parallel_loop3A_2881 = arith.constant 0 : index
        %parallel_loop3A_2882 = tpu.vector_load %arg12[%parallel_loop3A_2879, %parallel_loop3A_2880, %parallel_loop3A_2881] {strides = array<i32>} : memref<4x384x32xf32, #tpu.memory_space<vmem>>, vector<16xf32>,
        %parallel_loop3A_2883 = arith.mulf %parallel_loop3A_2882, %parallel_loop3A_2877 : vector<16xf32>
        %parallel_loop3A_2884 = arith.constant 1 : i32
        %parallel_loop3A_2885 = arith.index_cast %parallel_loop3A_2884 : i32 to index
        %parallel_loop3A_2886 = arith.index_cast %parallel_loop3A_2871 : i32 to index
        %parallel_loop3A_2887 = arith.constant 0 : index
        %parallel_loop3A_2888 = tpu.vector_load %arg12[%parallel_loop3A_2885, %parallel_loop3A_2886, %parallel_loop3A_2887] {strides = array<i32>} : memref<4x384x32xf32, #tpu.memory_space<vmem>>, vector<16xf32>,
        tpu.vector_store %arg12[%parallel_loop3A_2885, %parallel_loop3A_2886, %parallel_loop3A_2887], %parallel_loop3A_2883 {strides = array<i32>} : memref<4x384x32xf32, #tpu.memory_space<vmem>>, vector<16xf32>,
        %parallel_loop3A_2889 = arith.constant 1 : i32
        %parallel_loop3A_2890 = arith.index_cast %parallel_loop3A_2889 : i32 to index
        %parallel_loop3A_2891 = arith.index_cast %parallel_loop3A_2871 : i32 to index
        %parallel_loop3A_2892 = arith.constant 16 : index
        %parallel_loop3A_2893 = tpu.vector_load %arg12[%parallel_loop3A_2890, %parallel_loop3A_2891, %parallel_loop3A_2892] {strides = array<i32>} : memref<4x384x32xf32, #tpu.memory_space<vmem>>, vector<16xf32>,
        %parallel_loop3A_2894 = arith.mulf %parallel_loop3A_2893, %parallel_loop3A_2877 : vector<16xf32>
        %parallel_loop3A_2895 = arith.constant 1 : i32
        %parallel_loop3A_2896 = arith.index_cast %parallel_loop3A_2895 : i32 to index
        %parallel_loop3A_2897 = arith.index_cast %parallel_loop3A_2871 : i32 to index
        %parallel_loop3A_2898 = arith.constant 16 : index
        %parallel_loop3A_2899 = tpu.vector_load %arg12[%parallel_loop3A_2896, %parallel_loop3A_2897, %parallel_loop3A_2898] {strides = array<i32>} : memref<4x384x32xf32, #tpu.memory_space<vmem>>, vector<16xf32>,
        tpu.vector_store %arg12[%parallel_loop3A_2896, %parallel_loop3A_2897, %parallel_loop3A_2898], %parallel_loop3A_2894 {strides = array<i32>} : memref<4x384x32xf32, #tpu.memory_space<vmem>>, vector<16xf32>,
      } {sc.loop_unroll_factor = 4 : i64, sc.parallel_access}
      %dma_start3A_2079 = arith.constant 1 : i32
      %dma_start3A_2080 = arith.constant 1 : i32
      %dma_start3A_2081 = arith.constant 0 : i32
      %dma_start3A_2082 = arith.constant 1 : i32
      %dma_start3A_2083 = arith.constant 0 : i32
      %dma_start3A_2084 = arith.constant 0 : i32
      %dma_start3A_2085 = tpu.memref_slice %arg12[%dma_start3A_2079, %dma_start3A_2083, %dma_start3A_2084] : memref<4x384x32xf32, #tpu.memory_space<vmem>> -> memref<1x128x32xf32, #tpu.memory_space<vmem>>
      %dma_start3A_2086 = tpu.memref_squeeze %dma_start3A_2085 : memref<1x128x32xf32, #tpu.memory_space<vmem>> -> memref<128x32xf32, #tpu.memory_space<vmem>>
      %dma_start3A_2087 = arith.constant 0 : i32
      %dma_start3A_2088 = tpu.memref_slice %arg10[%dma_start3A_2080, %dma_start3A_2081, %dma_start3A_2087] : memref<4x3x128xi32, #tpu.memory_space<vmem>> -> memref<1x1x128xi32, #tpu.memory_space<vmem>>
      %dma_start3A_2089 = tpu.memref_squeeze %dma_start3A_2088 : memref<1x1x128xi32, #tpu.memory_space<vmem>> -> memref<128xi32, #tpu.memory_space<vmem>>
      %dma_start3A_2090 = arith.constant 0 : i32
      %dma_start3A_2091 = arith.constant 0 : i32
      %dma_start3A_2092 = tpu.memref_slice %arg8[%dma_start3A_2090, %dma_start3A_2091] : memref<16384x32xf32, #tpu.memory_space<vmem_shared>> -> memref<16384x32xf32, #tpu.memory_space<vmem_shared>>
      %dma_start3A_2093 = tpu.memref_slice %arg16[%dma_start3A_2082] : memref<4x!tpu.dma_semaphore, #tpu.memory_space<semaphore_mem>> -> memref<1x!tpu.dma_semaphore, #tpu.memory_space<semaphore_mem>>
      %dma_start3A_2094 = tpu.memref_squeeze %dma_start3A_2093 : memref<1x!tpu.dma_semaphore, #tpu.memory_space<semaphore_mem>> -> memref<!tpu.dma_semaphore, #tpu.memory_space<semaphore_mem>>
      tpu.enqueue_indirect_dma source(%dma_start3A_2086 : memref<128x32xf32, #tpu.memory_space<vmem>>) target(%dma_start3A_2092 : memref<16384x32xf32, #tpu.memory_space<vmem_shared>>) offsets(%dma_start3A_2089 : memref<128xi32, #tpu.memory_space<vmem>>) semaphore(%dma_start3A_2094 : memref<!tpu.dma_semaphore, #tpu.memory_space<semaphore_mem>>) {add = true}
      %dma_start3A_2095 = arith.constant 1 : i32
      %dma_start3A_2096 = arith.constant 1 : i32
      %dma_start3A_2097 = arith.constant 1 : i32
      %dma_start3A_2098 = arith.constant 1 : i32
      %dma_start3A_2099 = arith.constant 128 : i32
      %dma_start3A_2100 = arith.constant 0 : i32
      %dma_start3A_2101 = tpu.memref_slice %arg12[%dma_start3A_2095, %dma_start3A_2099, %dma_start3A_2100] : memref<4x384x32xf32, #tpu.memory_space<vmem>> -> memref<1x128x32xf32, #tpu.memory_space<vmem>>
      %dma_start3A_2102 = tpu.memref_squeeze %dma_start3A_2101 : memref<1x128x32xf32, #tpu.memory_space<vmem>> -> memref<128x32xf32, #tpu.memory_space<vmem>>
      %dma_start3A_2103 = arith.constant 0 : i32
      %dma_start3A_2104 = tpu.memref_slice %arg10[%dma_start3A_2096, %dma_start3A_2097, %dma_start3A_2103] : memref<4x3x128xi32, #tpu.memory_space<vmem>> -> memref<1x1x128xi32, #tpu.memory_space<vmem>>
      %dma_start3A_2105 = tpu.memref_squeeze %dma_start3A_2104 : memref<1x1x128xi32, #tpu.memory_space<vmem>> -> memref<128xi32, #tpu.memory_space<vmem>>
      %dma_start3A_2106 = arith.constant 0 : i32
      %dma_start3A_2107 = arith.constant 0 : i32
      %dma_start3A_2108 = tpu.memref_slice %arg8[%dma_start3A_2106, %dma_start3A_2107] : memref<16384x32xf32, #tpu.memory_space<vmem_shared>> -> memref<16384x32xf32, #tpu.memory_space<vmem_shared>>
      %dma_start3A_2109 = tpu.memref_slice %arg16[%dma_start3A_2098] : memref<4x!tpu.dma_semaphore, #tpu.memory_space<semaphore_mem>> -> memref<1x!tpu.dma_semaphore, #tpu.memory_space<semaphore_mem>>
      %dma_start3A_2110 = tpu.memref_squeeze %dma_start3A_2109 : memref<1x!tpu.dma_semaphore, #tpu.memory_space<semaphore_mem>> -> memref<!tpu.dma_semaphore, #tpu.memory_space<semaphore_mem>>
      tpu.enqueue_indirect_dma source(%dma_start3A_2102 : memref<128x32xf32, #tpu.memory_space<vmem>>) target(%dma_start3A_2108 : memref<16384x32xf32, #tpu.memory_space<vmem_shared>>) offsets(%dma_start3A_2105 : memref<128xi32, #tpu.memory_space<vmem>>) semaphore(%dma_start3A_2110 : memref<!tpu.dma_semaphore, #tpu.memory_space<semaphore_mem>>) {add = true}
      %dma_start3A_2111 = arith.constant 1 : i32
      %dma_start3A_2112 = arith.constant 1 : i32
      %dma_start3A_2113 = arith.constant 2 : i32
      %dma_start3A_2114 = arith.constant 1 : i32
      %dma_start3A_2115 = arith.constant 256 : i32
      %dma_start3A_2116 = arith.constant 0 : i32
      %dma_start3A_2117 = tpu.memref_slice %arg12[%dma_start3A_2111, %dma_start3A_2115, %dma_start3A_2116] : memref<4x384x32xf32, #tpu.memory_space<vmem>> -> memref<1x128x32xf32, #tpu.memory_space<vmem>>
      %dma_start3A_2118 = tpu.memref_squeeze %dma_start3A_2117 : memref<1x128x32xf32, #tpu.memory_space<vmem>> -> memref<128x32xf32, #tpu.memory_space<vmem>>
      %dma_start3A_2119 = arith.constant 0 : i32
      %dma_start3A_2120 = tpu.memref_slice %arg10[%dma_start3A_2112, %dma_start3A_2113, %dma_start3A_2119] : memref<4x3x128xi32, #tpu.memory_space<vmem>> -> memref<1x1x128xi32, #tpu.memory_space<vmem>>
      %dma_start3A_2121 = tpu.memref_squeeze %dma_start3A_2120 : memref<1x1x128xi32, #tpu.memory_space<vmem>> -> memref<128xi32, #tpu.memory_space<vmem>>
      %dma_start3A_2122 = arith.constant 0 : i32
      %dma_start3A_2123 = arith.constant 0 : i32
      %dma_start3A_2124 = tpu.memref_slice %arg8[%dma_start3A_2122, %dma_start3A_2123] : memref<16384x32xf32, #tpu.memory_space<vmem_shared>> -> memref<16384x32xf32, #tpu.memory_space<vmem_shared>>
      %dma_start3A_2125 = tpu.memref_slice %arg16[%dma_start3A_2114] : memref<4x!tpu.dma_semaphore, #tpu.memory_space<semaphore_mem>> -> memref<1x!tpu.dma_semaphore, #tpu.memory_space<semaphore_mem>>
      %dma_start3A_2126 = tpu.memref_squeeze %dma_start3A_2125 : memref<1x!tpu.dma_semaphore, #tpu.memory_space<semaphore_mem>> -> memref<!tpu.dma_semaphore, #tpu.memory_space<semaphore_mem>>
      tpu.enqueue_indirect_dma source(%dma_start3A_2118 : memref<128x32xf32, #tpu.memory_space<vmem>>) target(%dma_start3A_2124 : memref<16384x32xf32, #tpu.memory_space<vmem_shared>>) offsets(%dma_start3A_2121 : memref<128xi32, #tpu.memory_space<vmem>>) semaphore(%dma_start3A_2126 : memref<!tpu.dma_semaphore, #tpu.memory_space<semaphore_mem>>) {add = true}
      %dma_wait3A_2127 = arith.constant 3 : i32
      %dma_wait3A_2128 = arith.constant 3 : i32
      %dma_wait3A_2129 = arith.constant 0 : i32
      %dma_wait3A_2130 = arith.constant 3 : i32
      %dma_wait3A_2131 = arith.constant 0 : i32
      %dma_wait3A_2132 = arith.constant 0 : i32
      %dma_wait3A_2133 = tpu.memref_slice %arg12[%dma_wait3A_2127, %dma_wait3A_2131, %dma_wait3A_2132] : memref<4x384x32xf32, #tpu.memory_space<vmem>> -> memref<1x128x32xf32, #tpu.memory_space<vmem>>
      %dma_wait3A_2134 = tpu.memref_squeeze %dma_wait3A_2133 : memref<1x128x32xf32, #tpu.memory_space<vmem>> -> memref<128x32xf32, #tpu.memory_space<vmem>>
      %dma_wait3A_2135 = arith.constant 0 : i32
      %dma_wait3A_2136 = tpu.memref_slice %arg10[%dma_wait3A_2128, %dma_wait3A_2129, %dma_wait3A_2135] : memref<4x3x128xi32, #tpu.memory_space<vmem>> -> memref<1x1x128xi32, #tpu.memory_space<vmem>>
      %dma_wait3A_2137 = tpu.memref_squeeze %dma_wait3A_2136 : memref<1x1x128xi32, #tpu.memory_space<vmem>> -> memref<128xi32, #tpu.memory_space<vmem>>
      %dma_wait3A_2138 = arith.constant 0 : i32
      %dma_wait3A_2139 = arith.constant 0 : i32
      %dma_wait3A_2140 = tpu.memref_slice %arg8[%dma_wait3A_2138, %dma_wait3A_2139] : memref<16384x32xf32, #tpu.memory_space<vmem_shared>> -> memref<16384x32xf32, #tpu.memory_space<vmem_shared>>
      %dma_wait3A_2141 = tpu.memref_slice %arg16[%dma_wait3A_2130] : memref<4x!tpu.dma_semaphore, #tpu.memory_space<semaphore_mem>> -> memref<1x!tpu.dma_semaphore, #tpu.memory_space<semaphore_mem>>
      %dma_wait3A_2142 = tpu.memref_squeeze %dma_wait3A_2141 : memref<1x!tpu.dma_semaphore, #tpu.memory_space<semaphore_mem>> -> memref<!tpu.dma_semaphore, #tpu.memory_space<semaphore_mem>>
      tpu.wait_indirect_dma semaphore(%dma_wait3A_2142 : memref<!tpu.dma_semaphore, #tpu.memory_space<semaphore_mem>>) src(%dma_wait3A_2134 : memref<128x32xf32, #tpu.memory_space<vmem>>) dst(%dma_wait3A_2140 : memref<16384x32xf32, #tpu.memory_space<vmem_shared>>)
      %dma_wait3A_2143 = arith.constant 3 : i32
      %dma_wait3A_2144 = arith.constant 3 : i32
      %dma_wait3A_2145 = arith.constant 1 : i32
      %dma_wait3A_2146 = arith.constant 3 : i32
      %dma_wait3A_2147 = arith.constant 128 : i32
      %dma_wait3A_2148 = arith.constant 0 : i32
      %dma_wait3A_2149 = tpu.memref_slice %arg12[%dma_wait3A_2143, %dma_wait3A_2147, %dma_wait3A_2148] : memref<4x384x32xf32, #tpu.memory_space<vmem>> -> memref<1x128x32xf32, #tpu.memory_space<vmem>>
      %dma_wait3A_2150 = tpu.memref_squeeze %dma_wait3A_2149 : memref<1x128x32xf32, #tpu.memory_space<vmem>> -> memref<128x32xf32, #tpu.memory_space<vmem>>
      %dma_wait3A_2151 = arith.constant 0 : i32
      %dma_wait3A_2152 = tpu.memref_slice %arg10[%dma_wait3A_2144, %dma_wait3A_2145, %dma_wait3A_2151] : memref<4x3x128xi32, #tpu.memory_space<vmem>> -> memref<1x1x128xi32, #tpu.memory_space<vmem>>
      %dma_wait3A_2153 = tpu.memref_squeeze %dma_wait3A_2152 : memref<1x1x128xi32, #tpu.memory_space<vmem>> -> memref<128xi32, #tpu.memory_space<vmem>>
      %dma_wait3A_2154 = arith.constant 0 : i32
      %dma_wait3A_2155 = arith.constant 0 : i32
      %dma_wait3A_2156 = tpu.memref_slice %arg8[%dma_wait3A_2154, %dma_wait3A_2155] : memref<16384x32xf32, #tpu.memory_space<vmem_shared>> -> memref<16384x32xf32, #tpu.memory_space<vmem_shared>>
      %dma_wait3A_2157 = tpu.memref_slice %arg16[%dma_wait3A_2146] : memref<4x!tpu.dma_semaphore, #tpu.memory_space<semaphore_mem>> -> memref<1x!tpu.dma_semaphore, #tpu.memory_space<semaphore_mem>>
      %dma_wait3A_2158 = tpu.memref_squeeze %dma_wait3A_2157 : memref<1x!tpu.dma_semaphore, #tpu.memory_space<semaphore_mem>> -> memref<!tpu.dma_semaphore, #tpu.memory_space<semaphore_mem>>
      tpu.wait_indirect_dma semaphore(%dma_wait3A_2158 : memref<!tpu.dma_semaphore, #tpu.memory_space<semaphore_mem>>) src(%dma_wait3A_2150 : memref<128x32xf32, #tpu.memory_space<vmem>>) dst(%dma_wait3A_2156 : memref<16384x32xf32, #tpu.memory_space<vmem_shared>>)
      %dma_wait3A_2159 = arith.constant 3 : i32
      %dma_wait3A_2160 = arith.constant 3 : i32
      %dma_wait3A_2161 = arith.constant 2 : i32
      %dma_wait3A_2162 = arith.constant 3 : i32
      %dma_wait3A_2163 = arith.constant 256 : i32
      %dma_wait3A_2164 = arith.constant 0 : i32
      %dma_wait3A_2165 = tpu.memref_slice %arg12[%dma_wait3A_2159, %dma_wait3A_2163, %dma_wait3A_2164] : memref<4x384x32xf32, #tpu.memory_space<vmem>> -> memref<1x128x32xf32, #tpu.memory_space<vmem>>
      %dma_wait3A_2166 = tpu.memref_squeeze %dma_wait3A_2165 : memref<1x128x32xf32, #tpu.memory_space<vmem>> -> memref<128x32xf32, #tpu.memory_space<vmem>>
      %dma_wait3A_2167 = arith.constant 0 : i32
      %dma_wait3A_2168 = tpu.memref_slice %arg10[%dma_wait3A_2160, %dma_wait3A_2161, %dma_wait3A_2167] : memref<4x3x128xi32, #tpu.memory_space<vmem>> -> memref<1x1x128xi32, #tpu.memory_space<vmem>>
      %dma_wait3A_2169 = tpu.memref_squeeze %dma_wait3A_2168 : memref<1x1x128xi32, #tpu.memory_space<vmem>> -> memref<128xi32, #tpu.memory_space<vmem>>
      %dma_wait3A_2170 = arith.constant 0 : i32
      %dma_wait3A_2171 = arith.constant 0 : i32
      %dma_wait3A_2172 = tpu.memref_slice %arg8[%dma_wait3A_2170, %dma_wait3A_2171] : memref<16384x32xf32, #tpu.memory_space<vmem_shared>> -> memref<16384x32xf32, #tpu.memory_space<vmem_shared>>
      %dma_wait3A_2173 = tpu.memref_slice %arg16[%dma_wait3A_2162] : memref<4x!tpu.dma_semaphore, #tpu.memory_space<semaphore_mem>> -> memref<1x!tpu.dma_semaphore, #tpu.memory_space<semaphore_mem>>
      %dma_wait3A_2174 = tpu.memref_squeeze %dma_wait3A_2173 : memref<1x!tpu.dma_semaphore, #tpu.memory_space<semaphore_mem>> -> memref<!tpu.dma_semaphore, #tpu.memory_space<semaphore_mem>>
      tpu.wait_indirect_dma semaphore(%dma_wait3A_2174 : memref<!tpu.dma_semaphore, #tpu.memory_space<semaphore_mem>>) src(%dma_wait3A_2166 : memref<128x32xf32, #tpu.memory_space<vmem>>) dst(%dma_wait3A_2172 : memref<16384x32xf32, #tpu.memory_space<vmem_shared>>)
      %add3A_2175 = arith.constant 2 : i32
      %add3A_2176 = arith.addi %add3A_1929, %add3A_2175 : i32
      %jit3A_2177 = arith.constant 44 : i32
      %eq3A_2178 = arith.constant 0 : i32
      %eq3A_2179 = arith.cmpi eq, %jit3A_2177, %eq3A_2178 : i32
      %jit3A_2180 = arith.constant 1 : i32
      %select_n3A_2181 = arith.select %eq3A_2179, %jit3A_2180, %jit3A_2177 : i32
      %rem3A_2182 = arith.remsi %add3A_2176, %select_n3A_2181 : i32
      %ne3A_2183 = arith.constant 0 : i32
      %ne3A_2184 = arith.cmpi ne, %rem3A_2182, %ne3A_2183 : i32
      %lt3A_2185 = arith.constant 0 : i32
      %lt3A_2186 = arith.cmpi slt, %rem3A_2182, %lt3A_2185 : i32
      %lt3A_2187 = arith.constant 0 : i32
      %lt3A_2188 = arith.cmpi slt, %select_n3A_2181, %lt3A_2187 : i32
      %ne3A_2189 = arith.xori %lt3A_2186, %lt3A_2188 : i1
      %and3A_2190 = arith.andi %ne3A_2189, %ne3A_2184 : i1
      %add3A_2191 = arith.addi %rem3A_2182, %select_n3A_2181 : i32
      %select_n3A_2192 = arith.select %and3A_2190, %add3A_2191, %rem3A_2182 : i32
      %mul3A_2193 = arith.constant 3 : i32
      %mul3A_2194 = arith.muli %select_n3A_2192, %mul3A_2193 : i32
      %add3A_2195 = arith.addi %mul3A_143, %mul3A_2194 : i32
      %dma_start3A_2196 = arith.constant 3 : i32
      %dma_start3A_2197 = arith.constant 3 : i32
      %dma_start3A_2198 = arith.constant 0 : i32
      %dma_start3A_2199 = arith.constant 0 : i32
      %dma_start3A_2200 = tpu.memref_slice %arg9[%dma_start3A_2196, %dma_start3A_2198, %dma_start3A_2199] : memref<4x3x128xi32, #tpu.memory_space<vmem>> -> memref<1x3x128xi32, #tpu.memory_space<vmem>>
      %dma_start3A_2201 = tpu.memref_squeeze %dma_start3A_2200 : memref<1x3x128xi32, #tpu.memory_space<vmem>> -> memref<3x128xi32, #tpu.memory_space<vmem>>
      %dma_start3A_2202 = arith.constant 0 : i32
      %dma_start3A_2203 = tpu.memref_slice %arg5[%add3A_2195, %dma_start3A_2202] : memref<2112x128xi32, #tpu.memory_space<hbm>> -> memref<3x128xi32, #tpu.memory_space<hbm>>
      %dma_start3A_2204 = tpu.memref_slice %arg14[%dma_start3A_2197] : memref<4x!tpu.dma_semaphore, #tpu.memory_space<semaphore_mem>> -> memref<1x!tpu.dma_semaphore, #tpu.memory_space<semaphore_mem>>
      %dma_start3A_2205 = tpu.memref_squeeze %dma_start3A_2204 : memref<1x!tpu.dma_semaphore, #tpu.memory_space<semaphore_mem>> -> memref<!tpu.dma_semaphore, #tpu.memory_space<semaphore_mem>>
      %dma_start3A_2206 = arith.constant 0 : i32
      %dma_start3A_2207 = arith.constant 0 : i32
      %dma_start3A_2208 = tpu.memref_slice %arg9[%dma_start3A_2196, %dma_start3A_2206, %dma_start3A_2207] : memref<4x3x128xi32, #tpu.memory_space<vmem>> -> memref<1x3x128xi32, #tpu.memory_space<vmem>>
      %dma_start3A_2209 = tpu.memref_squeeze %dma_start3A_2208 : memref<1x3x128xi32, #tpu.memory_space<vmem>> -> memref<3x128xi32, #tpu.memory_space<vmem>>
      %dma_start3A_2210 = arith.constant 0 : i32
      %dma_start3A_2211 = tpu.memref_slice %arg5[%add3A_2195, %dma_start3A_2210] : memref<2112x128xi32, #tpu.memory_space<hbm>> -> memref<3x128xi32, #tpu.memory_space<hbm>>
      tpu.enqueue_dma source(%dma_start3A_2211 : memref<3x128xi32, #tpu.memory_space<hbm>>) target(%dma_start3A_2209 : memref<3x128xi32, #tpu.memory_space<vmem>>) target_semaphore(%dma_start3A_2205 : memref<!tpu.dma_semaphore, #tpu.memory_space<semaphore_mem>>)
      %dma_start3A_2212 = arith.constant 3 : i32
      %dma_start3A_2213 = arith.constant 3 : i32
      %dma_start3A_2214 = arith.constant 0 : i32
      %dma_start3A_2215 = arith.constant 0 : i32
      %dma_start3A_2216 = tpu.memref_slice %arg10[%dma_start3A_2212, %dma_start3A_2214, %dma_start3A_2215] : memref<4x3x128xi32, #tpu.memory_space<vmem>> -> memref<1x3x128xi32, #tpu.memory_space<vmem>>
      %dma_start3A_2217 = tpu.memref_squeeze %dma_start3A_2216 : memref<1x3x128xi32, #tpu.memory_space<vmem>> -> memref<3x128xi32, #tpu.memory_space<vmem>>
      %dma_start3A_2218 = arith.constant 0 : i32
      %dma_start3A_2219 = tpu.memref_slice %arg4[%add3A_2195, %dma_start3A_2218] : memref<2112x128xi32, #tpu.memory_space<hbm>> -> memref<3x128xi32, #tpu.memory_space<hbm>>
      %dma_start3A_2220 = tpu.memref_slice %arg14[%dma_start3A_2213] : memref<4x!tpu.dma_semaphore, #tpu.memory_space<semaphore_mem>> -> memref<1x!tpu.dma_semaphore, #tpu.memory_space<semaphore_mem>>
      %dma_start3A_2221 = tpu.memref_squeeze %dma_start3A_2220 : memref<1x!tpu.dma_semaphore, #tpu.memory_space<semaphore_mem>> -> memref<!tpu.dma_semaphore, #tpu.memory_space<semaphore_mem>>
      %dma_start3A_2222 = arith.constant 0 : i32
      %dma_start3A_2223 = arith.constant 0 : i32
      %dma_start3A_2224 = tpu.memref_slice %arg10[%dma_start3A_2212, %dma_start3A_2222, %dma_start3A_2223] : memref<4x3x128xi32, #tpu.memory_space<vmem>> -> memref<1x3x128xi32, #tpu.memory_space<vmem>>
      %dma_start3A_2225 = tpu.memref_squeeze %dma_start3A_2224 : memref<1x3x128xi32, #tpu.memory_space<vmem>> -> memref<3x128xi32, #tpu.memory_space<vmem>>
      %dma_start3A_2226 = arith.constant 0 : i32
      %dma_start3A_2227 = tpu.memref_slice %arg4[%add3A_2195, %dma_start3A_2226] : memref<2112x128xi32, #tpu.memory_space<hbm>> -> memref<3x128xi32, #tpu.memory_space<hbm>>
      tpu.enqueue_dma source(%dma_start3A_2227 : memref<3x128xi32, #tpu.memory_space<hbm>>) target(%dma_start3A_2225 : memref<3x128xi32, #tpu.memory_space<vmem>>) target_semaphore(%dma_start3A_2221 : memref<!tpu.dma_semaphore, #tpu.memory_space<semaphore_mem>>)
      %mul3A_2228 = arith.constant 128 : i32
      %mul3A_2229 = arith.muli %add3A_2195, %mul3A_2228 : i32
      %dma_start3A_2230 = arith.constant 3 : i32
      %dma_start3A_2231 = arith.constant 3 : i32
      %dma_start3A_2232 = arith.constant 0 : i32
      %dma_start3A_2233 = tpu.memref_slice %arg11[%dma_start3A_2230, %dma_start3A_2232] : memref<4x384xf32, #tpu.memory_space<vmem>> -> memref<1x384xf32, #tpu.memory_space<vmem>>
      %dma_start3A_2234 = tpu.memref_squeeze %dma_start3A_2233 : memref<1x384xf32, #tpu.memory_space<vmem>> -> memref<384xf32, #tpu.memory_space<vmem>>
      %dma_start3A_2235 = tpu.memref_slice %arg3[%mul3A_2229] : memref<270336xf32, #tpu.memory_space<hbm>> -> memref<384xf32, #tpu.memory_space<hbm>>
      %dma_start3A_2236 = tpu.memref_slice %arg14[%dma_start3A_2231] : memref<4x!tpu.dma_semaphore, #tpu.memory_space<semaphore_mem>> -> memref<1x!tpu.dma_semaphore, #tpu.memory_space<semaphore_mem>>
      %dma_start3A_2237 = tpu.memref_squeeze %dma_start3A_2236 : memref<1x!tpu.dma_semaphore, #tpu.memory_space<semaphore_mem>> -> memref<!tpu.dma_semaphore, #tpu.memory_space<semaphore_mem>>
      %dma_start3A_2238 = arith.constant 0 : i32
      %dma_start3A_2239 = tpu.memref_slice %arg11[%dma_start3A_2230, %dma_start3A_2238] : memref<4x384xf32, #tpu.memory_space<vmem>> -> memref<1x384xf32, #tpu.memory_space<vmem>>
      %dma_start3A_2240 = tpu.memref_squeeze %dma_start3A_2239 : memref<1x384xf32, #tpu.memory_space<vmem>> -> memref<384xf32, #tpu.memory_space<vmem>>
      %dma_start3A_2241 = tpu.memref_slice %arg3[%mul3A_2229] : memref<270336xf32, #tpu.memory_space<hbm>> -> memref<384xf32, #tpu.memory_space<hbm>>
      tpu.enqueue_dma source(%dma_start3A_2241 : memref<384xf32, #tpu.memory_space<hbm>>) target(%dma_start3A_2240 : memref<384xf32, #tpu.memory_space<vmem>>) target_semaphore(%dma_start3A_2237 : memref<!tpu.dma_semaphore, #tpu.memory_space<semaphore_mem>>)
      %add3A_2242 = arith.constant 2 : i32
      %add3A_2243 = arith.addi %mul3A_1620, %add3A_2242 : i32
      %dma_wait3A_2244 = arith.constant 3 : i32
      %dma_wait3A_2245 = arith.constant 3 : i32
      %dma_wait3A_2246 = arith.constant 0 : i32
      %dma_wait3A_2247 = arith.constant 0 : i32
      %dma_wait3A_2248 = tpu.memref_slice %arg9[%dma_wait3A_2244, %dma_wait3A_2246, %dma_wait3A_2247] : memref<4x3x128xi32, #tpu.memory_space<vmem>> -> memref<1x3x128xi32, #tpu.memory_space<vmem>>
      %dma_wait3A_2249 = tpu.memref_squeeze %dma_wait3A_2248 : memref<1x3x128xi32, #tpu.memory_space<vmem>> -> memref<3x128xi32, #tpu.memory_space<vmem>>
      %dma_wait3A_2250 = arith.constant 0 : i32
      %dma_wait3A_2251 = arith.constant 0 : i32
      %dma_wait3A_2252 = tpu.memref_slice %arg5[%dma_wait3A_2250, %dma_wait3A_2251] : memref<2112x128xi32, #tpu.memory_space<hbm>> -> memref<3x128xi32, #tpu.memory_space<hbm>>
      %dma_wait3A_2253 = tpu.memref_slice %arg14[%dma_wait3A_2245] : memref<4x!tpu.dma_semaphore, #tpu.memory_space<semaphore_mem>> -> memref<1x!tpu.dma_semaphore, #tpu.memory_space<semaphore_mem>>
      %dma_wait3A_2254 = tpu.memref_squeeze %dma_wait3A_2253 : memref<1x!tpu.dma_semaphore, #tpu.memory_space<semaphore_mem>> -> memref<!tpu.dma_semaphore, #tpu.memory_space<semaphore_mem>>
      %dma_wait3A_2255 = arith.constant 0 : i32
      %dma_wait3A_2256 = arith.constant 0 : i32
      %dma_wait3A_2257 = tpu.memref_slice %arg9[%dma_wait3A_2244, %dma_wait3A_2255, %dma_wait3A_2256] : memref<4x3x128xi32, #tpu.memory_space<vmem>> -> memref<1x3x128xi32, #tpu.memory_space<vmem>>
      %dma_wait3A_2258 = tpu.memref_squeeze %dma_wait3A_2257 : memref<1x3x128xi32, #tpu.memory_space<vmem>> -> memref<3x128xi32, #tpu.memory_space<vmem>>
      %dma_wait3A_2259 = arith.constant 0 : i32
      %dma_wait3A_2260 = arith.constant 0 : i32
      %dma_wait3A_2261 = tpu.memref_slice %arg5[%dma_wait3A_2259, %dma_wait3A_2260] : memref<2112x128xi32, #tpu.memory_space<hbm>> -> memref<3x128xi32, #tpu.memory_space<hbm>>
      tpu.wait_dma2 semaphore(%dma_wait3A_2254 : memref<!tpu.dma_semaphore, #tpu.memory_space<semaphore_mem>>) src(%dma_wait3A_2261 : memref<3x128xi32, #tpu.memory_space<hbm>>) dst(%dma_wait3A_2258 : memref<3x128xi32, #tpu.memory_space<vmem>>)
      %dma_wait3A_2262 = arith.constant 3 : i32
      %dma_wait3A_2263 = arith.constant 3 : i32
      %dma_wait3A_2264 = arith.constant 0 : i32
      %dma_wait3A_2265 = arith.constant 0 : i32
      %dma_wait3A_2266 = tpu.memref_slice %arg10[%dma_wait3A_2262, %dma_wait3A_2264, %dma_wait3A_2265] : memref<4x3x128xi32, #tpu.memory_space<vmem>> -> memref<1x3x128xi32, #tpu.memory_space<vmem>>
      %dma_wait3A_2267 = tpu.memref_squeeze %dma_wait3A_2266 : memref<1x3x128xi32, #tpu.memory_space<vmem>> -> memref<3x128xi32, #tpu.memory_space<vmem>>
      %dma_wait3A_2268 = arith.constant 0 : i32
      %dma_wait3A_2269 = arith.constant 0 : i32
      %dma_wait3A_2270 = tpu.memref_slice %arg4[%dma_wait3A_2268, %dma_wait3A_2269] : memref<2112x128xi32, #tpu.memory_space<hbm>> -> memref<3x128xi32, #tpu.memory_space<hbm>>
      %dma_wait3A_2271 = tpu.memref_slice %arg14[%dma_wait3A_2263] : memref<4x!tpu.dma_semaphore, #tpu.memory_space<semaphore_mem>> -> memref<1x!tpu.dma_semaphore, #tpu.memory_space<semaphore_mem>>
      %dma_wait3A_2272 = tpu.memref_squeeze %dma_wait3A_2271 : memref<1x!tpu.dma_semaphore, #tpu.memory_space<semaphore_mem>> -> memref<!tpu.dma_semaphore, #tpu.memory_space<semaphore_mem>>
      %dma_wait3A_2273 = arith.constant 0 : i32
      %dma_wait3A_2274 = arith.constant 0 : i32
      %dma_wait3A_2275 = tpu.memref_slice %arg10[%dma_wait3A_2262, %dma_wait3A_2273, %dma_wait3A_2274] : memref<4x3x128xi32, #tpu.memory_space<vmem>> -> memref<1x3x128xi32, #tpu.memory_space<vmem>>
      %dma_wait3A_2276 = tpu.memref_squeeze %dma_wait3A_2275 : memref<1x3x128xi32, #tpu.memory_space<vmem>> -> memref<3x128xi32, #tpu.memory_space<vmem>>
      %dma_wait3A_2277 = arith.constant 0 : i32
      %dma_wait3A_2278 = arith.constant 0 : i32
      %dma_wait3A_2279 = tpu.memref_slice %arg4[%dma_wait3A_2277, %dma_wait3A_2278] : memref<2112x128xi32, #tpu.memory_space<hbm>> -> memref<3x128xi32, #tpu.memory_space<hbm>>
      tpu.wait_dma2 semaphore(%dma_wait3A_2272 : memref<!tpu.dma_semaphore, #tpu.memory_space<semaphore_mem>>) src(%dma_wait3A_2279 : memref<3x128xi32, #tpu.memory_space<hbm>>) dst(%dma_wait3A_2276 : memref<3x128xi32, #tpu.memory_space<vmem>>)
      %dma_wait3A_2280 = arith.constant 3 : i32
      %dma_wait3A_2281 = arith.constant 3 : i32
      %dma_wait3A_2282 = arith.constant 0 : i32
      %dma_wait3A_2283 = tpu.memref_slice %arg11[%dma_wait3A_2280, %dma_wait3A_2282] : memref<4x384xf32, #tpu.memory_space<vmem>> -> memref<1x384xf32, #tpu.memory_space<vmem>>
      %dma_wait3A_2284 = tpu.memref_squeeze %dma_wait3A_2283 : memref<1x384xf32, #tpu.memory_space<vmem>> -> memref<384xf32, #tpu.memory_space<vmem>>
      %dma_wait3A_2285 = arith.constant 0 : i32
      %dma_wait3A_2286 = tpu.memref_slice %arg3[%dma_wait3A_2285] : memref<270336xf32, #tpu.memory_space<hbm>> -> memref<384xf32, #tpu.memory_space<hbm>>
      %dma_wait3A_2287 = tpu.memref_slice %arg14[%dma_wait3A_2281] : memref<4x!tpu.dma_semaphore, #tpu.memory_space<semaphore_mem>> -> memref<1x!tpu.dma_semaphore, #tpu.memory_space<semaphore_mem>>
      %dma_wait3A_2288 = tpu.memref_squeeze %dma_wait3A_2287 : memref<1x!tpu.dma_semaphore, #tpu.memory_space<semaphore_mem>> -> memref<!tpu.dma_semaphore, #tpu.memory_space<semaphore_mem>>
      %dma_wait3A_2289 = arith.constant 0 : i32
      %dma_wait3A_2290 = tpu.memref_slice %arg11[%dma_wait3A_2280, %dma_wait3A_2289] : memref<4x384xf32, #tpu.memory_space<vmem>> -> memref<1x384xf32, #tpu.memory_space<vmem>>
      %dma_wait3A_2291 = tpu.memref_squeeze %dma_wait3A_2290 : memref<1x384xf32, #tpu.memory_space<vmem>> -> memref<384xf32, #tpu.memory_space<vmem>>
      %dma_wait3A_2292 = arith.constant 0 : i32
      %dma_wait3A_2293 = tpu.memref_slice %arg3[%dma_wait3A_2292] : memref<270336xf32, #tpu.memory_space<hbm>> -> memref<384xf32, #tpu.memory_space<hbm>>
      tpu.wait_dma2 semaphore(%dma_wait3A_2288 : memref<!tpu.dma_semaphore, #tpu.memory_space<semaphore_mem>>) src(%dma_wait3A_2293 : memref<384xf32, #tpu.memory_space<hbm>>) dst(%dma_wait3A_2291 : memref<384xf32, #tpu.memory_space<vmem>>)
      %dma_start3A_2294 = arith.constant 3 : i32
      %dma_start3A_2295 = arith.constant 0 : i32
      %dma_start3A_2296 = arith.constant 3 : i32
      %dma_start3A_2297 = arith.constant 3 : i32
      %dma_start3A_2298 = arith.constant 0 : i32
      %dma_start3A_2299 = arith.constant 0 : i32
      %dma_start3A_2300 = tpu.memref_slice %arg12[%dma_start3A_2296, %dma_start3A_2298, %dma_start3A_2299] : memref<4x384x32xf32, #tpu.memory_space<vmem>> -> memref<1x128x32xf32, #tpu.memory_space<vmem>>
      %dma_start3A_2301 = tpu.memref_squeeze %dma_start3A_2300 : memref<1x128x32xf32, #tpu.memory_space<vmem>> -> memref<128x32xf32, #tpu.memory_space<vmem>>
      %dma_start3A_2302 = arith.constant 0 : i32
      %dma_start3A_2303 = tpu.memref_slice %arg9[%dma_start3A_2294, %dma_start3A_2295, %dma_start3A_2302] : memref<4x3x128xi32, #tpu.memory_space<vmem>> -> memref<1x1x128xi32, #tpu.memory_space<vmem>>
      %dma_start3A_2304 = tpu.memref_squeeze %dma_start3A_2303 : memref<1x1x128xi32, #tpu.memory_space<vmem>> -> memref<128xi32, #tpu.memory_space<vmem>>
      %dma_start3A_2305 = arith.constant 0 : i32
      %dma_start3A_2306 = arith.constant 0 : i32
      %dma_start3A_2307 = tpu.memref_slice %arg7[%dma_start3A_2305, %dma_start3A_2306] : memref<16384x32xf32, #tpu.memory_space<vmem_shared>> -> memref<16384x32xf32, #tpu.memory_space<vmem_shared>>
      %dma_start3A_2308 = tpu.memref_slice %arg15[%dma_start3A_2297] : memref<4x!tpu.dma_semaphore, #tpu.memory_space<semaphore_mem>> -> memref<1x!tpu.dma_semaphore, #tpu.memory_space<semaphore_mem>>
      %dma_start3A_2309 = tpu.memref_squeeze %dma_start3A_2308 : memref<1x!tpu.dma_semaphore, #tpu.memory_space<semaphore_mem>> -> memref<!tpu.dma_semaphore, #tpu.memory_space<semaphore_mem>>
      tpu.enqueue_indirect_dma source(%dma_start3A_2307 : memref<16384x32xf32, #tpu.memory_space<vmem_shared>>) target(%dma_start3A_2301 : memref<128x32xf32, #tpu.memory_space<vmem>>) offsets(%dma_start3A_2304 : memref<128xi32, #tpu.memory_space<vmem>>) semaphore(%dma_start3A_2309 : memref<!tpu.dma_semaphore, #tpu.memory_space<semaphore_mem>>)
      %dma_start3A_2310 = arith.constant 3 : i32
      %dma_start3A_2311 = arith.constant 1 : i32
      %dma_start3A_2312 = arith.constant 3 : i32
      %dma_start3A_2313 = arith.constant 3 : i32
      %dma_start3A_2314 = arith.constant 128 : i32
      %dma_start3A_2315 = arith.constant 0 : i32
      %dma_start3A_2316 = tpu.memref_slice %arg12[%dma_start3A_2312, %dma_start3A_2314, %dma_start3A_2315] : memref<4x384x32xf32, #tpu.memory_space<vmem>> -> memref<1x128x32xf32, #tpu.memory_space<vmem>>
      %dma_start3A_2317 = tpu.memref_squeeze %dma_start3A_2316 : memref<1x128x32xf32, #tpu.memory_space<vmem>> -> memref<128x32xf32, #tpu.memory_space<vmem>>
      %dma_start3A_2318 = arith.constant 0 : i32
      %dma_start3A_2319 = tpu.memref_slice %arg9[%dma_start3A_2310, %dma_start3A_2311, %dma_start3A_2318] : memref<4x3x128xi32, #tpu.memory_space<vmem>> -> memref<1x1x128xi32, #tpu.memory_space<vmem>>
      %dma_start3A_2320 = tpu.memref_squeeze %dma_start3A_2319 : memref<1x1x128xi32, #tpu.memory_space<vmem>> -> memref<128xi32, #tpu.memory_space<vmem>>
      %dma_start3A_2321 = arith.constant 0 : i32
      %dma_start3A_2322 = arith.constant 0 : i32
      %dma_start3A_2323 = tpu.memref_slice %arg7[%dma_start3A_2321, %dma_start3A_2322] : memref<16384x32xf32, #tpu.memory_space<vmem_shared>> -> memref<16384x32xf32, #tpu.memory_space<vmem_shared>>
      %dma_start3A_2324 = tpu.memref_slice %arg15[%dma_start3A_2313] : memref<4x!tpu.dma_semaphore, #tpu.memory_space<semaphore_mem>> -> memref<1x!tpu.dma_semaphore, #tpu.memory_space<semaphore_mem>>
      %dma_start3A_2325 = tpu.memref_squeeze %dma_start3A_2324 : memref<1x!tpu.dma_semaphore, #tpu.memory_space<semaphore_mem>> -> memref<!tpu.dma_semaphore, #tpu.memory_space<semaphore_mem>>
      tpu.enqueue_indirect_dma source(%dma_start3A_2323 : memref<16384x32xf32, #tpu.memory_space<vmem_shared>>) target(%dma_start3A_2317 : memref<128x32xf32, #tpu.memory_space<vmem>>) offsets(%dma_start3A_2320 : memref<128xi32, #tpu.memory_space<vmem>>) semaphore(%dma_start3A_2325 : memref<!tpu.dma_semaphore, #tpu.memory_space<semaphore_mem>>)
      %dma_start3A_2326 = arith.constant 3 : i32
      %dma_start3A_2327 = arith.constant 2 : i32
      %dma_start3A_2328 = arith.constant 3 : i32
      %dma_start3A_2329 = arith.constant 3 : i32
      %dma_start3A_2330 = arith.constant 256 : i32
      %dma_start3A_2331 = arith.constant 0 : i32
      %dma_start3A_2332 = tpu.memref_slice %arg12[%dma_start3A_2328, %dma_start3A_2330, %dma_start3A_2331] : memref<4x384x32xf32, #tpu.memory_space<vmem>> -> memref<1x128x32xf32, #tpu.memory_space<vmem>>
      %dma_start3A_2333 = tpu.memref_squeeze %dma_start3A_2332 : memref<1x128x32xf32, #tpu.memory_space<vmem>> -> memref<128x32xf32, #tpu.memory_space<vmem>>
      %dma_start3A_2334 = arith.constant 0 : i32
      %dma_start3A_2335 = tpu.memref_slice %arg9[%dma_start3A_2326, %dma_start3A_2327, %dma_start3A_2334] : memref<4x3x128xi32, #tpu.memory_space<vmem>> -> memref<1x1x128xi32, #tpu.memory_space<vmem>>
      %dma_start3A_2336 = tpu.memref_squeeze %dma_start3A_2335 : memref<1x1x128xi32, #tpu.memory_space<vmem>> -> memref<128xi32, #tpu.memory_space<vmem>>
      %dma_start3A_2337 = arith.constant 0 : i32
      %dma_start3A_2338 = arith.constant 0 : i32
      %dma_start3A_2339 = tpu.memref_slice %arg7[%dma_start3A_2337, %dma_start3A_2338] : memref<16384x32xf32, #tpu.memory_space<vmem_shared>> -> memref<16384x32xf32, #tpu.memory_space<vmem_shared>>
      %dma_start3A_2340 = tpu.memref_slice %arg15[%dma_start3A_2329] : memref<4x!tpu.dma_semaphore, #tpu.memory_space<semaphore_mem>> -> memref<1x!tpu.dma_semaphore, #tpu.memory_space<semaphore_mem>>
      %dma_start3A_2341 = tpu.memref_squeeze %dma_start3A_2340 : memref<1x!tpu.dma_semaphore, #tpu.memory_space<semaphore_mem>> -> memref<!tpu.dma_semaphore, #tpu.memory_space<semaphore_mem>>
      tpu.enqueue_indirect_dma source(%dma_start3A_2339 : memref<16384x32xf32, #tpu.memory_space<vmem_shared>>) target(%dma_start3A_2333 : memref<128x32xf32, #tpu.memory_space<vmem>>) offsets(%dma_start3A_2336 : memref<128xi32, #tpu.memory_space<vmem>>) semaphore(%dma_start3A_2341 : memref<!tpu.dma_semaphore, #tpu.memory_space<semaphore_mem>>)
      %dma_wait3A_2342 = arith.constant 2 : i32
      %dma_wait3A_2343 = arith.constant 0 : i32
      %dma_wait3A_2344 = arith.constant 2 : i32
      %dma_wait3A_2345 = arith.constant 2 : i32
      %dma_wait3A_2346 = arith.constant 0 : i32
      %dma_wait3A_2347 = arith.constant 0 : i32
      %dma_wait3A_2348 = tpu.memref_slice %arg12[%dma_wait3A_2344, %dma_wait3A_2346, %dma_wait3A_2347] : memref<4x384x32xf32, #tpu.memory_space<vmem>> -> memref<1x128x32xf32, #tpu.memory_space<vmem>>
      %dma_wait3A_2349 = tpu.memref_squeeze %dma_wait3A_2348 : memref<1x128x32xf32, #tpu.memory_space<vmem>> -> memref<128x32xf32, #tpu.memory_space<vmem>>
      %dma_wait3A_2350 = arith.constant 0 : i32
      %dma_wait3A_2351 = tpu.memref_slice %arg9[%dma_wait3A_2342, %dma_wait3A_2343, %dma_wait3A_2350] : memref<4x3x128xi32, #tpu.memory_space<vmem>> -> memref<1x1x128xi32, #tpu.memory_space<vmem>>
      %dma_wait3A_2352 = tpu.memref_squeeze %dma_wait3A_2351 : memref<1x1x128xi32, #tpu.memory_space<vmem>> -> memref<128xi32, #tpu.memory_space<vmem>>
      %dma_wait3A_2353 = arith.constant 0 : i32
      %dma_wait3A_2354 = arith.constant 0 : i32
      %dma_wait3A_2355 = tpu.memref_slice %arg7[%dma_wait3A_2353, %dma_wait3A_2354] : memref<16384x32xf32, #tpu.memory_space<vmem_shared>> -> memref<16384x32xf32, #tpu.memory_space<vmem_shared>>
      %dma_wait3A_2356 = tpu.memref_slice %arg15[%dma_wait3A_2345] : memref<4x!tpu.dma_semaphore, #tpu.memory_space<semaphore_mem>> -> memref<1x!tpu.dma_semaphore, #tpu.memory_space<semaphore_mem>>
      %dma_wait3A_2357 = tpu.memref_squeeze %dma_wait3A_2356 : memref<1x!tpu.dma_semaphore, #tpu.memory_space<semaphore_mem>> -> memref<!tpu.dma_semaphore, #tpu.memory_space<semaphore_mem>>
      tpu.wait_indirect_dma semaphore(%dma_wait3A_2357 : memref<!tpu.dma_semaphore, #tpu.memory_space<semaphore_mem>>) src(%dma_wait3A_2355 : memref<16384x32xf32, #tpu.memory_space<vmem_shared>>) dst(%dma_wait3A_2349 : memref<128x32xf32, #tpu.memory_space<vmem>>)
      %dma_wait3A_2358 = arith.constant 2 : i32
      %dma_wait3A_2359 = arith.constant 1 : i32
      %dma_wait3A_2360 = arith.constant 2 : i32
      %dma_wait3A_2361 = arith.constant 2 : i32
      %dma_wait3A_2362 = arith.constant 128 : i32
      %dma_wait3A_2363 = arith.constant 0 : i32
      %dma_wait3A_2364 = tpu.memref_slice %arg12[%dma_wait3A_2360, %dma_wait3A_2362, %dma_wait3A_2363] : memref<4x384x32xf32, #tpu.memory_space<vmem>> -> memref<1x128x32xf32, #tpu.memory_space<vmem>>
      %dma_wait3A_2365 = tpu.memref_squeeze %dma_wait3A_2364 : memref<1x128x32xf32, #tpu.memory_space<vmem>> -> memref<128x32xf32, #tpu.memory_space<vmem>>
      %dma_wait3A_2366 = arith.constant 0 : i32
      %dma_wait3A_2367 = tpu.memref_slice %arg9[%dma_wait3A_2358, %dma_wait3A_2359, %dma_wait3A_2366] : memref<4x3x128xi32, #tpu.memory_space<vmem>> -> memref<1x1x128xi32, #tpu.memory_space<vmem>>
      %dma_wait3A_2368 = tpu.memref_squeeze %dma_wait3A_2367 : memref<1x1x128xi32, #tpu.memory_space<vmem>> -> memref<128xi32, #tpu.memory_space<vmem>>
      %dma_wait3A_2369 = arith.constant 0 : i32
      %dma_wait3A_2370 = arith.constant 0 : i32
      %dma_wait3A_2371 = tpu.memref_slice %arg7[%dma_wait3A_2369, %dma_wait3A_2370] : memref<16384x32xf32, #tpu.memory_space<vmem_shared>> -> memref<16384x32xf32, #tpu.memory_space<vmem_shared>>
      %dma_wait3A_2372 = tpu.memref_slice %arg15[%dma_wait3A_2361] : memref<4x!tpu.dma_semaphore, #tpu.memory_space<semaphore_mem>> -> memref<1x!tpu.dma_semaphore, #tpu.memory_space<semaphore_mem>>
      %dma_wait3A_2373 = tpu.memref_squeeze %dma_wait3A_2372 : memref<1x!tpu.dma_semaphore, #tpu.memory_space<semaphore_mem>> -> memref<!tpu.dma_semaphore, #tpu.memory_space<semaphore_mem>>
      tpu.wait_indirect_dma semaphore(%dma_wait3A_2373 : memref<!tpu.dma_semaphore, #tpu.memory_space<semaphore_mem>>) src(%dma_wait3A_2371 : memref<16384x32xf32, #tpu.memory_space<vmem_shared>>) dst(%dma_wait3A_2365 : memref<128x32xf32, #tpu.memory_space<vmem>>)
      %dma_wait3A_2374 = arith.constant 2 : i32
      %dma_wait3A_2375 = arith.constant 2 : i32
      %dma_wait3A_2376 = arith.constant 2 : i32
      %dma_wait3A_2377 = arith.constant 2 : i32
      %dma_wait3A_2378 = arith.constant 256 : i32
      %dma_wait3A_2379 = arith.constant 0 : i32
      %dma_wait3A_2380 = tpu.memref_slice %arg12[%dma_wait3A_2376, %dma_wait3A_2378, %dma_wait3A_2379] : memref<4x384x32xf32, #tpu.memory_space<vmem>> -> memref<1x128x32xf32, #tpu.memory_space<vmem>>
      %dma_wait3A_2381 = tpu.memref_squeeze %dma_wait3A_2380 : memref<1x128x32xf32, #tpu.memory_space<vmem>> -> memref<128x32xf32, #tpu.memory_space<vmem>>
      %dma_wait3A_2382 = arith.constant 0 : i32
      %dma_wait3A_2383 = tpu.memref_slice %arg9[%dma_wait3A_2374, %dma_wait3A_2375, %dma_wait3A_2382] : memref<4x3x128xi32, #tpu.memory_space<vmem>> -> memref<1x1x128xi32, #tpu.memory_space<vmem>>
      %dma_wait3A_2384 = tpu.memref_squeeze %dma_wait3A_2383 : memref<1x1x128xi32, #tpu.memory_space<vmem>> -> memref<128xi32, #tpu.memory_space<vmem>>
      %dma_wait3A_2385 = arith.constant 0 : i32
      %dma_wait3A_2386 = arith.constant 0 : i32
      %dma_wait3A_2387 = tpu.memref_slice %arg7[%dma_wait3A_2385, %dma_wait3A_2386] : memref<16384x32xf32, #tpu.memory_space<vmem_shared>> -> memref<16384x32xf32, #tpu.memory_space<vmem_shared>>
      %dma_wait3A_2388 = tpu.memref_slice %arg15[%dma_wait3A_2377] : memref<4x!tpu.dma_semaphore, #tpu.memory_space<semaphore_mem>> -> memref<1x!tpu.dma_semaphore, #tpu.memory_space<semaphore_mem>>
      %dma_wait3A_2389 = tpu.memref_squeeze %dma_wait3A_2388 : memref<1x!tpu.dma_semaphore, #tpu.memory_space<semaphore_mem>> -> memref<!tpu.dma_semaphore, #tpu.memory_space<semaphore_mem>>
      tpu.wait_indirect_dma semaphore(%dma_wait3A_2389 : memref<!tpu.dma_semaphore, #tpu.memory_space<semaphore_mem>>) src(%dma_wait3A_2387 : memref<16384x32xf32, #tpu.memory_space<vmem_shared>>) dst(%dma_wait3A_2381 : memref<128x32xf32, #tpu.memory_space<vmem>>)
      %parallel_loop3A_2390 = arith.constant 0 : i32
      %parallel_loop3A_2391 = arith.constant 384 : i32
      %parallel_loop3A_2392 = arith.constant 1 : i32
      scf.for %parallel_loop3A_2871 = %parallel_loop3A_2390 to %parallel_loop3A_2391 step %parallel_loop3A_2392  : i32 {
        %parallel_loop3A_2872 = vector.broadcast %parallel_loop3A_2871 : i32 to vector<16xi32>
        %parallel_loop3A_2873 = arith.constant 2 : i32
        %parallel_loop3A_2874 = arith.constant 0 : i32
        %parallel_loop3A_2875 = tpu.memref_slice %arg11[%parallel_loop3A_2873, %parallel_loop3A_2874] : memref<4x384xf32, #tpu.memory_space<vmem>> -> memref<1x384xf32, #tpu.memory_space<vmem>>
        %parallel_loop3A_2876 = tpu.memref_squeeze %parallel_loop3A_2875 : memref<1x384xf32, #tpu.memory_space<vmem>> -> memref<384xf32, #tpu.memory_space<vmem>>
        %parallel_loop3A_2877 = tpu.vector_load_idx %parallel_loop3A_2876[%parallel_loop3A_2872] : memref<384xf32, #tpu.memory_space<vmem>>[vector<16xi32>], vector<16xf32>,
        %parallel_loop3A_2878 = arith.constant 2 : i32
        %parallel_loop3A_2879 = arith.index_cast %parallel_loop3A_2878 : i32 to index
        %parallel_loop3A_2880 = arith.index_cast %parallel_loop3A_2871 : i32 to index
        %parallel_loop3A_2881 = arith.constant 0 : index
        %parallel_loop3A_2882 = tpu.vector_load %arg12[%parallel_loop3A_2879, %parallel_loop3A_2880, %parallel_loop3A_2881] {strides = array<i32>} : memref<4x384x32xf32, #tpu.memory_space<vmem>>, vector<16xf32>,
        %parallel_loop3A_2883 = arith.mulf %parallel_loop3A_2882, %parallel_loop3A_2877 : vector<16xf32>
        %parallel_loop3A_2884 = arith.constant 2 : i32
        %parallel_loop3A_2885 = arith.index_cast %parallel_loop3A_2884 : i32 to index
        %parallel_loop3A_2886 = arith.index_cast %parallel_loop3A_2871 : i32 to index
        %parallel_loop3A_2887 = arith.constant 0 : index
        %parallel_loop3A_2888 = tpu.vector_load %arg12[%parallel_loop3A_2885, %parallel_loop3A_2886, %parallel_loop3A_2887] {strides = array<i32>} : memref<4x384x32xf32, #tpu.memory_space<vmem>>, vector<16xf32>,
        tpu.vector_store %arg12[%parallel_loop3A_2885, %parallel_loop3A_2886, %parallel_loop3A_2887], %parallel_loop3A_2883 {strides = array<i32>} : memref<4x384x32xf32, #tpu.memory_space<vmem>>, vector<16xf32>,
        %parallel_loop3A_2889 = arith.constant 2 : i32
        %parallel_loop3A_2890 = arith.index_cast %parallel_loop3A_2889 : i32 to index
        %parallel_loop3A_2891 = arith.index_cast %parallel_loop3A_2871 : i32 to index
        %parallel_loop3A_2892 = arith.constant 16 : index
        %parallel_loop3A_2893 = tpu.vector_load %arg12[%parallel_loop3A_2890, %parallel_loop3A_2891, %parallel_loop3A_2892] {strides = array<i32>} : memref<4x384x32xf32, #tpu.memory_space<vmem>>, vector<16xf32>,
        %parallel_loop3A_2894 = arith.mulf %parallel_loop3A_2893, %parallel_loop3A_2877 : vector<16xf32>
        %parallel_loop3A_2895 = arith.constant 2 : i32
        %parallel_loop3A_2896 = arith.index_cast %parallel_loop3A_2895 : i32 to index
        %parallel_loop3A_2897 = arith.index_cast %parallel_loop3A_2871 : i32 to index
        %parallel_loop3A_2898 = arith.constant 16 : index
        %parallel_loop3A_2899 = tpu.vector_load %arg12[%parallel_loop3A_2896, %parallel_loop3A_2897, %parallel_loop3A_2898] {strides = array<i32>} : memref<4x384x32xf32, #tpu.memory_space<vmem>>, vector<16xf32>,
        tpu.vector_store %arg12[%parallel_loop3A_2896, %parallel_loop3A_2897, %parallel_loop3A_2898], %parallel_loop3A_2894 {strides = array<i32>} : memref<4x384x32xf32, #tpu.memory_space<vmem>>, vector<16xf32>,
      } {sc.loop_unroll_factor = 4 : i64, sc.parallel_access}
      %dma_start3A_2393 = arith.constant 2 : i32
      %dma_start3A_2394 = arith.constant 2 : i32
      %dma_start3A_2395 = arith.constant 0 : i32
      %dma_start3A_2396 = arith.constant 2 : i32
      %dma_start3A_2397 = arith.constant 0 : i32
      %dma_start3A_2398 = arith.constant 0 : i32
      %dma_start3A_2399 = tpu.memref_slice %arg12[%dma_start3A_2393, %dma_start3A_2397, %dma_start3A_2398] : memref<4x384x32xf32, #tpu.memory_space<vmem>> -> memref<1x128x32xf32, #tpu.memory_space<vmem>>
      %dma_start3A_2400 = tpu.memref_squeeze %dma_start3A_2399 : memref<1x128x32xf32, #tpu.memory_space<vmem>> -> memref<128x32xf32, #tpu.memory_space<vmem>>
      %dma_start3A_2401 = arith.constant 0 : i32
      %dma_start3A_2402 = tpu.memref_slice %arg10[%dma_start3A_2394, %dma_start3A_2395, %dma_start3A_2401] : memref<4x3x128xi32, #tpu.memory_space<vmem>> -> memref<1x1x128xi32, #tpu.memory_space<vmem>>
      %dma_start3A_2403 = tpu.memref_squeeze %dma_start3A_2402 : memref<1x1x128xi32, #tpu.memory_space<vmem>> -> memref<128xi32, #tpu.memory_space<vmem>>
      %dma_start3A_2404 = arith.constant 0 : i32
      %dma_start3A_2405 = arith.constant 0 : i32
      %dma_start3A_2406 = tpu.memref_slice %arg8[%dma_start3A_2404, %dma_start3A_2405] : memref<16384x32xf32, #tpu.memory_space<vmem_shared>> -> memref<16384x32xf32, #tpu.memory_space<vmem_shared>>
      %dma_start3A_2407 = tpu.memref_slice %arg16[%dma_start3A_2396] : memref<4x!tpu.dma_semaphore, #tpu.memory_space<semaphore_mem>> -> memref<1x!tpu.dma_semaphore, #tpu.memory_space<semaphore_mem>>
      %dma_start3A_2408 = tpu.memref_squeeze %dma_start3A_2407 : memref<1x!tpu.dma_semaphore, #tpu.memory_space<semaphore_mem>> -> memref<!tpu.dma_semaphore, #tpu.memory_space<semaphore_mem>>
      tpu.enqueue_indirect_dma source(%dma_start3A_2400 : memref<128x32xf32, #tpu.memory_space<vmem>>) target(%dma_start3A_2406 : memref<16384x32xf32, #tpu.memory_space<vmem_shared>>) offsets(%dma_start3A_2403 : memref<128xi32, #tpu.memory_space<vmem>>) semaphore(%dma_start3A_2408 : memref<!tpu.dma_semaphore, #tpu.memory_space<semaphore_mem>>) {add = true}
      %dma_start3A_2409 = arith.constant 2 : i32
      %dma_start3A_2410 = arith.constant 2 : i32
      %dma_start3A_2411 = arith.constant 1 : i32
      %dma_start3A_2412 = arith.constant 2 : i32
      %dma_start3A_2413 = arith.constant 128 : i32
      %dma_start3A_2414 = arith.constant 0 : i32
      %dma_start3A_2415 = tpu.memref_slice %arg12[%dma_start3A_2409, %dma_start3A_2413, %dma_start3A_2414] : memref<4x384x32xf32, #tpu.memory_space<vmem>> -> memref<1x128x32xf32, #tpu.memory_space<vmem>>
      %dma_start3A_2416 = tpu.memref_squeeze %dma_start3A_2415 : memref<1x128x32xf32, #tpu.memory_space<vmem>> -> memref<128x32xf32, #tpu.memory_space<vmem>>
      %dma_start3A_2417 = arith.constant 0 : i32
      %dma_start3A_2418 = tpu.memref_slice %arg10[%dma_start3A_2410, %dma_start3A_2411, %dma_start3A_2417] : memref<4x3x128xi32, #tpu.memory_space<vmem>> -> memref<1x1x128xi32, #tpu.memory_space<vmem>>
      %dma_start3A_2419 = tpu.memref_squeeze %dma_start3A_2418 : memref<1x1x128xi32, #tpu.memory_space<vmem>> -> memref<128xi32, #tpu.memory_space<vmem>>
      %dma_start3A_2420 = arith.constant 0 : i32
      %dma_start3A_2421 = arith.constant 0 : i32
      %dma_start3A_2422 = tpu.memref_slice %arg8[%dma_start3A_2420, %dma_start3A_2421] : memref<16384x32xf32, #tpu.memory_space<vmem_shared>> -> memref<16384x32xf32, #tpu.memory_space<vmem_shared>>
      %dma_start3A_2423 = tpu.memref_slice %arg16[%dma_start3A_2412] : memref<4x!tpu.dma_semaphore, #tpu.memory_space<semaphore_mem>> -> memref<1x!tpu.dma_semaphore, #tpu.memory_space<semaphore_mem>>
      %dma_start3A_2424 = tpu.memref_squeeze %dma_start3A_2423 : memref<1x!tpu.dma_semaphore, #tpu.memory_space<semaphore_mem>> -> memref<!tpu.dma_semaphore, #tpu.memory_space<semaphore_mem>>
      tpu.enqueue_indirect_dma source(%dma_start3A_2416 : memref<128x32xf32, #tpu.memory_space<vmem>>) target(%dma_start3A_2422 : memref<16384x32xf32, #tpu.memory_space<vmem_shared>>) offsets(%dma_start3A_2419 : memref<128xi32, #tpu.memory_space<vmem>>) semaphore(%dma_start3A_2424 : memref<!tpu.dma_semaphore, #tpu.memory_space<semaphore_mem>>) {add = true}
      %dma_start3A_2425 = arith.constant 2 : i32
      %dma_start3A_2426 = arith.constant 2 : i32
      %dma_start3A_2427 = arith.constant 2 : i32
      %dma_start3A_2428 = arith.constant 2 : i32
      %dma_start3A_2429 = arith.constant 256 : i32
      %dma_start3A_2430 = arith.constant 0 : i32
      %dma_start3A_2431 = tpu.memref_slice %arg12[%dma_start3A_2425, %dma_start3A_2429, %dma_start3A_2430] : memref<4x384x32xf32, #tpu.memory_space<vmem>> -> memref<1x128x32xf32, #tpu.memory_space<vmem>>
      %dma_start3A_2432 = tpu.memref_squeeze %dma_start3A_2431 : memref<1x128x32xf32, #tpu.memory_space<vmem>> -> memref<128x32xf32, #tpu.memory_space<vmem>>
      %dma_start3A_2433 = arith.constant 0 : i32
      %dma_start3A_2434 = tpu.memref_slice %arg10[%dma_start3A_2426, %dma_start3A_2427, %dma_start3A_2433] : memref<4x3x128xi32, #tpu.memory_space<vmem>> -> memref<1x1x128xi32, #tpu.memory_space<vmem>>
      %dma_start3A_2435 = tpu.memref_squeeze %dma_start3A_2434 : memref<1x1x128xi32, #tpu.memory_space<vmem>> -> memref<128xi32, #tpu.memory_space<vmem>>
      %dma_start3A_2436 = arith.constant 0 : i32
      %dma_start3A_2437 = arith.constant 0 : i32
      %dma_start3A_2438 = tpu.memref_slice %arg8[%dma_start3A_2436, %dma_start3A_2437] : memref<16384x32xf32, #tpu.memory_space<vmem_shared>> -> memref<16384x32xf32, #tpu.memory_space<vmem_shared>>
      %dma_start3A_2439 = tpu.memref_slice %arg16[%dma_start3A_2428] : memref<4x!tpu.dma_semaphore, #tpu.memory_space<semaphore_mem>> -> memref<1x!tpu.dma_semaphore, #tpu.memory_space<semaphore_mem>>
      %dma_start3A_2440 = tpu.memref_squeeze %dma_start3A_2439 : memref<1x!tpu.dma_semaphore, #tpu.memory_space<semaphore_mem>> -> memref<!tpu.dma_semaphore, #tpu.memory_space<semaphore_mem>>
      tpu.enqueue_indirect_dma source(%dma_start3A_2432 : memref<128x32xf32, #tpu.memory_space<vmem>>) target(%dma_start3A_2438 : memref<16384x32xf32, #tpu.memory_space<vmem_shared>>) offsets(%dma_start3A_2435 : memref<128xi32, #tpu.memory_space<vmem>>) semaphore(%dma_start3A_2440 : memref<!tpu.dma_semaphore, #tpu.memory_space<semaphore_mem>>) {add = true}
      %dma_wait3A_2441 = arith.constant 0 : i32
      %dma_wait3A_2442 = arith.constant 0 : i32
      %dma_wait3A_2443 = arith.constant 0 : i32
      %dma_wait3A_2444 = arith.constant 0 : i32
      %dma_wait3A_2445 = arith.constant 0 : i32
      %dma_wait3A_2446 = arith.constant 0 : i32
      %dma_wait3A_2447 = tpu.memref_slice %arg12[%dma_wait3A_2441, %dma_wait3A_2445, %dma_wait3A_2446] : memref<4x384x32xf32, #tpu.memory_space<vmem>> -> memref<1x128x32xf32, #tpu.memory_space<vmem>>
      %dma_wait3A_2448 = tpu.memref_squeeze %dma_wait3A_2447 : memref<1x128x32xf32, #tpu.memory_space<vmem>> -> memref<128x32xf32, #tpu.memory_space<vmem>>
      %dma_wait3A_2449 = arith.constant 0 : i32
      %dma_wait3A_2450 = tpu.memref_slice %arg10[%dma_wait3A_2442, %dma_wait3A_2443, %dma_wait3A_2449] : memref<4x3x128xi32, #tpu.memory_space<vmem>> -> memref<1x1x128xi32, #tpu.memory_space<vmem>>
      %dma_wait3A_2451 = tpu.memref_squeeze %dma_wait3A_2450 : memref<1x1x128xi32, #tpu.memory_space<vmem>> -> memref<128xi32, #tpu.memory_space<vmem>>
      %dma_wait3A_2452 = arith.constant 0 : i32
      %dma_wait3A_2453 = arith.constant 0 : i32
      %dma_wait3A_2454 = tpu.memref_slice %arg8[%dma_wait3A_2452, %dma_wait3A_2453] : memref<16384x32xf32, #tpu.memory_space<vmem_shared>> -> memref<16384x32xf32, #tpu.memory_space<vmem_shared>>
      %dma_wait3A_2455 = tpu.memref_slice %arg16[%dma_wait3A_2444] : memref<4x!tpu.dma_semaphore, #tpu.memory_space<semaphore_mem>> -> memref<1x!tpu.dma_semaphore, #tpu.memory_space<semaphore_mem>>
      %dma_wait3A_2456 = tpu.memref_squeeze %dma_wait3A_2455 : memref<1x!tpu.dma_semaphore, #tpu.memory_space<semaphore_mem>> -> memref<!tpu.dma_semaphore, #tpu.memory_space<semaphore_mem>>
      tpu.wait_indirect_dma semaphore(%dma_wait3A_2456 : memref<!tpu.dma_semaphore, #tpu.memory_space<semaphore_mem>>) src(%dma_wait3A_2448 : memref<128x32xf32, #tpu.memory_space<vmem>>) dst(%dma_wait3A_2454 : memref<16384x32xf32, #tpu.memory_space<vmem_shared>>)
      %dma_wait3A_2457 = arith.constant 0 : i32
      %dma_wait3A_2458 = arith.constant 0 : i32
      %dma_wait3A_2459 = arith.constant 1 : i32
      %dma_wait3A_2460 = arith.constant 0 : i32
      %dma_wait3A_2461 = arith.constant 128 : i32
      %dma_wait3A_2462 = arith.constant 0 : i32
      %dma_wait3A_2463 = tpu.memref_slice %arg12[%dma_wait3A_2457, %dma_wait3A_2461, %dma_wait3A_2462] : memref<4x384x32xf32, #tpu.memory_space<vmem>> -> memref<1x128x32xf32, #tpu.memory_space<vmem>>
      %dma_wait3A_2464 = tpu.memref_squeeze %dma_wait3A_2463 : memref<1x128x32xf32, #tpu.memory_space<vmem>> -> memref<128x32xf32, #tpu.memory_space<vmem>>
      %dma_wait3A_2465 = arith.constant 0 : i32
      %dma_wait3A_2466 = tpu.memref_slice %arg10[%dma_wait3A_2458, %dma_wait3A_2459, %dma_wait3A_2465] : memref<4x3x128xi32, #tpu.memory_space<vmem>> -> memref<1x1x128xi32, #tpu.memory_space<vmem>>
      %dma_wait3A_2467 = tpu.memref_squeeze %dma_wait3A_2466 : memref<1x1x128xi32, #tpu.memory_space<vmem>> -> memref<128xi32, #tpu.memory_space<vmem>>
      %dma_wait3A_2468 = arith.constant 0 : i32
      %dma_wait3A_2469 = arith.constant 0 : i32
      %dma_wait3A_2470 = tpu.memref_slice %arg8[%dma_wait3A_2468, %dma_wait3A_2469] : memref<16384x32xf32, #tpu.memory_space<vmem_shared>> -> memref<16384x32xf32, #tpu.memory_space<vmem_shared>>
      %dma_wait3A_2471 = tpu.memref_slice %arg16[%dma_wait3A_2460] : memref<4x!tpu.dma_semaphore, #tpu.memory_space<semaphore_mem>> -> memref<1x!tpu.dma_semaphore, #tpu.memory_space<semaphore_mem>>
      %dma_wait3A_2472 = tpu.memref_squeeze %dma_wait3A_2471 : memref<1x!tpu.dma_semaphore, #tpu.memory_space<semaphore_mem>> -> memref<!tpu.dma_semaphore, #tpu.memory_space<semaphore_mem>>
      tpu.wait_indirect_dma semaphore(%dma_wait3A_2472 : memref<!tpu.dma_semaphore, #tpu.memory_space<semaphore_mem>>) src(%dma_wait3A_2464 : memref<128x32xf32, #tpu.memory_space<vmem>>) dst(%dma_wait3A_2470 : memref<16384x32xf32, #tpu.memory_space<vmem_shared>>)
      %dma_wait3A_2473 = arith.constant 0 : i32
      %dma_wait3A_2474 = arith.constant 0 : i32
      %dma_wait3A_2475 = arith.constant 2 : i32
      %dma_wait3A_2476 = arith.constant 0 : i32
      %dma_wait3A_2477 = arith.constant 256 : i32
      %dma_wait3A_2478 = arith.constant 0 : i32
      %dma_wait3A_2479 = tpu.memref_slice %arg12[%dma_wait3A_2473, %dma_wait3A_2477, %dma_wait3A_2478] : memref<4x384x32xf32, #tpu.memory_space<vmem>> -> memref<1x128x32xf32, #tpu.memory_space<vmem>>
      %dma_wait3A_2480 = tpu.memref_squeeze %dma_wait3A_2479 : memref<1x128x32xf32, #tpu.memory_space<vmem>> -> memref<128x32xf32, #tpu.memory_space<vmem>>
      %dma_wait3A_2481 = arith.constant 0 : i32
      %dma_wait3A_2482 = tpu.memref_slice %arg10[%dma_wait3A_2474, %dma_wait3A_2475, %dma_wait3A_2481] : memref<4x3x128xi32, #tpu.memory_space<vmem>> -> memref<1x1x128xi32, #tpu.memory_space<vmem>>
      %dma_wait3A_2483 = tpu.memref_squeeze %dma_wait3A_2482 : memref<1x1x128xi32, #tpu.memory_space<vmem>> -> memref<128xi32, #tpu.memory_space<vmem>>
      %dma_wait3A_2484 = arith.constant 0 : i32
      %dma_wait3A_2485 = arith.constant 0 : i32
      %dma_wait3A_2486 = tpu.memref_slice %arg8[%dma_wait3A_2484, %dma_wait3A_2485] : memref<16384x32xf32, #tpu.memory_space<vmem_shared>> -> memref<16384x32xf32, #tpu.memory_space<vmem_shared>>
      %dma_wait3A_2487 = tpu.memref_slice %arg16[%dma_wait3A_2476] : memref<4x!tpu.dma_semaphore, #tpu.memory_space<semaphore_mem>> -> memref<1x!tpu.dma_semaphore, #tpu.memory_space<semaphore_mem>>
      %dma_wait3A_2488 = tpu.memref_squeeze %dma_wait3A_2487 : memref<1x!tpu.dma_semaphore, #tpu.memory_space<semaphore_mem>> -> memref<!tpu.dma_semaphore, #tpu.memory_space<semaphore_mem>>
      tpu.wait_indirect_dma semaphore(%dma_wait3A_2488 : memref<!tpu.dma_semaphore, #tpu.memory_space<semaphore_mem>>) src(%dma_wait3A_2480 : memref<128x32xf32, #tpu.memory_space<vmem>>) dst(%dma_wait3A_2486 : memref<16384x32xf32, #tpu.memory_space<vmem_shared>>)
      %add3A_2489 = arith.constant 2 : i32
      %add3A_2490 = arith.addi %add3A_2243, %add3A_2489 : i32
      %jit3A_2491 = arith.constant 44 : i32
      %eq3A_2492 = arith.constant 0 : i32
      %eq3A_2493 = arith.cmpi eq, %jit3A_2491, %eq3A_2492 : i32
      %jit3A_2494 = arith.constant 1 : i32
      %select_n3A_2495 = arith.select %eq3A_2493, %jit3A_2494, %jit3A_2491 : i32
      %rem3A_2496 = arith.remsi %add3A_2490, %select_n3A_2495 : i32
      %ne3A_2497 = arith.constant 0 : i32
      %ne3A_2498 = arith.cmpi ne, %rem3A_2496, %ne3A_2497 : i32
      %lt3A_2499 = arith.constant 0 : i32
      %lt3A_2500 = arith.cmpi slt, %rem3A_2496, %lt3A_2499 : i32
      %lt3A_2501 = arith.constant 0 : i32
      %lt3A_2502 = arith.cmpi slt, %select_n3A_2495, %lt3A_2501 : i32
      %ne3A_2503 = arith.xori %lt3A_2500, %lt3A_2502 : i1
      %and3A_2504 = arith.andi %ne3A_2503, %ne3A_2498 : i1
      %add3A_2505 = arith.addi %rem3A_2496, %select_n3A_2495 : i32
      %select_n3A_2506 = arith.select %and3A_2504, %add3A_2505, %rem3A_2496 : i32
      %mul3A_2507 = arith.constant 3 : i32
      %mul3A_2508 = arith.muli %select_n3A_2506, %mul3A_2507 : i32
      %add3A_2509 = arith.addi %mul3A_143, %mul3A_2508 : i32
      %dma_start3A_2510 = arith.constant 0 : i32
      %dma_start3A_2511 = arith.constant 0 : i32
      %dma_start3A_2512 = arith.constant 0 : i32
      %dma_start3A_2513 = arith.constant 0 : i32
      %dma_start3A_2514 = tpu.memref_slice %arg9[%dma_start3A_2510, %dma_start3A_2512, %dma_start3A_2513] : memref<4x3x128xi32, #tpu.memory_space<vmem>> -> memref<1x3x128xi32, #tpu.memory_space<vmem>>
      %dma_start3A_2515 = tpu.memref_squeeze %dma_start3A_2514 : memref<1x3x128xi32, #tpu.memory_space<vmem>> -> memref<3x128xi32, #tpu.memory_space<vmem>>
      %dma_start3A_2516 = arith.constant 0 : i32
      %dma_start3A_2517 = tpu.memref_slice %arg5[%add3A_2509, %dma_start3A_2516] : memref<2112x128xi32, #tpu.memory_space<hbm>> -> memref<3x128xi32, #tpu.memory_space<hbm>>
      %dma_start3A_2518 = tpu.memref_slice %arg14[%dma_start3A_2511] : memref<4x!tpu.dma_semaphore, #tpu.memory_space<semaphore_mem>> -> memref<1x!tpu.dma_semaphore, #tpu.memory_space<semaphore_mem>>
      %dma_start3A_2519 = tpu.memref_squeeze %dma_start3A_2518 : memref<1x!tpu.dma_semaphore, #tpu.memory_space<semaphore_mem>> -> memref<!tpu.dma_semaphore, #tpu.memory_space<semaphore_mem>>
      %dma_start3A_2520 = arith.constant 0 : i32
      %dma_start3A_2521 = arith.constant 0 : i32
      %dma_start3A_2522 = tpu.memref_slice %arg9[%dma_start3A_2510, %dma_start3A_2520, %dma_start3A_2521] : memref<4x3x128xi32, #tpu.memory_space<vmem>> -> memref<1x3x128xi32, #tpu.memory_space<vmem>>
      %dma_start3A_2523 = tpu.memref_squeeze %dma_start3A_2522 : memref<1x3x128xi32, #tpu.memory_space<vmem>> -> memref<3x128xi32, #tpu.memory_space<vmem>>
      %dma_start3A_2524 = arith.constant 0 : i32
      %dma_start3A_2525 = tpu.memref_slice %arg5[%add3A_2509, %dma_start3A_2524] : memref<2112x128xi32, #tpu.memory_space<hbm>> -> memref<3x128xi32, #tpu.memory_space<hbm>>
      tpu.enqueue_dma source(%dma_start3A_2525 : memref<3x128xi32, #tpu.memory_space<hbm>>) target(%dma_start3A_2523 : memref<3x128xi32, #tpu.memory_space<vmem>>) target_semaphore(%dma_start3A_2519 : memref<!tpu.dma_semaphore, #tpu.memory_space<semaphore_mem>>)
      %dma_start3A_2526 = arith.constant 0 : i32
      %dma_start3A_2527 = arith.constant 0 : i32
      %dma_start3A_2528 = arith.constant 0 : i32
      %dma_start3A_2529 = arith.constant 0 : i32
      %dma_start3A_2530 = tpu.memref_slice %arg10[%dma_start3A_2526, %dma_start3A_2528, %dma_start3A_2529] : memref<4x3x128xi32, #tpu.memory_space<vmem>> -> memref<1x3x128xi32, #tpu.memory_space<vmem>>
      %dma_start3A_2531 = tpu.memref_squeeze %dma_start3A_2530 : memref<1x3x128xi32, #tpu.memory_space<vmem>> -> memref<3x128xi32, #tpu.memory_space<vmem>>
      %dma_start3A_2532 = arith.constant 0 : i32
      %dma_start3A_2533 = tpu.memref_slice %arg4[%add3A_2509, %dma_start3A_2532] : memref<2112x128xi32, #tpu.memory_space<hbm>> -> memref<3x128xi32, #tpu.memory_space<hbm>>
      %dma_start3A_2534 = tpu.memref_slice %arg14[%dma_start3A_2527] : memref<4x!tpu.dma_semaphore, #tpu.memory_space<semaphore_mem>> -> memref<1x!tpu.dma_semaphore, #tpu.memory_space<semaphore_mem>>
      %dma_start3A_2535 = tpu.memref_squeeze %dma_start3A_2534 : memref<1x!tpu.dma_semaphore, #tpu.memory_space<semaphore_mem>> -> memref<!tpu.dma_semaphore, #tpu.memory_space<semaphore_mem>>
      %dma_start3A_2536 = arith.constant 0 : i32
      %dma_start3A_2537 = arith.constant 0 : i32
      %dma_start3A_2538 = tpu.memref_slice %arg10[%dma_start3A_2526, %dma_start3A_2536, %dma_start3A_2537] : memref<4x3x128xi32, #tpu.memory_space<vmem>> -> memref<1x3x128xi32, #tpu.memory_space<vmem>>
      %dma_start3A_2539 = tpu.memref_squeeze %dma_start3A_2538 : memref<1x3x128xi32, #tpu.memory_space<vmem>> -> memref<3x128xi32, #tpu.memory_space<vmem>>
      %dma_start3A_2540 = arith.constant 0 : i32
      %dma_start3A_2541 = tpu.memref_slice %arg4[%add3A_2509, %dma_start3A_2540] : memref<2112x128xi32, #tpu.memory_space<hbm>> -> memref<3x128xi32, #tpu.memory_space<hbm>>
      tpu.enqueue_dma source(%dma_start3A_2541 : memref<3x128xi32, #tpu.memory_space<hbm>>) target(%dma_start3A_2539 : memref<3x128xi32, #tpu.memory_space<vmem>>) target_semaphore(%dma_start3A_2535 : memref<!tpu.dma_semaphore, #tpu.memory_space<semaphore_mem>>)
      %mul3A_2542 = arith.constant 128 : i32
      %mul3A_2543 = arith.muli %add3A_2509, %mul3A_2542 : i32
      %dma_start3A_2544 = arith.constant 0 : i32
      %dma_start3A_2545 = arith.constant 0 : i32
      %dma_start3A_2546 = arith.constant 0 : i32
      %dma_start3A_2547 = tpu.memref_slice %arg11[%dma_start3A_2544, %dma_start3A_2546] : memref<4x384xf32, #tpu.memory_space<vmem>> -> memref<1x384xf32, #tpu.memory_space<vmem>>
      %dma_start3A_2548 = tpu.memref_squeeze %dma_start3A_2547 : memref<1x384xf32, #tpu.memory_space<vmem>> -> memref<384xf32, #tpu.memory_space<vmem>>
      %dma_start3A_2549 = tpu.memref_slice %arg3[%mul3A_2543] : memref<270336xf32, #tpu.memory_space<hbm>> -> memref<384xf32, #tpu.memory_space<hbm>>
      %dma_start3A_2550 = tpu.memref_slice %arg14[%dma_start3A_2545] : memref<4x!tpu.dma_semaphore, #tpu.memory_space<semaphore_mem>> -> memref<1x!tpu.dma_semaphore, #tpu.memory_space<semaphore_mem>>
      %dma_start3A_2551 = tpu.memref_squeeze %dma_start3A_2550 : memref<1x!tpu.dma_semaphore, #tpu.memory_space<semaphore_mem>> -> memref<!tpu.dma_semaphore, #tpu.memory_space<semaphore_mem>>
      %dma_start3A_2552 = arith.constant 0 : i32
      %dma_start3A_2553 = tpu.memref_slice %arg11[%dma_start3A_2544, %dma_start3A_2552] : memref<4x384xf32, #tpu.memory_space<vmem>> -> memref<1x384xf32, #tpu.memory_space<vmem>>
      %dma_start3A_2554 = tpu.memref_squeeze %dma_start3A_2553 : memref<1x384xf32, #tpu.memory_space<vmem>> -> memref<384xf32, #tpu.memory_space<vmem>>
      %dma_start3A_2555 = tpu.memref_slice %arg3[%mul3A_2543] : memref<270336xf32, #tpu.memory_space<hbm>> -> memref<384xf32, #tpu.memory_space<hbm>>
      tpu.enqueue_dma source(%dma_start3A_2555 : memref<384xf32, #tpu.memory_space<hbm>>) target(%dma_start3A_2554 : memref<384xf32, #tpu.memory_space<vmem>>) target_semaphore(%dma_start3A_2551 : memref<!tpu.dma_semaphore, #tpu.memory_space<semaphore_mem>>)
      %add3A_2556 = arith.constant 3 : i32
      %add3A_2557 = arith.addi %mul3A_1620, %add3A_2556 : i32
      %dma_wait3A_2558 = arith.constant 0 : i32
      %dma_wait3A_2559 = arith.constant 0 : i32
      %dma_wait3A_2560 = arith.constant 0 : i32
      %dma_wait3A_2561 = arith.constant 0 : i32
      %dma_wait3A_2562 = tpu.memref_slice %arg9[%dma_wait3A_2558, %dma_wait3A_2560, %dma_wait3A_2561] : memref<4x3x128xi32, #tpu.memory_space<vmem>> -> memref<1x3x128xi32, #tpu.memory_space<vmem>>
      %dma_wait3A_2563 = tpu.memref_squeeze %dma_wait3A_2562 : memref<1x3x128xi32, #tpu.memory_space<vmem>> -> memref<3x128xi32, #tpu.memory_space<vmem>>
      %dma_wait3A_2564 = arith.constant 0 : i32
      %dma_wait3A_2565 = arith.constant 0 : i32
      %dma_wait3A_2566 = tpu.memref_slice %arg5[%dma_wait3A_2564, %dma_wait3A_2565] : memref<2112x128xi32, #tpu.memory_space<hbm>> -> memref<3x128xi32, #tpu.memory_space<hbm>>
      %dma_wait3A_2567 = tpu.memref_slice %arg14[%dma_wait3A_2559] : memref<4x!tpu.dma_semaphore, #tpu.memory_space<semaphore_mem>> -> memref<1x!tpu.dma_semaphore, #tpu.memory_space<semaphore_mem>>
      %dma_wait3A_2568 = tpu.memref_squeeze %dma_wait3A_2567 : memref<1x!tpu.dma_semaphore, #tpu.memory_space<semaphore_mem>> -> memref<!tpu.dma_semaphore, #tpu.memory_space<semaphore_mem>>
      %dma_wait3A_2569 = arith.constant 0 : i32
      %dma_wait3A_2570 = arith.constant 0 : i32
      %dma_wait3A_2571 = tpu.memref_slice %arg9[%dma_wait3A_2558, %dma_wait3A_2569, %dma_wait3A_2570] : memref<4x3x128xi32, #tpu.memory_space<vmem>> -> memref<1x3x128xi32, #tpu.memory_space<vmem>>
      %dma_wait3A_2572 = tpu.memref_squeeze %dma_wait3A_2571 : memref<1x3x128xi32, #tpu.memory_space<vmem>> -> memref<3x128xi32, #tpu.memory_space<vmem>>
      %dma_wait3A_2573 = arith.constant 0 : i32
      %dma_wait3A_2574 = arith.constant 0 : i32
      %dma_wait3A_2575 = tpu.memref_slice %arg5[%dma_wait3A_2573, %dma_wait3A_2574] : memref<2112x128xi32, #tpu.memory_space<hbm>> -> memref<3x128xi32, #tpu.memory_space<hbm>>
      tpu.wait_dma2 semaphore(%dma_wait3A_2568 : memref<!tpu.dma_semaphore, #tpu.memory_space<semaphore_mem>>) src(%dma_wait3A_2575 : memref<3x128xi32, #tpu.memory_space<hbm>>) dst(%dma_wait3A_2572 : memref<3x128xi32, #tpu.memory_space<vmem>>)
      %dma_wait3A_2576 = arith.constant 0 : i32
      %dma_wait3A_2577 = arith.constant 0 : i32
      %dma_wait3A_2578 = arith.constant 0 : i32
      %dma_wait3A_2579 = arith.constant 0 : i32
      %dma_wait3A_2580 = tpu.memref_slice %arg10[%dma_wait3A_2576, %dma_wait3A_2578, %dma_wait3A_2579] : memref<4x3x128xi32, #tpu.memory_space<vmem>> -> memref<1x3x128xi32, #tpu.memory_space<vmem>>
      %dma_wait3A_2581 = tpu.memref_squeeze %dma_wait3A_2580 : memref<1x3x128xi32, #tpu.memory_space<vmem>> -> memref<3x128xi32, #tpu.memory_space<vmem>>
      %dma_wait3A_2582 = arith.constant 0 : i32
      %dma_wait3A_2583 = arith.constant 0 : i32
      %dma_wait3A_2584 = tpu.memref_slice %arg4[%dma_wait3A_2582, %dma_wait3A_2583] : memref<2112x128xi32, #tpu.memory_space<hbm>> -> memref<3x128xi32, #tpu.memory_space<hbm>>
      %dma_wait3A_2585 = tpu.memref_slice %arg14[%dma_wait3A_2577] : memref<4x!tpu.dma_semaphore, #tpu.memory_space<semaphore_mem>> -> memref<1x!tpu.dma_semaphore, #tpu.memory_space<semaphore_mem>>
      %dma_wait3A_2586 = tpu.memref_squeeze %dma_wait3A_2585 : memref<1x!tpu.dma_semaphore, #tpu.memory_space<semaphore_mem>> -> memref<!tpu.dma_semaphore, #tpu.memory_space<semaphore_mem>>
      %dma_wait3A_2587 = arith.constant 0 : i32
      %dma_wait3A_2588 = arith.constant 0 : i32
      %dma_wait3A_2589 = tpu.memref_slice %arg10[%dma_wait3A_2576, %dma_wait3A_2587, %dma_wait3A_2588] : memref<4x3x128xi32, #tpu.memory_space<vmem>> -> memref<1x3x128xi32, #tpu.memory_space<vmem>>
      %dma_wait3A_2590 = tpu.memref_squeeze %dma_wait3A_2589 : memref<1x3x128xi32, #tpu.memory_space<vmem>> -> memref<3x128xi32, #tpu.memory_space<vmem>>
      %dma_wait3A_2591 = arith.constant 0 : i32
      %dma_wait3A_2592 = arith.constant 0 : i32
      %dma_wait3A_2593 = tpu.memref_slice %arg4[%dma_wait3A_2591, %dma_wait3A_2592] : memref<2112x128xi32, #tpu.memory_space<hbm>> -> memref<3x128xi32, #tpu.memory_space<hbm>>
      tpu.wait_dma2 semaphore(%dma_wait3A_2586 : memref<!tpu.dma_semaphore, #tpu.memory_space<semaphore_mem>>) src(%dma_wait3A_2593 : memref<3x128xi32, #tpu.memory_space<hbm>>) dst(%dma_wait3A_2590 : memref<3x128xi32, #tpu.memory_space<vmem>>)
      %dma_wait3A_2594 = arith.constant 0 : i32
      %dma_wait3A_2595 = arith.constant 0 : i32
      %dma_wait3A_2596 = arith.constant 0 : i32
      %dma_wait3A_2597 = tpu.memref_slice %arg11[%dma_wait3A_2594, %dma_wait3A_2596] : memref<4x384xf32, #tpu.memory_space<vmem>> -> memref<1x384xf32, #tpu.memory_space<vmem>>
      %dma_wait3A_2598 = tpu.memref_squeeze %dma_wait3A_2597 : memref<1x384xf32, #tpu.memory_space<vmem>> -> memref<384xf32, #tpu.memory_space<vmem>>
      %dma_wait3A_2599 = arith.constant 0 : i32
      %dma_wait3A_2600 = tpu.memref_slice %arg3[%dma_wait3A_2599] : memref<270336xf32, #tpu.memory_space<hbm>> -> memref<384xf32, #tpu.memory_space<hbm>>
      %dma_wait3A_2601 = tpu.memref_slice %arg14[%dma_wait3A_2595] : memref<4x!tpu.dma_semaphore, #tpu.memory_space<semaphore_mem>> -> memref<1x!tpu.dma_semaphore, #tpu.memory_space<semaphore_mem>>
      %dma_wait3A_2602 = tpu.memref_squeeze %dma_wait3A_2601 : memref<1x!tpu.dma_semaphore, #tpu.memory_space<semaphore_mem>> -> memref<!tpu.dma_semaphore, #tpu.memory_space<semaphore_mem>>
      %dma_wait3A_2603 = arith.constant 0 : i32
      %dma_wait3A_2604 = tpu.memref_slice %arg11[%dma_wait3A_2594, %dma_wait3A_2603] : memref<4x384xf32, #tpu.memory_space<vmem>> -> memref<1x384xf32, #tpu.memory_space<vmem>>
      %dma_wait3A_2605 = tpu.memref_squeeze %dma_wait3A_2604 : memref<1x384xf32, #tpu.memory_space<vmem>> -> memref<384xf32, #tpu.memory_space<vmem>>
      %dma_wait3A_2606 = arith.constant 0 : i32
      %dma_wait3A_2607 = tpu.memref_slice %arg3[%dma_wait3A_2606] : memref<270336xf32, #tpu.memory_space<hbm>> -> memref<384xf32, #tpu.memory_space<hbm>>
      tpu.wait_dma2 semaphore(%dma_wait3A_2602 : memref<!tpu.dma_semaphore, #tpu.memory_space<semaphore_mem>>) src(%dma_wait3A_2607 : memref<384xf32, #tpu.memory_space<hbm>>) dst(%dma_wait3A_2605 : memref<384xf32, #tpu.memory_space<vmem>>)
      %dma_start3A_2608 = arith.constant 0 : i32
      %dma_start3A_2609 = arith.constant 0 : i32
      %dma_start3A_2610 = arith.constant 0 : i32
      %dma_start3A_2611 = arith.constant 0 : i32
      %dma_start3A_2612 = arith.constant 0 : i32
      %dma_start3A_2613 = arith.constant 0 : i32
      %dma_start3A_2614 = tpu.memref_slice %arg12[%dma_start3A_2610, %dma_start3A_2612, %dma_start3A_2613] : memref<4x384x32xf32, #tpu.memory_space<vmem>> -> memref<1x128x32xf32, #tpu.memory_space<vmem>>
      %dma_start3A_2615 = tpu.memref_squeeze %dma_start3A_2614 : memref<1x128x32xf32, #tpu.memory_space<vmem>> -> memref<128x32xf32, #tpu.memory_space<vmem>>
      %dma_start3A_2616 = arith.constant 0 : i32
      %dma_start3A_2617 = tpu.memref_slice %arg9[%dma_start3A_2608, %dma_start3A_2609, %dma_start3A_2616] : memref<4x3x128xi32, #tpu.memory_space<vmem>> -> memref<1x1x128xi32, #tpu.memory_space<vmem>>
      %dma_start3A_2618 = tpu.memref_squeeze %dma_start3A_2617 : memref<1x1x128xi32, #tpu.memory_space<vmem>> -> memref<128xi32, #tpu.memory_space<vmem>>
      %dma_start3A_2619 = arith.constant 0 : i32
      %dma_start3A_2620 = arith.constant 0 : i32
      %dma_start3A_2621 = tpu.memref_slice %arg7[%dma_start3A_2619, %dma_start3A_2620] : memref<16384x32xf32, #tpu.memory_space<vmem_shared>> -> memref<16384x32xf32, #tpu.memory_space<vmem_shared>>
      %dma_start3A_2622 = tpu.memref_slice %arg15[%dma_start3A_2611] : memref<4x!tpu.dma_semaphore, #tpu.memory_space<semaphore_mem>> -> memref<1x!tpu.dma_semaphore, #tpu.memory_space<semaphore_mem>>
      %dma_start3A_2623 = tpu.memref_squeeze %dma_start3A_2622 : memref<1x!tpu.dma_semaphore, #tpu.memory_space<semaphore_mem>> -> memref<!tpu.dma_semaphore, #tpu.memory_space<semaphore_mem>>
      tpu.enqueue_indirect_dma source(%dma_start3A_2621 : memref<16384x32xf32, #tpu.memory_space<vmem_shared>>) target(%dma_start3A_2615 : memref<128x32xf32, #tpu.memory_space<vmem>>) offsets(%dma_start3A_2618 : memref<128xi32, #tpu.memory_space<vmem>>) semaphore(%dma_start3A_2623 : memref<!tpu.dma_semaphore, #tpu.memory_space<semaphore_mem>>)
      %dma_start3A_2624 = arith.constant 0 : i32
      %dma_start3A_2625 = arith.constant 1 : i32
      %dma_start3A_2626 = arith.constant 0 : i32
      %dma_start3A_2627 = arith.constant 0 : i32
      %dma_start3A_2628 = arith.constant 128 : i32
      %dma_start3A_2629 = arith.constant 0 : i32
      %dma_start3A_2630 = tpu.memref_slice %arg12[%dma_start3A_2626, %dma_start3A_2628, %dma_start3A_2629] : memref<4x384x32xf32, #tpu.memory_space<vmem>> -> memref<1x128x32xf32, #tpu.memory_space<vmem>>
      %dma_start3A_2631 = tpu.memref_squeeze %dma_start3A_2630 : memref<1x128x32xf32, #tpu.memory_space<vmem>> -> memref<128x32xf32, #tpu.memory_space<vmem>>
      %dma_start3A_2632 = arith.constant 0 : i32
      %dma_start3A_2633 = tpu.memref_slice %arg9[%dma_start3A_2624, %dma_start3A_2625, %dma_start3A_2632] : memref<4x3x128xi32, #tpu.memory_space<vmem>> -> memref<1x1x128xi32, #tpu.memory_space<vmem>>
      %dma_start3A_2634 = tpu.memref_squeeze %dma_start3A_2633 : memref<1x1x128xi32, #tpu.memory_space<vmem>> -> memref<128xi32, #tpu.memory_space<vmem>>
      %dma_start3A_2635 = arith.constant 0 : i32
      %dma_start3A_2636 = arith.constant 0 : i32
      %dma_start3A_2637 = tpu.memref_slice %arg7[%dma_start3A_2635, %dma_start3A_2636] : memref<16384x32xf32, #tpu.memory_space<vmem_shared>> -> memref<16384x32xf32, #tpu.memory_space<vmem_shared>>
      %dma_start3A_2638 = tpu.memref_slice %arg15[%dma_start3A_2627] : memref<4x!tpu.dma_semaphore, #tpu.memory_space<semaphore_mem>> -> memref<1x!tpu.dma_semaphore, #tpu.memory_space<semaphore_mem>>
      %dma_start3A_2639 = tpu.memref_squeeze %dma_start3A_2638 : memref<1x!tpu.dma_semaphore, #tpu.memory_space<semaphore_mem>> -> memref<!tpu.dma_semaphore, #tpu.memory_space<semaphore_mem>>
      tpu.enqueue_indirect_dma source(%dma_start3A_2637 : memref<16384x32xf32, #tpu.memory_space<vmem_shared>>) target(%dma_start3A_2631 : memref<128x32xf32, #tpu.memory_space<vmem>>) offsets(%dma_start3A_2634 : memref<128xi32, #tpu.memory_space<vmem>>) semaphore(%dma_start3A_2639 : memref<!tpu.dma_semaphore, #tpu.memory_space<semaphore_mem>>)
      %dma_start3A_2640 = arith.constant 0 : i32
      %dma_start3A_2641 = arith.constant 2 : i32
      %dma_start3A_2642 = arith.constant 0 : i32
      %dma_start3A_2643 = arith.constant 0 : i32
      %dma_start3A_2644 = arith.constant 256 : i32
      %dma_start3A_2645 = arith.constant 0 : i32
      %dma_start3A_2646 = tpu.memref_slice %arg12[%dma_start3A_2642, %dma_start3A_2644, %dma_start3A_2645] : memref<4x384x32xf32, #tpu.memory_space<vmem>> -> memref<1x128x32xf32, #tpu.memory_space<vmem>>
      %dma_start3A_2647 = tpu.memref_squeeze %dma_start3A_2646 : memref<1x128x32xf32, #tpu.memory_space<vmem>> -> memref<128x32xf32, #tpu.memory_space<vmem>>
      %dma_start3A_2648 = arith.constant 0 : i32
      %dma_start3A_2649 = tpu.memref_slice %arg9[%dma_start3A_2640, %dma_start3A_2641, %dma_start3A_2648] : memref<4x3x128xi32, #tpu.memory_space<vmem>> -> memref<1x1x128xi32, #tpu.memory_space<vmem>>
      %dma_start3A_2650 = tpu.memref_squeeze %dma_start3A_2649 : memref<1x1x128xi32, #tpu.memory_space<vmem>> -> memref<128xi32, #tpu.memory_space<vmem>>
      %dma_start3A_2651 = arith.constant 0 : i32
      %dma_start3A_2652 = arith.constant 0 : i32
      %dma_start3A_2653 = tpu.memref_slice %arg7[%dma_start3A_2651, %dma_start3A_2652] : memref<16384x32xf32, #tpu.memory_space<vmem_shared>> -> memref<16384x32xf32, #tpu.memory_space<vmem_shared>>
      %dma_start3A_2654 = tpu.memref_slice %arg15[%dma_start3A_2643] : memref<4x!tpu.dma_semaphore, #tpu.memory_space<semaphore_mem>> -> memref<1x!tpu.dma_semaphore, #tpu.memory_space<semaphore_mem>>
      %dma_start3A_2655 = tpu.memref_squeeze %dma_start3A_2654 : memref<1x!tpu.dma_semaphore, #tpu.memory_space<semaphore_mem>> -> memref<!tpu.dma_semaphore, #tpu.memory_space<semaphore_mem>>
      tpu.enqueue_indirect_dma source(%dma_start3A_2653 : memref<16384x32xf32, #tpu.memory_space<vmem_shared>>) target(%dma_start3A_2647 : memref<128x32xf32, #tpu.memory_space<vmem>>) offsets(%dma_start3A_2650 : memref<128xi32, #tpu.memory_space<vmem>>) semaphore(%dma_start3A_2655 : memref<!tpu.dma_semaphore, #tpu.memory_space<semaphore_mem>>)
      %dma_wait3A_2656 = arith.constant 3 : i32
      %dma_wait3A_2657 = arith.constant 0 : i32
      %dma_wait3A_2658 = arith.constant 3 : i32
      %dma_wait3A_2659 = arith.constant 3 : i32
      %dma_wait3A_2660 = arith.constant 0 : i32
      %dma_wait3A_2661 = arith.constant 0 : i32
      %dma_wait3A_2662 = tpu.memref_slice %arg12[%dma_wait3A_2658, %dma_wait3A_2660, %dma_wait3A_2661] : memref<4x384x32xf32, #tpu.memory_space<vmem>> -> memref<1x128x32xf32, #tpu.memory_space<vmem>>
      %dma_wait3A_2663 = tpu.memref_squeeze %dma_wait3A_2662 : memref<1x128x32xf32, #tpu.memory_space<vmem>> -> memref<128x32xf32, #tpu.memory_space<vmem>>
      %dma_wait3A_2664 = arith.constant 0 : i32
      %dma_wait3A_2665 = tpu.memref_slice %arg9[%dma_wait3A_2656, %dma_wait3A_2657, %dma_wait3A_2664] : memref<4x3x128xi32, #tpu.memory_space<vmem>> -> memref<1x1x128xi32, #tpu.memory_space<vmem>>
      %dma_wait3A_2666 = tpu.memref_squeeze %dma_wait3A_2665 : memref<1x1x128xi32, #tpu.memory_space<vmem>> -> memref<128xi32, #tpu.memory_space<vmem>>
      %dma_wait3A_2667 = arith.constant 0 : i32
      %dma_wait3A_2668 = arith.constant 0 : i32
      %dma_wait3A_2669 = tpu.memref_slice %arg7[%dma_wait3A_2667, %dma_wait3A_2668] : memref<16384x32xf32, #tpu.memory_space<vmem_shared>> -> memref<16384x32xf32, #tpu.memory_space<vmem_shared>>
      %dma_wait3A_2670 = tpu.memref_slice %arg15[%dma_wait3A_2659] : memref<4x!tpu.dma_semaphore, #tpu.memory_space<semaphore_mem>> -> memref<1x!tpu.dma_semaphore, #tpu.memory_space<semaphore_mem>>
      %dma_wait3A_2671 = tpu.memref_squeeze %dma_wait3A_2670 : memref<1x!tpu.dma_semaphore, #tpu.memory_space<semaphore_mem>> -> memref<!tpu.dma_semaphore, #tpu.memory_space<semaphore_mem>>
      tpu.wait_indirect_dma semaphore(%dma_wait3A_2671 : memref<!tpu.dma_semaphore, #tpu.memory_space<semaphore_mem>>) src(%dma_wait3A_2669 : memref<16384x32xf32, #tpu.memory_space<vmem_shared>>) dst(%dma_wait3A_2663 : memref<128x32xf32, #tpu.memory_space<vmem>>)
      %dma_wait3A_2672 = arith.constant 3 : i32
      %dma_wait3A_2673 = arith.constant 1 : i32
      %dma_wait3A_2674 = arith.constant 3 : i32
      %dma_wait3A_2675 = arith.constant 3 : i32
      %dma_wait3A_2676 = arith.constant 128 : i32
      %dma_wait3A_2677 = arith.constant 0 : i32
      %dma_wait3A_2678 = tpu.memref_slice %arg12[%dma_wait3A_2674, %dma_wait3A_2676, %dma_wait3A_2677] : memref<4x384x32xf32, #tpu.memory_space<vmem>> -> memref<1x128x32xf32, #tpu.memory_space<vmem>>
      %dma_wait3A_2679 = tpu.memref_squeeze %dma_wait3A_2678 : memref<1x128x32xf32, #tpu.memory_space<vmem>> -> memref<128x32xf32, #tpu.memory_space<vmem>>
      %dma_wait3A_2680 = arith.constant 0 : i32
      %dma_wait3A_2681 = tpu.memref_slice %arg9[%dma_wait3A_2672, %dma_wait3A_2673, %dma_wait3A_2680] : memref<4x3x128xi32, #tpu.memory_space<vmem>> -> memref<1x1x128xi32, #tpu.memory_space<vmem>>
      %dma_wait3A_2682 = tpu.memref_squeeze %dma_wait3A_2681 : memref<1x1x128xi32, #tpu.memory_space<vmem>> -> memref<128xi32, #tpu.memory_space<vmem>>
      %dma_wait3A_2683 = arith.constant 0 : i32
      %dma_wait3A_2684 = arith.constant 0 : i32
      %dma_wait3A_2685 = tpu.memref_slice %arg7[%dma_wait3A_2683, %dma_wait3A_2684] : memref<16384x32xf32, #tpu.memory_space<vmem_shared>> -> memref<16384x32xf32, #tpu.memory_space<vmem_shared>>
      %dma_wait3A_2686 = tpu.memref_slice %arg15[%dma_wait3A_2675] : memref<4x!tpu.dma_semaphore, #tpu.memory_space<semaphore_mem>> -> memref<1x!tpu.dma_semaphore, #tpu.memory_space<semaphore_mem>>
      %dma_wait3A_2687 = tpu.memref_squeeze %dma_wait3A_2686 : memref<1x!tpu.dma_semaphore, #tpu.memory_space<semaphore_mem>> -> memref<!tpu.dma_semaphore, #tpu.memory_space<semaphore_mem>>
      tpu.wait_indirect_dma semaphore(%dma_wait3A_2687 : memref<!tpu.dma_semaphore, #tpu.memory_space<semaphore_mem>>) src(%dma_wait3A_2685 : memref<16384x32xf32, #tpu.memory_space<vmem_shared>>) dst(%dma_wait3A_2679 : memref<128x32xf32, #tpu.memory_space<vmem>>)
      %dma_wait3A_2688 = arith.constant 3 : i32
      %dma_wait3A_2689 = arith.constant 2 : i32
      %dma_wait3A_2690 = arith.constant 3 : i32
      %dma_wait3A_2691 = arith.constant 3 : i32
      %dma_wait3A_2692 = arith.constant 256 : i32
      %dma_wait3A_2693 = arith.constant 0 : i32
      %dma_wait3A_2694 = tpu.memref_slice %arg12[%dma_wait3A_2690, %dma_wait3A_2692, %dma_wait3A_2693] : memref<4x384x32xf32, #tpu.memory_space<vmem>> -> memref<1x128x32xf32, #tpu.memory_space<vmem>>
      %dma_wait3A_2695 = tpu.memref_squeeze %dma_wait3A_2694 : memref<1x128x32xf32, #tpu.memory_space<vmem>> -> memref<128x32xf32, #tpu.memory_space<vmem>>
      %dma_wait3A_2696 = arith.constant 0 : i32
      %dma_wait3A_2697 = tpu.memref_slice %arg9[%dma_wait3A_2688, %dma_wait3A_2689, %dma_wait3A_2696] : memref<4x3x128xi32, #tpu.memory_space<vmem>> -> memref<1x1x128xi32, #tpu.memory_space<vmem>>
      %dma_wait3A_2698 = tpu.memref_squeeze %dma_wait3A_2697 : memref<1x1x128xi32, #tpu.memory_space<vmem>> -> memref<128xi32, #tpu.memory_space<vmem>>
      %dma_wait3A_2699 = arith.constant 0 : i32
      %dma_wait3A_2700 = arith.constant 0 : i32
      %dma_wait3A_2701 = tpu.memref_slice %arg7[%dma_wait3A_2699, %dma_wait3A_2700] : memref<16384x32xf32, #tpu.memory_space<vmem_shared>> -> memref<16384x32xf32, #tpu.memory_space<vmem_shared>>
      %dma_wait3A_2702 = tpu.memref_slice %arg15[%dma_wait3A_2691] : memref<4x!tpu.dma_semaphore, #tpu.memory_space<semaphore_mem>> -> memref<1x!tpu.dma_semaphore, #tpu.memory_space<semaphore_mem>>
      %dma_wait3A_2703 = tpu.memref_squeeze %dma_wait3A_2702 : memref<1x!tpu.dma_semaphore, #tpu.memory_space<semaphore_mem>> -> memref<!tpu.dma_semaphore, #tpu.memory_space<semaphore_mem>>
      tpu.wait_indirect_dma semaphore(%dma_wait3A_2703 : memref<!tpu.dma_semaphore, #tpu.memory_space<semaphore_mem>>) src(%dma_wait3A_2701 : memref<16384x32xf32, #tpu.memory_space<vmem_shared>>) dst(%dma_wait3A_2695 : memref<128x32xf32, #tpu.memory_space<vmem>>)
      %parallel_loop3A_2704 = arith.constant 0 : i32
      %parallel_loop3A_2705 = arith.constant 384 : i32
      %parallel_loop3A_2706 = arith.constant 1 : i32
      scf.for %parallel_loop3A_2871 = %parallel_loop3A_2704 to %parallel_loop3A_2705 step %parallel_loop3A_2706  : i32 {
        %parallel_loop3A_2872 = vector.broadcast %parallel_loop3A_2871 : i32 to vector<16xi32>
        %parallel_loop3A_2873 = arith.constant 3 : i32
        %parallel_loop3A_2874 = arith.constant 0 : i32
        %parallel_loop3A_2875 = tpu.memref_slice %arg11[%parallel_loop3A_2873, %parallel_loop3A_2874] : memref<4x384xf32, #tpu.memory_space<vmem>> -> memref<1x384xf32, #tpu.memory_space<vmem>>
        %parallel_loop3A_2876 = tpu.memref_squeeze %parallel_loop3A_2875 : memref<1x384xf32, #tpu.memory_space<vmem>> -> memref<384xf32, #tpu.memory_space<vmem>>
        %parallel_loop3A_2877 = tpu.vector_load_idx %parallel_loop3A_2876[%parallel_loop3A_2872] : memref<384xf32, #tpu.memory_space<vmem>>[vector<16xi32>], vector<16xf32>,
        %parallel_loop3A_2878 = arith.constant 3 : i32
        %parallel_loop3A_2879 = arith.index_cast %parallel_loop3A_2878 : i32 to index
        %parallel_loop3A_2880 = arith.index_cast %parallel_loop3A_2871 : i32 to index
        %parallel_loop3A_2881 = arith.constant 0 : index
        %parallel_loop3A_2882 = tpu.vector_load %arg12[%parallel_loop3A_2879, %parallel_loop3A_2880, %parallel_loop3A_2881] {strides = array<i32>} : memref<4x384x32xf32, #tpu.memory_space<vmem>>, vector<16xf32>,
        %parallel_loop3A_2883 = arith.mulf %parallel_loop3A_2882, %parallel_loop3A_2877 : vector<16xf32>
        %parallel_loop3A_2884 = arith.constant 3 : i32
        %parallel_loop3A_2885 = arith.index_cast %parallel_loop3A_2884 : i32 to index
        %parallel_loop3A_2886 = arith.index_cast %parallel_loop3A_2871 : i32 to index
        %parallel_loop3A_2887 = arith.constant 0 : index
        %parallel_loop3A_2888 = tpu.vector_load %arg12[%parallel_loop3A_2885, %parallel_loop3A_2886, %parallel_loop3A_2887] {strides = array<i32>} : memref<4x384x32xf32, #tpu.memory_space<vmem>>, vector<16xf32>,
        tpu.vector_store %arg12[%parallel_loop3A_2885, %parallel_loop3A_2886, %parallel_loop3A_2887], %parallel_loop3A_2883 {strides = array<i32>} : memref<4x384x32xf32, #tpu.memory_space<vmem>>, vector<16xf32>,
        %parallel_loop3A_2889 = arith.constant 3 : i32
        %parallel_loop3A_2890 = arith.index_cast %parallel_loop3A_2889 : i32 to index
        %parallel_loop3A_2891 = arith.index_cast %parallel_loop3A_2871 : i32 to index
        %parallel_loop3A_2892 = arith.constant 16 : index
        %parallel_loop3A_2893 = tpu.vector_load %arg12[%parallel_loop3A_2890, %parallel_loop3A_2891, %parallel_loop3A_2892] {strides = array<i32>} : memref<4x384x32xf32, #tpu.memory_space<vmem>>, vector<16xf32>,
        %parallel_loop3A_2894 = arith.mulf %parallel_loop3A_2893, %parallel_loop3A_2877 : vector<16xf32>
        %parallel_loop3A_2895 = arith.constant 3 : i32
        %parallel_loop3A_2896 = arith.index_cast %parallel_loop3A_2895 : i32 to index
        %parallel_loop3A_2897 = arith.index_cast %parallel_loop3A_2871 : i32 to index
        %parallel_loop3A_2898 = arith.constant 16 : index
        %parallel_loop3A_2899 = tpu.vector_load %arg12[%parallel_loop3A_2896, %parallel_loop3A_2897, %parallel_loop3A_2898] {strides = array<i32>} : memref<4x384x32xf32, #tpu.memory_space<vmem>>, vector<16xf32>,
        tpu.vector_store %arg12[%parallel_loop3A_2896, %parallel_loop3A_2897, %parallel_loop3A_2898], %parallel_loop3A_2894 {strides = array<i32>} : memref<4x384x32xf32, #tpu.memory_space<vmem>>, vector<16xf32>,
      } {sc.loop_unroll_factor = 4 : i64, sc.parallel_access}
      %dma_start3A_2707 = arith.constant 3 : i32
      %dma_start3A_2708 = arith.constant 3 : i32
      %dma_start3A_2709 = arith.constant 0 : i32
      %dma_start3A_2710 = arith.constant 3 : i32
      %dma_start3A_2711 = arith.constant 0 : i32
      %dma_start3A_2712 = arith.constant 0 : i32
      %dma_start3A_2713 = tpu.memref_slice %arg12[%dma_start3A_2707, %dma_start3A_2711, %dma_start3A_2712] : memref<4x384x32xf32, #tpu.memory_space<vmem>> -> memref<1x128x32xf32, #tpu.memory_space<vmem>>
      %dma_start3A_2714 = tpu.memref_squeeze %dma_start3A_2713 : memref<1x128x32xf32, #tpu.memory_space<vmem>> -> memref<128x32xf32, #tpu.memory_space<vmem>>
      %dma_start3A_2715 = arith.constant 0 : i32
      %dma_start3A_2716 = tpu.memref_slice %arg10[%dma_start3A_2708, %dma_start3A_2709, %dma_start3A_2715] : memref<4x3x128xi32, #tpu.memory_space<vmem>> -> memref<1x1x128xi32, #tpu.memory_space<vmem>>
      %dma_start3A_2717 = tpu.memref_squeeze %dma_start3A_2716 : memref<1x1x128xi32, #tpu.memory_space<vmem>> -> memref<128xi32, #tpu.memory_space<vmem>>
      %dma_start3A_2718 = arith.constant 0 : i32
      %dma_start3A_2719 = arith.constant 0 : i32
      %dma_start3A_2720 = tpu.memref_slice %arg8[%dma_start3A_2718, %dma_start3A_2719] : memref<16384x32xf32, #tpu.memory_space<vmem_shared>> -> memref<16384x32xf32, #tpu.memory_space<vmem_shared>>
      %dma_start3A_2721 = tpu.memref_slice %arg16[%dma_start3A_2710] : memref<4x!tpu.dma_semaphore, #tpu.memory_space<semaphore_mem>> -> memref<1x!tpu.dma_semaphore, #tpu.memory_space<semaphore_mem>>
      %dma_start3A_2722 = tpu.memref_squeeze %dma_start3A_2721 : memref<1x!tpu.dma_semaphore, #tpu.memory_space<semaphore_mem>> -> memref<!tpu.dma_semaphore, #tpu.memory_space<semaphore_mem>>
      tpu.enqueue_indirect_dma source(%dma_start3A_2714 : memref<128x32xf32, #tpu.memory_space<vmem>>) target(%dma_start3A_2720 : memref<16384x32xf32, #tpu.memory_space<vmem_shared>>) offsets(%dma_start3A_2717 : memref<128xi32, #tpu.memory_space<vmem>>) semaphore(%dma_start3A_2722 : memref<!tpu.dma_semaphore, #tpu.memory_space<semaphore_mem>>) {add = true}
      %dma_start3A_2723 = arith.constant 3 : i32
      %dma_start3A_2724 = arith.constant 3 : i32
      %dma_start3A_2725 = arith.constant 1 : i32
      %dma_start3A_2726 = arith.constant 3 : i32
      %dma_start3A_2727 = arith.constant 128 : i32
      %dma_start3A_2728 = arith.constant 0 : i32
      %dma_start3A_2729 = tpu.memref_slice %arg12[%dma_start3A_2723, %dma_start3A_2727, %dma_start3A_2728] : memref<4x384x32xf32, #tpu.memory_space<vmem>> -> memref<1x128x32xf32, #tpu.memory_space<vmem>>
      %dma_start3A_2730 = tpu.memref_squeeze %dma_start3A_2729 : memref<1x128x32xf32, #tpu.memory_space<vmem>> -> memref<128x32xf32, #tpu.memory_space<vmem>>
      %dma_start3A_2731 = arith.constant 0 : i32
      %dma_start3A_2732 = tpu.memref_slice %arg10[%dma_start3A_2724, %dma_start3A_2725, %dma_start3A_2731] : memref<4x3x128xi32, #tpu.memory_space<vmem>> -> memref<1x1x128xi32, #tpu.memory_space<vmem>>
      %dma_start3A_2733 = tpu.memref_squeeze %dma_start3A_2732 : memref<1x1x128xi32, #tpu.memory_space<vmem>> -> memref<128xi32, #tpu.memory_space<vmem>>
      %dma_start3A_2734 = arith.constant 0 : i32
      %dma_start3A_2735 = arith.constant 0 : i32
      %dma_start3A_2736 = tpu.memref_slice %arg8[%dma_start3A_2734, %dma_start3A_2735] : memref<16384x32xf32, #tpu.memory_space<vmem_shared>> -> memref<16384x32xf32, #tpu.memory_space<vmem_shared>>
      %dma_start3A_2737 = tpu.memref_slice %arg16[%dma_start3A_2726] : memref<4x!tpu.dma_semaphore, #tpu.memory_space<semaphore_mem>> -> memref<1x!tpu.dma_semaphore, #tpu.memory_space<semaphore_mem>>
      %dma_start3A_2738 = tpu.memref_squeeze %dma_start3A_2737 : memref<1x!tpu.dma_semaphore, #tpu.memory_space<semaphore_mem>> -> memref<!tpu.dma_semaphore, #tpu.memory_space<semaphore_mem>>
      tpu.enqueue_indirect_dma source(%dma_start3A_2730 : memref<128x32xf32, #tpu.memory_space<vmem>>) target(%dma_start3A_2736 : memref<16384x32xf32, #tpu.memory_space<vmem_shared>>) offsets(%dma_start3A_2733 : memref<128xi32, #tpu.memory_space<vmem>>) semaphore(%dma_start3A_2738 : memref<!tpu.dma_semaphore, #tpu.memory_space<semaphore_mem>>) {add = true}
      %dma_start3A_2739 = arith.constant 3 : i32
      %dma_start3A_2740 = arith.constant 3 : i32
      %dma_start3A_2741 = arith.constant 2 : i32
      %dma_start3A_2742 = arith.constant 3 : i32
      %dma_start3A_2743 = arith.constant 256 : i32
      %dma_start3A_2744 = arith.constant 0 : i32
      %dma_start3A_2745 = tpu.memref_slice %arg12[%dma_start3A_2739, %dma_start3A_2743, %dma_start3A_2744] : memref<4x384x32xf32, #tpu.memory_space<vmem>> -> memref<1x128x32xf32, #tpu.memory_space<vmem>>
      %dma_start3A_2746 = tpu.memref_squeeze %dma_start3A_2745 : memref<1x128x32xf32, #tpu.memory_space<vmem>> -> memref<128x32xf32, #tpu.memory_space<vmem>>
      %dma_start3A_2747 = arith.constant 0 : i32
      %dma_start3A_2748 = tpu.memref_slice %arg10[%dma_start3A_2740, %dma_start3A_2741, %dma_start3A_2747] : memref<4x3x128xi32, #tpu.memory_space<vmem>> -> memref<1x1x128xi32, #tpu.memory_space<vmem>>
      %dma_start3A_2749 = tpu.memref_squeeze %dma_start3A_2748 : memref<1x1x128xi32, #tpu.memory_space<vmem>> -> memref<128xi32, #tpu.memory_space<vmem>>
      %dma_start3A_2750 = arith.constant 0 : i32
      %dma_start3A_2751 = arith.constant 0 : i32
      %dma_start3A_2752 = tpu.memref_slice %arg8[%dma_start3A_2750, %dma_start3A_2751] : memref<16384x32xf32, #tpu.memory_space<vmem_shared>> -> memref<16384x32xf32, #tpu.memory_space<vmem_shared>>
      %dma_start3A_2753 = tpu.memref_slice %arg16[%dma_start3A_2742] : memref<4x!tpu.dma_semaphore, #tpu.memory_space<semaphore_mem>> -> memref<1x!tpu.dma_semaphore, #tpu.memory_space<semaphore_mem>>
      %dma_start3A_2754 = tpu.memref_squeeze %dma_start3A_2753 : memref<1x!tpu.dma_semaphore, #tpu.memory_space<semaphore_mem>> -> memref<!tpu.dma_semaphore, #tpu.memory_space<semaphore_mem>>
      tpu.enqueue_indirect_dma source(%dma_start3A_2746 : memref<128x32xf32, #tpu.memory_space<vmem>>) target(%dma_start3A_2752 : memref<16384x32xf32, #tpu.memory_space<vmem_shared>>) offsets(%dma_start3A_2749 : memref<128xi32, #tpu.memory_space<vmem>>) semaphore(%dma_start3A_2754 : memref<!tpu.dma_semaphore, #tpu.memory_space<semaphore_mem>>) {add = true}
      %dma_wait3A_2755 = arith.constant 1 : i32
      %dma_wait3A_2756 = arith.constant 1 : i32
      %dma_wait3A_2757 = arith.constant 0 : i32
      %dma_wait3A_2758 = arith.constant 1 : i32
      %dma_wait3A_2759 = arith.constant 0 : i32
      %dma_wait3A_2760 = arith.constant 0 : i32
      %dma_wait3A_2761 = tpu.memref_slice %arg12[%dma_wait3A_2755, %dma_wait3A_2759, %dma_wait3A_2760] : memref<4x384x32xf32, #tpu.memory_space<vmem>> -> memref<1x128x32xf32, #tpu.memory_space<vmem>>
      %dma_wait3A_2762 = tpu.memref_squeeze %dma_wait3A_2761 : memref<1x128x32xf32, #tpu.memory_space<vmem>> -> memref<128x32xf32, #tpu.memory_space<vmem>>
      %dma_wait3A_2763 = arith.constant 0 : i32
      %dma_wait3A_2764 = tpu.memref_slice %arg10[%dma_wait3A_2756, %dma_wait3A_2757, %dma_wait3A_2763] : memref<4x3x128xi32, #tpu.memory_space<vmem>> -> memref<1x1x128xi32, #tpu.memory_space<vmem>>
      %dma_wait3A_2765 = tpu.memref_squeeze %dma_wait3A_2764 : memref<1x1x128xi32, #tpu.memory_space<vmem>> -> memref<128xi32, #tpu.memory_space<vmem>>
      %dma_wait3A_2766 = arith.constant 0 : i32
      %dma_wait3A_2767 = arith.constant 0 : i32
      %dma_wait3A_2768 = tpu.memref_slice %arg8[%dma_wait3A_2766, %dma_wait3A_2767] : memref<16384x32xf32, #tpu.memory_space<vmem_shared>> -> memref<16384x32xf32, #tpu.memory_space<vmem_shared>>
      %dma_wait3A_2769 = tpu.memref_slice %arg16[%dma_wait3A_2758] : memref<4x!tpu.dma_semaphore, #tpu.memory_space<semaphore_mem>> -> memref<1x!tpu.dma_semaphore, #tpu.memory_space<semaphore_mem>>
      %dma_wait3A_2770 = tpu.memref_squeeze %dma_wait3A_2769 : memref<1x!tpu.dma_semaphore, #tpu.memory_space<semaphore_mem>> -> memref<!tpu.dma_semaphore, #tpu.memory_space<semaphore_mem>>
      tpu.wait_indirect_dma semaphore(%dma_wait3A_2770 : memref<!tpu.dma_semaphore, #tpu.memory_space<semaphore_mem>>) src(%dma_wait3A_2762 : memref<128x32xf32, #tpu.memory_space<vmem>>) dst(%dma_wait3A_2768 : memref<16384x32xf32, #tpu.memory_space<vmem_shared>>)
      %dma_wait3A_2771 = arith.constant 1 : i32
      %dma_wait3A_2772 = arith.constant 1 : i32
      %dma_wait3A_2773 = arith.constant 1 : i32
      %dma_wait3A_2774 = arith.constant 1 : i32
      %dma_wait3A_2775 = arith.constant 128 : i32
      %dma_wait3A_2776 = arith.constant 0 : i32
      %dma_wait3A_2777 = tpu.memref_slice %arg12[%dma_wait3A_2771, %dma_wait3A_2775, %dma_wait3A_2776] : memref<4x384x32xf32, #tpu.memory_space<vmem>> -> memref<1x128x32xf32, #tpu.memory_space<vmem>>
      %dma_wait3A_2778 = tpu.memref_squeeze %dma_wait3A_2777 : memref<1x128x32xf32, #tpu.memory_space<vmem>> -> memref<128x32xf32, #tpu.memory_space<vmem>>
      %dma_wait3A_2779 = arith.constant 0 : i32
      %dma_wait3A_2780 = tpu.memref_slice %arg10[%dma_wait3A_2772, %dma_wait3A_2773, %dma_wait3A_2779] : memref<4x3x128xi32, #tpu.memory_space<vmem>> -> memref<1x1x128xi32, #tpu.memory_space<vmem>>
      %dma_wait3A_2781 = tpu.memref_squeeze %dma_wait3A_2780 : memref<1x1x128xi32, #tpu.memory_space<vmem>> -> memref<128xi32, #tpu.memory_space<vmem>>
      %dma_wait3A_2782 = arith.constant 0 : i32
      %dma_wait3A_2783 = arith.constant 0 : i32
      %dma_wait3A_2784 = tpu.memref_slice %arg8[%dma_wait3A_2782, %dma_wait3A_2783] : memref<16384x32xf32, #tpu.memory_space<vmem_shared>> -> memref<16384x32xf32, #tpu.memory_space<vmem_shared>>
      %dma_wait3A_2785 = tpu.memref_slice %arg16[%dma_wait3A_2774] : memref<4x!tpu.dma_semaphore, #tpu.memory_space<semaphore_mem>> -> memref<1x!tpu.dma_semaphore, #tpu.memory_space<semaphore_mem>>
      %dma_wait3A_2786 = tpu.memref_squeeze %dma_wait3A_2785 : memref<1x!tpu.dma_semaphore, #tpu.memory_space<semaphore_mem>> -> memref<!tpu.dma_semaphore, #tpu.memory_space<semaphore_mem>>
      tpu.wait_indirect_dma semaphore(%dma_wait3A_2786 : memref<!tpu.dma_semaphore, #tpu.memory_space<semaphore_mem>>) src(%dma_wait3A_2778 : memref<128x32xf32, #tpu.memory_space<vmem>>) dst(%dma_wait3A_2784 : memref<16384x32xf32, #tpu.memory_space<vmem_shared>>)
      %dma_wait3A_2787 = arith.constant 1 : i32
      %dma_wait3A_2788 = arith.constant 1 : i32
      %dma_wait3A_2789 = arith.constant 2 : i32
      %dma_wait3A_2790 = arith.constant 1 : i32
      %dma_wait3A_2791 = arith.constant 256 : i32
      %dma_wait3A_2792 = arith.constant 0 : i32
      %dma_wait3A_2793 = tpu.memref_slice %arg12[%dma_wait3A_2787, %dma_wait3A_2791, %dma_wait3A_2792] : memref<4x384x32xf32, #tpu.memory_space<vmem>> -> memref<1x128x32xf32, #tpu.memory_space<vmem>>
      %dma_wait3A_2794 = tpu.memref_squeeze %dma_wait3A_2793 : memref<1x128x32xf32, #tpu.memory_space<vmem>> -> memref<128x32xf32, #tpu.memory_space<vmem>>
      %dma_wait3A_2795 = arith.constant 0 : i32
      %dma_wait3A_2796 = tpu.memref_slice %arg10[%dma_wait3A_2788, %dma_wait3A_2789, %dma_wait3A_2795] : memref<4x3x128xi32, #tpu.memory_space<vmem>> -> memref<1x1x128xi32, #tpu.memory_space<vmem>>
      %dma_wait3A_2797 = tpu.memref_squeeze %dma_wait3A_2796 : memref<1x1x128xi32, #tpu.memory_space<vmem>> -> memref<128xi32, #tpu.memory_space<vmem>>
      %dma_wait3A_2798 = arith.constant 0 : i32
      %dma_wait3A_2799 = arith.constant 0 : i32
      %dma_wait3A_2800 = tpu.memref_slice %arg8[%dma_wait3A_2798, %dma_wait3A_2799] : memref<16384x32xf32, #tpu.memory_space<vmem_shared>> -> memref<16384x32xf32, #tpu.memory_space<vmem_shared>>
      %dma_wait3A_2801 = tpu.memref_slice %arg16[%dma_wait3A_2790] : memref<4x!tpu.dma_semaphore, #tpu.memory_space<semaphore_mem>> -> memref<1x!tpu.dma_semaphore, #tpu.memory_space<semaphore_mem>>
      %dma_wait3A_2802 = tpu.memref_squeeze %dma_wait3A_2801 : memref<1x!tpu.dma_semaphore, #tpu.memory_space<semaphore_mem>> -> memref<!tpu.dma_semaphore, #tpu.memory_space<semaphore_mem>>
      tpu.wait_indirect_dma semaphore(%dma_wait3A_2802 : memref<!tpu.dma_semaphore, #tpu.memory_space<semaphore_mem>>) src(%dma_wait3A_2794 : memref<128x32xf32, #tpu.memory_space<vmem>>) dst(%dma_wait3A_2800 : memref<16384x32xf32, #tpu.memory_space<vmem_shared>>)
      %add3A_2803 = arith.constant 2 : i32
      %add3A_2804 = arith.addi %add3A_2557, %add3A_2803 : i32
      %jit3A_2805 = arith.constant 44 : i32
      %eq3A_2806 = arith.constant 0 : i32
      %eq3A_2807 = arith.cmpi eq, %jit3A_2805, %eq3A_2806 : i32
      %jit3A_2808 = arith.constant 1 : i32
      %select_n3A_2809 = arith.select %eq3A_2807, %jit3A_2808, %jit3A_2805 : i32
      %rem3A_2810 = arith.remsi %add3A_2804, %select_n3A_2809 : i32
      %ne3A_2811 = arith.constant 0 : i32
      %ne3A_2812 = arith.cmpi ne, %rem3A_2810, %ne3A_2811 : i32
      %lt3A_2813 = arith.constant 0 : i32
      %lt3A_2814 = arith.cmpi slt, %rem3A_2810, %lt3A_2813 : i32
      %lt3A_2815 = arith.constant 0 : i32
      %lt3A_2816 = arith.cmpi slt, %select_n3A_2809, %lt3A_2815 : i32
      %ne3A_2817 = arith.xori %lt3A_2814, %lt3A_2816 : i1
      %and3A_2818 = arith.andi %ne3A_2817, %ne3A_2812 : i1
      %add3A_2819 = arith.addi %rem3A_2810, %select_n3A_2809 : i32
      %select_n3A_2820 = arith.select %and3A_2818, %add3A_2819, %rem3A_2810 : i32
      %mul3A_2821 = arith.constant 3 : i32
      %mul3A_2822 = arith.muli %select_n3A_2820, %mul3A_2821 : i32
      %add3A_2823 = arith.addi %mul3A_143, %mul3A_2822 : i32
      %dma_start3A_2824 = arith.constant 1 : i32
      %dma_start3A_2825 = arith.constant 1 : i32
      %dma_start3A_2826 = arith.constant 0 : i32
      %dma_start3A_2827 = arith.constant 0 : i32
      %dma_start3A_2828 = tpu.memref_slice %arg9[%dma_start3A_2824, %dma_start3A_2826, %dma_start3A_2827] : memref<4x3x128xi32, #tpu.memory_space<vmem>> -> memref<1x3x128xi32, #tpu.memory_space<vmem>>
      %dma_start3A_2829 = tpu.memref_squeeze %dma_start3A_2828 : memref<1x3x128xi32, #tpu.memory_space<vmem>> -> memref<3x128xi32, #tpu.memory_space<vmem>>
      %dma_start3A_2830 = arith.constant 0 : i32
      %dma_start3A_2831 = tpu.memref_slice %arg5[%add3A_2823, %dma_start3A_2830] : memref<2112x128xi32, #tpu.memory_space<hbm>> -> memref<3x128xi32, #tpu.memory_space<hbm>>
      %dma_start3A_2832 = tpu.memref_slice %arg14[%dma_start3A_2825] : memref<4x!tpu.dma_semaphore, #tpu.memory_space<semaphore_mem>> -> memref<1x!tpu.dma_semaphore, #tpu.memory_space<semaphore_mem>>
      %dma_start3A_2833 = tpu.memref_squeeze %dma_start3A_2832 : memref<1x!tpu.dma_semaphore, #tpu.memory_space<semaphore_mem>> -> memref<!tpu.dma_semaphore, #tpu.memory_space<semaphore_mem>>
      %dma_start3A_2834 = arith.constant 0 : i32
      %dma_start3A_2835 = arith.constant 0 : i32
      %dma_start3A_2836 = tpu.memref_slice %arg9[%dma_start3A_2824, %dma_start3A_2834, %dma_start3A_2835] : memref<4x3x128xi32, #tpu.memory_space<vmem>> -> memref<1x3x128xi32, #tpu.memory_space<vmem>>
      %dma_start3A_2837 = tpu.memref_squeeze %dma_start3A_2836 : memref<1x3x128xi32, #tpu.memory_space<vmem>> -> memref<3x128xi32, #tpu.memory_space<vmem>>
      %dma_start3A_2838 = arith.constant 0 : i32
      %dma_start3A_2839 = tpu.memref_slice %arg5[%add3A_2823, %dma_start3A_2838] : memref<2112x128xi32, #tpu.memory_space<hbm>> -> memref<3x128xi32, #tpu.memory_space<hbm>>
      tpu.enqueue_dma source(%dma_start3A_2839 : memref<3x128xi32, #tpu.memory_space<hbm>>) target(%dma_start3A_2837 : memref<3x128xi32, #tpu.memory_space<vmem>>) target_semaphore(%dma_start3A_2833 : memref<!tpu.dma_semaphore, #tpu.memory_space<semaphore_mem>>)
      %dma_start3A_2840 = arith.constant 1 : i32
      %dma_start3A_2841 = arith.constant 1 : i32
      %dma_start3A_2842 = arith.constant 0 : i32
      %dma_start3A_2843 = arith.constant 0 : i32
      %dma_start3A_2844 = tpu.memref_slice %arg10[%dma_start3A_2840, %dma_start3A_2842, %dma_start3A_2843] : memref<4x3x128xi32, #tpu.memory_space<vmem>> -> memref<1x3x128xi32, #tpu.memory_space<vmem>>
      %dma_start3A_2845 = tpu.memref_squeeze %dma_start3A_2844 : memref<1x3x128xi32, #tpu.memory_space<vmem>> -> memref<3x128xi32, #tpu.memory_space<vmem>>
      %dma_start3A_2846 = arith.constant 0 : i32
      %dma_start3A_2847 = tpu.memref_slice %arg4[%add3A_2823, %dma_start3A_2846] : memref<2112x128xi32, #tpu.memory_space<hbm>> -> memref<3x128xi32, #tpu.memory_space<hbm>>
      %dma_start3A_2848 = tpu.memref_slice %arg14[%dma_start3A_2841] : memref<4x!tpu.dma_semaphore, #tpu.memory_space<semaphore_mem>> -> memref<1x!tpu.dma_semaphore, #tpu.memory_space<semaphore_mem>>
      %dma_start3A_2849 = tpu.memref_squeeze %dma_start3A_2848 : memref<1x!tpu.dma_semaphore, #tpu.memory_space<semaphore_mem>> -> memref<!tpu.dma_semaphore, #tpu.memory_space<semaphore_mem>>
      %dma_start3A_2850 = arith.constant 0 : i32
      %dma_start3A_2851 = arith.constant 0 : i32
      %dma_start3A_2852 = tpu.memref_slice %arg10[%dma_start3A_2840, %dma_start3A_2850, %dma_start3A_2851] : memref<4x3x128xi32, #tpu.memory_space<vmem>> -> memref<1x3x128xi32, #tpu.memory_space<vmem>>
      %dma_start3A_2853 = tpu.memref_squeeze %dma_start3A_2852 : memref<1x3x128xi32, #tpu.memory_space<vmem>> -> memref<3x128xi32, #tpu.memory_space<vmem>>
      %dma_start3A_2854 = arith.constant 0 : i32
      %dma_start3A_2855 = tpu.memref_slice %arg4[%add3A_2823, %dma_start3A_2854] : memref<2112x128xi32, #tpu.memory_space<hbm>> -> memref<3x128xi32, #tpu.memory_space<hbm>>
      tpu.enqueue_dma source(%dma_start3A_2855 : memref<3x128xi32, #tpu.memory_space<hbm>>) target(%dma_start3A_2853 : memref<3x128xi32, #tpu.memory_space<vmem>>) target_semaphore(%dma_start3A_2849 : memref<!tpu.dma_semaphore, #tpu.memory_space<semaphore_mem>>)
      %mul3A_2856 = arith.constant 128 : i32
      %mul3A_2857 = arith.muli %add3A_2823, %mul3A_2856 : i32
      %dma_start3A_2858 = arith.constant 1 : i32
      %dma_start3A_2859 = arith.constant 1 : i32
      %dma_start3A_2860 = arith.constant 0 : i32
      %dma_start3A_2861 = tpu.memref_slice %arg11[%dma_start3A_2858, %dma_start3A_2860] : memref<4x384xf32, #tpu.memory_space<vmem>> -> memref<1x384xf32, #tpu.memory_space<vmem>>
      %dma_start3A_2862 = tpu.memref_squeeze %dma_start3A_2861 : memref<1x384xf32, #tpu.memory_space<vmem>> -> memref<384xf32, #tpu.memory_space<vmem>>
      %dma_start3A_2863 = tpu.memref_slice %arg3[%mul3A_2857] : memref<270336xf32, #tpu.memory_space<hbm>> -> memref<384xf32, #tpu.memory_space<hbm>>
      %dma_start3A_2864 = tpu.memref_slice %arg14[%dma_start3A_2859] : memref<4x!tpu.dma_semaphore, #tpu.memory_space<semaphore_mem>> -> memref<1x!tpu.dma_semaphore, #tpu.memory_space<semaphore_mem>>
      %dma_start3A_2865 = tpu.memref_squeeze %dma_start3A_2864 : memref<1x!tpu.dma_semaphore, #tpu.memory_space<semaphore_mem>> -> memref<!tpu.dma_semaphore, #tpu.memory_space<semaphore_mem>>
      %dma_start3A_2866 = arith.constant 0 : i32
      %dma_start3A_2867 = tpu.memref_slice %arg11[%dma_start3A_2858, %dma_start3A_2866] : memref<4x384xf32, #tpu.memory_space<vmem>> -> memref<1x384xf32, #tpu.memory_space<vmem>>
      %dma_start3A_2868 = tpu.memref_squeeze %dma_start3A_2867 : memref<1x384xf32, #tpu.memory_space<vmem>> -> memref<384xf32, #tpu.memory_space<vmem>>
      %dma_start3A_2869 = tpu.memref_slice %arg3[%mul3A_2857] : memref<270336xf32, #tpu.memory_space<hbm>> -> memref<384xf32, #tpu.memory_space<hbm>>
      tpu.enqueue_dma source(%dma_start3A_2869 : memref<384xf32, #tpu.memory_space<hbm>>) target(%dma_start3A_2868 : memref<384xf32, #tpu.memory_space<vmem>>) target_semaphore(%dma_start3A_2865 : memref<!tpu.dma_semaphore, #tpu.memory_space<semaphore_mem>>)
      %scan3A_2870 = arith.constant 0 : i32
      scf.yield %scan3A_2870 : i32
    }
    %scan3A_1419 = arith.constant 10 : i32
    %dma_wait3A_1420 = arith.constant 2 : i32
    %dma_wait3A_1421 = arith.constant 2 : i32
    %dma_wait3A_1422 = arith.constant 0 : i32
    %dma_wait3A_1423 = arith.constant 2 : i32
    %dma_wait3A_1424 = arith.constant 0 : i32
    %dma_wait3A_1425 = arith.constant 0 : i32
    %dma_wait3A_1426 = tpu.memref_slice %arg12[%dma_wait3A_1420, %dma_wait3A_1424, %dma_wait3A_1425] : memref<4x384x32xf32, #tpu.memory_space<vmem>> -> memref<1x128x32xf32, #tpu.memory_space<vmem>>
    %dma_wait3A_1427 = tpu.memref_squeeze %dma_wait3A_1426 : memref<1x128x32xf32, #tpu.memory_space<vmem>> -> memref<128x32xf32, #tpu.memory_space<vmem>>
    %dma_wait3A_1428 = arith.constant 0 : i32
    %dma_wait3A_1429 = tpu.memref_slice %arg10[%dma_wait3A_1421, %dma_wait3A_1422, %dma_wait3A_1428] : memref<4x3x128xi32, #tpu.memory_space<vmem>> -> memref<1x1x128xi32, #tpu.memory_space<vmem>>
    %dma_wait3A_1430 = tpu.memref_squeeze %dma_wait3A_1429 : memref<1x1x128xi32, #tpu.memory_space<vmem>> -> memref<128xi32, #tpu.memory_space<vmem>>
    %dma_wait3A_1431 = arith.constant 0 : i32
    %dma_wait3A_1432 = arith.constant 0 : i32
    %dma_wait3A_1433 = tpu.memref_slice %arg8[%dma_wait3A_1431, %dma_wait3A_1432] : memref<16384x32xf32, #tpu.memory_space<vmem_shared>> -> memref<16384x32xf32, #tpu.memory_space<vmem_shared>>
    %dma_wait3A_1434 = tpu.memref_slice %arg16[%dma_wait3A_1423] : memref<4x!tpu.dma_semaphore, #tpu.memory_space<semaphore_mem>> -> memref<1x!tpu.dma_semaphore, #tpu.memory_space<semaphore_mem>>
    %dma_wait3A_1435 = tpu.memref_squeeze %dma_wait3A_1434 : memref<1x!tpu.dma_semaphore, #tpu.memory_space<semaphore_mem>> -> memref<!tpu.dma_semaphore, #tpu.memory_space<semaphore_mem>>
    tpu.wait_indirect_dma semaphore(%dma_wait3A_1435 : memref<!tpu.dma_semaphore, #tpu.memory_space<semaphore_mem>>) src(%dma_wait3A_1427 : memref<128x32xf32, #tpu.memory_space<vmem>>) dst(%dma_wait3A_1433 : memref<16384x32xf32, #tpu.memory_space<vmem_shared>>)
    %dma_wait3A_1436 = arith.constant 2 : i32
    %dma_wait3A_1437 = arith.constant 2 : i32
    %dma_wait3A_1438 = arith.constant 1 : i32
    %dma_wait3A_1439 = arith.constant 2 : i32
    %dma_wait3A_1440 = arith.constant 128 : i32
    %dma_wait3A_1441 = arith.constant 0 : i32
    %dma_wait3A_1442 = tpu.memref_slice %arg12[%dma_wait3A_1436, %dma_wait3A_1440, %dma_wait3A_1441] : memref<4x384x32xf32, #tpu.memory_space<vmem>> -> memref<1x128x32xf32, #tpu.memory_space<vmem>>
    %dma_wait3A_1443 = tpu.memref_squeeze %dma_wait3A_1442 : memref<1x128x32xf32, #tpu.memory_space<vmem>> -> memref<128x32xf32, #tpu.memory_space<vmem>>
    %dma_wait3A_1444 = arith.constant 0 : i32
    %dma_wait3A_1445 = tpu.memref_slice %arg10[%dma_wait3A_1437, %dma_wait3A_1438, %dma_wait3A_1444] : memref<4x3x128xi32, #tpu.memory_space<vmem>> -> memref<1x1x128xi32, #tpu.memory_space<vmem>>
    %dma_wait3A_1446 = tpu.memref_squeeze %dma_wait3A_1445 : memref<1x1x128xi32, #tpu.memory_space<vmem>> -> memref<128xi32, #tpu.memory_space<vmem>>
    %dma_wait3A_1447 = arith.constant 0 : i32
    %dma_wait3A_1448 = arith.constant 0 : i32
    %dma_wait3A_1449 = tpu.memref_slice %arg8[%dma_wait3A_1447, %dma_wait3A_1448] : memref<16384x32xf32, #tpu.memory_space<vmem_shared>> -> memref<16384x32xf32, #tpu.memory_space<vmem_shared>>
    %dma_wait3A_1450 = tpu.memref_slice %arg16[%dma_wait3A_1439] : memref<4x!tpu.dma_semaphore, #tpu.memory_space<semaphore_mem>> -> memref<1x!tpu.dma_semaphore, #tpu.memory_space<semaphore_mem>>
    %dma_wait3A_1451 = tpu.memref_squeeze %dma_wait3A_1450 : memref<1x!tpu.dma_semaphore, #tpu.memory_space<semaphore_mem>> -> memref<!tpu.dma_semaphore, #tpu.memory_space<semaphore_mem>>
    tpu.wait_indirect_dma semaphore(%dma_wait3A_1451 : memref<!tpu.dma_semaphore, #tpu.memory_space<semaphore_mem>>) src(%dma_wait3A_1443 : memref<128x32xf32, #tpu.memory_space<vmem>>) dst(%dma_wait3A_1449 : memref<16384x32xf32, #tpu.memory_space<vmem_shared>>)
    %dma_wait3A_1452 = arith.constant 2 : i32
    %dma_wait3A_1453 = arith.constant 2 : i32
    %dma_wait3A_1454 = arith.constant 2 : i32
    %dma_wait3A_1455 = arith.constant 2 : i32
    %dma_wait3A_1456 = arith.constant 256 : i32
    %dma_wait3A_1457 = arith.constant 0 : i32
    %dma_wait3A_1458 = tpu.memref_slice %arg12[%dma_wait3A_1452, %dma_wait3A_1456, %dma_wait3A_1457] : memref<4x384x32xf32, #tpu.memory_space<vmem>> -> memref<1x128x32xf32, #tpu.memory_space<vmem>>
    %dma_wait3A_1459 = tpu.memref_squeeze %dma_wait3A_1458 : memref<1x128x32xf32, #tpu.memory_space<vmem>> -> memref<128x32xf32, #tpu.memory_space<vmem>>
    %dma_wait3A_1460 = arith.constant 0 : i32
    %dma_wait3A_1461 = tpu.memref_slice %arg10[%dma_wait3A_1453, %dma_wait3A_1454, %dma_wait3A_1460] : memref<4x3x128xi32, #tpu.memory_space<vmem>> -> memref<1x1x128xi32, #tpu.memory_space<vmem>>
    %dma_wait3A_1462 = tpu.memref_squeeze %dma_wait3A_1461 : memref<1x1x128xi32, #tpu.memory_space<vmem>> -> memref<128xi32, #tpu.memory_space<vmem>>
    %dma_wait3A_1463 = arith.constant 0 : i32
    %dma_wait3A_1464 = arith.constant 0 : i32
    %dma_wait3A_1465 = tpu.memref_slice %arg8[%dma_wait3A_1463, %dma_wait3A_1464] : memref<16384x32xf32, #tpu.memory_space<vmem_shared>> -> memref<16384x32xf32, #tpu.memory_space<vmem_shared>>
    %dma_wait3A_1466 = tpu.memref_slice %arg16[%dma_wait3A_1455] : memref<4x!tpu.dma_semaphore, #tpu.memory_space<semaphore_mem>> -> memref<1x!tpu.dma_semaphore, #tpu.memory_space<semaphore_mem>>
    %dma_wait3A_1467 = tpu.memref_squeeze %dma_wait3A_1466 : memref<1x!tpu.dma_semaphore, #tpu.memory_space<semaphore_mem>> -> memref<!tpu.dma_semaphore, #tpu.memory_space<semaphore_mem>>
    tpu.wait_indirect_dma semaphore(%dma_wait3A_1467 : memref<!tpu.dma_semaphore, #tpu.memory_space<semaphore_mem>>) src(%dma_wait3A_1459 : memref<128x32xf32, #tpu.memory_space<vmem>>) dst(%dma_wait3A_1465 : memref<16384x32xf32, #tpu.memory_space<vmem_shared>>)
    %dma_wait3A_1468 = arith.constant 3 : i32
    %dma_wait3A_1469 = arith.constant 3 : i32
    %dma_wait3A_1470 = arith.constant 0 : i32
    %dma_wait3A_1471 = arith.constant 3 : i32
    %dma_wait3A_1472 = arith.constant 0 : i32
    %dma_wait3A_1473 = arith.constant 0 : i32
    %dma_wait3A_1474 = tpu.memref_slice %arg12[%dma_wait3A_1468, %dma_wait3A_1472, %dma_wait3A_1473] : memref<4x384x32xf32, #tpu.memory_space<vmem>> -> memref<1x128x32xf32, #tpu.memory_space<vmem>>
    %dma_wait3A_1475 = tpu.memref_squeeze %dma_wait3A_1474 : memref<1x128x32xf32, #tpu.memory_space<vmem>> -> memref<128x32xf32, #tpu.memory_space<vmem>>
    %dma_wait3A_1476 = arith.constant 0 : i32
    %dma_wait3A_1477 = tpu.memref_slice %arg10[%dma_wait3A_1469, %dma_wait3A_1470, %dma_wait3A_1476] : memref<4x3x128xi32, #tpu.memory_space<vmem>> -> memref<1x1x128xi32, #tpu.memory_space<vmem>>
    %dma_wait3A_1478 = tpu.memref_squeeze %dma_wait3A_1477 : memref<1x1x128xi32, #tpu.memory_space<vmem>> -> memref<128xi32, #tpu.memory_space<vmem>>
    %dma_wait3A_1479 = arith.constant 0 : i32
    %dma_wait3A_1480 = arith.constant 0 : i32
    %dma_wait3A_1481 = tpu.memref_slice %arg8[%dma_wait3A_1479, %dma_wait3A_1480] : memref<16384x32xf32, #tpu.memory_space<vmem_shared>> -> memref<16384x32xf32, #tpu.memory_space<vmem_shared>>
    %dma_wait3A_1482 = tpu.memref_slice %arg16[%dma_wait3A_1471] : memref<4x!tpu.dma_semaphore, #tpu.memory_space<semaphore_mem>> -> memref<1x!tpu.dma_semaphore, #tpu.memory_space<semaphore_mem>>
    %dma_wait3A_1483 = tpu.memref_squeeze %dma_wait3A_1482 : memref<1x!tpu.dma_semaphore, #tpu.memory_space<semaphore_mem>> -> memref<!tpu.dma_semaphore, #tpu.memory_space<semaphore_mem>>
    tpu.wait_indirect_dma semaphore(%dma_wait3A_1483 : memref<!tpu.dma_semaphore, #tpu.memory_space<semaphore_mem>>) src(%dma_wait3A_1475 : memref<128x32xf32, #tpu.memory_space<vmem>>) dst(%dma_wait3A_1481 : memref<16384x32xf32, #tpu.memory_space<vmem_shared>>)
    %dma_wait3A_1484 = arith.constant 3 : i32
    %dma_wait3A_1485 = arith.constant 3 : i32
    %dma_wait3A_1486 = arith.constant 1 : i32
    %dma_wait3A_1487 = arith.constant 3 : i32
    %dma_wait3A_1488 = arith.constant 128 : i32
    %dma_wait3A_1489 = arith.constant 0 : i32
    %dma_wait3A_1490 = tpu.memref_slice %arg12[%dma_wait3A_1484, %dma_wait3A_1488, %dma_wait3A_1489] : memref<4x384x32xf32, #tpu.memory_space<vmem>> -> memref<1x128x32xf32, #tpu.memory_space<vmem>>
    %dma_wait3A_1491 = tpu.memref_squeeze %dma_wait3A_1490 : memref<1x128x32xf32, #tpu.memory_space<vmem>> -> memref<128x32xf32, #tpu.memory_space<vmem>>
    %dma_wait3A_1492 = arith.constant 0 : i32
    %dma_wait3A_1493 = tpu.memref_slice %arg10[%dma_wait3A_1485, %dma_wait3A_1486, %dma_wait3A_1492] : memref<4x3x128xi32, #tpu.memory_space<vmem>> -> memref<1x1x128xi32, #tpu.memory_space<vmem>>
    %dma_wait3A_1494 = tpu.memref_squeeze %dma_wait3A_1493 : memref<1x1x128xi32, #tpu.memory_space<vmem>> -> memref<128xi32, #tpu.memory_space<vmem>>
    %dma_wait3A_1495 = arith.constant 0 : i32
    %dma_wait3A_1496 = arith.constant 0 : i32
    %dma_wait3A_1497 = tpu.memref_slice %arg8[%dma_wait3A_1495, %dma_wait3A_1496] : memref<16384x32xf32, #tpu.memory_space<vmem_shared>> -> memref<16384x32xf32, #tpu.memory_space<vmem_shared>>
    %dma_wait3A_1498 = tpu.memref_slice %arg16[%dma_wait3A_1487] : memref<4x!tpu.dma_semaphore, #tpu.memory_space<semaphore_mem>> -> memref<1x!tpu.dma_semaphore, #tpu.memory_space<semaphore_mem>>
    %dma_wait3A_1499 = tpu.memref_squeeze %dma_wait3A_1498 : memref<1x!tpu.dma_semaphore, #tpu.memory_space<semaphore_mem>> -> memref<!tpu.dma_semaphore, #tpu.memory_space<semaphore_mem>>
    tpu.wait_indirect_dma semaphore(%dma_wait3A_1499 : memref<!tpu.dma_semaphore, #tpu.memory_space<semaphore_mem>>) src(%dma_wait3A_1491 : memref<128x32xf32, #tpu.memory_space<vmem>>) dst(%dma_wait3A_1497 : memref<16384x32xf32, #tpu.memory_space<vmem_shared>>)
    %dma_wait3A_1500 = arith.constant 3 : i32
    %dma_wait3A_1501 = arith.constant 3 : i32
    %dma_wait3A_1502 = arith.constant 2 : i32
    %dma_wait3A_1503 = arith.constant 3 : i32
    %dma_wait3A_1504 = arith.constant 256 : i32
    %dma_wait3A_1505 = arith.constant 0 : i32
    %dma_wait3A_1506 = tpu.memref_slice %arg12[%dma_wait3A_1500, %dma_wait3A_1504, %dma_wait3A_1505] : memref<4x384x32xf32, #tpu.memory_space<vmem>> -> memref<1x128x32xf32, #tpu.memory_space<vmem>>
    %dma_wait3A_1507 = tpu.memref_squeeze %dma_wait3A_1506 : memref<1x128x32xf32, #tpu.memory_space<vmem>> -> memref<128x32xf32, #tpu.memory_space<vmem>>
    %dma_wait3A_1508 = arith.constant 0 : i32
    %dma_wait3A_1509 = tpu.memref_slice %arg10[%dma_wait3A_1501, %dma_wait3A_1502, %dma_wait3A_1508] : memref<4x3x128xi32, #tpu.memory_space<vmem>> -> memref<1x1x128xi32, #tpu.memory_space<vmem>>
    %dma_wait3A_1510 = tpu.memref_squeeze %dma_wait3A_1509 : memref<1x1x128xi32, #tpu.memory_space<vmem>> -> memref<128xi32, #tpu.memory_space<vmem>>
    %dma_wait3A_1511 = arith.constant 0 : i32
    %dma_wait3A_1512 = arith.constant 0 : i32
    %dma_wait3A_1513 = tpu.memref_slice %arg8[%dma_wait3A_1511, %dma_wait3A_1512] : memref<16384x32xf32, #tpu.memory_space<vmem_shared>> -> memref<16384x32xf32, #tpu.memory_space<vmem_shared>>
    %dma_wait3A_1514 = tpu.memref_slice %arg16[%dma_wait3A_1503] : memref<4x!tpu.dma_semaphore, #tpu.memory_space<semaphore_mem>> -> memref<1x!tpu.dma_semaphore, #tpu.memory_space<semaphore_mem>>
    %dma_wait3A_1515 = tpu.memref_squeeze %dma_wait3A_1514 : memref<1x!tpu.dma_semaphore, #tpu.memory_space<semaphore_mem>> -> memref<!tpu.dma_semaphore, #tpu.memory_space<semaphore_mem>>
    tpu.wait_indirect_dma semaphore(%dma_wait3A_1515 : memref<!tpu.dma_semaphore, #tpu.memory_space<semaphore_mem>>) src(%dma_wait3A_1507 : memref<128x32xf32, #tpu.memory_space<vmem>>) dst(%dma_wait3A_1513 : memref<16384x32xf32, #tpu.memory_space<vmem_shared>>)
    %dma_wait3A_1516 = arith.constant 0 : i32
    %dma_wait3A_1517 = arith.constant 0 : i32
    %dma_wait3A_1518 = arith.constant 0 : i32
    %dma_wait3A_1519 = arith.constant 0 : i32
    %dma_wait3A_1520 = arith.constant 0 : i32
    %dma_wait3A_1521 = arith.constant 0 : i32
    %dma_wait3A_1522 = tpu.memref_slice %arg12[%dma_wait3A_1518, %dma_wait3A_1520, %dma_wait3A_1521] : memref<4x384x32xf32, #tpu.memory_space<vmem>> -> memref<1x128x32xf32, #tpu.memory_space<vmem>>
    %dma_wait3A_1523 = tpu.memref_squeeze %dma_wait3A_1522 : memref<1x128x32xf32, #tpu.memory_space<vmem>> -> memref<128x32xf32, #tpu.memory_space<vmem>>
    %dma_wait3A_1524 = arith.constant 0 : i32
    %dma_wait3A_1525 = tpu.memref_slice %arg9[%dma_wait3A_1516, %dma_wait3A_1517, %dma_wait3A_1524] : memref<4x3x128xi32, #tpu.memory_space<vmem>> -> memref<1x1x128xi32, #tpu.memory_space<vmem>>
    %dma_wait3A_1526 = tpu.memref_squeeze %dma_wait3A_1525 : memref<1x1x128xi32, #tpu.memory_space<vmem>> -> memref<128xi32, #tpu.memory_space<vmem>>
    %dma_wait3A_1527 = arith.constant 0 : i32
    %dma_wait3A_1528 = arith.constant 0 : i32
    %dma_wait3A_1529 = tpu.memref_slice %arg7[%dma_wait3A_1527, %dma_wait3A_1528] : memref<16384x32xf32, #tpu.memory_space<vmem_shared>> -> memref<16384x32xf32, #tpu.memory_space<vmem_shared>>
    %dma_wait3A_1530 = tpu.memref_slice %arg15[%dma_wait3A_1519] : memref<4x!tpu.dma_semaphore, #tpu.memory_space<semaphore_mem>> -> memref<1x!tpu.dma_semaphore, #tpu.memory_space<semaphore_mem>>
    %dma_wait3A_1531 = tpu.memref_squeeze %dma_wait3A_1530 : memref<1x!tpu.dma_semaphore, #tpu.memory_space<semaphore_mem>> -> memref<!tpu.dma_semaphore, #tpu.memory_space<semaphore_mem>>
    tpu.wait_indirect_dma semaphore(%dma_wait3A_1531 : memref<!tpu.dma_semaphore, #tpu.memory_space<semaphore_mem>>) src(%dma_wait3A_1529 : memref<16384x32xf32, #tpu.memory_space<vmem_shared>>) dst(%dma_wait3A_1523 : memref<128x32xf32, #tpu.memory_space<vmem>>)
    %dma_wait3A_1532 = arith.constant 0 : i32
    %dma_wait3A_1533 = arith.constant 1 : i32
    %dma_wait3A_1534 = arith.constant 0 : i32
    %dma_wait3A_1535 = arith.constant 0 : i32
    %dma_wait3A_1536 = arith.constant 128 : i32
    %dma_wait3A_1537 = arith.constant 0 : i32
    %dma_wait3A_1538 = tpu.memref_slice %arg12[%dma_wait3A_1534, %dma_wait3A_1536, %dma_wait3A_1537] : memref<4x384x32xf32, #tpu.memory_space<vmem>> -> memref<1x128x32xf32, #tpu.memory_space<vmem>>
    %dma_wait3A_1539 = tpu.memref_squeeze %dma_wait3A_1538 : memref<1x128x32xf32, #tpu.memory_space<vmem>> -> memref<128x32xf32, #tpu.memory_space<vmem>>
    %dma_wait3A_1540 = arith.constant 0 : i32
    %dma_wait3A_1541 = tpu.memref_slice %arg9[%dma_wait3A_1532, %dma_wait3A_1533, %dma_wait3A_1540] : memref<4x3x128xi32, #tpu.memory_space<vmem>> -> memref<1x1x128xi32, #tpu.memory_space<vmem>>
    %dma_wait3A_1542 = tpu.memref_squeeze %dma_wait3A_1541 : memref<1x1x128xi32, #tpu.memory_space<vmem>> -> memref<128xi32, #tpu.memory_space<vmem>>
    %dma_wait3A_1543 = arith.constant 0 : i32
    %dma_wait3A_1544 = arith.constant 0 : i32
    %dma_wait3A_1545 = tpu.memref_slice %arg7[%dma_wait3A_1543, %dma_wait3A_1544] : memref<16384x32xf32, #tpu.memory_space<vmem_shared>> -> memref<16384x32xf32, #tpu.memory_space<vmem_shared>>
    %dma_wait3A_1546 = tpu.memref_slice %arg15[%dma_wait3A_1535] : memref<4x!tpu.dma_semaphore, #tpu.memory_space<semaphore_mem>> -> memref<1x!tpu.dma_semaphore, #tpu.memory_space<semaphore_mem>>
    %dma_wait3A_1547 = tpu.memref_squeeze %dma_wait3A_1546 : memref<1x!tpu.dma_semaphore, #tpu.memory_space<semaphore_mem>> -> memref<!tpu.dma_semaphore, #tpu.memory_space<semaphore_mem>>
    tpu.wait_indirect_dma semaphore(%dma_wait3A_1547 : memref<!tpu.dma_semaphore, #tpu.memory_space<semaphore_mem>>) src(%dma_wait3A_1545 : memref<16384x32xf32, #tpu.memory_space<vmem_shared>>) dst(%dma_wait3A_1539 : memref<128x32xf32, #tpu.memory_space<vmem>>)
    %dma_wait3A_1548 = arith.constant 0 : i32
    %dma_wait3A_1549 = arith.constant 2 : i32
    %dma_wait3A_1550 = arith.constant 0 : i32
    %dma_wait3A_1551 = arith.constant 0 : i32
    %dma_wait3A_1552 = arith.constant 256 : i32
    %dma_wait3A_1553 = arith.constant 0 : i32
    %dma_wait3A_1554 = tpu.memref_slice %arg12[%dma_wait3A_1550, %dma_wait3A_1552, %dma_wait3A_1553] : memref<4x384x32xf32, #tpu.memory_space<vmem>> -> memref<1x128x32xf32, #tpu.memory_space<vmem>>
    %dma_wait3A_1555 = tpu.memref_squeeze %dma_wait3A_1554 : memref<1x128x32xf32, #tpu.memory_space<vmem>> -> memref<128x32xf32, #tpu.memory_space<vmem>>
    %dma_wait3A_1556 = arith.constant 0 : i32
    %dma_wait3A_1557 = tpu.memref_slice %arg9[%dma_wait3A_1548, %dma_wait3A_1549, %dma_wait3A_1556] : memref<4x3x128xi32, #tpu.memory_space<vmem>> -> memref<1x1x128xi32, #tpu.memory_space<vmem>>
    %dma_wait3A_1558 = tpu.memref_squeeze %dma_wait3A_1557 : memref<1x1x128xi32, #tpu.memory_space<vmem>> -> memref<128xi32, #tpu.memory_space<vmem>>
    %dma_wait3A_1559 = arith.constant 0 : i32
    %dma_wait3A_1560 = arith.constant 0 : i32
    %dma_wait3A_1561 = tpu.memref_slice %arg7[%dma_wait3A_1559, %dma_wait3A_1560] : memref<16384x32xf32, #tpu.memory_space<vmem_shared>> -> memref<16384x32xf32, #tpu.memory_space<vmem_shared>>
    %dma_wait3A_1562 = tpu.memref_slice %arg15[%dma_wait3A_1551] : memref<4x!tpu.dma_semaphore, #tpu.memory_space<semaphore_mem>> -> memref<1x!tpu.dma_semaphore, #tpu.memory_space<semaphore_mem>>
    %dma_wait3A_1563 = tpu.memref_squeeze %dma_wait3A_1562 : memref<1x!tpu.dma_semaphore, #tpu.memory_space<semaphore_mem>> -> memref<!tpu.dma_semaphore, #tpu.memory_space<semaphore_mem>>
    tpu.wait_indirect_dma semaphore(%dma_wait3A_1563 : memref<!tpu.dma_semaphore, #tpu.memory_space<semaphore_mem>>) src(%dma_wait3A_1561 : memref<16384x32xf32, #tpu.memory_space<vmem_shared>>) dst(%dma_wait3A_1555 : memref<128x32xf32, #tpu.memory_space<vmem>>)
    %dma_wait3A_1564 = arith.constant 1 : i32
    %dma_wait3A_1565 = arith.constant 1 : i32
    %dma_wait3A_1566 = arith.constant 0 : i32
    %dma_wait3A_1567 = arith.constant 0 : i32
    %dma_wait3A_1568 = tpu.memref_slice %arg9[%dma_wait3A_1564, %dma_wait3A_1566, %dma_wait3A_1567] : memref<4x3x128xi32, #tpu.memory_space<vmem>> -> memref<1x3x128xi32, #tpu.memory_space<vmem>>
    %dma_wait3A_1569 = tpu.memref_squeeze %dma_wait3A_1568 : memref<1x3x128xi32, #tpu.memory_space<vmem>> -> memref<3x128xi32, #tpu.memory_space<vmem>>
    %dma_wait3A_1570 = arith.constant 0 : i32
    %dma_wait3A_1571 = arith.constant 0 : i32
    %dma_wait3A_1572 = tpu.memref_slice %arg5[%dma_wait3A_1570, %dma_wait3A_1571] : memref<2112x128xi32, #tpu.memory_space<hbm>> -> memref<3x128xi32, #tpu.memory_space<hbm>>
    %dma_wait3A_1573 = tpu.memref_slice %arg14[%dma_wait3A_1565] : memref<4x!tpu.dma_semaphore, #tpu.memory_space<semaphore_mem>> -> memref<1x!tpu.dma_semaphore, #tpu.memory_space<semaphore_mem>>
    %dma_wait3A_1574 = tpu.memref_squeeze %dma_wait3A_1573 : memref<1x!tpu.dma_semaphore, #tpu.memory_space<semaphore_mem>> -> memref<!tpu.dma_semaphore, #tpu.memory_space<semaphore_mem>>
    %dma_wait3A_1575 = arith.constant 0 : i32
    %dma_wait3A_1576 = arith.constant 0 : i32
    %dma_wait3A_1577 = tpu.memref_slice %arg9[%dma_wait3A_1564, %dma_wait3A_1575, %dma_wait3A_1576] : memref<4x3x128xi32, #tpu.memory_space<vmem>> -> memref<1x3x128xi32, #tpu.memory_space<vmem>>
    %dma_wait3A_1578 = tpu.memref_squeeze %dma_wait3A_1577 : memref<1x3x128xi32, #tpu.memory_space<vmem>> -> memref<3x128xi32, #tpu.memory_space<vmem>>
    %dma_wait3A_1579 = arith.constant 0 : i32
    %dma_wait3A_1580 = arith.constant 0 : i32
    %dma_wait3A_1581 = tpu.memref_slice %arg5[%dma_wait3A_1579, %dma_wait3A_1580] : memref<2112x128xi32, #tpu.memory_space<hbm>> -> memref<3x128xi32, #tpu.memory_space<hbm>>
    tpu.wait_dma2 semaphore(%dma_wait3A_1574 : memref<!tpu.dma_semaphore, #tpu.memory_space<semaphore_mem>>) src(%dma_wait3A_1581 : memref<3x128xi32, #tpu.memory_space<hbm>>) dst(%dma_wait3A_1578 : memref<3x128xi32, #tpu.memory_space<vmem>>)
    %dma_wait3A_1582 = arith.constant 1 : i32
    %dma_wait3A_1583 = arith.constant 1 : i32
    %dma_wait3A_1584 = arith.constant 0 : i32
    %dma_wait3A_1585 = arith.constant 0 : i32
    %dma_wait3A_1586 = tpu.memref_slice %arg10[%dma_wait3A_1582, %dma_wait3A_1584, %dma_wait3A_1585] : memref<4x3x128xi32, #tpu.memory_space<vmem>> -> memref<1x3x128xi32, #tpu.memory_space<vmem>>
    %dma_wait3A_1587 = tpu.memref_squeeze %dma_wait3A_1586 : memref<1x3x128xi32, #tpu.memory_space<vmem>> -> memref<3x128xi32, #tpu.memory_space<vmem>>
    %dma_wait3A_1588 = arith.constant 0 : i32
    %dma_wait3A_1589 = arith.constant 0 : i32
    %dma_wait3A_1590 = tpu.memref_slice %arg4[%dma_wait3A_1588, %dma_wait3A_1589] : memref<2112x128xi32, #tpu.memory_space<hbm>> -> memref<3x128xi32, #tpu.memory_space<hbm>>
    %dma_wait3A_1591 = tpu.memref_slice %arg14[%dma_wait3A_1583] : memref<4x!tpu.dma_semaphore, #tpu.memory_space<semaphore_mem>> -> memref<1x!tpu.dma_semaphore, #tpu.memory_space<semaphore_mem>>
    %dma_wait3A_1592 = tpu.memref_squeeze %dma_wait3A_1591 : memref<1x!tpu.dma_semaphore, #tpu.memory_space<semaphore_mem>> -> memref<!tpu.dma_semaphore, #tpu.memory_space<semaphore_mem>>
    %dma_wait3A_1593 = arith.constant 0 : i32
    %dma_wait3A_1594 = arith.constant 0 : i32
    %dma_wait3A_1595 = tpu.memref_slice %arg10[%dma_wait3A_1582, %dma_wait3A_1593, %dma_wait3A_1594] : memref<4x3x128xi32, #tpu.memory_space<vmem>> -> memref<1x3x128xi32, #tpu.memory_space<vmem>>
    %dma_wait3A_1596 = tpu.memref_squeeze %dma_wait3A_1595 : memref<1x3x128xi32, #tpu.memory_space<vmem>> -> memref<3x128xi32, #tpu.memory_space<vmem>>
    %dma_wait3A_1597 = arith.constant 0 : i32
    %dma_wait3A_1598 = arith.constant 0 : i32
    %dma_wait3A_1599 = tpu.memref_slice %arg4[%dma_wait3A_1597, %dma_wait3A_1598] : memref<2112x128xi32, #tpu.memory_space<hbm>> -> memref<3x128xi32, #tpu.memory_space<hbm>>
    tpu.wait_dma2 semaphore(%dma_wait3A_1592 : memref<!tpu.dma_semaphore, #tpu.memory_space<semaphore_mem>>) src(%dma_wait3A_1599 : memref<3x128xi32, #tpu.memory_space<hbm>>) dst(%dma_wait3A_1596 : memref<3x128xi32, #tpu.memory_space<vmem>>)
    %dma_wait3A_1600 = arith.constant 1 : i32
    %dma_wait3A_1601 = arith.constant 1 : i32
    %dma_wait3A_1602 = arith.constant 0 : i32
    %dma_wait3A_1603 = tpu.memref_slice %arg11[%dma_wait3A_1600, %dma_wait3A_1602] : memref<4x384xf32, #tpu.memory_space<vmem>> -> memref<1x384xf32, #tpu.memory_space<vmem>>
    %dma_wait3A_1604 = tpu.memref_squeeze %dma_wait3A_1603 : memref<1x384xf32, #tpu.memory_space<vmem>> -> memref<384xf32, #tpu.memory_space<vmem>>
    %dma_wait3A_1605 = arith.constant 0 : i32
    %dma_wait3A_1606 = tpu.memref_slice %arg3[%dma_wait3A_1605] : memref<270336xf32, #tpu.memory_space<hbm>> -> memref<384xf32, #tpu.memory_space<hbm>>
    %dma_wait3A_1607 = tpu.memref_slice %arg14[%dma_wait3A_1601] : memref<4x!tpu.dma_semaphore, #tpu.memory_space<semaphore_mem>> -> memref<1x!tpu.dma_semaphore, #tpu.memory_space<semaphore_mem>>
    %dma_wait3A_1608 = tpu.memref_squeeze %dma_wait3A_1607 : memref<1x!tpu.dma_semaphore, #tpu.memory_space<semaphore_mem>> -> memref<!tpu.dma_semaphore, #tpu.memory_space<semaphore_mem>>
    %dma_wait3A_1609 = arith.constant 0 : i32
    %dma_wait3A_1610 = tpu.memref_slice %arg11[%dma_wait3A_1600, %dma_wait3A_1609] : memref<4x384xf32, #tpu.memory_space<vmem>> -> memref<1x384xf32, #tpu.memory_space<vmem>>
    %dma_wait3A_1611 = tpu.memref_squeeze %dma_wait3A_1610 : memref<1x384xf32, #tpu.memory_space<vmem>> -> memref<384xf32, #tpu.memory_space<vmem>>
    %dma_wait3A_1612 = arith.constant 0 : i32
    %dma_wait3A_1613 = tpu.memref_slice %arg3[%dma_wait3A_1612] : memref<270336xf32, #tpu.memory_space<hbm>> -> memref<384xf32, #tpu.memory_space<hbm>>
    tpu.wait_dma2 semaphore(%dma_wait3A_1608 : memref<!tpu.dma_semaphore, #tpu.memory_space<semaphore_mem>>) src(%dma_wait3A_1613 : memref<384xf32, #tpu.memory_space<hbm>>) dst(%dma_wait3A_1611 : memref<384xf32, #tpu.memory_space<vmem>>)
    %barrier3A_1614 = arith.constant 0 : index
    tpu.barrier barrier_id(%barrier3A_1614)
    %mul3A_1615 = arith.constant 1024 : i32
    %mul3A_1616 = arith.muli %arg1, %mul3A_1615 : i32
    "tpu.region"() ({
      %run_scoped3A = tpu.sem_alloc : memref<!tpu.dma_semaphore, #tpu.memory_space<semaphore_mem>>
      %dma_start3A_1617 = arith.constant 0 : i32
      %dma_start3A_1618 = tpu.memref_slice %arg6[%arg0, %mul3A_1616, %dma_start3A_1617] : memref<2x16384x32xf32, #tpu.memory_space<hbm>> -> memref<1x1024x32xf32, #tpu.memory_space<hbm>>
      %dma_start3A_1619 = tpu.memref_squeeze %dma_start3A_1618 : memref<1x1024x32xf32, #tpu.memory_space<hbm>> -> memref<1024x32xf32, #tpu.memory_space<hbm>>
      %dma_start3A_1620 = arith.constant 0 : i32
      %dma_start3A_1621 = tpu.memref_slice %arg8[%mul3A_1616, %dma_start3A_1620] : memref<16384x32xf32, #tpu.memory_space<vmem_shared>> -> memref<1024x32xf32, #tpu.memory_space<vmem_shared>>
      tpu.enqueue_dma source(%dma_start3A_1621 : memref<1024x32xf32, #tpu.memory_space<vmem_shared>>) target(%dma_start3A_1619 : memref<1024x32xf32, #tpu.memory_space<hbm>>) target_semaphore(%run_scoped3A : memref<!tpu.dma_semaphore, #tpu.memory_space<semaphore_mem>>)
      %dma_wait3A_1622 = arith.constant 0 : i32
      %dma_wait3A_1623 = tpu.memref_slice %arg6[%arg0, %mul3A_1616, %dma_wait3A_1622] : memref<2x16384x32xf32, #tpu.memory_space<hbm>> -> memref<1x1024x32xf32, #tpu.memory_space<hbm>>
      %dma_wait3A_1624 = tpu.memref_squeeze %dma_wait3A_1623 : memref<1x1024x32xf32, #tpu.memory_space<hbm>> -> memref<1024x32xf32, #tpu.memory_space<hbm>>
      %dma_wait3A_1625 = arith.constant 0 : i32
      %dma_wait3A_1626 = tpu.memref_slice %arg8[%mul3A_1616, %dma_wait3A_1625] : memref<16384x32xf32, #tpu.memory_space<vmem_shared>> -> memref<1024x32xf32, #tpu.memory_space<vmem_shared>>
      tpu.wait_dma2 semaphore(%run_scoped3A : memref<!tpu.dma_semaphore, #tpu.memory_space<semaphore_mem>>) src(%dma_wait3A_1626 : memref<1024x32xf32, #tpu.memory_space<vmem_shared>>) dst(%dma_wait3A_1624 : memref<1024x32xf32, #tpu.memory_space<hbm>>)
      tpu.yield
    }) : () -> ()
    return
  }
}

</mosaic_0001>

<sc_bundles>
// kernel: kernel.3.cloned.1.call-start
scs
__scs_entry_jumppad:
0x0: {  	(pc) =	sbr.rel $0x88, $3  }
0x1: {  	(tag) =	ssettag $0x0;
	lr =	simm.s32 $0x1  }
0x2: {  	[smem:$0x3F9C] =	sst lr;
	_ =	strace $0xD0000000  }
0x3: {  	_ = 	snop  }
0x4: {  	_ = 	snop  }
0x5: {  	_ = 	snop  }
0x6: {  	_ = 	snop  }
0x7: {  	_ = 	snop  }
__scs_overlays_trampoline_lowered:
0x8: {  	[smem:$0x3FAB] =	sst s0  }
0x9: {  	[smem:$0x3FAC] =	sst s1  }
0xa: {  	[smem:$0x3FAD] =	sst s2  }
0xb: {  	[smem:$0x3FAE] =	sst s3  }
0xc: {  	[smem:$0x3FAF] =	sst s4  }
0xd: {  	[smem:$0x3FB0] =	sst s5  }
0xe: {  	[smem:$0x3FB1] =	sst s6  }
0xf: {  	[smem:$0x3FB2] =	sst s7  }
0x10: {  	[smem:$0x3FB3] =	sst s8  }
0x11: {  	[smem:$0x3FB4] =	sst s9;
	s0 =	simm.s32 @!p0 $0x0  }
0x12: {  	s1 =	sld [smem:$0x3F9A];
	s0 =	simm.s32 @p0 $0x1  }
0x13: {  	[smem:$0x3FB5] =	sst s0;
	s0 =	simm.s32 @!p1 $0x0  }
0x14: {  	s2 =	sld [smem:$0x3F99];
	s0 =	simm.s32 @p1 $0x1  }
0x15: {  	[smem:$0x3FB6] =	sst s0;
	s0 =	simm.s32 @!p2 $0x0  }
0x16: {  	s3 =	sld [smem:$0x3FDB];
	s0 =	simm.s32 @p2 $0x1  }
0x17: {  	s4 =	simm.s32 $0x1BF5;
	[smem:$0x3FB8] =	sst s0  }
0x18: {  	s0 =	sld [smem:$0x3F9B];
	_ =	swait.ge [sflag:s4], $0x0  }
0x19: {  	s7 =	sld [smem:$0x3F9C]  }
0x1a: {  	s8 =	sadd.s32 $0xFFFFE003, lr  }
0x1b: {  	s9 =	sadd.s32 $0xFFFFFEF7, lr;
	s5 =	simm.s32 $0xFFFFFFFF;
	p2 =	slt.u32 s8, $0xFFFFF086  }
0x1c: {  	p1 =	slt.u32 s9, $0xF7A;
	s5 =	simm.s32 @!p2 $0x0  }
0x1d: {  	s5 =	simm.s32 @p1 $0x1;
	p0 =	seq.s32 s7, s2  }
0x1e: {  	s7 =	smul.u32 @!p0 $0xF7A, s2;
	p2 =	seq.s32 @!p0 s5, $0x0  }
0x1f: {  	s9 =	smul.u32 $0xF7A, s1;
	s8 =	simm.s32 @!p0 $0x1BF5;
	p2 =	por !p2, p0  }
0x20: {  	[sflag:s8] =	ssyncset.s32 @!p0 $0xFFFFF086;
	s6 =	sadd.s32 @!p0 s3, s7;
	s7 =	simm.s32 @!p0 $0x108  }
0x21: {  	s3 =	sadd.s32 s3, s9;
	s6 =	sadd.s32 @!p0 $0x88, s6;
	s7 =	simm.s32 @p2 $0x1082  }
0x22: {  	[simem:s7], [sflag:s8] =	dma.local @!p0 [hbm:s6], $0xF7A  }
0x23: {  	s9 =	sor.u32 $0xD0000000, s2;
	s6 =	simm.s32 $0x108;
	_ =	swait.ge @!p0 [sflag:s8], $0x0  }
0x24: {  	s3 =	sadd.s32 $0x88, s3;
	s6 =	simm.s32 @!p1 $0x1082;
	[sflag:s4] =	ssyncset.s32 $0xFFFFF086  }
0x25: {  	[simem:s6], [sflag:s4] =	dma.local [hbm:s3], $0xF7A  }
0x26: {  	[smem:$0x3F9C] =	sst s1;
	(tag) =	ssettag s2;
	_ =	strace s9  }
0x27: {  	s1 =	sld [smem:$0x3FAC]  }
0x28: {  	s2 =	sld [smem:$0x3FAD]  }
0x29: {  	s4 =	sld [smem:$0x3FAF]  }
0x2a: {  	p0 =	seq.s32 s5, $0x0;
	s5 =	sld [smem:$0x3FB0]  }
0x2b: {  	s6 =	sld [smem:$0x3FB1]  }
0x2c: {  	s7 =	sld [smem:$0x3FB2]  }
0x2d: {  	s3 =	simm.s32 $0x108;
	s8 =	sld [smem:$0x3FB3]  }
0x2e: {  	s3 =	simm.s32 @!p0 $0x1082;
	s9 =	sld [smem:$0x3FB4]  }
0x2f: {  	lr =	sadd.s32 s0, s3;
	s0 =	sld [smem:$0x3FAB]  }
0x30: {  	s3 =	sld [smem:$0x3FAE]  }
0x31: {  	[smem:$0x3FB7] =	sst s10  }
0x32: {  	s10 =	sld [smem:$0x3FB5];
	_ =	sdelay $0x3  }
0x33: {  	p0 =	seq.s32 s10, $0x1;
	s10 =	sld [smem:$0x3FB7];
	_ =	sdelay $0x3  }
0x34: {  	[smem:$0x3FB7] =	sst s10  }
0x35: {  	s10 =	sld [smem:$0x3FB6];
	_ =	sdelay $0x3  }
0x36: {  	p1 =	seq.s32 s10, $0x1;
	s10 =	sld [smem:$0x3FB7];
	_ =	sdelay $0x3  }
0x37: {  	[smem:$0x3FB7] =	sst s10  }
0x38: {  	s10 =	sld [smem:$0x3FB8]  }
0x39: {  	_ = 	snop;
	(pc) =	sbr.ind lr, $3  }
0x3a: {  	_ = 	snop  }
0x3b: {  	_ = 	snop  }
0x3c: {  	p2 =	seq.s32 s10, $0x1;
	s10 =	sld [smem:$0x3FB7]  }
0x3d: {  	_ =	shalt  }
0x3e: {  	_ =	shalt  }
0x3f: {  	_ =	shalt  }
0x40: {  	_ =	shalt  }
0x41: {  	_ =	shalt  }
0x42: {  	_ =	shalt  }
0x43: {  	_ =	shalt  }
0x44: {  	_ =	shalt  }
0x45: {  	_ =	shalt  }
0x46: {  	_ =	shalt  }
0x47: {  	_ =	shalt  }
0x48: {  	_ =	shalt  }
0x49: {  	_ =	shalt  }
0x4a: {  	_ =	shalt  }
0x4b: {  	_ =	shalt  }
0x4c: {  	_ =	shalt  }
0x4d: {  	_ =	shalt  }
0x4e: {  	_ =	shalt  }
0x4f: {  	_ =	shalt  }
0x50: {  	_ =	shalt  }
0x51: {  	_ =	shalt  }
0x52: {  	_ =	shalt  }
0x53: {  	_ =	shalt  }
0x54: {  	_ =	shalt  }
0x55: {  	_ =	shalt  }
0x56: {  	_ =	shalt  }
0x57: {  	_ =	shalt  }
0x58: {  	_ =	shalt  }
0x59: {  	_ =	shalt  }
0x5a: {  	_ =	shalt  }
0x5b: {  	_ =	shalt  }
0x5c: {  	_ =	shalt  }
0x5d: {  	_ =	shalt  }
0x5e: {  	_ =	shalt  }
0x5f: {  	_ =	shalt  }
0x60: {  	_ =	shalt  }
0x61: {  	_ =	shalt  }
0x62: {  	_ =	shalt  }
0x63: {  	_ =	shalt  }
0x64: {  	_ =	shalt  }
0x65: {  	_ =	shalt  }
0x66: {  	_ =	shalt  }
0x67: {  	_ =	shalt  }
0x68: {  	_ =	shalt  }
0x69: {  	_ =	shalt  }
0x6a: {  	_ =	shalt  }
0x6b: {  	_ =	shalt  }
0x6c: {  	_ =	shalt  }
0x6d: {  	_ =	shalt  }
0x6e: {  	_ =	shalt  }
0x6f: {  	_ =	shalt  }
0x70: {  	_ =	shalt  }
0x71: {  	_ =	shalt  }
0x72: {  	_ =	shalt  }
0x73: {  	_ =	shalt  }
0x74: {  	_ =	shalt  }
0x75: {  	_ =	shalt  }
0x76: {  	_ =	shalt  }
0x77: {  	_ =	shalt  }
0x78: {  	_ =	shalt  }
0x79: {  	_ =	shalt  }
0x7a: {  	_ =	shalt  }
0x7b: {  	_ =	shalt  }
0x7c: {  	_ =	shalt  }
0x7d: {  	_ =	shalt  }
0x7e: {  	_ =	shalt  }
0x7f: {  	_ =	shalt  }
0x80: {  	_ =	shalt  }
0x81: {  	_ =	shalt  }
0x82: {  	_ =	shalt  }
0x83: {  	_ =	shalt  }
0x84: {  	_ =	shalt  }
0x85: {  	_ =	shalt  }
0x86: {  	_ =	shalt  }
0x87: {  	_ =	shalt  }
.Lfunc_end0:
.L_simem_size_0:
called_computation_lowered:
.L_overlay_start_0:
0x88: {  	s2 =	sld [smem:$0x3FD9]  }
0x89: {  	s3 =	sld [smem:$0x3FFE];
	_ =	sdelay $0x1  }
0x8a: {  	s1 =	srdreg.scid  }
0x8b: {  	s0 =	sand.u32 $0x1, s1  }
0x8c: {  	s17 =	sshll.u32 s0, $0xA;
	s2 =	sadd.s32 s3, s2  }
0x8d: {  	s2 =	sadd.s32 s2, s17  }
0x8e: {  	[smem:$0x3FC3] =	sst s2  }
0x8f: {  	_ = 	snop  }
0x90: {  	s2 =	sld [smem:$0x3FD0];
	(tm) =	ssettm $0x1  }
0x91: {  	s18 =	sld [smem:$0x3FFB];
	_ =	sdelay $0x3  }
0x92: {  	_ =	strace s18  }
0x93: {  	s3 =	sld [smem:$0x3FFC];
	_ =	sdelay $0x3  }
0x94: {  	_ =	strace s3  }
0x95: {  	s3 =	sld [smem:$0x3FFD];
	_ =	sdelay $0x3  }
0x96: {  	_ =	strace s3  }
0x97: {  	_ =	strace $0x8FFFFFFF  }
0x98: {  	s19 =	sld [smem:$0x3FDB];
	_ =	sdelay $0x1  }
0x99: {  	s4 =	simm.s32 $_scs_section_size  }
0x9a: {  	s5 =	simm.s32 $_size__tile_overlayer_lowered;
	s6 =	simm.s32 $_tile_overlayer_lowered  }
0x9b: {  	s22 =	simm.s32 $0x1BFF;
	s21 =	sshll.u32 s6, $0x1;
	s3 =	sadd.s32 s4, s19  }
0x9c: {  	s7 =	simm.s32 $0x0;
	s20 =	sshll.u32 s5, $0x1;
	s5 =	sadd.s32 s21, s3  }
0x9d: {  	[timem:s7], [sflag:s22] =	dma.local [hbm:s5], s20  }
0x9e: {  	_ =	swait.ge [sflag:s22], s20  }
0x9f: {  	s4 =	ssub.s32 $0x0, s20;
	[sflag:s22] =	ssyncset.done $0x0  }
0xa0: {  	[sflag:s22] =	ssyncadd.s32 s4;
	_ =	sdelay $0x1  }
0xa1: {  	s23 =	simm.s32 $0x1B8B  }
0xa2: {  	_ =	swait.ge [sflag:s23], $0x1  }
0xa3: {  	[sflag:s23] =	ssyncset.done $0x0  }
0xa4: {  	s25 =	simm.s32 $0x1B8E;
	s24 =	sld [smem:$0x3FFE];
	[sflag:s23] =	ssyncadd.s32 $0xFFFFFFFF  }
0xa5: {  	s26 =	simm.s32 $execute0_lowered;
	[smem:$0x3FD2] =	sst s25  }
0xa6: {  	s5 =	sshll.u32 s26, $0x1;
	_ =	strace $0x80000046;
	[dreg:$0x1] =	wrdreg $0xFFFFFFFF  }
0xa7: {  	s28 =	simm.s32 $_size_execute0_lowered;
	s3 =	sadd.s32 s3, s5;
	[dreg:$0x0] =	wrdreg $0x0  }
0xa8: {  	s5 =	sshll.u32 s28, $0x1;
	[dreg:$0x2] =	wrdreg s3  }
0xa9: {  	[dreg:$0x3] =	wrdreg s5  }
0xaa: {  	[dreg:$0x4] =	wrdreg $0xC0  }
0xab: {  	_ =	task [dreg:s7], $0x5FFFF  }
0xac: {  	[dreg:$0x1] =	wrdreg $0xFFFFFFFF  }
0xad: {  	[dreg:$0x0] =	wrdreg $0x60  }
0xae: {  	[dreg:$0x2] =	wrdreg s2  }
0xaf: {  	[dreg:$0x3] =	wrdreg s24  }
0xb0: {  	[dreg:$0x4] =	wrdreg $0x0  }
0xb1: {  	[dreg:$0x5] =	wrdreg $0x80000  }
0xb2: {  	[dreg:$0x6] =	wrdreg $0x9  }
0xb3: {  	_ =	task.clear_ibuf [dreg:s7], $0x7FFFF;
	_ =	strace $0x90000046  }
0xb4: {  	s29 =	simm.s32 $0x9;
	_ =	strace $0x80000048  }
0xb5: {  	_ =	swait.ge [sflag:s29], $0x1  }
0xb6: {  	[sflag:s29] =	ssyncadd.s32 $0xFFFFFFFF  }
0xb7: {  	_ =	strace $0x90000048  }
0xb8: {  	_ =	sfence  }
0xb9: {  	s30 =	sld [smem:$0x0];
	_ =	sdelay $0x2  }
0xba: {  	s31 =	sshll.u32 s1, $0xD;
	s1 =	sshrl.u32 s1, $0x2  }
0xbb: {  	s3 =	sand.u32 $0x4000, s31;
	s1 =	sadd.s32 s1, s30  }
0xbc: {  	s0 =	sor.u32 s3, s0;
	s1 =	sshll.u32 s1, $0x11  }
0xbd: {  	s0 =	sor.u32 s1, s0  }
0xbe: {  	s0 =	sadd.s32 $0x8F2B, s0  }
0xbf: {  	[sflag:s0] =	ssyncadd.remote.s32 $0x1  }
0xc0: {  	_ =	sfence.sel $0xFFFF  }
0xc1: {  	[dreg:$0x0] =	wrdreg $0xFFFFFFFF;
	(pc) =	sbr.abs _section_cstart, $3  }
0xc2: {  	[dreg:$0x1] =	wrdreg $0xFFFFFFFF  }
0xc3: {  	_ =	task.clear_ibuf [dreg:s7], $0x2FFFF;
	_ =	strace $0x9FFFFFFF  }
0xc4: {  	(tm) =	ssettm $0x7FFFFFFF  }
0xc5: {  	_ =	shalt  }
tec
execute0_lowered:
.L_overlay_start_1:
0x0: {  	(tag) =	ssettag $0x1  }
0x1: {  	s0 =	rddreg [dreg:$0x0]  }
0x2: {  	s4 =	rddreg [dreg:$0x1]  }
0x3: {  	s1 =	rddreg [dreg:$0x2]  }
0x4: {  	s2 =	rddreg [dreg:$0x3];
	s3 =	simm.s32 $0x0  }
0x5: {  	s6 =	srdreg.scid;
	[smem:$0x7FF] =	sst s3;
	s5 =	sadd.s32 $0x11400, s4  }
0x6: {  	s3 =	stileid.u32;
	s8 =	sand.u32 $0x1, s6;
	s6 =	sadd.s32 $0x9000, s4  }
0x7: {  	s7 =	sadd.s32 $0xC00, s4;
	_ =	strace $0x80000047;
	s9 =	sshll.u32 s3, $0xF  }
0x8: {  	s10 =	sshll.u32 s8, $0x13;
	s8 =	ssub.s32 $0x2, s8;
	s24 =	smul.u32 $0x840, s3  }
0x9: {  	s12 =	smul.u32 $0x4200, s3;
	s10 =	sor.u32 s9, s10;
	s15 =	sadd.s32 s9, s2  }
0xa: {  	s11 =	sshrl.u32 s8, $0x1;
	s25 =	sadd.s32 s7, s24;
	[dreg:$0x6] =	wrdreg s15  }
0xb: {  	s10 =	sshrl.u32 s10, $0x3;
	s14 =	sadd.s32 s5, s24;
	[dreg:$0x7] =	wrdreg s25  }
0xc: {  	s8 =	ssub.s32 s8, s11;
	s0 =	sadd.s32 s0, s10;
	[dreg:$0x9] =	wrdreg s14  }
0xd: {  	s4 =	sadd.s32 s10, s4;
	s14 =	smax.u32 s8, $0x1;
	[dreg:$0x5] =	wrdreg s0  }
0xe: {  	s0 =	sshrl.u32 s12, $0x3;
	s12 =	sadd.s32 s6, s24;
	[dreg:$0x1a] =	wrdreg s14  }
0xf: {  	s26 =	sor.u32 $0x30, s0;
	[dreg:$0x8] =	wrdreg s12;
	s12 =	sadd.s32 $0x19800, s4  }
0x10: {  	s16 =	sadd.s32 s7, s26;
	[dreg:$0x19] =	wrdreg s12  }
0x11: {  	s13 =	sadd.s32 s9, s1;
	s17 =	sadd.s32 s6, s26;
	[dreg:$0xa] =	wrdreg s16  }
0x12: {  	s18 =	sadd.s32 $0x60, s0;
	s9 =	sadd.s32 s5, s26;
	[dreg:$0xb] =	wrdreg s17  }
0x13: {  	s19 =	sadd.s32 s7, s18;
	[dreg:$0xc] =	wrdreg s9  }
0x14: {  	s21 =	sadd.s32 $0x90, s0;
	s20 =	sadd.s32 s6, s18;
	[dreg:$0xd] =	wrdreg s19  }
0x15: {  	s22 =	sadd.s32 s7, s21;
	[dreg:$0xe] =	wrdreg s20  }
0x16: {  	s24 =	sadd.s32 s6, s21;
	[dreg:$0x10] =	wrdreg s22  }
0x17: {  	s23 =	sadd.s32 $0xC0, s0;
	s10 =	sadd.s32 s5, s21;
	[dreg:$0x11] =	wrdreg s24  }
0x18: {  	s25 =	sadd.s32 s7, s23;
	[dreg:$0x12] =	wrdreg s10  }
0x19: {  	s0 =	sadd.s32 $0xF0, s0;
	s26 =	sadd.s32 s6, s23;
	[dreg:$0x13] =	wrdreg s25  }
0x1a: {  	s11 =	sadd.s32 s6, s0;
	[dreg:$0x14] =	wrdreg s26  }
0x1b: {  	s21 =	sadd.s32 $0x4000, s15;
	[dreg:$0x17] =	wrdreg s11  }
0x1c: {  	s28 =	simm.s32 $0x1;
	s9 =	sadd.s32 s5, s18;
	[smem:$0x7F8] =	sst s21  }
0x1d: {  	s29 =	simm.s32 $0x80;
	s10 =	sadd.s32 s7, s0;
	[dreg:$0xf] =	wrdreg s9  }
0x1e: {  	s31 =	simm.s32 $0x11080;
	s0 =	sadd.s32 s5, s0;
	[dreg:$0x16] =	wrdreg s10  }
0x1f: {  	s30 =	simm.s32 $0xB;
	s17 =	sshrl.u32 s13, $0x3;
	[dreg:$0x18] =	wrdreg s0  }
0x20: {  	s8 =	simm.s32 $0x7;
	s16 =	sshll.u32 s3, $0x6;
	[dreg:$0x1c] =	wrdreg s17  }
0x21: {  	s14 =	simm.s32 $0x4;
	s18 =	sadd.s32 $0x1000, s15;
	[dreg:$0x1b] =	wrdreg s16  }
0x22: {  	s4 =	simm.s32 $0x0;
	s19 =	sadd.s32 $0x2000, s15;
	[dreg:$0x1e] =	wrdreg s18  }
0x23: {  	s12 =	smul.u32 $0x84, s3;
	s20 =	sadd.s32 $0x3000, s15;
	[dreg:$0x1f] =	wrdreg s19  }
0x24: {  	s22 =	sadd.s32 $0x5000, s15;
	s24 =	sadd.s32 $0x7000, s15;
	[smem:$0x7F7] =	sst s20  }
0x25: {  	s21 =	simm.s32 $0x10180;
	s11 =	simm.s32 $0x2;
	[smem:$0x7F9] =	sst s22  }
0x26: {  	s13 =	simm.s32 $0xC;
	s9 =	sadd.s32 s5, s23;
	[smem:$0x7FB] =	sst s24  }
0x27: {  	s0 =	sor.u32 $0x1C0D, s16;
	s23 =	sadd.s32 $0x6000, s15;
	[dreg:$0x15] =	wrdreg s9  }
0x28: {  	s25 =	sadd.s32 $0x6, s12;
	s26 =	sadd.s32 $0x9, s12;
	[dreg:$0x1d] =	wrdreg s0  }
0x29: {  	s19 =	simm.s32 $0x10F00;
	s20 =	simm.s32 $0x3;
	[smem:$0x7FA] =	sst s23  }
0x2a: {  	s18 =	simm.s32 $0x6;
	s24 =	simm.s32 $0x9;
	[smem:$0x7FC] =	sst s25  }
0x2b: {  	s17 =	simm.s32 $0xA;
	[smem:$0x7FD] =	sst s26;
	s23 =	simm.s32 $0x10C00  }
0x2c: {  	v0 =	vimm.f32 $0.0e+00;
	s26 =	simm.s32 $0x10D80;
	s9 =	simm.s32 $0x5;
	s25 =	simm.s32 $0x8  }
.LBB2_1:
0x2d: {  	[smem:$0x7F6] =	sst s4  }
0x2e: {  	s0 =	rddreg [dreg:$0x5]  }
0x2f: {  	s3 =	rddreg [dreg:$0x1c]  }
0x30: {  	s22 =	rddreg [dreg:$0x1d]  }
0x31: {  	[spmem:s3], [sflag:s22] =	dma.local [hbm:s0], $0x1000  }
0x32: {  	s4 =	simm.s32 $0x0;
	s0 =	simm.s32 $0x80  }
.LBB2_2:
0x33: {  	p0 =	sne.s32 s0, $0x3F80;
	[tilespmem:s4+$0x1D200] =	vst v0;
	s10 =	smov.u32 s0;
	s0 =	sadd.s32 $0x80, s0  }
.Ltmp0:
0x34: {  	[tilespmem:s4+$0x1D210] =	vst v0;
	(pc) =	sbr.rel @p0 .LBB2_2-.Ltmp0, $2  }
0x35: {  	_ =	sdelay $0x2  }
0x36: {  	s4 =	sshra.s32 s10, $0x2  }
0x37: {  	[tilespmem:s4+$0x1D200] =	vst v0  }
0x38: {  	[tilespmem:s4+$0x1D210] =	vst v0;
	s3 =	simm.s32 $0x1D200;
	s0 =	rddreg [dreg:$0x1e]  }
0x39: {  	[spmem:s15] =	stream.linear.scatter [tilespmem:s3], [sflag:$0xD], $0x1000, $0x38;
	[tilespmem:$0x1E200] =	vst v63  }
0x3a: {  	s22 =	rddreg [dreg:$0x1f]  }
0x3b: {  	[spmem:s0] =	stream.linear.scatter [tilespmem:s3], [sflag:$0xD], $0x1000, $0x38;
	[tilespmem:$0x1E200] =	vst v63  }
0x3c: {  	s4 =	sld [smem:$0x7F7]  }
0x3d: {  	[spmem:s22] =	stream.linear.scatter [tilespmem:s3], [sflag:$0xD], $0x1000, $0x38;
	[tilespmem:$0x1E200] =	vst v63  }
0x3e: {  	s10 =	sld [smem:$0x7F8]  }
0x3f: {  	[spmem:s4] =	stream.linear.scatter [tilespmem:s3], [sflag:$0xD], $0x1000, $0x38;
	[tilespmem:$0x1E200] =	vst v63  }
0x40: {  	s15 =	sld [smem:$0x7F9]  }
0x41: {  	[spmem:s10] =	stream.linear.scatter [tilespmem:s3], [sflag:$0xD], $0x1000, $0x38;
	[tilespmem:$0x1E200] =	vst v63  }
0x42: {  	s16 =	sld [smem:$0x7FA]  }
0x43: {  	[spmem:s15] =	stream.linear.scatter [tilespmem:s3], [sflag:$0xD], $0x1000, $0x38;
	[tilespmem:$0x1E200] =	vst v63  }
0x44: {  	s22 =	sld [smem:$0x7FB]  }
0x45: {  	[spmem:s16] =	stream.linear.scatter [tilespmem:s3], [sflag:$0xD], $0x1000, $0x38;
	[tilespmem:$0x1E200] =	vst v63  }
0x46: {  	s4 =	simm.s32 $0xD  }
0x47: {  	[spmem:s22] =	stream.linear.scatter [tilespmem:s3], [sflag:$0xD], $0x1000, $0x38;
	[tilespmem:$0x1E200] =	vst v63  }
0x48: {  	_ =	swait.ge [sflag:s4], $0x1000  }
0x49: {  	[sflag:s4] =	ssyncset.done $0x0  }
0x4a: {  	[sflag:s4] =	ssyncadd.s32 $0xFFFFF000  }
0x4b: {  	_ =	swait.ge [sflag:s4], $0x1000  }
0x4c: {  	[sflag:s4] =	ssyncset.done $0x0  }
0x4d: {  	[sflag:s4] =	ssyncadd.s32 $0xFFFFF000  }
0x4e: {  	_ =	swait.ge [sflag:s4], $0x1000  }
0x4f: {  	[sflag:s4] =	ssyncset.done $0x0  }
0x50: {  	[sflag:s4] =	ssyncadd.s32 $0xFFFFF000  }
0x51: {  	_ =	swait.ge [sflag:s4], $0x1000  }
0x52: {  	[sflag:s4] =	ssyncset.done $0x0  }
0x53: {  	[sflag:s4] =	ssyncadd.s32 $0xFFFFF000  }
0x54: {  	_ =	swait.ge [sflag:s4], $0x1000  }
0x55: {  	[sflag:s4] =	ssyncset.done $0x0  }
0x56: {  	[sflag:s4] =	ssyncadd.s32 $0xFFFFF000  }
0x57: {  	_ =	swait.ge [sflag:s4], $0x1000  }
0x58: {  	[sflag:s4] =	ssyncset.done $0x0  }
0x59: {  	[sflag:s4] =	ssyncadd.s32 $0xFFFFF000  }
0x5a: {  	_ =	swait.ge [sflag:s4], $0x1000  }
0x5b: {  	[sflag:s4] =	ssyncset.done $0x0  }
0x5c: {  	[sflag:s4] =	ssyncadd.s32 $0xFFFFF000  }
0x5d: {  	_ =	swait.ge [sflag:s4], $0x1000  }
0x5e: {  	[sflag:s4] =	ssyncset.done $0x0  }
0x5f: {  	[sflag:s4] =	ssyncadd.s32 $0xFFFFF000  }
0x60: {  	_ =	swait.ge [sflag:s4], $0x1000  }
0x61: {  	[sflag:s4] =	ssyncset.done $0x0  }
0x62: {  	[sflag:s4] =	ssyncadd.s32 $0xFFFFF000  }
0x63: {  	[bflag:$0x0] =	sbarrier.arrive $0xFFFF  }
0x64: {  	s0 =	simm.s32 $0x0;
	s4 =	simm.s32 $0x10000;
	s10 =	rddreg [dreg:$0x7]  }
0x65: {  	[tilespmem:s4], [sflag:$0x1] =	stream.linear.gather [hbm4b:s10+s0], $0x180, $0x38;
	[tilespmem:$0x1E200] =	vst v63  }
0x66: {  	s15 =	rddreg [dreg:$0x8];
	s10 =	simm.s32 $0x10600  }
0x67: {  	[tilespmem:s10], [sflag:$0x1] =	stream.linear.gather [hbm4b:s15+s0], $0x180, $0x38;
	[tilespmem:$0x1E200] =	vst v63  }
0x68: {  	s16 =	rddreg [dreg:$0x9]  }
0x69: {  	[tilespmem:s23], [sflag:$0x1] =	stream.linear.gather [hbm4b:s16+s0], $0x180, $0x38;
	[tilespmem:$0x1E200] =	vst v63  }
0x6a: {  	s22 =	rddreg [dreg:$0xa]  }
0x6b: {  	[tilespmem:s21], [sflag:$0x2] =	stream.linear.gather [hbm4b:s22+s0], $0x180, $0x38;
	[tilespmem:$0x1E200] =	vst v63  }
0x6c: {  	s10 =	rddreg [dreg:$0xb];
	s15 =	simm.s32 $0x10780  }
0x6d: {  	[tilespmem:s15], [sflag:$0x2] =	stream.linear.gather [hbm4b:s10+s0], $0x180, $0x38;
	[tilespmem:$0x1E200] =	vst v63  }
0x6e: {  	s16 =	rddreg [dreg:$0xc]  }
0x6f: {  	[tilespmem:s26], [sflag:$0x2] =	stream.linear.gather [hbm4b:s16+s0], $0x180, $0x38;
	[tilespmem:$0x1E200] =	vst v63  }
0x70: {  	_ =	swait.ge [sflag:s28], $0x180  }
0x71: {  	[sflag:s28] =	ssyncset.done $0x0  }
0x72: {  	[sflag:s28] =	ssyncadd.s32 $0xFFFFFE80  }
0x73: {  	_ =	swait.ge [sflag:s28], $0x180  }
0x74: {  	[sflag:s28] =	ssyncset.done $0x0  }
0x75: {  	[sflag:s28] =	ssyncadd.s32 $0xFFFFFE80  }
0x76: {  	_ =	swait.ge [sflag:s28], $0x180  }
0x77: {  	[sflag:s28] =	ssyncset.done $0x0  }
0x78: {  	s22 =	simm.s32 $0x11200;
	[sflag:s28] =	ssyncadd.s32 $0xFFFFFE80  }
0x79: {  	[tilespmem:s22], [sflag:$0x5] =	stream.indirect.gather [spmem:s1], $0x20, s4, s29, $0xb8;
	[tilespmem:$0x1E200] =	vst v63  }
0x7a: {  	s10 =	simm.s32 $0x12200;
	s4 =	simm.s32 $0x10080  }
0x7b: {  	[tilespmem:s10], [sflag:$0x5] =	stream.indirect.gather [spmem:s1], $0x20, s4, s29, $0xb8;
	[tilespmem:$0x1E200] =	vst v63  }
0x7c: {  	s15 =	simm.s32 $0x10100;
	s16 =	simm.s32 $0x13200  }
0x7d: {  	[tilespmem:s16], [sflag:$0x5] =	stream.indirect.gather [spmem:s1], $0x20, s15, s29, $0xb8;
	[tilespmem:$0x1E200] =	vst v63  }
0x7e: {  	_ =	swait.ge [sflag:s11], $0x180  }
0x7f: {  	[sflag:s11] =	ssyncset.done $0x0  }
0x80: {  	[sflag:s11] =	ssyncadd.s32 $0xFFFFFE80  }
0x81: {  	_ =	swait.ge [sflag:s11], $0x180  }
0x82: {  	[sflag:s11] =	ssyncset.done $0x0  }
0x83: {  	[sflag:s11] =	ssyncadd.s32 $0xFFFFFE80  }
0x84: {  	_ =	swait.ge [sflag:s11], $0x180  }
0x85: {  	[sflag:s11] =	ssyncset.done $0x0  }
0x86: {  	s22 =	simm.s32 $0x14200;
	[sflag:s11] =	ssyncadd.s32 $0xFFFFFE80  }
0x87: {  	[tilespmem:s22], [sflag:$0x6] =	stream.indirect.gather [spmem:s1], $0x20, s21, s29, $0xb8;
	[tilespmem:$0x1E200] =	vst v63  }
0x88: {  	s4 =	simm.s32 $0x10200;
	s10 =	simm.s32 $0x15200  }
0x89: {  	[tilespmem:s10], [sflag:$0x6] =	stream.indirect.gather [spmem:s1], $0x20, s4, s29, $0xb8;
	[tilespmem:$0x1E200] =	vst v63  }
0x8a: {  	s15 =	simm.s32 $0x10280;
	s16 =	simm.s32 $0x16200  }
0x8b: {  	[tilespmem:s16], [sflag:$0x6] =	stream.indirect.gather [spmem:s1], $0x20, s15, s29, $0xb8;
	[tilespmem:$0x1E200] =	vst v63  }
0x8c: {  	_ =	swait.ge [sflag:s9], $0x1000  }
0x8d: {  	v1 =	vmov s0;
	[sflag:s9] =	ssyncset.done $0x0  }
0x8e: {  	v1 =	vand.u32 $0xFFFFFFFC, v1;
	s22 =	simm.s32 $0x1;
	[sflag:s9] =	ssyncadd.s32 $0xFFFFF000  }
0x8f: {  	v1 =	vbroadcast v1, $0x0;
	s3 =	simm.s32 $0x3;
	v2 =	vmov s22;
	s10 =	simm.s32 $0x2;
	_ =	swait.ge [sflag:s9], $0x1000  }
0x90: {  	v3 =	vmov s3;
	v2 =	vand.u32 $0xFFFFFFFD, v2;
	v4 =	vmov s10;
	[sflag:s9] =	ssyncset.done $0x0  }
0x91: {  	v2 =	vbroadcast v2, $0x0;
	v4 =	vand.u32 $0xFFFFFFFE, v4;
	[sflag:s9] =	ssyncadd.s32 $0xFFFFF000  }
0x92: {  	v5 =	vbroadcast v4, $0x0;
	_ =	swait.ge [sflag:s9], $0x1000  }
0x93: {  	[sflag:s9] =	ssyncset.done $0x0  }
0x94: {  	[sflag:s9] =	ssyncadd.s32 $0xFFFFF000  }
0x95: {  	v3 =	vld.idx.msk [tilespmem:v3+s23+$0x0], $0xffff  }
0x96: {  	v4 =	vld.idx.msk [tilespmem:v1+s23+$0x0], $0xffff  }
0x97: {  	v2 =	vld.idx.msk [tilespmem:v2+s23+$0x0], $0xffff  }
0x98: {  	s4 =	simm.s32 $0x11240;
	v1 =	vld.idx.msk [tilespmem:v5+s23+$0x0], $0xffff  }
0x99: {  	s15 =	simm.s32 $0x4;
	v5 =	vld [tilespmem:s4+$0x10]  }
0x9a: {  	s22 =	simm.s32 $0x7;
	s16 =	simm.s32 $0x5;
	v7 =	vmov s15;
	v6 =	vld [tilespmem:s4+$0xFFFFFFC0]  }
0x9b: {  	s0 =	simm.s32 $0x8;
	s10 =	simm.s32 $0x11240;
	v10 =	vmov s16;
	s15 =	simm.s32 $0x6;
	v9 =	vand.u32 $0xFFFFFFFC, v7;
	v7 =	vmov s22;
	v8 =	vld [tilespmem:s4+$0xFFFFFFD0]  }
.LBB2_4:
0x9c: {  	p0 =	slt.u32 s0, $0x17C;
	v9 =	vbroadcast v9, $0x0;
	v10 =	vand.u32 $0xFFFFFFFD, v10;
	v11 =	vmov s15;
	v12 =	vld [tilespmem:s4+$0xFFFFFFE0]  }
0x9d: {  	v10 =	vbroadcast v10, $0x0;
	v11 =	vand.u32 $0xFFFFFFFE, v11;
	v13 =	vld [tilespmem:s4+$0xFFFFFFF0]  }
0x9e: {  	v11 =	vbroadcast v11, $0x0;
	v14 =	vld [tilespmem:s4+$0x0];
	v5 =	vmul.f32 v5, v1  }
0x9f: {  	v6 =	vmul.f32 v6, v4;
	v15 =	vld [tilespmem:s4+$0x20]  }
0xa0: {  	v8 =	vmul.f32 v8, v4;
	[tilespmem:s4+$0x10] =	vst v5;
	v16 =	vld [tilespmem:s4+$0x30]  }
0xa1: {  	v17 =	vld.idx.msk [tilespmem:v7+s23+$0x0], $0xffff;
	[tilespmem:s4+$0xFFFFFFC0] =	vst v6;
	v5 =	vmul.f32 v12, v2  }
0xa2: {  	v4 =	vld.idx.msk [tilespmem:v9+s23+$0x0], $0xffff;
	[tilespmem:s4+$0xFFFFFFD0] =	vst v8;
	v6 =	vmul.f32 v13, v2  }
.Ltmp1:
0xa3: {  	v2 =	vld.idx.msk [tilespmem:v10+s23+$0x0], $0xffff;
	[tilespmem:s4+$0xFFFFFFE0] =	vst v5;
	v7 =	vmul.f32 v14, v1;
	(pc) =	sbr.rel @p0 .LBB2_4-.Ltmp1, $4  }
0xa4: {  	s4 =	sadd.s32 $0x80, s4;
	v1 =	vld.idx.msk [tilespmem:v11+s23+$0x0], $0xffff;
	[tilespmem:s10+$0xFFFFFFF0] =	vst v6;
	v8 =	vmul.f32 v15, v3  }
0xa5: {  	v5 =	vld [tilespmem:s4+$0x10];
	[tilespmem:s10+$0x0] =	vst v7;
	v11 =	vmul.f32 v16, v3  }
0xa6: {  	s15 =	sadd.s32 $0x1, s0;
	s16 =	sadd.s32 $0x3, s0;
	v7 =	vmov s0;
	v6 =	vld [tilespmem:s4+$0xFFFFFFC0];
	[tilespmem:s10+$0x20] =	vst v8  }
0xa7: {  	v10 =	vmov s15;
	s15 =	sadd.s32 $0x2, s0;
	s0 =	sadd.s32 $0x4, s0;
	v9 =	vand.u32 $0xFFFFFFFC, v7;
	v7 =	vmov s16;
	v3 =	vmovc v17;
	v8 =	vld [tilespmem:s4+$0xFFFFFFD0];
	[tilespmem:s10+$0x30] =	vst v11;
	s10 =	smov.u32 s4  }
0xa8: {  	v12 =	vld [tilespmem:s4+$0xFFFFFFE0]  }
0xa9: {  	v9 =	vbroadcast v9, $0x0;
	v11 =	vmov s15;
	v13 =	vld [tilespmem:s4+$0xFFFFFFF0]  }
0xaa: {  	v14 =	vld [tilespmem:s4+$0x0];
	v11 =	vand.u32 $0xFFFFFFFE, v11  }
0xab: {  	v10 =	vand.u32 $0xFFFFFFFD, v10;
	v15 =	vld [tilespmem:s4+$0x20];
	v11 =	vbroadcast v11, $0x0  }
0xac: {  	v16 =	vld [tilespmem:s4+$0x30];
	v10 =	vbroadcast v10, $0x0  }
0xad: {  	v7 =	vld.idx.msk [tilespmem:v7+s23+$0x0], $0xffff;
	s0 =	sadd.s32 $0x80, s4;
	v5 =	vmul.f32 v5, v1  }
0xae: {  	v6 =	vmul.f32 v6, v4;
	v4 =	vmul.f32 v8, v4;
	v8 =	vld [tilespmem:s0+$0x10]  }
0xaf: {  	[tilespmem:s4+$0x10] =	vst v5;
	v9 =	vld.idx.msk [tilespmem:v9+s23+$0x0], $0xffff  }
0xb0: {  	[tilespmem:s4+$0xFFFFFFD0] =	vst v4;
	v4 =	vld [tilespmem:s0+$0xFFFFFFC0]  }
0xb1: {  	[tilespmem:s4+$0xFFFFFFC0] =	vst v6;
	v6 =	vmul.f32 v12, v2;
	v5 =	vld.idx.msk [tilespmem:v11+s23+$0x0], $0xffff  }
0xb2: {  	v2 =	vmul.f32 v13, v2;
	v10 =	vld.idx.msk [tilespmem:v10+s23+$0x0], $0xffff  }
0xb3: {  	v1 =	vmul.f32 v14, v1;
	[tilespmem:s4+$0xFFFFFFE0] =	vst v6;
	v6 =	vld [tilespmem:s0+$0xFFFFFFD0]  }
0xb4: {  	[tilespmem:s10+$0xFFFFFFF0] =	vst v2;
	v2 =	vmul.f32 v15, v3;
	v11 =	vld [tilespmem:s0+$0xFFFFFFE0]  }
0xb5: {  	[tilespmem:s10+$0x0] =	vst v1;
	v1 =	vmul.f32 v16, v3;
	v3 =	vld [tilespmem:s0+$0xFFFFFFF0]  }
0xb6: {  	[tilespmem:s10+$0x20] =	vst v2;
	v2 =	vld [tilespmem:s0+$0x0];
	v8 =	vmul.f32 v8, v5  }
0xb7: {  	[tilespmem:s10+$0x30] =	vst v1;
	v1 =	vmul.f32 v4, v9;
	v4 =	vld [tilespmem:s0+$0x20]  }
0xb8: {  	v6 =	vmul.f32 v6, v9;
	[tilespmem:s0+$0x10] =	vst v8;
	v8 =	vld [tilespmem:s0+$0x30]  }
0xb9: {  	[tilespmem:s0+$0xFFFFFFC0] =	vst v1;
	v1 =	vmul.f32 v11, v10  }
0xba: {  	v3 =	vmul.f32 v3, v10;
	[tilespmem:s0+$0xFFFFFFD0] =	vst v6  }
0xbb: {  	[tilespmem:s0+$0xFFFFFFE0] =	vst v1;
	v1 =	vmul.f32 v2, v5  }
0xbc: {  	[tilespmem:s0+$0xFFFFFFF0] =	vst v3;
	v2 =	vmul.f32 v4, v7  }
0xbd: {  	[tilespmem:s0+$0x0] =	vst v1;
	v1 =	vmul.f32 v8, v7  }
0xbe: {  	[tilespmem:s0+$0x20] =	vst v2  }
0xbf: {  	s22 =	simm.s32 $0x10600;
	s3 =	simm.s32 $0x11200;
	[tilespmem:s0+$0x30] =	vst v1  }
0xc0: {  	[spmem:s2] =	stream.indirect.scatter.add.f32 [tilespmem:s3], [sflag:$0x9], $0x20, s22, s29, $0xb8;
	[tilespmem:$0x1E200] =	vst v63  }
0xc1: {  	s4 =	simm.s32 $0x12200;
	s10 =	simm.s32 $0x10680  }
0xc2: {  	[spmem:s2] =	stream.indirect.scatter.add.f32 [tilespmem:s4], [sflag:$0x9], $0x20, s10, s29, $0xb8;
	[tilespmem:$0x1E200] =	vst v63  }
0xc3: {  	s15 =	simm.s32 $0x13200;
	s16 =	simm.s32 $0x10700  }
0xc4: {  	[spmem:s2] =	stream.indirect.scatter.add.f32 [tilespmem:s15], [sflag:$0x9], $0x20, s16, s29, $0xb8;
	[tilespmem:$0x1E200] =	vst v63  }
0xc5: {  	s0 =	simm.s32 $0x0;
	s22 =	rddreg [dreg:$0xd];
	s4 =	simm.s32 $0x10300  }
0xc6: {  	[tilespmem:s4], [sflag:$0x3] =	stream.linear.gather [hbm4b:s22+s0], $0x180, $0x38;
	[tilespmem:$0x1E200] =	vst v63  }
0xc7: {  	s10 =	rddreg [dreg:$0xe];
	s15 =	simm.s32 $0x10900  }
0xc8: {  	[tilespmem:s15], [sflag:$0x3] =	stream.linear.gather [hbm4b:s10+s0], $0x180, $0x38;
	[tilespmem:$0x1E200] =	vst v63  }
0xc9: {  	s16 =	rddreg [dreg:$0xf]  }
0xca: {  	[tilespmem:s19], [sflag:$0x3] =	stream.linear.gather [hbm4b:s16+s0], $0x180, $0x38;
	[tilespmem:$0x1E200] =	vst v63  }
0xcb: {  	_ =	swait.ge [sflag:s20], $0x180  }
0xcc: {  	[sflag:s20] =	ssyncset.done $0x0  }
0xcd: {  	[sflag:s20] =	ssyncadd.s32 $0xFFFFFE80  }
0xce: {  	_ =	swait.ge [sflag:s20], $0x180  }
0xcf: {  	[sflag:s20] =	ssyncset.done $0x0  }
0xd0: {  	[sflag:s20] =	ssyncadd.s32 $0xFFFFFE80  }
0xd1: {  	_ =	swait.ge [sflag:s20], $0x180  }
0xd2: {  	[sflag:s20] =	ssyncset.done $0x0  }
0xd3: {  	s22 =	simm.s32 $0x17200;
	[sflag:s20] =	ssyncadd.s32 $0xFFFFFE80  }
0xd4: {  	[tilespmem:s22], [sflag:$0x7] =	stream.indirect.gather [spmem:s1], $0x20, s4, s29, $0xb8;
	[tilespmem:$0x1E200] =	vst v63  }
0xd5: {  	s10 =	simm.s32 $0x18200;
	s4 =	simm.s32 $0x10380  }
0xd6: {  	[tilespmem:s10], [sflag:$0x7] =	stream.indirect.gather [spmem:s1], $0x20, s4, s29, $0xb8;
	[tilespmem:$0x1E200] =	vst v63  }
0xd7: {  	s15 =	simm.s32 $0x10400;
	s16 =	simm.s32 $0x19200  }
0xd8: {  	[tilespmem:s16], [sflag:$0x7] =	stream.indirect.gather [spmem:s1], $0x20, s15, s29, $0xb8;
	[tilespmem:$0x1E200] =	vst v63  }
0xd9: {  	_ =	swait.ge [sflag:s18], $0x1000  }
0xda: {  	[sflag:s18] =	ssyncset.done $0x0  }
0xdb: {  	v1 =	vmov s0;
	s3 =	simm.s32 $0x3;
	s22 =	simm.s32 $0x1;
	[sflag:s18] =	ssyncadd.s32 $0xFFFFF000  }
0xdc: {  	v1 =	vand.u32 $0xFFFFFFFC, v1;
	v3 =	vmov s3;
	v2 =	vmov s22;
	s10 =	simm.s32 $0x2;
	_ =	swait.ge [sflag:s18], $0x1000  }
0xdd: {  	v1 =	vbroadcast v1, $0x0;
	v2 =	vand.u32 $0xFFFFFFFD, v2;
	v4 =	vmov s10;
	[sflag:s18] =	ssyncset.done $0x0  }
0xde: {  	v2 =	vbroadcast v2, $0x0;
	v4 =	vand.u32 $0xFFFFFFFE, v4;
	[sflag:s18] =	ssyncadd.s32 $0xFFFFF000  }
0xdf: {  	v5 =	vbroadcast v4, $0x0;
	_ =	swait.ge [sflag:s18], $0x1000  }
0xe0: {  	[sflag:s18] =	ssyncset.done $0x0  }
0xe1: {  	[sflag:s18] =	ssyncadd.s32 $0xFFFFF000  }
0xe2: {  	v3 =	vld.idx.msk [tilespmem:v3+s26+$0x0], $0xffff  }
0xe3: {  	v4 =	vld.idx.msk [tilespmem:v1+s26+$0x0], $0xffff  }
0xe4: {  	v2 =	vld.idx.msk [tilespmem:v2+s26+$0x0], $0xffff  }
0xe5: {  	s4 =	simm.s32 $0x14270;
	v1 =	vld.idx.msk [tilespmem:v5+s26+$0x0], $0xffff  }
0xe6: {  	s15 =	simm.s32 $0x4;
	v5 =	vld [tilespmem:s4+$0xFFFFFFE0]  }
0xe7: {  	s22 =	simm.s32 $0x7;
	s16 =	simm.s32 $0x5;
	v7 =	vmov s15;
	v6 =	vld [tilespmem:s4+$0xFFFFFF90]  }
0xe8: {  	s0 =	simm.s32 $0x8;
	s10 =	simm.s32 $0x14270;
	v10 =	vmov s16;
	s15 =	simm.s32 $0x6;
	v9 =	vand.u32 $0xFFFFFFFC, v7;
	v7 =	vmov s22;
	v8 =	vld [tilespmem:s4+$0xFFFFFFA0]  }
.LBB2_6:
0xe9: {  	p0 =	slt.u32 s0, $0x17C;
	v9 =	vbroadcast v9, $0x0;
	v10 =	vand.u32 $0xFFFFFFFD, v10;
	v11 =	vmov s15;
	v12 =	vld [tilespmem:s4+$0xFFFFFFB0]  }
0xea: {  	v10 =	vbroadcast v10, $0x0;
	v11 =	vand.u32 $0xFFFFFFFE, v11;
	v13 =	vld [tilespmem:s4+$0xFFFFFFC0]  }
0xeb: {  	v11 =	vbroadcast v11, $0x0;
	v14 =	vld [tilespmem:s4+$0xFFFFFFD0];
	v5 =	vmul.f32 v5, v1  }
0xec: {  	v6 =	vmul.f32 v6, v4;
	v15 =	vld [tilespmem:s4+$0xFFFFFFF0]  }
0xed: {  	v8 =	vmul.f32 v8, v4;
	[tilespmem:s4+$0xFFFFFFE0] =	vst v5;
	v16 =	vld [tilespmem:s4+$0x0]  }
0xee: {  	v17 =	vld.idx.msk [tilespmem:v7+s26+$0x0], $0xffff;
	[tilespmem:s4+$0xFFFFFF90] =	vst v6;
	v5 =	vmul.f32 v12, v2  }
0xef: {  	v4 =	vld.idx.msk [tilespmem:v9+s26+$0x0], $0xffff;
	[tilespmem:s4+$0xFFFFFFA0] =	vst v8;
	v6 =	vmul.f32 v13, v2  }
.Ltmp2:
0xf0: {  	v2 =	vld.idx.msk [tilespmem:v10+s26+$0x0], $0xffff;
	[tilespmem:s4+$0xFFFFFFB0] =	vst v5;
	v7 =	vmul.f32 v14, v1;
	(pc) =	sbr.rel @p0 .LBB2_6-.Ltmp2, $4  }
0xf1: {  	s4 =	sadd.s32 $0x80, s4;
	v1 =	vld.idx.msk [tilespmem:v11+s26+$0x0], $0xffff;
	[tilespmem:s10+$0xFFFFFFC0] =	vst v6;
	v8 =	vmul.f32 v15, v3  }
0xf2: {  	v5 =	vld [tilespmem:s4+$0xFFFFFFE0];
	[tilespmem:s10+$0xFFFFFFD0] =	vst v7;
	v11 =	vmul.f32 v16, v3  }
0xf3: {  	s15 =	sadd.s32 $0x1, s0;
	s16 =	sadd.s32 $0x3, s0;
	v7 =	vmov s0;
	v6 =	vld [tilespmem:s4+$0xFFFFFF90];
	[tilespmem:s10+$0xFFFFFFF0] =	vst v8  }
0xf4: {  	v10 =	vmov s15;
	s15 =	sadd.s32 $0x2, s0;
	s0 =	sadd.s32 $0x4, s0;
	v9 =	vand.u32 $0xFFFFFFFC, v7;
	v7 =	vmov s16;
	v3 =	vmovc v17;
	v8 =	vld [tilespmem:s4+$0xFFFFFFA0];
	[tilespmem:s10+$0x0] =	vst v11;
	s10 =	smov.u32 s4  }
0xf5: {  	v12 =	vld [tilespmem:s4+$0xFFFFFFB0]  }
0xf6: {  	v9 =	vbroadcast v9, $0x0;
	v11 =	vmov s15;
	v13 =	vld [tilespmem:s4+$0xFFFFFFC0]  }
0xf7: {  	v14 =	vld [tilespmem:s4+$0xFFFFFFD0];
	v11 =	vand.u32 $0xFFFFFFFE, v11  }
0xf8: {  	v10 =	vand.u32 $0xFFFFFFFD, v10;
	v15 =	vld [tilespmem:s4+$0xFFFFFFF0];
	v11 =	vbroadcast v11, $0x0  }
0xf9: {  	v16 =	vld [tilespmem:s4+$0x0];
	v10 =	vbroadcast v10, $0x0  }
0xfa: {  	v7 =	vld.idx.msk [tilespmem:v7+s26+$0x0], $0xffff;
	s0 =	sadd.s32 $0x80, s4;
	v5 =	vmul.f32 v5, v1  }
0xfb: {  	v6 =	vmul.f32 v6, v4;
	v4 =	vmul.f32 v8, v4;
	v8 =	vld [tilespmem:s0+$0xFFFFFFE0]  }
0xfc: {  	[tilespmem:s4+$0xFFFFFFE0] =	vst v5;
	v9 =	vld.idx.msk [tilespmem:v9+s26+$0x0], $0xffff  }
0xfd: {  	[tilespmem:s4+$0xFFFFFFA0] =	vst v4;
	v4 =	vld [tilespmem:s0+$0xFFFFFF90]  }
0xfe: {  	[tilespmem:s4+$0xFFFFFF90] =	vst v6;
	v6 =	vmul.f32 v12, v2;
	v5 =	vld.idx.msk [tilespmem:v11+s26+$0x0], $0xffff  }
0xff: {  	v2 =	vmul.f32 v13, v2;
	v10 =	vld.idx.msk [tilespmem:v10+s26+$0x0], $0xffff  }
0x100: {  	v1 =	vmul.f32 v14, v1;
	[tilespmem:s4+$0xFFFFFFB0] =	vst v6;
	v6 =	vld [tilespmem:s0+$0xFFFFFFA0]  }
0x101: {  	[tilespmem:s10+$0xFFFFFFC0] =	vst v2;
	v2 =	vmul.f32 v15, v3;
	v11 =	vld [tilespmem:s0+$0xFFFFFFB0]  }
0x102: {  	[tilespmem:s10+$0xFFFFFFD0] =	vst v1;
	v1 =	vmul.f32 v16, v3;
	v3 =	vld [tilespmem:s0+$0xFFFFFFC0]  }
0x103: {  	[tilespmem:s10+$0xFFFFFFF0] =	vst v2;
	v2 =	vld [tilespmem:s0+$0xFFFFFFD0];
	v8 =	vmul.f32 v8, v5  }
0x104: {  	[tilespmem:s10+$0x0] =	vst v1;
	v1 =	vmul.f32 v4, v9;
	v4 =	vld [tilespmem:s0+$0xFFFFFFF0]  }
0x105: {  	v6 =	vmul.f32 v6, v9;
	[tilespmem:s0+$0xFFFFFFE0] =	vst v8;
	v8 =	vld [tilespmem:s0+$0x0]  }
0x106: {  	[tilespmem:s0+$0xFFFFFF90] =	vst v1;
	v1 =	vmul.f32 v11, v10  }
0x107: {  	v3 =	vmul.f32 v3, v10;
	[tilespmem:s0+$0xFFFFFFA0] =	vst v6  }
0x108: {  	[tilespmem:s0+$0xFFFFFFB0] =	vst v1;
	v1 =	vmul.f32 v2, v5  }
0x109: {  	[tilespmem:s0+$0xFFFFFFC0] =	vst v3;
	v2 =	vmul.f32 v4, v7  }
0x10a: {  	[tilespmem:s0+$0xFFFFFFD0] =	vst v1;
	v1 =	vmul.f32 v8, v7  }
0x10b: {  	[tilespmem:s0+$0xFFFFFFF0] =	vst v2  }
0x10c: {  	s22 =	simm.s32 $0x10780;
	s3 =	simm.s32 $0x14200;
	[tilespmem:s0+$0x0] =	vst v1  }
0x10d: {  	[spmem:s2] =	stream.indirect.scatter.add.f32 [tilespmem:s3], [sflag:$0xA], $0x20, s22, s29, $0xb8;
	[tilespmem:$0x1E200] =	vst v63  }
0x10e: {  	s4 =	simm.s32 $0x15200;
	s10 =	simm.s32 $0x10800  }
0x10f: {  	[spmem:s2] =	stream.indirect.scatter.add.f32 [tilespmem:s4], [sflag:$0xA], $0x20, s10, s29, $0xb8;
	[tilespmem:$0x1E200] =	vst v63  }
0x110: {  	s15 =	simm.s32 $0x16200;
	s16 =	simm.s32 $0x10880  }
0x111: {  	[spmem:s2] =	stream.indirect.scatter.add.f32 [tilespmem:s15], [sflag:$0xA], $0x20, s16, s29, $0xb8;
	[tilespmem:$0x1E200] =	vst v63  }
0x112: {  	s0 =	simm.s32 $0x0;
	s22 =	rddreg [dreg:$0x10];
	s4 =	simm.s32 $0x10480  }
0x113: {  	[tilespmem:s4], [sflag:$0x4] =	stream.linear.gather [hbm4b:s22+s0], $0x180, $0x38;
	[tilespmem:$0x1E200] =	vst v63  }
0x114: {  	s10 =	rddreg [dreg:$0x11];
	s15 =	simm.s32 $0x10A80  }
0x115: {  	[tilespmem:s15], [sflag:$0x4] =	stream.linear.gather [hbm4b:s10+s0], $0x180, $0x38;
	[tilespmem:$0x1E200] =	vst v63  }
0x116: {  	s16 =	rddreg [dreg:$0x12]  }
0x117: {  	[tilespmem:s31], [sflag:$0x4] =	stream.linear.gather [hbm4b:s16+s0], $0x180, $0x38;
	[tilespmem:$0x1E200] =	vst v63  }
0x118: {  	_ =	swait.ge [sflag:s14], $0x180  }
0x119: {  	[sflag:s14] =	ssyncset.done $0x0  }
0x11a: {  	[sflag:s14] =	ssyncadd.s32 $0xFFFFFE80  }
0x11b: {  	_ =	swait.ge [sflag:s14], $0x180  }
0x11c: {  	[sflag:s14] =	ssyncset.done $0x0  }
0x11d: {  	[sflag:s14] =	ssyncadd.s32 $0xFFFFFE80  }
0x11e: {  	_ =	swait.ge [sflag:s14], $0x180  }
0x11f: {  	[sflag:s14] =	ssyncset.done $0x0  }
0x120: {  	s22 =	simm.s32 $0x1A200;
	[sflag:s14] =	ssyncadd.s32 $0xFFFFFE80  }
0x121: {  	[tilespmem:s22], [sflag:$0x8] =	stream.indirect.gather [spmem:s1], $0x20, s4, s29, $0xb8;
	[tilespmem:$0x1E200] =	vst v63  }
0x122: {  	s10 =	simm.s32 $0x1B200;
	s4 =	simm.s32 $0x10500  }
0x123: {  	[tilespmem:s10], [sflag:$0x8] =	stream.indirect.gather [spmem:s1], $0x20, s4, s29, $0xb8;
	[tilespmem:$0x1E200] =	vst v63  }
0x124: {  	s15 =	simm.s32 $0x10580;
	s16 =	simm.s32 $0x1C200  }
0x125: {  	[tilespmem:s16], [sflag:$0x8] =	stream.indirect.gather [spmem:s1], $0x20, s15, s29, $0xb8;
	[tilespmem:$0x1E200] =	vst v63  }
0x126: {  	_ =	swait.ge [sflag:s8], $0x1000  }
0x127: {  	[sflag:s8] =	ssyncset.done $0x0  }
0x128: {  	v1 =	vmov s0;
	s3 =	simm.s32 $0x3;
	s22 =	simm.s32 $0x1;
	[sflag:s8] =	ssyncadd.s32 $0xFFFFF000  }
0x129: {  	v1 =	vand.u32 $0xFFFFFFFC, v1;
	v3 =	vmov s3;
	v2 =	vmov s22;
	s10 =	simm.s32 $0x2;
	_ =	swait.ge [sflag:s8], $0x1000  }
0x12a: {  	v1 =	vbroadcast v1, $0x0;
	v2 =	vand.u32 $0xFFFFFFFD, v2;
	v4 =	vmov s10;
	[sflag:s8] =	ssyncset.done $0x0  }
0x12b: {  	v2 =	vbroadcast v2, $0x0;
	v4 =	vand.u32 $0xFFFFFFFE, v4;
	[sflag:s8] =	ssyncadd.s32 $0xFFFFF000  }
0x12c: {  	v5 =	vbroadcast v4, $0x0;
	_ =	swait.ge [sflag:s8], $0x1000  }
0x12d: {  	[sflag:s8] =	ssyncset.done $0x0  }
0x12e: {  	[sflag:s8] =	ssyncadd.s32 $0xFFFFF000  }
0x12f: {  	v3 =	vld.idx.msk [tilespmem:v3+s19+$0x0], $0xffff  }
0x130: {  	v4 =	vld.idx.msk [tilespmem:v1+s19+$0x0], $0xffff  }
0x131: {  	v2 =	vld.idx.msk [tilespmem:v2+s19+$0x0], $0xffff  }
0x132: {  	s4 =	simm.s32 $0x17270;
	v1 =	vld.idx.msk [tilespmem:v5+s19+$0x0], $0xffff  }
0x133: {  	s15 =	simm.s32 $0x4;
	v5 =	vld [tilespmem:s4+$0xFFFFFFE0]  }
0x134: {  	s22 =	simm.s32 $0x7;
	s16 =	simm.s32 $0x5;
	v7 =	vmov s15;
	v6 =	vld [tilespmem:s4+$0xFFFFFF90]  }
0x135: {  	s0 =	simm.s32 $0x8;
	s10 =	simm.s32 $0x17270;
	v10 =	vmov s16;
	s15 =	simm.s32 $0x6;
	v9 =	vand.u32 $0xFFFFFFFC, v7;
	v7 =	vmov s22;
	v8 =	vld [tilespmem:s4+$0xFFFFFFA0]  }
.LBB2_8:
0x136: {  	p0 =	slt.u32 s0, $0x17C;
	v9 =	vbroadcast v9, $0x0;
	v10 =	vand.u32 $0xFFFFFFFD, v10;
	v11 =	vmov s15;
	v12 =	vld [tilespmem:s4+$0xFFFFFFB0]  }
0x137: {  	v10 =	vbroadcast v10, $0x0;
	v11 =	vand.u32 $0xFFFFFFFE, v11;
	v13 =	vld [tilespmem:s4+$0xFFFFFFC0]  }
0x138: {  	v11 =	vbroadcast v11, $0x0;
	v14 =	vld [tilespmem:s4+$0xFFFFFFD0];
	v5 =	vmul.f32 v5, v1  }
0x139: {  	v6 =	vmul.f32 v6, v4;
	v15 =	vld [tilespmem:s4+$0xFFFFFFF0]  }
0x13a: {  	v8 =	vmul.f32 v8, v4;
	[tilespmem:s4+$0xFFFFFFE0] =	vst v5;
	v16 =	vld [tilespmem:s4+$0x0]  }
0x13b: {  	v17 =	vld.idx.msk [tilespmem:v7+s19+$0x0], $0xffff;
	[tilespmem:s4+$0xFFFFFF90] =	vst v6;
	v5 =	vmul.f32 v12, v2  }
0x13c: {  	v4 =	vld.idx.msk [tilespmem:v9+s19+$0x0], $0xffff;
	[tilespmem:s4+$0xFFFFFFA0] =	vst v8;
	v6 =	vmul.f32 v13, v2  }
.Ltmp3:
0x13d: {  	v2 =	vld.idx.msk [tilespmem:v10+s19+$0x0], $0xffff;
	[tilespmem:s4+$0xFFFFFFB0] =	vst v5;
	v7 =	vmul.f32 v14, v1;
	(pc) =	sbr.rel @p0 .LBB2_8-.Ltmp3, $4  }
0x13e: {  	s4 =	sadd.s32 $0x80, s4;
	v1 =	vld.idx.msk [tilespmem:v11+s19+$0x0], $0xffff;
	[tilespmem:s10+$0xFFFFFFC0] =	vst v6;
	v8 =	vmul.f32 v15, v3  }
0x13f: {  	v5 =	vld [tilespmem:s4+$0xFFFFFFE0];
	[tilespmem:s10+$0xFFFFFFD0] =	vst v7;
	v11 =	vmul.f32 v16, v3  }
0x140: {  	s15 =	sadd.s32 $0x1, s0;
	s16 =	sadd.s32 $0x3, s0;
	v7 =	vmov s0;
	v6 =	vld [tilespmem:s4+$0xFFFFFF90];
	[tilespmem:s10+$0xFFFFFFF0] =	vst v8  }
0x141: {  	v10 =	vmov s15;
	s15 =	sadd.s32 $0x2, s0;
	s0 =	sadd.s32 $0x4, s0;
	v9 =	vand.u32 $0xFFFFFFFC, v7;
	v7 =	vmov s16;
	v3 =	vmovc v17;
	v8 =	vld [tilespmem:s4+$0xFFFFFFA0];
	[tilespmem:s10+$0x0] =	vst v11;
	s10 =	smov.u32 s4  }
0x142: {  	v12 =	vld [tilespmem:s4+$0xFFFFFFB0]  }
0x143: {  	v9 =	vbroadcast v9, $0x0;
	v11 =	vmov s15;
	v13 =	vld [tilespmem:s4+$0xFFFFFFC0]  }
0x144: {  	v14 =	vld [tilespmem:s4+$0xFFFFFFD0];
	v11 =	vand.u32 $0xFFFFFFFE, v11  }
0x145: {  	v10 =	vand.u32 $0xFFFFFFFD, v10;
	v15 =	vld [tilespmem:s4+$0xFFFFFFF0];
	v11 =	vbroadcast v11, $0x0  }
0x146: {  	v16 =	vld [tilespmem:s4+$0x0];
	v10 =	vbroadcast v10, $0x0  }
0x147: {  	v7 =	vld.idx.msk [tilespmem:v7+s19+$0x0], $0xffff;
	s0 =	sadd.s32 $0x80, s4;
	v5 =	vmul.f32 v5, v1  }
0x148: {  	v6 =	vmul.f32 v6, v4;
	v4 =	vmul.f32 v8, v4;
	v8 =	vld [tilespmem:s0+$0xFFFFFFE0]  }
0x149: {  	[tilespmem:s4+$0xFFFFFFE0] =	vst v5;
	v9 =	vld.idx.msk [tilespmem:v9+s19+$0x0], $0xffff  }
0x14a: {  	[tilespmem:s4+$0xFFFFFFA0] =	vst v4;
	v4 =	vld [tilespmem:s0+$0xFFFFFF90]  }
0x14b: {  	[tilespmem:s4+$0xFFFFFF90] =	vst v6;
	v6 =	vmul.f32 v12, v2;
	v5 =	vld.idx.msk [tilespmem:v11+s19+$0x0], $0xffff  }
0x14c: {  	v2 =	vmul.f32 v13, v2;
	v10 =	vld.idx.msk [tilespmem:v10+s19+$0x0], $0xffff  }
0x14d: {  	v1 =	vmul.f32 v14, v1;
	[tilespmem:s4+$0xFFFFFFB0] =	vst v6;
	v6 =	vld [tilespmem:s0+$0xFFFFFFA0]  }
0x14e: {  	[tilespmem:s10+$0xFFFFFFC0] =	vst v2;
	v2 =	vmul.f32 v15, v3;
	v11 =	vld [tilespmem:s0+$0xFFFFFFB0]  }
0x14f: {  	[tilespmem:s10+$0xFFFFFFD0] =	vst v1;
	v1 =	vmul.f32 v16, v3;
	v3 =	vld [tilespmem:s0+$0xFFFFFFC0]  }
0x150: {  	[tilespmem:s10+$0xFFFFFFF0] =	vst v2;
	v2 =	vld [tilespmem:s0+$0xFFFFFFD0];
	v8 =	vmul.f32 v8, v5  }
0x151: {  	[tilespmem:s10+$0x0] =	vst v1;
	v1 =	vmul.f32 v4, v9;
	v4 =	vld [tilespmem:s0+$0xFFFFFFF0]  }
0x152: {  	v6 =	vmul.f32 v6, v9;
	[tilespmem:s0+$0xFFFFFFE0] =	vst v8;
	v8 =	vld [tilespmem:s0+$0x0]  }
0x153: {  	[tilespmem:s0+$0xFFFFFF90] =	vst v1;
	v1 =	vmul.f32 v11, v10  }
0x154: {  	v3 =	vmul.f32 v3, v10;
	[tilespmem:s0+$0xFFFFFFA0] =	vst v6  }
0x155: {  	[tilespmem:s0+$0xFFFFFFB0] =	vst v1;
	v1 =	vmul.f32 v2, v5  }
0x156: {  	[tilespmem:s0+$0xFFFFFFC0] =	vst v3;
	v2 =	vmul.f32 v4, v7  }
0x157: {  	[tilespmem:s0+$0xFFFFFFD0] =	vst v1;
	v1 =	vmul.f32 v8, v7  }
0x158: {  	[tilespmem:s0+$0xFFFFFFF0] =	vst v2  }
0x159: {  	s22 =	simm.s32 $0x10900;
	s3 =	simm.s32 $0x17200;
	[tilespmem:s0+$0x0] =	vst v1  }
0x15a: {  	[spmem:s2] =	stream.indirect.scatter.add.f32 [tilespmem:s3], [sflag:$0xB], $0x20, s22, s29, $0xb8;
	[tilespmem:$0x1E200] =	vst v63  }
0x15b: {  	s4 =	simm.s32 $0x18200;
	s10 =	simm.s32 $0x10980  }
0x15c: {  	[spmem:s2] =	stream.indirect.scatter.add.f32 [tilespmem:s4], [sflag:$0xB], $0x20, s10, s29, $0xb8;
	[tilespmem:$0x1E200] =	vst v63  }
0x15d: {  	s15 =	simm.s32 $0x19200;
	s16 =	simm.s32 $0x10A00  }
0x15e: {  	[spmem:s2] =	stream.indirect.scatter.add.f32 [tilespmem:s15], [sflag:$0xB], $0x20, s16, s29, $0xb8;
	[tilespmem:$0x1E200] =	vst v63  }
0x15f: {  	_ =	swait.ge [sflag:s24], $0x1000  }
0x160: {  	[sflag:s24] =	ssyncset.done $0x0  }
0x161: {  	[sflag:s24] =	ssyncadd.s32 $0xFFFFF000  }
0x162: {  	_ =	swait.ge [sflag:s24], $0x1000  }
0x163: {  	[sflag:s24] =	ssyncset.done $0x0  }
0x164: {  	[sflag:s24] =	ssyncadd.s32 $0xFFFFF000  }
0x165: {  	_ =	swait.ge [sflag:s24], $0x1000  }
0x166: {  	s0 =	simm.s32 $0x0;
	[sflag:s24] =	ssyncset.done $0x0  }
0x167: {  	s4 =	simm.s32 $0x10000;
	s22 =	rddreg [dreg:$0x13];
	[sflag:s24] =	ssyncadd.s32 $0xFFFFF000  }
0x168: {  	[tilespmem:s4], [sflag:$0x1] =	stream.linear.gather [hbm4b:s22+s0], $0x180, $0x38;
	[tilespmem:$0x1E200] =	vst v63  }
0x169: {  	s15 =	simm.s32 $0x10600;
	s10 =	rddreg [dreg:$0x14]  }
0x16a: {  	[tilespmem:s15], [sflag:$0x1] =	stream.linear.gather [hbm4b:s10+s0], $0x180, $0x38;
	[tilespmem:$0x1E200] =	vst v63  }
0x16b: {  	s16 =	rddreg [dreg:$0x15]  }
0x16c: {  	[tilespmem:s23], [sflag:$0x1] =	stream.linear.gather [hbm4b:s16+s0], $0x180, $0x38;
	[tilespmem:$0x1E200] =	vst v63  }
0x16d: {  	_ =	swait.ge [sflag:s28], $0x180  }
0x16e: {  	[sflag:s28] =	ssyncset.done $0x0  }
0x16f: {  	[sflag:s28] =	ssyncadd.s32 $0xFFFFFE80  }
0x170: {  	_ =	swait.ge [sflag:s28], $0x180  }
0x171: {  	[sflag:s28] =	ssyncset.done $0x0  }
0x172: {  	[sflag:s28] =	ssyncadd.s32 $0xFFFFFE80  }
0x173: {  	_ =	swait.ge [sflag:s28], $0x180  }
0x174: {  	[sflag:s28] =	ssyncset.done $0x0  }
0x175: {  	s22 =	simm.s32 $0x11200;
	[sflag:s28] =	ssyncadd.s32 $0xFFFFFE80  }
0x176: {  	[tilespmem:s22], [sflag:$0x5] =	stream.indirect.gather [spmem:s1], $0x20, s4, s29, $0xb8;
	[tilespmem:$0x1E200] =	vst v63  }
0x177: {  	s10 =	simm.s32 $0x12200;
	s4 =	simm.s32 $0x10080  }
0x178: {  	[tilespmem:s10], [sflag:$0x5] =	stream.indirect.gather [spmem:s1], $0x20, s4, s29, $0xb8;
	[tilespmem:$0x1E200] =	vst v63  }
0x179: {  	s15 =	simm.s32 $0x10100;
	s16 =	simm.s32 $0x13200  }
0x17a: {  	[tilespmem:s16], [sflag:$0x5] =	stream.indirect.gather [spmem:s1], $0x20, s15, s29, $0xb8;
	[tilespmem:$0x1E200] =	vst v63  }
0x17b: {  	_ =	swait.ge [sflag:s25], $0x1000  }
0x17c: {  	[sflag:s25] =	ssyncset.done $0x0  }
0x17d: {  	v1 =	vmov s0;
	s3 =	simm.s32 $0x3;
	s22 =	simm.s32 $0x1;
	[sflag:s25] =	ssyncadd.s32 $0xFFFFF000  }
0x17e: {  	v1 =	vand.u32 $0xFFFFFFFC, v1;
	v3 =	vmov s3;
	v2 =	vmov s22;
	s10 =	simm.s32 $0x2;
	_ =	swait.ge [sflag:s25], $0x1000  }
0x17f: {  	v1 =	vbroadcast v1, $0x0;
	v2 =	vand.u32 $0xFFFFFFFD, v2;
	v4 =	vmov s10;
	[sflag:s25] =	ssyncset.done $0x0  }
0x180: {  	v2 =	vbroadcast v2, $0x0;
	v4 =	vand.u32 $0xFFFFFFFE, v4;
	[sflag:s25] =	ssyncadd.s32 $0xFFFFF000  }
0x181: {  	v5 =	vbroadcast v4, $0x0;
	_ =	swait.ge [sflag:s25], $0x1000  }
0x182: {  	[sflag:s25] =	ssyncset.done $0x0  }
0x183: {  	[sflag:s25] =	ssyncadd.s32 $0xFFFFF000  }
0x184: {  	v3 =	vld.idx.msk [tilespmem:v3+s31+$0x0], $0xffff  }
0x185: {  	v4 =	vld.idx.msk [tilespmem:v1+s31+$0x0], $0xffff  }
0x186: {  	v2 =	vld.idx.msk [tilespmem:v2+s31+$0x0], $0xffff  }
0x187: {  	s4 =	simm.s32 $0x1A270;
	v1 =	vld.idx.msk [tilespmem:v5+s31+$0x0], $0xffff  }
0x188: {  	s15 =	simm.s32 $0x4;
	v5 =	vld [tilespmem:s4+$0xFFFFFFE0]  }
0x189: {  	s22 =	simm.s32 $0x7;
	s16 =	simm.s32 $0x5;
	v7 =	vmov s15;
	v6 =	vld [tilespmem:s4+$0xFFFFFF90]  }
0x18a: {  	s0 =	simm.s32 $0x8;
	s10 =	simm.s32 $0x1A270;
	v10 =	vmov s16;
	s15 =	simm.s32 $0x6;
	v9 =	vand.u32 $0xFFFFFFFC, v7;
	v7 =	vmov s22;
	v8 =	vld [tilespmem:s4+$0xFFFFFFA0]  }
.LBB2_10:
0x18b: {  	p0 =	slt.u32 s0, $0x17C;
	v9 =	vbroadcast v9, $0x0;
	v10 =	vand.u32 $0xFFFFFFFD, v10;
	v11 =	vmov s15;
	v12 =	vld [tilespmem:s4+$0xFFFFFFB0]  }
0x18c: {  	v10 =	vbroadcast v10, $0x0;
	v11 =	vand.u32 $0xFFFFFFFE, v11;
	v13 =	vld [tilespmem:s4+$0xFFFFFFC0]  }
0x18d: {  	v11 =	vbroadcast v11, $0x0;
	v14 =	vld [tilespmem:s4+$0xFFFFFFD0];
	v5 =	vmul.f32 v5, v1  }
0x18e: {  	v6 =	vmul.f32 v6, v4;
	v15 =	vld [tilespmem:s4+$0xFFFFFFF0]  }
0x18f: {  	v8 =	vmul.f32 v8, v4;
	[tilespmem:s4+$0xFFFFFFE0] =	vst v5;
	v16 =	vld [tilespmem:s4+$0x0]  }
0x190: {  	v17 =	vld.idx.msk [tilespmem:v7+s31+$0x0], $0xffff;
	[tilespmem:s4+$0xFFFFFF90] =	vst v6;
	v5 =	vmul.f32 v12, v2  }
0x191: {  	v4 =	vld.idx.msk [tilespmem:v9+s31+$0x0], $0xffff;
	[tilespmem:s4+$0xFFFFFFA0] =	vst v8;
	v6 =	vmul.f32 v13, v2  }
.Ltmp4:
0x192: {  	v2 =	vld.idx.msk [tilespmem:v10+s31+$0x0], $0xffff;
	[tilespmem:s4+$0xFFFFFFB0] =	vst v5;
	v7 =	vmul.f32 v14, v1;
	(pc) =	sbr.rel @p0 .LBB2_10-.Ltmp4, $4  }
0x193: {  	s4 =	sadd.s32 $0x80, s4;
	v1 =	vld.idx.msk [tilespmem:v11+s31+$0x0], $0xffff;
	[tilespmem:s10+$0xFFFFFFC0] =	vst v6;
	v8 =	vmul.f32 v15, v3  }
0x194: {  	v5 =	vld [tilespmem:s4+$0xFFFFFFE0];
	[tilespmem:s10+$0xFFFFFFD0] =	vst v7;
	v11 =	vmul.f32 v16, v3  }
0x195: {  	s15 =	sadd.s32 $0x1, s0;
	s16 =	sadd.s32 $0x3, s0;
	v7 =	vmov s0;
	v6 =	vld [tilespmem:s4+$0xFFFFFF90];
	[tilespmem:s10+$0xFFFFFFF0] =	vst v8  }
0x196: {  	v10 =	vmov s15;
	s15 =	sadd.s32 $0x2, s0;
	s0 =	sadd.s32 $0x4, s0;
	v9 =	vand.u32 $0xFFFFFFFC, v7;
	v7 =	vmov s16;
	v3 =	vmovc v17;
	v8 =	vld [tilespmem:s4+$0xFFFFFFA0];
	[tilespmem:s10+$0x0] =	vst v11;
	s10 =	smov.u32 s4  }
0x197: {  	v12 =	vld [tilespmem:s4+$0xFFFFFFB0]  }
0x198: {  	v13 =	vld [tilespmem:s4+$0xFFFFFFC0]  }
0x199: {  	v14 =	vld [tilespmem:s4+$0xFFFFFFD0]  }
0x19a: {  	v9 =	vbroadcast v9, $0x0;
	v11 =	vmov s15;
	v15 =	vld [tilespmem:s4+$0xFFFFFFF0]  }
0x19b: {  	v16 =	vld [tilespmem:s4+$0x0];
	v11 =	vand.u32 $0xFFFFFFFE, v11  }
0x19c: {  	v10 =	vand.u32 $0xFFFFFFFD, v10;
	v7 =	vld.idx.msk [tilespmem:v7+s31+$0x0], $0xffff;
	s0 =	sadd.s32 $0x80, s4;
	v11 =	vbroadcast v11, $0x0  }
0x19d: {  	v10 =	vbroadcast v10, $0x0;
	v58 =	vld [tilespmem:s0+$0xFFFFFFE0];
	v5 =	vmul.f32 v5, v1  }
0x19e: {  	v59 =	vld [tilespmem:s0+$0xFFFFFF90];
	v6 =	vmul.f32 v6, v4  }
0x19f: {  	v60 =	vld [tilespmem:s0+$0xFFFFFFA0];
	[tilespmem:s4+$0xFFFFFFE0] =	vst v5;
	v57 =	vmul.f32 v12, v2  }
0x1a0: {  	[tilespmem:s4+$0xFFFFFF90] =	vst v6;
	v1 =	vmul.f32 v14, v1;
	v9 =	vld.idx.msk [tilespmem:v9+s31+$0x0], $0xffff  }
0x1a1: {  	v61 =	vld [tilespmem:s0+$0xFFFFFFB0];
	v2 =	vmul.f32 v13, v2;
	[tilespmem:s4+$0xFFFFFFB0] =	vst v57  }
0x1a2: {  	[tilespmem:s10+$0xFFFFFFD0] =	vst v1;
	v1 =	vmul.f32 v16, v3;
	v56 =	vld.idx.msk [tilespmem:v11+s31+$0x0], $0xffff  }
0x1a3: {  	v10 =	vld.idx.msk [tilespmem:v10+s31+$0x0], $0xffff;
	[tilespmem:s10+$0xFFFFFFC0] =	vst v2;
	v2 =	vmul.f32 v15, v3  }
0x1a4: {  	v55 =	vmul.f32 v8, v4;
	v3 =	vld [tilespmem:s0+$0xFFFFFFC0];
	[tilespmem:s10+$0x0] =	vst v1  }
0x1a5: {  	[tilespmem:s10+$0xFFFFFFF0] =	vst v2;
	v2 =	vld [tilespmem:s0+$0xFFFFFFD0];
	v1 =	vmul.f32 v59, v9  }
0x1a6: {  	v62 =	vld [tilespmem:s0+$0xFFFFFFF0];
	[tilespmem:s4+$0xFFFFFFA0] =	vst v55;
	v6 =	vmul.f32 v60, v9  }
0x1a7: {  	v63 =	vld [tilespmem:s0+$0x0];
	v8 =	vmul.f32 v58, v56;
	[tilespmem:s0+$0xFFFFFF90] =	vst v1  }
0x1a8: {  	v1 =	vmul.f32 v61, v10;
	[tilespmem:s0+$0xFFFFFFA0] =	vst v6  }
0x1a9: {  	v3 =	vmul.f32 v3, v10;
	[tilespmem:s0+$0xFFFFFFE0] =	vst v8  }
0x1aa: {  	[tilespmem:s0+$0xFFFFFFB0] =	vst v1;
	v1 =	vmul.f32 v2, v56  }
0x1ab: {  	[tilespmem:s0+$0xFFFFFFC0] =	vst v3;
	v2 =	vmul.f32 v62, v7  }
0x1ac: {  	[tilespmem:s0+$0xFFFFFFD0] =	vst v1;
	v1 =	vmul.f32 v63, v7  }
0x1ad: {  	[tilespmem:s0+$0xFFFFFFF0] =	vst v2  }
0x1ae: {  	s15 =	simm.s32 $0x10A80;
	s3 =	simm.s32 $0x1A200;
	[tilespmem:s0+$0x0] =	vst v1  }
0x1af: {  	[spmem:s2] =	stream.indirect.scatter.add.f32 [tilespmem:s3], [sflag:$0xC], $0x20, s15, s29, $0xb8;
	[tilespmem:$0x1E200] =	vst v63  }
0x1b0: {  	s16 =	simm.s32 $0x1B200;
	s22 =	simm.s32 $0x10B00  }
0x1b1: {  	[spmem:s2] =	stream.indirect.scatter.add.f32 [tilespmem:s16], [sflag:$0xC], $0x20, s22, s29, $0xb8;
	[tilespmem:$0x1E200] =	vst v63  }
0x1b2: {  	s4 =	simm.s32 $0x10B80;
	s3 =	simm.s32 $0x1C200  }
0x1b3: {  	[spmem:s2] =	stream.indirect.scatter.add.f32 [tilespmem:s3], [sflag:$0xC], $0x20, s4, s29, $0xb8;
	[tilespmem:$0x1E200] =	vst v63  }
0x1b4: {  	_ =	swait.ge [sflag:s17], $0x1000  }
0x1b5: {  	[sflag:s17] =	ssyncset.done $0x0  }
0x1b6: {  	[sflag:s17] =	ssyncadd.s32 $0xFFFFF000  }
0x1b7: {  	_ =	swait.ge [sflag:s17], $0x1000  }
0x1b8: {  	[sflag:s17] =	ssyncset.done $0x0  }
0x1b9: {  	[sflag:s17] =	ssyncadd.s32 $0xFFFFF000  }
0x1ba: {  	_ =	swait.ge [sflag:s17], $0x1000  }
0x1bb: {  	[sflag:s17] =	ssyncset.done $0x0  }
0x1bc: {  	s0 =	simm.s32 $0x0;
	s10 =	rddreg [dreg:$0x16];
	[sflag:s17] =	ssyncadd.s32 $0xFFFFF000  }
0x1bd: {  	[tilespmem:s21], [sflag:$0x2] =	stream.linear.gather [hbm4b:s10+s0], $0x180, $0x38;
	[tilespmem:$0x1E200] =	vst v63  }
0x1be: {  	s16 =	simm.s32 $0x10780;
	s15 =	rddreg [dreg:$0x17]  }
0x1bf: {  	[tilespmem:s16], [sflag:$0x2] =	stream.linear.gather [hbm4b:s15+s0], $0x180, $0x38;
	[tilespmem:$0x1E200] =	vst v63  }
0x1c0: {  	s22 =	rddreg [dreg:$0x18];
	s15 =	simm.s32 $0x1  }
0x1c1: {  	[tilespmem:s26], [sflag:$0x2] =	stream.linear.gather [hbm4b:s22+s0], $0x180, $0x38;
	[tilespmem:$0x1E200] =	vst v63  }
.LBB2_12:
0x1c2: {  	_ =	swait.ge [sflag:s11], $0x180  }
0x1c3: {  	[sflag:s11] =	ssyncset.done $0x0  }
0x1c4: {  	[sflag:s11] =	ssyncadd.s32 $0xFFFFFE80  }
0x1c5: {  	_ =	swait.ge [sflag:s11], $0x180  }
0x1c6: {  	[sflag:s11] =	ssyncset.done $0x0  }
0x1c7: {  	[sflag:s11] =	ssyncadd.s32 $0xFFFFFE80  }
0x1c8: {  	_ =	swait.ge [sflag:s11], $0x180  }
0x1c9: {  	[sflag:s11] =	ssyncset.done $0x0  }
0x1ca: {  	s0 =	simm.s32 $0x14200;
	[sflag:s11] =	ssyncadd.s32 $0xFFFFFE80  }
0x1cb: {  	[tilespmem:s0], [sflag:$0x6] =	stream.indirect.gather [spmem:s1], $0x20, s21, s29, $0xb8;
	[tilespmem:$0x1E200] =	vst v63  }
0x1cc: {  	s16 =	simm.s32 $0x10200;
	s3 =	simm.s32 $0x15200  }
0x1cd: {  	[tilespmem:s3], [sflag:$0x6] =	stream.indirect.gather [spmem:s1], $0x20, s16, s29, $0xb8;
	[tilespmem:$0x1E200] =	vst v63  }
0x1ce: {  	s22 =	simm.s32 $0x16200;
	s21 =	simm.s32 $0x10280  }
0x1cf: {  	[tilespmem:s22], [sflag:$0x6] =	stream.indirect.gather [spmem:s1], $0x20, s21, s29, $0xb8;
	[tilespmem:$0x1E200] =	vst v63  }
0x1d0: {  	_ =	swait.ge [sflag:s9], $0x1000  }
0x1d1: {  	s4 =	simm.s32 $0x0;
	[sflag:s9] =	ssyncset.done $0x0  }
0x1d2: {  	s10 =	simm.s32 $0x1;
	v1 =	vmov s4;
	s4 =	simm.s32 $0x3;
	[sflag:s9] =	ssyncadd.s32 $0xFFFFF000  }
0x1d3: {  	v2 =	vmov s10;
	v1 =	vand.u32 $0xFFFFFFFC, v1;
	v3 =	vmov s4;
	s16 =	simm.s32 $0x2;
	_ =	swait.ge [sflag:s9], $0x1000  }
0x1d4: {  	v2 =	vand.u32 $0xFFFFFFFD, v2;
	v1 =	vbroadcast v1, $0x0;
	v4 =	vmov s16;
	[sflag:s9] =	ssyncset.done $0x0  }
0x1d5: {  	v2 =	vbroadcast v2, $0x0;
	v4 =	vand.u32 $0xFFFFFFFE, v4;
	[sflag:s9] =	ssyncadd.s32 $0xFFFFF000  }
0x1d6: {  	v5 =	vbroadcast v4, $0x0;
	_ =	swait.ge [sflag:s9], $0x1000  }
0x1d7: {  	[sflag:s9] =	ssyncset.done $0x0  }
0x1d8: {  	[sflag:s9] =	ssyncadd.s32 $0xFFFFF000  }
0x1d9: {  	v3 =	vld.idx.msk [tilespmem:v3+s23+$0x0], $0xffff  }
0x1da: {  	v4 =	vld.idx.msk [tilespmem:v1+s23+$0x0], $0xffff  }
0x1db: {  	v2 =	vld.idx.msk [tilespmem:v2+s23+$0x0], $0xffff  }
0x1dc: {  	s4 =	simm.s32 $0x11240;
	v1 =	vld.idx.msk [tilespmem:v5+s23+$0x0], $0xffff  }
0x1dd: {  	s21 =	simm.s32 $0x4;
	v5 =	vld [tilespmem:s4+$0x10]  }
0x1de: {  	s10 =	simm.s32 $0x7;
	s22 =	simm.s32 $0x5;
	v7 =	vmov s21;
	v6 =	vld [tilespmem:s4+$0xFFFFFFC0]  }
0x1df: {  	s0 =	simm.s32 $0x8;
	s16 =	simm.s32 $0x6;
	v10 =	vmov s22;
	v9 =	vand.u32 $0xFFFFFFFC, v7;
	v7 =	vmov s10;
	s10 =	simm.s32 $0x11240;
	v8 =	vld [tilespmem:s4+$0xFFFFFFD0]  }
.LBB2_13:
0x1e0: {  	p0 =	slt.u32 s0, $0x17C;
	v9 =	vbroadcast v9, $0x0;
	v10 =	vand.u32 $0xFFFFFFFD, v10;
	v11 =	vmov s16;
	v12 =	vld [tilespmem:s4+$0xFFFFFFE0]  }
0x1e1: {  	v10 =	vbroadcast v10, $0x0;
	v11 =	vand.u32 $0xFFFFFFFE, v11;
	v13 =	vld [tilespmem:s4+$0xFFFFFFF0]  }
0x1e2: {  	v11 =	vbroadcast v11, $0x0;
	v14 =	vld [tilespmem:s4+$0x0];
	v5 =	vmul.f32 v5, v1  }
0x1e3: {  	v6 =	vmul.f32 v6, v4;
	v15 =	vld [tilespmem:s4+$0x20]  }
0x1e4: {  	v8 =	vmul.f32 v8, v4;
	[tilespmem:s4+$0x10] =	vst v5;
	v16 =	vld [tilespmem:s4+$0x30]  }
0x1e5: {  	v17 =	vld.idx.msk [tilespmem:v7+s23+$0x0], $0xffff;
	[tilespmem:s4+$0xFFFFFFC0] =	vst v6;
	v5 =	vmul.f32 v12, v2  }
0x1e6: {  	v4 =	vld.idx.msk [tilespmem:v9+s23+$0x0], $0xffff;
	[tilespmem:s4+$0xFFFFFFD0] =	vst v8;
	v6 =	vmul.f32 v13, v2  }
.Ltmp5:
0x1e7: {  	v2 =	vld.idx.msk [tilespmem:v10+s23+$0x0], $0xffff;
	[tilespmem:s4+$0xFFFFFFE0] =	vst v5;
	v7 =	vmul.f32 v14, v1;
	(pc) =	sbr.rel @p0 .LBB2_13-.Ltmp5, $4  }
0x1e8: {  	s4 =	sadd.s32 $0x80, s4;
	v1 =	vld.idx.msk [tilespmem:v11+s23+$0x0], $0xffff;
	[tilespmem:s10+$0xFFFFFFF0] =	vst v6;
	v8 =	vmul.f32 v15, v3  }
0x1e9: {  	v5 =	vld [tilespmem:s4+$0x10];
	[tilespmem:s10+$0x0] =	vst v7;
	v11 =	vmul.f32 v16, v3  }
0x1ea: {  	s16 =	sadd.s32 $0x1, s0;
	s21 =	sadd.s32 $0x3, s0;
	v7 =	vmov s0;
	v6 =	vld [tilespmem:s4+$0xFFFFFFC0];
	[tilespmem:s10+$0x20] =	vst v8  }
0x1eb: {  	v10 =	vmov s16;
	s16 =	sadd.s32 $0x2, s0;
	s0 =	sadd.s32 $0x4, s0;
	v9 =	vand.u32 $0xFFFFFFFC, v7;
	v7 =	vmov s21;
	v3 =	vmovc v17;
	v8 =	vld [tilespmem:s4+$0xFFFFFFD0];
	[tilespmem:s10+$0x30] =	vst v11;
	s10 =	smov.u32 s4  }
0x1ec: {  	v12 =	vld [tilespmem:s4+$0xFFFFFFE0]  }
0x1ed: {  	v9 =	vbroadcast v9, $0x0;
	v11 =	vmov s16;
	v13 =	vld [tilespmem:s4+$0xFFFFFFF0]  }
0x1ee: {  	v14 =	vld [tilespmem:s4+$0x0];
	v11 =	vand.u32 $0xFFFFFFFE, v11  }
0x1ef: {  	v10 =	vand.u32 $0xFFFFFFFD, v10;
	v15 =	vld [tilespmem:s4+$0x20];
	v11 =	vbroadcast v11, $0x0  }
0x1f0: {  	v16 =	vld [tilespmem:s4+$0x30];
	v10 =	vbroadcast v10, $0x0  }
0x1f1: {  	v7 =	vld.idx.msk [tilespmem:v7+s23+$0x0], $0xffff;
	s0 =	sadd.s32 $0x80, s4;
	v5 =	vmul.f32 v5, v1  }
0x1f2: {  	v6 =	vmul.f32 v6, v4;
	v4 =	vmul.f32 v8, v4;
	v8 =	vld [tilespmem:s0+$0x10]  }
0x1f3: {  	[tilespmem:s4+$0x10] =	vst v5;
	v9 =	vld.idx.msk [tilespmem:v9+s23+$0x0], $0xffff  }
0x1f4: {  	[tilespmem:s4+$0xFFFFFFD0] =	vst v4;
	v4 =	vld [tilespmem:s0+$0xFFFFFFC0]  }
0x1f5: {  	[tilespmem:s4+$0xFFFFFFC0] =	vst v6;
	v6 =	vmul.f32 v12, v2;
	v5 =	vld.idx.msk [tilespmem:v11+s23+$0x0], $0xffff  }
0x1f6: {  	v2 =	vmul.f32 v13, v2;
	v10 =	vld.idx.msk [tilespmem:v10+s23+$0x0], $0xffff  }
0x1f7: {  	v1 =	vmul.f32 v14, v1;
	[tilespmem:s4+$0xFFFFFFE0] =	vst v6;
	v6 =	vld [tilespmem:s0+$0xFFFFFFD0]  }
0x1f8: {  	[tilespmem:s10+$0xFFFFFFF0] =	vst v2;
	v2 =	vmul.f32 v15, v3;
	v11 =	vld [tilespmem:s0+$0xFFFFFFE0]  }
0x1f9: {  	[tilespmem:s10+$0x0] =	vst v1;
	v1 =	vmul.f32 v16, v3;
	v3 =	vld [tilespmem:s0+$0xFFFFFFF0]  }
0x1fa: {  	[tilespmem:s10+$0x20] =	vst v2;
	v2 =	vld [tilespmem:s0+$0x0];
	v8 =	vmul.f32 v8, v5  }
0x1fb: {  	[tilespmem:s10+$0x30] =	vst v1;
	v1 =	vmul.f32 v4, v9;
	v4 =	vld [tilespmem:s0+$0x20]  }
0x1fc: {  	v6 =	vmul.f32 v6, v9;
	[tilespmem:s0+$0x10] =	vst v8;
	v8 =	vld [tilespmem:s0+$0x30]  }
0x1fd: {  	[tilespmem:s0+$0xFFFFFFC0] =	vst v1;
	v1 =	vmul.f32 v11, v10  }
0x1fe: {  	v3 =	vmul.f32 v3, v10;
	[tilespmem:s0+$0xFFFFFFD0] =	vst v6  }
0x1ff: {  	[tilespmem:s0+$0xFFFFFFE0] =	vst v1;
	v1 =	vmul.f32 v2, v5  }
0x200: {  	[tilespmem:s0+$0xFFFFFFF0] =	vst v3;
	v2 =	vmul.f32 v4, v7  }
0x201: {  	[tilespmem:s0+$0x0] =	vst v1;
	v1 =	vmul.f32 v8, v7  }
0x202: {  	[tilespmem:s0+$0x20] =	vst v2  }
0x203: {  	s16 =	simm.s32 $0x10600;
	s3 =	simm.s32 $0x11200;
	[tilespmem:s0+$0x30] =	vst v1  }
0x204: {  	[spmem:s2] =	stream.indirect.scatter.add.f32 [tilespmem:s3], [sflag:$0x9], $0x20, s16, s29, $0xb8;
	[tilespmem:$0x1E200] =	vst v63  }
0x205: {  	s21 =	simm.s32 $0x12200;
	s22 =	simm.s32 $0x10680  }
0x206: {  	[spmem:s2] =	stream.indirect.scatter.add.f32 [tilespmem:s21], [sflag:$0x9], $0x20, s22, s29, $0xb8;
	[tilespmem:$0x1E200] =	vst v63  }
0x207: {  	s4 =	simm.s32 $0x13200;
	s10 =	simm.s32 $0x10700  }
0x208: {  	[spmem:s2] =	stream.indirect.scatter.add.f32 [tilespmem:s4], [sflag:$0x9], $0x20, s10, s29, $0xb8;
	[tilespmem:$0x1E200] =	vst v63  }
0x209: {  	_ =	swait.ge [sflag:s30], $0x1000  }
0x20a: {  	[sflag:s30] =	ssyncset.done $0x0  }
0x20b: {  	[sflag:s30] =	ssyncadd.s32 $0xFFFFF000  }
0x20c: {  	_ =	swait.ge [sflag:s30], $0x1000  }
0x20d: {  	[sflag:s30] =	ssyncset.done $0x0  }
0x20e: {  	[sflag:s30] =	ssyncadd.s32 $0xFFFFF000  }
0x20f: {  	_ =	swait.ge [sflag:s30], $0x1000  }
0x210: {  	s16 =	sld [smem:$0x7FC]  }
0x211: {  	s10 =	smul.u32 $0xC, s15;
	_ =	sdelay $0x1  }
0x212: {  	s0 =	sadd.s32 s16, s10  }
0x213: {  	s3 =	simm.s32 $0x10300;
	[sflag:s30] =	ssyncset.done $0x0;
	s0 =	sshll.u32 s0, $0x4  }
0x214: {  	[sflag:s30] =	ssyncadd.s32 $0xFFFFF000;
	s16 =	simm.s32 $0x0;
	s21 =	sadd.s32 s7, s0  }
0x215: {  	[tilespmem:s3], [sflag:$0x3] =	stream.linear.gather [hbm4b:s21+s16], $0x180, $0x38;
	[tilespmem:$0x1E200] =	vst v63  }
0x216: {  	s22 =	sadd.s32 s6, s0;
	s21 =	simm.s32 $0x10900  }
0x217: {  	[tilespmem:s21], [sflag:$0x3] =	stream.linear.gather [hbm4b:s22+s16], $0x180, $0x38;
	[tilespmem:$0x1E200] =	vst v63  }
0x218: {  	s0 =	sadd.s32 s5, s0  }
0x219: {  	[tilespmem:s19], [sflag:$0x3] =	stream.linear.gather [hbm4b:s0+s16], $0x180, $0x38;
	[tilespmem:$0x1E200] =	vst v63  }
0x21a: {  	_ =	swait.ge [sflag:s20], $0x180  }
0x21b: {  	[sflag:s20] =	ssyncset.done $0x0  }
0x21c: {  	[sflag:s20] =	ssyncadd.s32 $0xFFFFFE80  }
0x21d: {  	_ =	swait.ge [sflag:s20], $0x180  }
0x21e: {  	[sflag:s20] =	ssyncset.done $0x0  }
0x21f: {  	[sflag:s20] =	ssyncadd.s32 $0xFFFFFE80  }
0x220: {  	_ =	swait.ge [sflag:s20], $0x180  }
0x221: {  	[sflag:s20] =	ssyncset.done $0x0  }
0x222: {  	s4 =	simm.s32 $0x17200;
	[sflag:s20] =	ssyncadd.s32 $0xFFFFFE80  }
0x223: {  	[tilespmem:s4], [sflag:$0x7] =	stream.indirect.gather [spmem:s1], $0x20, s3, s29, $0xb8;
	[tilespmem:$0x1E200] =	vst v63  }
0x224: {  	s21 =	simm.s32 $0x10380;
	s22 =	simm.s32 $0x18200  }
0x225: {  	[tilespmem:s22], [sflag:$0x7] =	stream.indirect.gather [spmem:s1], $0x20, s21, s29, $0xb8;
	[tilespmem:$0x1E200] =	vst v63  }
0x226: {  	s3 =	simm.s32 $0x10400;
	s4 =	simm.s32 $0x19200  }
0x227: {  	[tilespmem:s4], [sflag:$0x7] =	stream.indirect.gather [spmem:s1], $0x20, s3, s29, $0xb8;
	[tilespmem:$0x1E200] =	vst v63  }
0x228: {  	_ =	swait.ge [sflag:s18], $0x1000  }
0x229: {  	v1 =	vmov s16;
	[sflag:s18] =	ssyncset.done $0x0  }
0x22a: {  	v1 =	vand.u32 $0xFFFFFFFC, v1;
	s16 =	simm.s32 $0x1;
	[sflag:s18] =	ssyncadd.s32 $0xFFFFF000  }
0x22b: {  	v1 =	vbroadcast v1, $0x0;
	v2 =	vmov s16;
	s21 =	simm.s32 $0x3;
	s22 =	simm.s32 $0x2;
	_ =	swait.ge [sflag:s18], $0x1000  }
0x22c: {  	v2 =	vand.u32 $0xFFFFFFFD, v2;
	v3 =	vmov s21;
	v4 =	vmov s22;
	[sflag:s18] =	ssyncset.done $0x0  }
0x22d: {  	v2 =	vbroadcast v2, $0x0;
	v4 =	vand.u32 $0xFFFFFFFE, v4;
	[sflag:s18] =	ssyncadd.s32 $0xFFFFF000  }
0x22e: {  	v5 =	vbroadcast v4, $0x0;
	_ =	swait.ge [sflag:s18], $0x1000  }
0x22f: {  	[sflag:s18] =	ssyncset.done $0x0  }
0x230: {  	[sflag:s18] =	ssyncadd.s32 $0xFFFFF000  }
0x231: {  	v3 =	vld.idx.msk [tilespmem:v3+s26+$0x0], $0xffff  }
0x232: {  	v4 =	vld.idx.msk [tilespmem:v1+s26+$0x0], $0xffff  }
0x233: {  	v2 =	vld.idx.msk [tilespmem:v2+s26+$0x0], $0xffff  }
0x234: {  	s16 =	simm.s32 $0x14270;
	v1 =	vld.idx.msk [tilespmem:v5+s26+$0x0], $0xffff  }
0x235: {  	s3 =	simm.s32 $0x4;
	v5 =	vld [tilespmem:s16+$0xFFFFFFE0]  }
0x236: {  	s0 =	simm.s32 $0x14270;
	s21 =	simm.s32 $0x5;
	s22 =	simm.s32 $0x7;
	v7 =	vmov s3;
	v6 =	vld [tilespmem:s16+$0xFFFFFF90]  }
0x237: {  	s4 =	sshll.u32 s15, $0x2;
	v10 =	vmov s21;
	s21 =	simm.s32 $0x6;
	v9 =	vand.u32 $0xFFFFFFFC, v7;
	v7 =	vmov s22;
	s22 =	simm.s32 $0x8;
	v8 =	vld [tilespmem:s16+$0xFFFFFFA0]  }
.LBB2_15:
0x238: {  	p0 =	slt.u32 s22, $0x17C;
	v9 =	vbroadcast v9, $0x0;
	v10 =	vand.u32 $0xFFFFFFFD, v10;
	v11 =	vmov s21;
	v12 =	vld [tilespmem:s16+$0xFFFFFFB0]  }
0x239: {  	v10 =	vbroadcast v10, $0x0;
	v11 =	vand.u32 $0xFFFFFFFE, v11;
	v13 =	vld [tilespmem:s16+$0xFFFFFFC0]  }
0x23a: {  	v11 =	vbroadcast v11, $0x0;
	v14 =	vld [tilespmem:s16+$0xFFFFFFD0];
	v5 =	vmul.f32 v5, v1  }
0x23b: {  	v6 =	vmul.f32 v6, v4;
	v15 =	vld [tilespmem:s16+$0xFFFFFFF0]  }
0x23c: {  	v8 =	vmul.f32 v8, v4;
	[tilespmem:s16+$0xFFFFFFE0] =	vst v5;
	v16 =	vld [tilespmem:s16+$0x0]  }
0x23d: {  	v17 =	vld.idx.msk [tilespmem:v7+s26+$0x0], $0xffff;
	[tilespmem:s16+$0xFFFFFF90] =	vst v6;
	v5 =	vmul.f32 v12, v2  }
0x23e: {  	v4 =	vld.idx.msk [tilespmem:v9+s26+$0x0], $0xffff;
	[tilespmem:s16+$0xFFFFFFA0] =	vst v8;
	v6 =	vmul.f32 v13, v2  }
.Ltmp6:
0x23f: {  	v2 =	vld.idx.msk [tilespmem:v10+s26+$0x0], $0xffff;
	[tilespmem:s16+$0xFFFFFFB0] =	vst v5;
	v7 =	vmul.f32 v14, v1;
	(pc) =	sbr.rel @p0 .LBB2_15-.Ltmp6, $4  }
0x240: {  	s16 =	sadd.s32 $0x80, s16;
	v1 =	vld.idx.msk [tilespmem:v11+s26+$0x0], $0xffff;
	[tilespmem:s0+$0xFFFFFFC0] =	vst v6;
	v8 =	vmul.f32 v15, v3  }
0x241: {  	v5 =	vld [tilespmem:s16+$0xFFFFFFE0];
	[tilespmem:s0+$0xFFFFFFD0] =	vst v7;
	v11 =	vmul.f32 v16, v3  }
0x242: {  	s21 =	sadd.s32 $0x1, s22;
	s3 =	sadd.s32 $0x3, s22;
	v7 =	vmov s22;
	v6 =	vld [tilespmem:s16+$0xFFFFFF90];
	[tilespmem:s0+$0xFFFFFFF0] =	vst v8  }
0x243: {  	v10 =	vmov s21;
	s21 =	sadd.s32 $0x2, s22;
	s22 =	sadd.s32 $0x4, s22;
	v9 =	vand.u32 $0xFFFFFFFC, v7;
	v7 =	vmov s3;
	v3 =	vmovc v17;
	v8 =	vld [tilespmem:s16+$0xFFFFFFA0];
	[tilespmem:s0+$0x0] =	vst v11;
	s0 =	smov.u32 s16  }
0x244: {  	v12 =	vld [tilespmem:s16+$0xFFFFFFB0]  }
0x245: {  	v9 =	vbroadcast v9, $0x0;
	v11 =	vmov s21;
	v13 =	vld [tilespmem:s16+$0xFFFFFFC0]  }
0x246: {  	v14 =	vld [tilespmem:s16+$0xFFFFFFD0];
	v11 =	vand.u32 $0xFFFFFFFE, v11  }
0x247: {  	v10 =	vand.u32 $0xFFFFFFFD, v10;
	v15 =	vld [tilespmem:s16+$0xFFFFFFF0];
	v11 =	vbroadcast v11, $0x0  }
0x248: {  	v16 =	vld [tilespmem:s16+$0x0];
	v10 =	vbroadcast v10, $0x0  }
0x249: {  	v7 =	vld.idx.msk [tilespmem:v7+s26+$0x0], $0xffff;
	s3 =	sadd.s32 $0x80, s16;
	v5 =	vmul.f32 v5, v1  }
0x24a: {  	v6 =	vmul.f32 v6, v4;
	v4 =	vmul.f32 v8, v4;
	v8 =	vld [tilespmem:s3+$0xFFFFFFE0]  }
0x24b: {  	[tilespmem:s16+$0xFFFFFFE0] =	vst v5;
	v9 =	vld.idx.msk [tilespmem:v9+s26+$0x0], $0xffff  }
0x24c: {  	[tilespmem:s16+$0xFFFFFFA0] =	vst v4;
	v4 =	vld [tilespmem:s3+$0xFFFFFF90]  }
0x24d: {  	[tilespmem:s16+$0xFFFFFF90] =	vst v6;
	v6 =	vmul.f32 v12, v2;
	v5 =	vld.idx.msk [tilespmem:v11+s26+$0x0], $0xffff  }
0x24e: {  	v2 =	vmul.f32 v13, v2;
	v10 =	vld.idx.msk [tilespmem:v10+s26+$0x0], $0xffff  }
0x24f: {  	v1 =	vmul.f32 v14, v1;
	[tilespmem:s16+$0xFFFFFFB0] =	vst v6;
	v6 =	vld [tilespmem:s3+$0xFFFFFFA0]  }
0x250: {  	[tilespmem:s0+$0xFFFFFFC0] =	vst v2;
	v2 =	vmul.f32 v15, v3;
	v11 =	vld [tilespmem:s3+$0xFFFFFFB0]  }
0x251: {  	[tilespmem:s0+$0xFFFFFFD0] =	vst v1;
	v1 =	vmul.f32 v16, v3;
	v3 =	vld [tilespmem:s3+$0xFFFFFFC0]  }
0x252: {  	[tilespmem:s0+$0xFFFFFFF0] =	vst v2;
	v2 =	vld [tilespmem:s3+$0xFFFFFFD0];
	v8 =	vmul.f32 v8, v5  }
0x253: {  	[tilespmem:s0+$0x0] =	vst v1;
	v1 =	vmul.f32 v4, v9;
	v4 =	vld [tilespmem:s3+$0xFFFFFFF0]  }
0x254: {  	v6 =	vmul.f32 v6, v9;
	[tilespmem:s3+$0xFFFFFFE0] =	vst v8;
	v8 =	vld [tilespmem:s3+$0x0]  }
0x255: {  	[tilespmem:s3+$0xFFFFFF90] =	vst v1;
	v1 =	vmul.f32 v11, v10  }
0x256: {  	v3 =	vmul.f32 v3, v10;
	[tilespmem:s3+$0xFFFFFFA0] =	vst v6  }
0x257: {  	[tilespmem:s3+$0xFFFFFFB0] =	vst v1;
	v1 =	vmul.f32 v2, v5  }
0x258: {  	[tilespmem:s3+$0xFFFFFFC0] =	vst v3;
	v2 =	vmul.f32 v4, v7  }
0x259: {  	[tilespmem:s3+$0xFFFFFFD0] =	vst v1;
	v1 =	vmul.f32 v8, v7  }
0x25a: {  	[tilespmem:s3+$0xFFFFFFF0] =	vst v2  }
0x25b: {  	s16 =	simm.s32 $0x14200;
	[tilespmem:s3+$0x0] =	vst v1;
	s3 =	simm.s32 $0x10780  }
0x25c: {  	[spmem:s2] =	stream.indirect.scatter.add.f32 [tilespmem:s16], [sflag:$0xA], $0x20, s3, s29, $0xb8;
	[tilespmem:$0x1E200] =	vst v63  }
0x25d: {  	s21 =	simm.s32 $0x15200;
	s22 =	simm.s32 $0x10800  }
0x25e: {  	[spmem:s2] =	stream.indirect.scatter.add.f32 [tilespmem:s21], [sflag:$0xA], $0x20, s22, s29, $0xb8;
	[tilespmem:$0x1E200] =	vst v63  }
0x25f: {  	s3 =	simm.s32 $0x16200;
	s16 =	simm.s32 $0x10880  }
0x260: {  	[spmem:s2] =	stream.indirect.scatter.add.f32 [tilespmem:s3], [sflag:$0xA], $0x20, s16, s29, $0xb8;
	[tilespmem:$0x1E200] =	vst v63  }
0x261: {  	_ =	swait.ge [sflag:s13], $0x1000  }
0x262: {  	[sflag:s13] =	ssyncset.done $0x0  }
0x263: {  	[sflag:s13] =	ssyncadd.s32 $0xFFFFF000  }
0x264: {  	_ =	swait.ge [sflag:s13], $0x1000  }
0x265: {  	[sflag:s13] =	ssyncset.done $0x0  }
0x266: {  	[sflag:s13] =	ssyncadd.s32 $0xFFFFF000  }
0x267: {  	_ =	swait.ge [sflag:s13], $0x1000  }
0x268: {  	s21 =	sld [smem:$0x7FD];
	_ =	sdelay $0x2  }
0x269: {  	s0 =	sadd.s32 s21, s10  }
0x26a: {  	s16 =	simm.s32 $0x10480;
	[sflag:s13] =	ssyncset.done $0x0;
	s0 =	sshll.u32 s0, $0x4  }
0x26b: {  	[sflag:s13] =	ssyncadd.s32 $0xFFFFF000;
	s10 =	simm.s32 $0x0;
	s22 =	sadd.s32 s7, s0  }
0x26c: {  	[tilespmem:s16], [sflag:$0x4] =	stream.linear.gather [hbm4b:s22+s10], $0x180, $0x38;
	[tilespmem:$0x1E200] =	vst v63  }
0x26d: {  	s21 =	sadd.s32 s6, s0;
	s22 =	simm.s32 $0x10A80  }
0x26e: {  	[tilespmem:s22], [sflag:$0x4] =	stream.linear.gather [hbm4b:s21+s10], $0x180, $0x38;
	[tilespmem:$0x1E200] =	vst v63  }
0x26f: {  	s0 =	sadd.s32 s5, s0  }
0x270: {  	[tilespmem:s31], [sflag:$0x4] =	stream.linear.gather [hbm4b:s0+s10], $0x180, $0x38;
	[tilespmem:$0x1E200] =	vst v63  }
0x271: {  	_ =	swait.ge [sflag:s14], $0x180  }
0x272: {  	[sflag:s14] =	ssyncset.done $0x0  }
0x273: {  	[sflag:s14] =	ssyncadd.s32 $0xFFFFFE80  }
0x274: {  	_ =	swait.ge [sflag:s14], $0x180  }
0x275: {  	[sflag:s14] =	ssyncset.done $0x0  }
0x276: {  	[sflag:s14] =	ssyncadd.s32 $0xFFFFFE80  }
0x277: {  	_ =	swait.ge [sflag:s14], $0x180  }
0x278: {  	[sflag:s14] =	ssyncset.done $0x0  }
0x279: {  	s3 =	simm.s32 $0x1A200;
	[sflag:s14] =	ssyncadd.s32 $0xFFFFFE80  }
0x27a: {  	[tilespmem:s3], [sflag:$0x8] =	stream.indirect.gather [spmem:s1], $0x20, s16, s29, $0xb8;
	[tilespmem:$0x1E200] =	vst v63  }
0x27b: {  	s21 =	simm.s32 $0x10500;
	s22 =	simm.s32 $0x1B200  }
0x27c: {  	[tilespmem:s22], [sflag:$0x8] =	stream.indirect.gather [spmem:s1], $0x20, s21, s29, $0xb8;
	[tilespmem:$0x1E200] =	vst v63  }
0x27d: {  	s3 =	simm.s32 $0x10580;
	s16 =	simm.s32 $0x1C200  }
0x27e: {  	[tilespmem:s16], [sflag:$0x8] =	stream.indirect.gather [spmem:s1], $0x20, s3, s29, $0xb8;
	[tilespmem:$0x1E200] =	vst v63  }
0x27f: {  	_ =	swait.ge [sflag:s8], $0x1000  }
0x280: {  	v1 =	vmov s10;
	[sflag:s8] =	ssyncset.done $0x0  }
0x281: {  	v1 =	vand.u32 $0xFFFFFFFC, v1;
	s21 =	simm.s32 $0x1;
	[sflag:s8] =	ssyncadd.s32 $0xFFFFF000  }
0x282: {  	v1 =	vbroadcast v1, $0x0;
	s10 =	simm.s32 $0x2;
	s22 =	simm.s32 $0x3;
	v2 =	vmov s21;
	_ =	swait.ge [sflag:s8], $0x1000  }
0x283: {  	v4 =	vmov s10;
	v3 =	vmov s22;
	v2 =	vand.u32 $0xFFFFFFFD, v2;
	[sflag:s8] =	ssyncset.done $0x0  }
0x284: {  	v4 =	vand.u32 $0xFFFFFFFE, v4;
	v2 =	vbroadcast v2, $0x0;
	[sflag:s8] =	ssyncadd.s32 $0xFFFFF000  }
0x285: {  	v5 =	vbroadcast v4, $0x0;
	_ =	swait.ge [sflag:s8], $0x1000  }
0x286: {  	[sflag:s8] =	ssyncset.done $0x0  }
0x287: {  	[sflag:s8] =	ssyncadd.s32 $0xFFFFF000  }
0x288: {  	v3 =	vld.idx.msk [tilespmem:v3+s19+$0x0], $0xffff  }
0x289: {  	v4 =	vld.idx.msk [tilespmem:v1+s19+$0x0], $0xffff  }
0x28a: {  	v2 =	vld.idx.msk [tilespmem:v2+s19+$0x0], $0xffff  }
0x28b: {  	s10 =	simm.s32 $0x17270;
	v1 =	vld.idx.msk [tilespmem:v5+s19+$0x0], $0xffff  }
0x28c: {  	s16 =	simm.s32 $0x4;
	v5 =	vld [tilespmem:s10+$0xFFFFFFE0]  }
0x28d: {  	s21 =	simm.s32 $0x5;
	s22 =	simm.s32 $0x7;
	v7 =	vmov s16;
	v6 =	vld [tilespmem:s10+$0xFFFFFF90]  }
0x28e: {  	s0 =	simm.s32 $0x17270;
	v10 =	vmov s21;
	s21 =	simm.s32 $0x6;
	s16 =	simm.s32 $0x8;
	v9 =	vand.u32 $0xFFFFFFFC, v7;
	v7 =	vmov s22;
	v8 =	vld [tilespmem:s10+$0xFFFFFFA0]  }
.LBB2_17:
0x28f: {  	p0 =	slt.u32 s16, $0x17C;
	v9 =	vbroadcast v9, $0x0;
	v10 =	vand.u32 $0xFFFFFFFD, v10;
	v11 =	vmov s21;
	v12 =	vld [tilespmem:s10+$0xFFFFFFB0]  }
0x290: {  	v10 =	vbroadcast v10, $0x0;
	v11 =	vand.u32 $0xFFFFFFFE, v11;
	v13 =	vld [tilespmem:s10+$0xFFFFFFC0]  }
0x291: {  	v11 =	vbroadcast v11, $0x0;
	v14 =	vld [tilespmem:s10+$0xFFFFFFD0];
	v5 =	vmul.f32 v5, v1  }
0x292: {  	v6 =	vmul.f32 v6, v4;
	v15 =	vld [tilespmem:s10+$0xFFFFFFF0]  }
0x293: {  	v8 =	vmul.f32 v8, v4;
	[tilespmem:s10+$0xFFFFFFE0] =	vst v5;
	v16 =	vld [tilespmem:s10+$0x0]  }
0x294: {  	v17 =	vld.idx.msk [tilespmem:v7+s19+$0x0], $0xffff;
	[tilespmem:s10+$0xFFFFFF90] =	vst v6;
	v5 =	vmul.f32 v12, v2  }
0x295: {  	v4 =	vld.idx.msk [tilespmem:v9+s19+$0x0], $0xffff;
	[tilespmem:s10+$0xFFFFFFA0] =	vst v8;
	v6 =	vmul.f32 v13, v2  }
.Ltmp7:
0x296: {  	v2 =	vld.idx.msk [tilespmem:v10+s19+$0x0], $0xffff;
	[tilespmem:s10+$0xFFFFFFB0] =	vst v5;
	v7 =	vmul.f32 v14, v1;
	(pc) =	sbr.rel @p0 .LBB2_17-.Ltmp7, $4  }
0x297: {  	s10 =	sadd.s32 $0x80, s10;
	v1 =	vld.idx.msk [tilespmem:v11+s19+$0x0], $0xffff;
	[tilespmem:s0+$0xFFFFFFC0] =	vst v6;
	v8 =	vmul.f32 v15, v3  }
0x298: {  	v5 =	vld [tilespmem:s10+$0xFFFFFFE0];
	[tilespmem:s0+$0xFFFFFFD0] =	vst v7;
	v11 =	vmul.f32 v16, v3  }
0x299: {  	s3 =	sadd.s32 $0x1, s16;
	s22 =	sadd.s32 $0x3, s16;
	v7 =	vmov s16;
	v6 =	vld [tilespmem:s10+$0xFFFFFF90];
	[tilespmem:s0+$0xFFFFFFF0] =	vst v8  }
0x29a: {  	s21 =	sadd.s32 $0x2, s16;
	v10 =	vmov s3;
	s16 =	sadd.s32 $0x4, s16;
	v9 =	vand.u32 $0xFFFFFFFC, v7;
	v7 =	vmov s22;
	v3 =	vmovc v17;
	v8 =	vld [tilespmem:s10+$0xFFFFFFA0];
	[tilespmem:s0+$0x0] =	vst v11;
	s0 =	smov.u32 s10  }
0x29b: {  	v12 =	vld [tilespmem:s10+$0xFFFFFFB0]  }
0x29c: {  	v9 =	vbroadcast v9, $0x0;
	v11 =	vmov s21;
	v13 =	vld [tilespmem:s10+$0xFFFFFFC0]  }
0x29d: {  	v14 =	vld [tilespmem:s10+$0xFFFFFFD0];
	v11 =	vand.u32 $0xFFFFFFFE, v11  }
0x29e: {  	v10 =	vand.u32 $0xFFFFFFFD, v10;
	v15 =	vld [tilespmem:s10+$0xFFFFFFF0];
	v11 =	vbroadcast v11, $0x0  }
0x29f: {  	v16 =	vld [tilespmem:s10+$0x0];
	v10 =	vbroadcast v10, $0x0  }
0x2a0: {  	v7 =	vld.idx.msk [tilespmem:v7+s19+$0x0], $0xffff;
	s3 =	sadd.s32 $0x80, s10;
	v5 =	vmul.f32 v5, v1  }
0x2a1: {  	v6 =	vmul.f32 v6, v4;
	v4 =	vmul.f32 v8, v4;
	v8 =	vld [tilespmem:s3+$0xFFFFFFE0]  }
0x2a2: {  	[tilespmem:s10+$0xFFFFFFE0] =	vst v5;
	v9 =	vld.idx.msk [tilespmem:v9+s19+$0x0], $0xffff  }
0x2a3: {  	[tilespmem:s10+$0xFFFFFFA0] =	vst v4;
	v4 =	vld [tilespmem:s3+$0xFFFFFF90]  }
0x2a4: {  	[tilespmem:s10+$0xFFFFFF90] =	vst v6;
	v6 =	vmul.f32 v12, v2;
	v5 =	vld.idx.msk [tilespmem:v11+s19+$0x0], $0xffff  }
0x2a5: {  	v2 =	vmul.f32 v13, v2;
	v10 =	vld.idx.msk [tilespmem:v10+s19+$0x0], $0xffff  }
0x2a6: {  	v1 =	vmul.f32 v14, v1;
	[tilespmem:s10+$0xFFFFFFB0] =	vst v6;
	v6 =	vld [tilespmem:s3+$0xFFFFFFA0]  }
0x2a7: {  	[tilespmem:s0+$0xFFFFFFC0] =	vst v2;
	v2 =	vmul.f32 v15, v3;
	v11 =	vld [tilespmem:s3+$0xFFFFFFB0]  }
0x2a8: {  	[tilespmem:s0+$0xFFFFFFD0] =	vst v1;
	v1 =	vmul.f32 v16, v3;
	v3 =	vld [tilespmem:s3+$0xFFFFFFC0]  }
0x2a9: {  	[tilespmem:s0+$0xFFFFFFF0] =	vst v2;
	v2 =	vld [tilespmem:s3+$0xFFFFFFD0];
	v8 =	vmul.f32 v8, v5  }
0x2aa: {  	[tilespmem:s0+$0x0] =	vst v1;
	v1 =	vmul.f32 v4, v9;
	v4 =	vld [tilespmem:s3+$0xFFFFFFF0]  }
0x2ab: {  	v6 =	vmul.f32 v6, v9;
	[tilespmem:s3+$0xFFFFFFE0] =	vst v8;
	v8 =	vld [tilespmem:s3+$0x0]  }
0x2ac: {  	[tilespmem:s3+$0xFFFFFF90] =	vst v1;
	v1 =	vmul.f32 v11, v10  }
0x2ad: {  	v3 =	vmul.f32 v3, v10;
	[tilespmem:s3+$0xFFFFFFA0] =	vst v6  }
0x2ae: {  	[tilespmem:s3+$0xFFFFFFB0] =	vst v1;
	v1 =	vmul.f32 v2, v5  }
0x2af: {  	[tilespmem:s3+$0xFFFFFFC0] =	vst v3;
	v2 =	vmul.f32 v4, v7  }
0x2b0: {  	[tilespmem:s3+$0xFFFFFFD0] =	vst v1;
	v1 =	vmul.f32 v8, v7  }
0x2b1: {  	[tilespmem:s3+$0xFFFFFFF0] =	vst v2  }
0x2b2: {  	s16 =	simm.s32 $0x17200;
	s10 =	simm.s32 $0x10900;
	[tilespmem:s3+$0x0] =	vst v1  }
0x2b3: {  	[spmem:s2] =	stream.indirect.scatter.add.f32 [tilespmem:s16], [sflag:$0xB], $0x20, s10, s29, $0xb8;
	[tilespmem:$0x1E200] =	vst v63  }
0x2b4: {  	s21 =	simm.s32 $0x18200;
	s22 =	simm.s32 $0x10980  }
0x2b5: {  	[spmem:s2] =	stream.indirect.scatter.add.f32 [tilespmem:s21], [sflag:$0xB], $0x20, s22, s29, $0xb8;
	[tilespmem:$0x1E200] =	vst v63  }
0x2b6: {  	s3 =	simm.s32 $0x19200;
	s10 =	simm.s32 $0x10A00  }
0x2b7: {  	[spmem:s2] =	stream.indirect.scatter.add.f32 [tilespmem:s3], [sflag:$0xB], $0x20, s10, s29, $0xb8;
	[tilespmem:$0x1E200] =	vst v63  }
0x2b8: {  	_ =	swait.ge [sflag:s24], $0x1000  }
0x2b9: {  	[sflag:s24] =	ssyncset.done $0x0  }
0x2ba: {  	s16 =	sadd.s32 $0x4, s4;
	[sflag:s24] =	ssyncadd.s32 $0xFFFFF000  }
0x2bb: {  	s3 =	smul.u32 $0x3, s16;
	_ =	swait.ge [sflag:s24], $0x1000  }
0x2bc: {  	p0 =	seq.s32 s16, $0x2C;
	[sflag:s24] =	ssyncset.done $0x0  }
0x2bd: {  	s3 =	simm.s32 @p0 $0x0;
	[sflag:s24] =	ssyncadd.s32 $0xFFFFF000  }
0x2be: {  	s21 =	sadd.s32 s12, s3;
	_ =	swait.ge [sflag:s24], $0x1000  }
0x2bf: {  	s10 =	simm.s32 $0x0;
	s0 =	sshll.u32 s21, $0x4;
	[sflag:s24] =	ssyncset.done $0x0  }
0x2c0: {  	s16 =	simm.s32 $0x10000;
	s22 =	sadd.s32 s7, s0;
	[sflag:s24] =	ssyncadd.s32 $0xFFFFF000  }
0x2c1: {  	[tilespmem:s16], [sflag:$0x1] =	stream.linear.gather [hbm4b:s22+s10], $0x180, $0x38;
	[tilespmem:$0x1E200] =	vst v63  }
0x2c2: {  	s21 =	sadd.s32 s6, s0;
	s22 =	simm.s32 $0x10600  }
0x2c3: {  	[tilespmem:s22], [sflag:$0x1] =	stream.linear.gather [hbm4b:s21+s10], $0x180, $0x38;
	[tilespmem:$0x1E200] =	vst v63  }
0x2c4: {  	s0 =	sadd.s32 s5, s0  }
0x2c5: {  	[tilespmem:s23], [sflag:$0x1] =	stream.linear.gather [hbm4b:s0+s10], $0x180, $0x38;
	[tilespmem:$0x1E200] =	vst v63  }
0x2c6: {  	_ =	swait.ge [sflag:s28], $0x180  }
0x2c7: {  	[sflag:s28] =	ssyncset.done $0x0  }
0x2c8: {  	[sflag:s28] =	ssyncadd.s32 $0xFFFFFE80  }
0x2c9: {  	_ =	swait.ge [sflag:s28], $0x180  }
0x2ca: {  	[sflag:s28] =	ssyncset.done $0x0  }
0x2cb: {  	[sflag:s28] =	ssyncadd.s32 $0xFFFFFE80  }
0x2cc: {  	_ =	swait.ge [sflag:s28], $0x180  }
0x2cd: {  	[sflag:s28] =	ssyncset.done $0x0  }
0x2ce: {  	s3 =	simm.s32 $0x11200;
	[sflag:s28] =	ssyncadd.s32 $0xFFFFFE80  }
0x2cf: {  	[tilespmem:s3], [sflag:$0x5] =	stream.indirect.gather [spmem:s1], $0x20, s16, s29, $0xb8;
	[tilespmem:$0x1E200] =	vst v63  }
0x2d0: {  	s21 =	simm.s32 $0x10080;
	s22 =	simm.s32 $0x12200  }
0x2d1: {  	[tilespmem:s22], [sflag:$0x5] =	stream.indirect.gather [spmem:s1], $0x20, s21, s29, $0xb8;
	[tilespmem:$0x1E200] =	vst v63  }
0x2d2: {  	s3 =	simm.s32 $0x10100;
	s16 =	simm.s32 $0x13200  }
0x2d3: {  	[tilespmem:s16], [sflag:$0x5] =	stream.indirect.gather [spmem:s1], $0x20, s3, s29, $0xb8;
	[tilespmem:$0x1E200] =	vst v63  }
0x2d4: {  	_ =	swait.ge [sflag:s25], $0x1000  }
0x2d5: {  	v1 =	vmov s10;
	[sflag:s25] =	ssyncset.done $0x0  }
0x2d6: {  	v1 =	vand.u32 $0xFFFFFFFC, v1;
	s21 =	simm.s32 $0x1;
	[sflag:s25] =	ssyncadd.s32 $0xFFFFF000  }
0x2d7: {  	v1 =	vbroadcast v1, $0x0;
	s10 =	simm.s32 $0x2;
	s22 =	simm.s32 $0x3;
	v2 =	vmov s21;
	_ =	swait.ge [sflag:s25], $0x1000  }
0x2d8: {  	v4 =	vmov s10;
	v3 =	vmov s22;
	v2 =	vand.u32 $0xFFFFFFFD, v2;
	[sflag:s25] =	ssyncset.done $0x0  }
0x2d9: {  	v4 =	vand.u32 $0xFFFFFFFE, v4;
	v2 =	vbroadcast v2, $0x0;
	[sflag:s25] =	ssyncadd.s32 $0xFFFFF000  }
0x2da: {  	v5 =	vbroadcast v4, $0x0;
	_ =	swait.ge [sflag:s25], $0x1000  }
0x2db: {  	[sflag:s25] =	ssyncset.done $0x0  }
0x2dc: {  	[sflag:s25] =	ssyncadd.s32 $0xFFFFF000  }
0x2dd: {  	v3 =	vld.idx.msk [tilespmem:v3+s31+$0x0], $0xffff  }
0x2de: {  	v4 =	vld.idx.msk [tilespmem:v1+s31+$0x0], $0xffff  }
0x2df: {  	v2 =	vld.idx.msk [tilespmem:v2+s31+$0x0], $0xffff  }
0x2e0: {  	s10 =	simm.s32 $0x1A270;
	v1 =	vld.idx.msk [tilespmem:v5+s31+$0x0], $0xffff  }
0x2e1: {  	s16 =	simm.s32 $0x4;
	v5 =	vld [tilespmem:s10+$0xFFFFFFE0]  }
0x2e2: {  	s21 =	simm.s32 $0x5;
	s22 =	simm.s32 $0x7;
	v7 =	vmov s16;
	v6 =	vld [tilespmem:s10+$0xFFFFFF90]  }
0x2e3: {  	s0 =	simm.s32 $0x1A270;
	v10 =	vmov s21;
	s21 =	simm.s32 $0x6;
	s16 =	simm.s32 $0x8;
	v9 =	vand.u32 $0xFFFFFFFC, v7;
	v7 =	vmov s22;
	v8 =	vld [tilespmem:s10+$0xFFFFFFA0]  }
.LBB2_19:
0x2e4: {  	p0 =	slt.u32 s16, $0x17C;
	v9 =	vbroadcast v9, $0x0;
	v10 =	vand.u32 $0xFFFFFFFD, v10;
	v11 =	vmov s21;
	v12 =	vld [tilespmem:s10+$0xFFFFFFB0]  }
0x2e5: {  	v10 =	vbroadcast v10, $0x0;
	v11 =	vand.u32 $0xFFFFFFFE, v11;
	v13 =	vld [tilespmem:s10+$0xFFFFFFC0]  }
0x2e6: {  	v11 =	vbroadcast v11, $0x0;
	v14 =	vld [tilespmem:s10+$0xFFFFFFD0];
	v5 =	vmul.f32 v5, v1  }
0x2e7: {  	v6 =	vmul.f32 v6, v4;
	v15 =	vld [tilespmem:s10+$0xFFFFFFF0]  }
0x2e8: {  	v8 =	vmul.f32 v8, v4;
	[tilespmem:s10+$0xFFFFFFE0] =	vst v5;
	v16 =	vld [tilespmem:s10+$0x0]  }
0x2e9: {  	v17 =	vld.idx.msk [tilespmem:v7+s31+$0x0], $0xffff;
	[tilespmem:s10+$0xFFFFFF90] =	vst v6;
	v5 =	vmul.f32 v12, v2  }
0x2ea: {  	v4 =	vld.idx.msk [tilespmem:v9+s31+$0x0], $0xffff;
	[tilespmem:s10+$0xFFFFFFA0] =	vst v8;
	v6 =	vmul.f32 v13, v2  }
.Ltmp8:
0x2eb: {  	v2 =	vld.idx.msk [tilespmem:v10+s31+$0x0], $0xffff;
	[tilespmem:s10+$0xFFFFFFB0] =	vst v5;
	v7 =	vmul.f32 v14, v1;
	(pc) =	sbr.rel @p0 .LBB2_19-.Ltmp8, $4  }
0x2ec: {  	s10 =	sadd.s32 $0x80, s10;
	v1 =	vld.idx.msk [tilespmem:v11+s31+$0x0], $0xffff;
	[tilespmem:s0+$0xFFFFFFC0] =	vst v6;
	v8 =	vmul.f32 v15, v3  }
0x2ed: {  	v5 =	vld [tilespmem:s10+$0xFFFFFFE0];
	[tilespmem:s0+$0xFFFFFFD0] =	vst v7;
	v11 =	vmul.f32 v16, v3  }
0x2ee: {  	s3 =	sadd.s32 $0x1, s16;
	s22 =	sadd.s32 $0x3, s16;
	v7 =	vmov s16;
	v6 =	vld [tilespmem:s10+$0xFFFFFF90];
	[tilespmem:s0+$0xFFFFFFF0] =	vst v8  }
0x2ef: {  	s21 =	sadd.s32 $0x2, s16;
	v10 =	vmov s3;
	s16 =	sadd.s32 $0x4, s16;
	v9 =	vand.u32 $0xFFFFFFFC, v7;
	v7 =	vmov s22;
	v3 =	vmovc v17;
	v8 =	vld [tilespmem:s10+$0xFFFFFFA0];
	[tilespmem:s0+$0x0] =	vst v11;
	s0 =	smov.u32 s10  }
0x2f0: {  	v12 =	vld [tilespmem:s10+$0xFFFFFFB0]  }
0x2f1: {  	v13 =	vld [tilespmem:s10+$0xFFFFFFC0]  }
0x2f2: {  	v14 =	vld [tilespmem:s10+$0xFFFFFFD0]  }
0x2f3: {  	v9 =	vbroadcast v9, $0x0;
	v11 =	vmov s21;
	v15 =	vld [tilespmem:s10+$0xFFFFFFF0]  }
0x2f4: {  	v16 =	vld [tilespmem:s10+$0x0];
	v11 =	vand.u32 $0xFFFFFFFE, v11  }
0x2f5: {  	v10 =	vand.u32 $0xFFFFFFFD, v10;
	v7 =	vld.idx.msk [tilespmem:v7+s31+$0x0], $0xffff;
	s3 =	sadd.s32 $0x80, s10;
	v11 =	vbroadcast v11, $0x0  }
0x2f6: {  	v10 =	vbroadcast v10, $0x0;
	v58 =	vld [tilespmem:s3+$0xFFFFFFE0];
	v5 =	vmul.f32 v5, v1  }
0x2f7: {  	v59 =	vld [tilespmem:s3+$0xFFFFFF90];
	v6 =	vmul.f32 v6, v4  }
0x2f8: {  	v60 =	vld [tilespmem:s3+$0xFFFFFFA0];
	[tilespmem:s10+$0xFFFFFFE0] =	vst v5;
	v57 =	vmul.f32 v12, v2  }
0x2f9: {  	[tilespmem:s10+$0xFFFFFF90] =	vst v6;
	v1 =	vmul.f32 v14, v1;
	v9 =	vld.idx.msk [tilespmem:v9+s31+$0x0], $0xffff  }
0x2fa: {  	v61 =	vld [tilespmem:s3+$0xFFFFFFB0];
	v2 =	vmul.f32 v13, v2;
	[tilespmem:s10+$0xFFFFFFB0] =	vst v57  }
0x2fb: {  	[tilespmem:s0+$0xFFFFFFD0] =	vst v1;
	v1 =	vmul.f32 v16, v3;
	v56 =	vld.idx.msk [tilespmem:v11+s31+$0x0], $0xffff  }
0x2fc: {  	v10 =	vld.idx.msk [tilespmem:v10+s31+$0x0], $0xffff;
	[tilespmem:s0+$0xFFFFFFC0] =	vst v2;
	v2 =	vmul.f32 v15, v3  }
0x2fd: {  	v55 =	vmul.f32 v8, v4;
	v3 =	vld [tilespmem:s3+$0xFFFFFFC0];
	[tilespmem:s0+$0x0] =	vst v1  }
0x2fe: {  	[tilespmem:s0+$0xFFFFFFF0] =	vst v2;
	v2 =	vld [tilespmem:s3+$0xFFFFFFD0];
	v1 =	vmul.f32 v59, v9  }
0x2ff: {  	v62 =	vld [tilespmem:s3+$0xFFFFFFF0];
	[tilespmem:s10+$0xFFFFFFA0] =	vst v55;
	v6 =	vmul.f32 v60, v9  }
0x300: {  	v63 =	vld [tilespmem:s3+$0x0];
	v8 =	vmul.f32 v58, v56;
	[tilespmem:s3+$0xFFFFFF90] =	vst v1  }
0x301: {  	v1 =	vmul.f32 v61, v10;
	[tilespmem:s3+$0xFFFFFFA0] =	vst v6  }
0x302: {  	v3 =	vmul.f32 v3, v10;
	[tilespmem:s3+$0xFFFFFFE0] =	vst v8  }
0x303: {  	[tilespmem:s3+$0xFFFFFFB0] =	vst v1;
	v1 =	vmul.f32 v2, v56  }
0x304: {  	[tilespmem:s3+$0xFFFFFFC0] =	vst v3;
	v2 =	vmul.f32 v62, v7  }
0x305: {  	[tilespmem:s3+$0xFFFFFFD0] =	vst v1;
	v1 =	vmul.f32 v63, v7  }
0x306: {  	[tilespmem:s3+$0xFFFFFFF0] =	vst v2  }
0x307: {  	s21 =	simm.s32 $0x10A80;
	s22 =	simm.s32 $0x1A200;
	[tilespmem:s3+$0x0] =	vst v1  }
0x308: {  	[spmem:s2] =	stream.indirect.scatter.add.f32 [tilespmem:s22], [sflag:$0xC], $0x20, s21, s29, $0xb8;
	[tilespmem:$0x1E200] =	vst v63  }
0x309: {  	s10 =	simm.s32 $0x10B00;
	s0 =	sadd.s32 $0x5, s4;
	s3 =	simm.s32 $0x1B200  }
0x30a: {  	[spmem:s2] =	stream.indirect.scatter.add.f32 [tilespmem:s3], [sflag:$0xC], $0x20, s10, s29, $0xb8;
	[tilespmem:$0x1E200] =	vst v63  }
0x30b: {  	s16 =	smulhi.u32 $0x2E8BA2E9, s0;
	s21 =	simm.s32 $0x1C200;
	s22 =	simm.s32 $0x10B80  }
0x30c: {  	[spmem:s2] =	stream.indirect.scatter.add.f32 [tilespmem:s21], [sflag:$0xC], $0x20, s22, s29, $0xb8;
	[tilespmem:$0x1E200] =	vst v63  }
0x30d: {  	s3 =	sshrl.u32 s16, $0x3;
	_ =	swait.ge [sflag:s17], $0x1000  }
0x30e: {  	s3 =	smul.u32 $0x2C, s3;
	[sflag:s17] =	ssyncset.done $0x0  }
0x30f: {  	[sflag:s17] =	ssyncadd.s32 $0xFFFFF000  }
0x310: {  	s0 =	ssub.s32 s0, s3;
	_ =	swait.ge [sflag:s17], $0x1000  }
0x311: {  	s0 =	smul.u32 $0x3, s0;
	[sflag:s17] =	ssyncset.done $0x0  }
0x312: {  	s15 =	sadd.s32 $0x1, s15;
	[sflag:s17] =	ssyncadd.s32 $0xFFFFF000  }
0x313: {  	p0 =	sne.s32 s15, $0xB;
	s0 =	sadd.s32 s12, s0;
	_ =	swait.ge [sflag:s17], $0x1000  }
0x314: {  	s4 =	simm.s32 $0x0;
	s0 =	sshll.u32 s0, $0x4;
	[sflag:s17] =	ssyncset.done $0x0  }
0x315: {  	s21 =	simm.s32 $0x10180;
	s10 =	sadd.s32 s7, s0;
	[sflag:s17] =	ssyncadd.s32 $0xFFFFF000  }
0x316: {  	[tilespmem:s21], [sflag:$0x2] =	stream.linear.gather [hbm4b:s10+s4], $0x180, $0x38;
	[tilespmem:$0x1E200] =	vst v63  }
.Ltmp9:
0x317: {  	_ = 	snop;
	(pc) =	sbr.rel @p0 .LBB2_12-.Ltmp9, $4  }
0x318: {  	s22 =	simm.s32 $0x10780;
	s16 =	sadd.s32 s6, s0  }
0x319: {  	[tilespmem:s22], [sflag:$0x2] =	stream.linear.gather [hbm4b:s16+s4], $0x180, $0x38;
	[tilespmem:$0x1E200] =	vst v63  }
0x31a: {  	s0 =	sadd.s32 s5, s0  }
0x31b: {  	[tilespmem:s26], [sflag:$0x2] =	stream.linear.gather [hbm4b:s0+s4], $0x180, $0x38;
	[tilespmem:$0x1E200] =	vst v63  }
0x31c: {  	_ =	swait.ge [sflag:s30], $0x1000  }
0x31d: {  	[sflag:s30] =	ssyncset.done $0x0  }
0x31e: {  	[sflag:s30] =	ssyncadd.s32 $0xFFFFF000  }
0x31f: {  	_ =	swait.ge [sflag:s30], $0x1000  }
0x320: {  	[sflag:s30] =	ssyncset.done $0x0  }
0x321: {  	[sflag:s30] =	ssyncadd.s32 $0xFFFFF000  }
0x322: {  	_ =	swait.ge [sflag:s30], $0x1000  }
0x323: {  	[sflag:s30] =	ssyncset.done $0x0  }
0x324: {  	[sflag:s30] =	ssyncadd.s32 $0xFFFFF000  }
0x325: {  	_ =	swait.ge [sflag:s13], $0x1000  }
0x326: {  	[sflag:s13] =	ssyncset.done $0x0  }
0x327: {  	[sflag:s13] =	ssyncadd.s32 $0xFFFFF000  }
0x328: {  	_ =	swait.ge [sflag:s13], $0x1000  }
0x329: {  	[sflag:s13] =	ssyncset.done $0x0  }
0x32a: {  	[sflag:s13] =	ssyncadd.s32 $0xFFFFF000  }
0x32b: {  	_ =	swait.ge [sflag:s13], $0x1000  }
0x32c: {  	[sflag:s13] =	ssyncset.done $0x0  }
0x32d: {  	[sflag:s13] =	ssyncadd.s32 $0xFFFFF000  }
0x32e: {  	_ =	swait.ge [sflag:s9], $0x1000  }
0x32f: {  	[sflag:s9] =	ssyncset.done $0x0  }
0x330: {  	[sflag:s9] =	ssyncadd.s32 $0xFFFFF000  }
0x331: {  	_ =	swait.ge [sflag:s9], $0x1000  }
0x332: {  	[sflag:s9] =	ssyncset.done $0x0  }
0x333: {  	[sflag:s9] =	ssyncadd.s32 $0xFFFFF000  }
0x334: {  	_ =	swait.ge [sflag:s9], $0x1000  }
0x335: {  	[sflag:s9] =	ssyncset.done $0x0  }
0x336: {  	[sflag:s9] =	ssyncadd.s32 $0xFFFFF000  }
0x337: {  	_ =	swait.ge [sflag:s11], $0x180  }
0x338: {  	[sflag:s11] =	ssyncset.done $0x0  }
0x339: {  	[sflag:s11] =	ssyncadd.s32 $0xFFFFFE80  }
0x33a: {  	_ =	swait.ge [sflag:s11], $0x180  }
0x33b: {  	[sflag:s11] =	ssyncset.done $0x0  }
0x33c: {  	[sflag:s11] =	ssyncadd.s32 $0xFFFFFE80  }
0x33d: {  	_ =	swait.ge [sflag:s11], $0x180  }
0x33e: {  	[sflag:s11] =	ssyncset.done $0x0  }
0x33f: {  	[sflag:s11] =	ssyncadd.s32 $0xFFFFFE80  }
0x340: {  	[bflag:$0x0] =	sbarrier.arrive $0xFFFF  }
0x341: {  	s0 =	rddreg [dreg:$0x1b]  }
0x342: {  	s10 =	simm.s32 $0xE;
	s15 =	rddreg [dreg:$0x6]  }
0x343: {  	s4 =	rddreg [dreg:$0x19];
	s0 =	sor.u32 $0x1C0E, s0;
	s3 =	sshrl.u32 s15, $0x3  }
0x344: {  	[hbm:s4], [sflag:s0] =	dma.local [spmem:s3], $0x1000  }
0x345: {  	_ =	swait.ge [sflag:s10], $0x1000  }
0x346: {  	s16 =	sld [smem:$0x7F6];
	_ =	sdelay $0x2  }
0x347: {  	s22 =	rddreg [dreg:$0x1a];
	s4 =	sadd.s32 $0x1, s16  }
0x348: {  	p0 =	sne.s32 s4, s22  }
.Ltmp10:
0x349: {  	_ = 	snop;
	(pc) =	sbr.rel @p0 .LBB2_1-.Ltmp10, $3  }
0x34a: {  	_ =	sdelay $0x1  }
0x34b: {  	[sflag:s10] =	ssyncset.done $0x0  }
0x34c: {  	[sflag:s10] =	ssyncadd.s32 $0xFFFFF000  }
0x34d: {  	_ =	sfence.sel $0x180000  }
0x34e: {  	[bflag:$0x0] =	sbarrier.arrive $0xFFFF  }
0x34f: {  	_ =	strace $0x90000047  }
0x350: {  	s0 =	stileid.u32;
	[bflag:$0x2] =	sbarrier.arrive $0xFFFF  }
0x351: {  	p0 =	sne.s32 s0, $0x0;
	s0 =	rddreg [dreg:$0x4]  }
0x352: {  	s0 =	sadd.s32 @!p0 $0x100000, s0  }
0x353: {  	[sflag:s0] =	ssyncadd.tile.s32 @!p0 $0x1;
	_ =	shalt  }
.Lfunc_end2:
_tile_overlayer_lowered:
.L_overlay_start_2:
0x354: {  	(tag) =	ssettag $0x2  }
0x355: {  	s0 =	rddreg [dreg:$0x0];
	s2 =	stileid.u32  }
0x356: {  	s1 =	rddreg [dreg:$0x1];
	p0 =	sne.s32 s2, $0x0  }
0x357: {  	s3 =	rddreg [dreg:$0x2];
	[bflag:$0x3] =	sbarrier.arrive $0xFFFF;
	s2 =	simm.s32 @!p0 $0x1C0E  }
0x358: {  	[timem:s3], [sflag:s2] =	dma.local @!p0 [hbm:s0], s1  }
0x359: {  	s0 =	simm.s32 @!p0 $0xE  }
0x35a: {  	_ =	swait.ge @!p0 [sflag:s0], s1  }
0x35b: {  	s1 =	ssub.s32 @!p0 $0x0, s1;
	[sflag:s0] =	ssyncset.done @!p0 $0x0  }
0x35c: {  	[sflag:s0] =	ssyncadd.s32 @!p0 s1  }
0x35d: {  	[bflag:$0x3] =	sbarrier.arrive $0xFFFF  }
0x35e: {  	_ =	shalt  }

</sc_bundles>
